<compile_context>
chip_gen: v7x
topology: tpu7x:2x2x1
jax: 0.10.2.dev20260603
libtpu: 0.0.44.dev20260713+nightly
codegen_flags: <defaults>
</compile_context>

<pallas_src>
import functools

import jax
import jax.numpy as jnp
from jax import lax
from jax.experimental import pallas as pl
from jax.experimental.pallas import tpu as pltpu
from jax.experimental.pallas import tpu_sc as plsc

N_WORDS = 8192
K_ANT = 64
EMB = 32
N_PAIRS = N_WORDS * K_ANT

NUM_CORES = 2
NUM_SUBCORES = 16
NUM_TILES = NUM_CORES * NUM_SUBCORES
WORDS_PER_TILE = N_WORDS // NUM_TILES
LANES = 16
CHUNKS = WORDS_PER_TILE // LANES

N_CLASSES = 18


def _sc_classes_body(ti_hbm, spk_hbm, c_hbm, spk_v, ti_v, c_v):
    wid = lax.axis_index("s") * NUM_CORES + lax.axis_index("c")
    base_w = wid * WORDS_PER_TILE

    pltpu.sync_copy(spk_hbm, spk_v)
    pltpu.sync_copy(ti_hbm.at[:, pl.ds(base_w, WORDS_PER_TILE)], ti_v)

    iota16 = lax.iota(jnp.int32, LANES)

    @plsc.parallel_loop(0, CHUNKS, step=1, unroll=2)
    def chunk_body(t):
        off = t * LANES
        spk_i = spk_v[pl.ds(base_w + off, LANES)]
        i_vec = iota16 + (base_w + off)
        for j in range(K_ANT):
            ant = ti_v[j, pl.ds(off, LANES)]
            spk_a = plsc.load_gather(spk_v, [ant])
            dist = jnp.maximum(i_vec - ant, 1)
            lg = (plsc.bitcast(dist.astype(jnp.float32), jnp.int32) >> 23) - 127
            didx = jnp.where(dist < 5, dist - 1, jnp.minimum(lg, 6) + 2)
            c_v[j, pl.ds(off, LANES)] = didx + jnp.where(spk_a == spk_i, 9, 0)
    pltpu.sync_copy(c_v, c_hbm.at[:, pl.ds(base_w, WORDS_PER_TILE)])


def _sc_classes(ti_t, spk):
    sc = functools.partial(
        pl.kernel,
        out_type=jax.ShapeDtypeStruct((K_ANT, N_WORDS), jnp.int32),
        mesh=plsc.VectorSubcoreMesh(core_axis_name="c", subcore_axis_name="s"),
        scratch_types=[
            pltpu.VMEM((N_WORDS,), jnp.int32),
            pltpu.VMEM((K_ANT, WORDS_PER_TILE), jnp.int32),
            pltpu.VMEM((K_ANT, WORDS_PER_TILE), jnp.int32),
        ],
        compiler_params=pltpu.CompilerParams(needs_layout_passes=False),
    )(_sc_classes_body)
    return sc(ti_t, spk)


WBLK = 512


def _tc_expand_body(c_ref, tblT_ref, o_ref):
    cb = c_ref[...].astype(jnp.int16)
    iota = lax.broadcasted_iota(jnp.int16, (N_CLASSES, WBLK), 0)
    tT = tblT_ref[...]
    for j in range(K_ANT):
        row = lax.broadcast_in_dim(cb[j], (N_CLASSES, WBLK), (1,))
        m = jnp.where(row == iota, jnp.bfloat16(1), jnp.bfloat16(0))
        o_ref[j * 96:(j + 1) * 96, :] = lax.dot_general(
            tT, m, (((1,), (0,)), ((), ())),
            preferred_element_type=jnp.float32)


def _tc_expand(c_t, tableT):
    return pl.pallas_call(
        _tc_expand_body,
        grid=(N_WORDS // WBLK,),
        in_specs=[
            pl.BlockSpec((K_ANT, WBLK), lambda i: (0, i)),
            pl.BlockSpec((3 * EMB, N_CLASSES), lambda i: (0, 0)),
        ],
        compiler_params=pltpu.CompilerParams(
            dimension_semantics=("arbitrary",),
        ),
        out_specs=pl.BlockSpec((K_ANT * 3 * EMB, WBLK), lambda i: (0, i)),
        out_shape=jax.ShapeDtypeStruct((K_ANT * 3 * EMB, N_WORDS), jnp.float32),
    )(c_t, tableT)


def kernel(top_indices, speaker_map, genre_id, genre_emb, distance_emb, speaker_emb):
    ti_t = jnp.swapaxes(top_indices.astype(jnp.int32), 0, 1)
    spk = speaker_map.astype(jnp.int32)

    c_t = _sc_classes(ti_t, spk)

    genre_row = jnp.take(genre_emb, jnp.asarray(genre_id, jnp.int32)[None], axis=0)
    table = jnp.concatenate(
        [
            jnp.repeat(speaker_emb, 9, axis=0),
            jnp.tile(distance_emb, (2, 1)),
            jnp.broadcast_to(genre_row, (N_CLASSES, EMB)),
        ],
        axis=1,
    )

    out2 = _tc_expand(c_t, table.T.astype(jnp.bfloat16))
    return out2.reshape(K_ANT, 3 * EMB, N_WORDS).transpose(2, 0, 1)

# --- scband reference (transcript-rebuilt; emitter-appended) ---
"""Pipeline reference for scband-pairwise-encoder-3161095929898 (READ-ONLY COPY).

The authoritative reference and input builder live on the scoring server;
editing this copy changes nothing except your own understanding.
"""

import jax, jax.numpy as jnp
import numpy as np

N_WORDS = 8192
K_ANT = 64
EMB = 32


def setup_inputs(seed: int = 0) -> dict:
    key = jax.random.key(seed)
    k1, k2, k3, k4, k5 = jax.random.split(key, 5)
    top_indices = jax.random.randint(k1, (N_WORDS, K_ANT), 0, N_WORDS)
    speaker_map = jax.random.randint(k2, (N_WORDS,), 0, 8)
    genre_emb = jax.random.normal(k3, (7, EMB), dtype=jnp.float32)
    distance_emb = jax.random.normal(k4, (9, EMB), dtype=jnp.float32)
    speaker_emb = jax.random.normal(k5, (2, EMB), dtype=jnp.float32)
    return {
        "top_indices": top_indices,
        "speaker_map": speaker_map,
        "genre_id": 3,
        "genre_emb": genre_emb,
        "distance_emb": distance_emb,
        "speaker_emb": speaker_emb,
    }


def reference(top_indices, speaker_map, genre_id, genre_emb, distance_emb, speaker_emb):
    # Faithful translation of PairwiseEncoder.run (dropout in eval mode = identity).
    n = speaker_map.shape[0]
    word_ids = jnp.arange(n)
    # same-speaker feature: gather speaker ids at antecedent positions, compare
    same_speaker = (jnp.take(speaker_map, top_indices, axis=0) == speaker_map[:, None]).astype(jnp.int32)
    ss_emb = jnp.take(speaker_emb, same_speaker, axis=0)
    # bucketed distance feature
    distance = jnp.maximum(word_ids[:, None] - jnp.take(word_ids, top_indices, axis=0), 1)
    log_distance = jnp.floor(jnp.log2(distance.astype(jnp.float32)))
    log_distance = jnp.minimum(log_distance, 6.0).astype(jnp.int32)
    dist_idx = jnp.where(distance < 5, distance - 1, log_distance + 2)
    d_emb = jnp.take(distance_emb, dist_idx, axis=0)
    # genre feature: one scalar id broadcast over the pair grid
    genre = jnp.full((n, top_indices.shape[1]), genre_id, dtype=jnp.int32)
    g_emb = jnp.take(genre_emb, genre, axis=0)
    return jnp.concatenate((ss_emb, d_emb, g_emb), axis=2)

if __name__ == "__main__":
    import jax
    _d = setup_inputs()
    print(jax.jit(kernel)(*tuple(_d.values())))

</pallas_src>

<mosaic_0001>
#map = affine_map<(d0, d1) -> (0, 0)>
#map1 = affine_map<(d0, d1) -> (0)>
module attributes {stable_mosaic.version = 14 : i64} {
  func.func @_sc_classes_body(%arg0: i32, %arg1: i32, %arg2: memref<64x8192xi32, #tpu.memory_space<hbm>>, %arg3: memref<8192xi32, #tpu.memory_space<hbm>>, %arg4: memref<64x8192xi32, #tpu.memory_space<hbm>>, %arg5: memref<8192xi32, #tpu.memory_space<vmem>>, %arg6: memref<64x256xi32, #tpu.memory_space<vmem>>, %arg7: memref<64x256xi32, #tpu.memory_space<vmem>>) attributes {dimension_semantics = [#tpu.dimension_semantics<core_parallel>, #tpu.dimension_semantics<subcore_parallel>], iteration_bounds = array<i64: 2, 16>, scalar_prefetch = 0 : i64, scratch_operands = 3 : i64, tpu.core_type = #tpu.core_type<sc_vector_subcore>, window_params = [{transform_indices = #map}, {transform_indices = #map1}, {transform_indices = #map}]} {
    %mul3A = arith.constant 2 : i32
    %mul3A_0 = arith.muli %arg1, %mul3A : i32
    %add3A = arith.addi %mul3A_0, %arg0 : i32
    %mul3A_1 = arith.constant 256 : i32
    %mul3A_2 = arith.muli %add3A, %mul3A_1 : i32
    "tpu.region"() ({
      %run_scoped3A = tpu.sem_alloc : memref<!tpu.dma_semaphore, #tpu.memory_space<semaphore_mem>>
      tpu.enqueue_dma source(%arg3 : memref<8192xi32, #tpu.memory_space<hbm>>) target(%arg5 : memref<8192xi32, #tpu.memory_space<vmem>>) target_semaphore(%run_scoped3A : memref<!tpu.dma_semaphore, #tpu.memory_space<semaphore_mem>>)
      tpu.wait_dma2 semaphore(%run_scoped3A : memref<!tpu.dma_semaphore, #tpu.memory_space<semaphore_mem>>) src(%arg3 : memref<8192xi32, #tpu.memory_space<hbm>>) dst(%arg5 : memref<8192xi32, #tpu.memory_space<vmem>>)
      tpu.yield
    }) : () -> ()
    "tpu.region"() ({
      %run_scoped3A = tpu.sem_alloc : memref<!tpu.dma_semaphore, #tpu.memory_space<semaphore_mem>>
      %dma_start3A = arith.constant 0 : i32
      %dma_start3A_5 = tpu.memref_slice %arg2[%dma_start3A, %mul3A_2] : memref<64x8192xi32, #tpu.memory_space<hbm>> -> memref<64x256xi32, #tpu.memory_space<hbm>>
      %dma_start3A_6 = arith.constant 0 : i32
      %dma_start3A_7 = tpu.memref_slice %arg2[%dma_start3A_6, %mul3A_2] : memref<64x8192xi32, #tpu.memory_space<hbm>> -> memref<64x256xi32, #tpu.memory_space<hbm>>
      tpu.enqueue_dma source(%dma_start3A_7 : memref<64x256xi32, #tpu.memory_space<hbm>>) target(%arg6 : memref<64x256xi32, #tpu.memory_space<vmem>>) target_semaphore(%run_scoped3A : memref<!tpu.dma_semaphore, #tpu.memory_space<semaphore_mem>>)
      %dma_wait3A = arith.constant 0 : i32
      %dma_wait3A_8 = tpu.memref_slice %arg2[%dma_wait3A, %mul3A_2] : memref<64x8192xi32, #tpu.memory_space<hbm>> -> memref<64x256xi32, #tpu.memory_space<hbm>>
      %dma_wait3A_9 = arith.constant 0 : i32
      %dma_wait3A_10 = tpu.memref_slice %arg2[%dma_wait3A_9, %mul3A_2] : memref<64x8192xi32, #tpu.memory_space<hbm>> -> memref<64x256xi32, #tpu.memory_space<hbm>>
      tpu.wait_dma2 semaphore(%run_scoped3A : memref<!tpu.dma_semaphore, #tpu.memory_space<semaphore_mem>>) src(%dma_wait3A_10 : memref<64x256xi32, #tpu.memory_space<hbm>>) dst(%arg6 : memref<64x256xi32, #tpu.memory_space<vmem>>)
      tpu.yield
    }) : () -> ()
    %iota3A = tpu.iota {dimensions = array<i32: 0>} : vector<16xi32>
    %parallel_loop3A = arith.constant 0 : i32
    %parallel_loop3A_3 = arith.constant 16 : i32
    %parallel_loop3A_4 = arith.constant 1 : i32
    scf.for %parallel_loop3A_5 = %parallel_loop3A to %parallel_loop3A_3 step %parallel_loop3A_4  : i32 {
      %parallel_loop3A_6 = arith.constant 16 : i32
      %parallel_loop3A_7 = arith.muli %parallel_loop3A_5, %parallel_loop3A_6 : i32
      %parallel_loop3A_8 = arith.addi %mul3A_2, %parallel_loop3A_7 : i32
      %parallel_loop3A_9 = arith.index_cast %parallel_loop3A_8 : i32 to index
      %parallel_loop3A_10 = tpu.vector_load %arg5[%parallel_loop3A_9] {strides = array<i32>} : memref<8192xi32, #tpu.memory_space<vmem>>, vector<16xi32>,
      %parallel_loop3A_11 = arith.addi %mul3A_2, %parallel_loop3A_7 : i32
      %parallel_loop3A_12 = vector.broadcast %parallel_loop3A_11 : i32 to vector<16xi32>
      %parallel_loop3A_13 = arith.addi %iota3A, %parallel_loop3A_12 : vector<16xi32>
      %parallel_loop3A_14 = arith.constant 0 : i32
      %parallel_loop3A_15 = arith.index_cast %parallel_loop3A_14 : i32 to index
      %parallel_loop3A_16 = arith.index_cast %parallel_loop3A_7 : i32 to index
      %parallel_loop3A_17 = tpu.vector_load %arg6[%parallel_loop3A_15, %parallel_loop3A_16] {strides = array<i32>} : memref<64x256xi32, #tpu.memory_space<vmem>>, vector<16xi32>,
      %parallel_loop3A_18 = tpu.vector_load_idx %arg5[%parallel_loop3A_17] : memref<8192xi32, #tpu.memory_space<vmem>>[vector<16xi32>], vector<16xi32>,
      %parallel_loop3A_19 = arith.subi %parallel_loop3A_13, %parallel_loop3A_17 : vector<16xi32>
      %parallel_loop3A_20 = arith.constant 1 : i32
      %parallel_loop3A_21 = vector.broadcast %parallel_loop3A_20 : i32 to vector<16xi32>
      %parallel_loop3A_22 = arith.maxsi %parallel_loop3A_19, %parallel_loop3A_21 : vector<16xi32>
      %parallel_loop3A_23 = arith.sitofp %parallel_loop3A_22 : vector<16xi32> to vector<16xf32>
      %parallel_loop3A_24 = vector.bitcast %parallel_loop3A_23 : vector<16xf32> to vector<16xi32>
      %parallel_loop3A_25 = arith.constant 23 : i32
      %parallel_loop3A_26 = vector.broadcast %parallel_loop3A_25 : i32 to vector<16xi32>
      %parallel_loop3A_27 = arith.shrsi %parallel_loop3A_24, %parallel_loop3A_26 : vector<16xi32>
      %parallel_loop3A_28 = arith.constant 127 : i32
      %parallel_loop3A_29 = vector.broadcast %parallel_loop3A_28 : i32 to vector<16xi32>
      %parallel_loop3A_30 = arith.subi %parallel_loop3A_27, %parallel_loop3A_29 : vector<16xi32>
      %parallel_loop3A_31 = arith.constant 5 : i32
      %parallel_loop3A_32 = vector.broadcast %parallel_loop3A_31 : i32 to vector<16xi32>
      %parallel_loop3A_33 = arith.cmpi slt, %parallel_loop3A_22, %parallel_loop3A_32 : vector<16xi32>
      %parallel_loop3A_34 = arith.constant 1 : i32
      %parallel_loop3A_35 = vector.broadcast %parallel_loop3A_34 : i32 to vector<16xi32>
      %parallel_loop3A_36 = arith.subi %parallel_loop3A_22, %parallel_loop3A_35 : vector<16xi32>
      %parallel_loop3A_37 = arith.constant 6 : i32
      %parallel_loop3A_38 = vector.broadcast %parallel_loop3A_37 : i32 to vector<16xi32>
      %parallel_loop3A_39 = arith.minsi %parallel_loop3A_30, %parallel_loop3A_38 : vector<16xi32>
      %parallel_loop3A_40 = arith.constant 2 : i32
      %parallel_loop3A_41 = vector.broadcast %parallel_loop3A_40 : i32 to vector<16xi32>
      %parallel_loop3A_42 = arith.addi %parallel_loop3A_39, %parallel_loop3A_41 : vector<16xi32>
      %parallel_loop3A_43 = arith.select %parallel_loop3A_33, %parallel_loop3A_36, %parallel_loop3A_42 : vector<16xi1>, vector<16xi32>
      %parallel_loop3A_44 = arith.cmpi eq, %parallel_loop3A_18, %parallel_loop3A_10 : vector<16xi32>
      %parallel_loop3A_45 = arith.constant 9 : i32
      %parallel_loop3A_46 = arith.constant 0 : i32
      %parallel_loop3A_47 = vector.broadcast %parallel_loop3A_45 : i32 to vector<16xi32>
      %parallel_loop3A_48 = vector.broadcast %parallel_loop3A_46 : i32 to vector<16xi32>
      %parallel_loop3A_49 = arith.select %parallel_loop3A_44, %parallel_loop3A_47, %parallel_loop3A_48 : vector<16xi1>, vector<16xi32>
      %parallel_loop3A_50 = arith.addi %parallel_loop3A_43, %parallel_loop3A_49 : vector<16xi32>
      %parallel_loop3A_51 = arith.constant 0 : i32
      %parallel_loop3A_52 = arith.index_cast %parallel_loop3A_51 : i32 to index
      %parallel_loop3A_53 = arith.index_cast %parallel_loop3A_7 : i32 to index
      %parallel_loop3A_54 = tpu.vector_load %arg7[%parallel_loop3A_52, %parallel_loop3A_53] {strides = array<i32>} : memref<64x256xi32, #tpu.memory_space<vmem>>, vector<16xi32>,
      tpu.vector_store %arg7[%parallel_loop3A_52, %parallel_loop3A_53], %parallel_loop3A_50 {strides = array<i32>} : memref<64x256xi32, #tpu.memory_space<vmem>>, vector<16xi32>,
      %parallel_loop3A_55 = arith.constant 1 : i32
      %parallel_loop3A_56 = arith.index_cast %parallel_loop3A_55 : i32 to index
      %parallel_loop3A_57 = arith.index_cast %parallel_loop3A_7 : i32 to index
      %parallel_loop3A_58 = tpu.vector_load %arg6[%parallel_loop3A_56, %parallel_loop3A_57] {strides = array<i32>} : memref<64x256xi32, #tpu.memory_space<vmem>>, vector<16xi32>,
      %parallel_loop3A_59 = tpu.vector_load_idx %arg5[%parallel_loop3A_58] : memref<8192xi32, #tpu.memory_space<vmem>>[vector<16xi32>], vector<16xi32>,
      %parallel_loop3A_60 = arith.subi %parallel_loop3A_13, %parallel_loop3A_58 : vector<16xi32>
      %parallel_loop3A_61 = arith.constant 1 : i32
      %parallel_loop3A_62 = vector.broadcast %parallel_loop3A_61 : i32 to vector<16xi32>
      %parallel_loop3A_63 = arith.maxsi %parallel_loop3A_60, %parallel_loop3A_62 : vector<16xi32>
      %parallel_loop3A_64 = arith.sitofp %parallel_loop3A_63 : vector<16xi32> to vector<16xf32>
      %parallel_loop3A_65 = vector.bitcast %parallel_loop3A_64 : vector<16xf32> to vector<16xi32>
      %parallel_loop3A_66 = arith.constant 23 : i32
      %parallel_loop3A_67 = vector.broadcast %parallel_loop3A_66 : i32 to vector<16xi32>
      %parallel_loop3A_68 = arith.shrsi %parallel_loop3A_65, %parallel_loop3A_67 : vector<16xi32>
      %parallel_loop3A_69 = arith.constant 127 : i32
      %parallel_loop3A_70 = vector.broadcast %parallel_loop3A_69 : i32 to vector<16xi32>
      %parallel_loop3A_71 = arith.subi %parallel_loop3A_68, %parallel_loop3A_70 : vector<16xi32>
      %parallel_loop3A_72 = arith.constant 5 : i32
      %parallel_loop3A_73 = vector.broadcast %parallel_loop3A_72 : i32 to vector<16xi32>
      %parallel_loop3A_74 = arith.cmpi slt, %parallel_loop3A_63, %parallel_loop3A_73 : vector<16xi32>
      %parallel_loop3A_75 = arith.constant 1 : i32
      %parallel_loop3A_76 = vector.broadcast %parallel_loop3A_75 : i32 to vector<16xi32>
      %parallel_loop3A_77 = arith.subi %parallel_loop3A_63, %parallel_loop3A_76 : vector<16xi32>
      %parallel_loop3A_78 = arith.constant 6 : i32
      %parallel_loop3A_79 = vector.broadcast %parallel_loop3A_78 : i32 to vector<16xi32>
      %parallel_loop3A_80 = arith.minsi %parallel_loop3A_71, %parallel_loop3A_79 : vector<16xi32>
      %parallel_loop3A_81 = arith.constant 2 : i32
      %parallel_loop3A_82 = vector.broadcast %parallel_loop3A_81 : i32 to vector<16xi32>
      %parallel_loop3A_83 = arith.addi %parallel_loop3A_80, %parallel_loop3A_82 : vector<16xi32>
      %parallel_loop3A_84 = arith.select %parallel_loop3A_74, %parallel_loop3A_77, %parallel_loop3A_83 : vector<16xi1>, vector<16xi32>
      %parallel_loop3A_85 = arith.cmpi eq, %parallel_loop3A_59, %parallel_loop3A_10 : vector<16xi32>
      %parallel_loop3A_86 = arith.constant 9 : i32
      %parallel_loop3A_87 = arith.constant 0 : i32
      %parallel_loop3A_88 = vector.broadcast %parallel_loop3A_86 : i32 to vector<16xi32>
      %parallel_loop3A_89 = vector.broadcast %parallel_loop3A_87 : i32 to vector<16xi32>
      %parallel_loop3A_90 = arith.select %parallel_loop3A_85, %parallel_loop3A_88, %parallel_loop3A_89 : vector<16xi1>, vector<16xi32>
      %parallel_loop3A_91 = arith.addi %parallel_loop3A_84, %parallel_loop3A_90 : vector<16xi32>
      %parallel_loop3A_92 = arith.constant 1 : i32
      %parallel_loop3A_93 = arith.index_cast %parallel_loop3A_92 : i32 to index
      %parallel_loop3A_94 = arith.index_cast %parallel_loop3A_7 : i32 to index
      %parallel_loop3A_95 = tpu.vector_load %arg7[%parallel_loop3A_93, %parallel_loop3A_94] {strides = array<i32>} : memref<64x256xi32, #tpu.memory_space<vmem>>, vector<16xi32>,
      tpu.vector_store %arg7[%parallel_loop3A_93, %parallel_loop3A_94], %parallel_loop3A_91 {strides = array<i32>} : memref<64x256xi32, #tpu.memory_space<vmem>>, vector<16xi32>,
      %parallel_loop3A_96 = arith.constant 2 : i32
      %parallel_loop3A_97 = arith.index_cast %parallel_loop3A_96 : i32 to index
      %parallel_loop3A_98 = arith.index_cast %parallel_loop3A_7 : i32 to index
      %parallel_loop3A_99 = tpu.vector_load %arg6[%parallel_loop3A_97, %parallel_loop3A_98] {strides = array<i32>} : memref<64x256xi32, #tpu.memory_space<vmem>>, vector<16xi32>,
      %parallel_loop3A_100 = tpu.vector_load_idx %arg5[%parallel_loop3A_99] : memref<8192xi32, #tpu.memory_space<vmem>>[vector<16xi32>], vector<16xi32>,
      %parallel_loop3A_101 = arith.subi %parallel_loop3A_13, %parallel_loop3A_99 : vector<16xi32>
      %parallel_loop3A_102 = arith.constant 1 : i32
      %parallel_loop3A_103 = vector.broadcast %parallel_loop3A_102 : i32 to vector<16xi32>
      %parallel_loop3A_104 = arith.maxsi %parallel_loop3A_101, %parallel_loop3A_103 : vector<16xi32>
      %parallel_loop3A_105 = arith.sitofp %parallel_loop3A_104 : vector<16xi32> to vector<16xf32>
      %parallel_loop3A_106 = vector.bitcast %parallel_loop3A_105 : vector<16xf32> to vector<16xi32>
      %parallel_loop3A_107 = arith.constant 23 : i32
      %parallel_loop3A_108 = vector.broadcast %parallel_loop3A_107 : i32 to vector<16xi32>
      %parallel_loop3A_109 = arith.shrsi %parallel_loop3A_106, %parallel_loop3A_108 : vector<16xi32>
      %parallel_loop3A_110 = arith.constant 127 : i32
      %parallel_loop3A_111 = vector.broadcast %parallel_loop3A_110 : i32 to vector<16xi32>
      %parallel_loop3A_112 = arith.subi %parallel_loop3A_109, %parallel_loop3A_111 : vector<16xi32>
      %parallel_loop3A_113 = arith.constant 5 : i32
      %parallel_loop3A_114 = vector.broadcast %parallel_loop3A_113 : i32 to vector<16xi32>
      %parallel_loop3A_115 = arith.cmpi slt, %parallel_loop3A_104, %parallel_loop3A_114 : vector<16xi32>
      %parallel_loop3A_116 = arith.constant 1 : i32
      %parallel_loop3A_117 = vector.broadcast %parallel_loop3A_116 : i32 to vector<16xi32>
      %parallel_loop3A_118 = arith.subi %parallel_loop3A_104, %parallel_loop3A_117 : vector<16xi32>
      %parallel_loop3A_119 = arith.constant 6 : i32
      %parallel_loop3A_120 = vector.broadcast %parallel_loop3A_119 : i32 to vector<16xi32>
      %parallel_loop3A_121 = arith.minsi %parallel_loop3A_112, %parallel_loop3A_120 : vector<16xi32>
      %parallel_loop3A_122 = arith.constant 2 : i32
      %parallel_loop3A_123 = vector.broadcast %parallel_loop3A_122 : i32 to vector<16xi32>
      %parallel_loop3A_124 = arith.addi %parallel_loop3A_121, %parallel_loop3A_123 : vector<16xi32>
      %parallel_loop3A_125 = arith.select %parallel_loop3A_115, %parallel_loop3A_118, %parallel_loop3A_124 : vector<16xi1>, vector<16xi32>
      %parallel_loop3A_126 = arith.cmpi eq, %parallel_loop3A_100, %parallel_loop3A_10 : vector<16xi32>
      %parallel_loop3A_127 = arith.constant 9 : i32
      %parallel_loop3A_128 = arith.constant 0 : i32
      %parallel_loop3A_129 = vector.broadcast %parallel_loop3A_127 : i32 to vector<16xi32>
      %parallel_loop3A_130 = vector.broadcast %parallel_loop3A_128 : i32 to vector<16xi32>
      %parallel_loop3A_131 = arith.select %parallel_loop3A_126, %parallel_loop3A_129, %parallel_loop3A_130 : vector<16xi1>, vector<16xi32>
      %parallel_loop3A_132 = arith.addi %parallel_loop3A_125, %parallel_loop3A_131 : vector<16xi32>
      %parallel_loop3A_133 = arith.constant 2 : i32
      %parallel_loop3A_134 = arith.index_cast %parallel_loop3A_133 : i32 to index
      %parallel_loop3A_135 = arith.index_cast %parallel_loop3A_7 : i32 to index
      %parallel_loop3A_136 = tpu.vector_load %arg7[%parallel_loop3A_134, %parallel_loop3A_135] {strides = array<i32>} : memref<64x256xi32, #tpu.memory_space<vmem>>, vector<16xi32>,
      tpu.vector_store %arg7[%parallel_loop3A_134, %parallel_loop3A_135], %parallel_loop3A_132 {strides = array<i32>} : memref<64x256xi32, #tpu.memory_space<vmem>>, vector<16xi32>,
      %parallel_loop3A_137 = arith.constant 3 : i32
      %parallel_loop3A_138 = arith.index_cast %parallel_loop3A_137 : i32 to index
      %parallel_loop3A_139 = arith.index_cast %parallel_loop3A_7 : i32 to index
      %parallel_loop3A_140 = tpu.vector_load %arg6[%parallel_loop3A_138, %parallel_loop3A_139] {strides = array<i32>} : memref<64x256xi32, #tpu.memory_space<vmem>>, vector<16xi32>,
      %parallel_loop3A_141 = tpu.vector_load_idx %arg5[%parallel_loop3A_140] : memref<8192xi32, #tpu.memory_space<vmem>>[vector<16xi32>], vector<16xi32>,
      %parallel_loop3A_142 = arith.subi %parallel_loop3A_13, %parallel_loop3A_140 : vector<16xi32>
      %parallel_loop3A_143 = arith.constant 1 : i32
      %parallel_loop3A_144 = vector.broadcast %parallel_loop3A_143 : i32 to vector<16xi32>
      %parallel_loop3A_145 = arith.maxsi %parallel_loop3A_142, %parallel_loop3A_144 : vector<16xi32>
      %parallel_loop3A_146 = arith.sitofp %parallel_loop3A_145 : vector<16xi32> to vector<16xf32>
      %parallel_loop3A_147 = vector.bitcast %parallel_loop3A_146 : vector<16xf32> to vector<16xi32>
      %parallel_loop3A_148 = arith.constant 23 : i32
      %parallel_loop3A_149 = vector.broadcast %parallel_loop3A_148 : i32 to vector<16xi32>
      %parallel_loop3A_150 = arith.shrsi %parallel_loop3A_147, %parallel_loop3A_149 : vector<16xi32>
      %parallel_loop3A_151 = arith.constant 127 : i32
      %parallel_loop3A_152 = vector.broadcast %parallel_loop3A_151 : i32 to vector<16xi32>
      %parallel_loop3A_153 = arith.subi %parallel_loop3A_150, %parallel_loop3A_152 : vector<16xi32>
      %parallel_loop3A_154 = arith.constant 5 : i32
      %parallel_loop3A_155 = vector.broadcast %parallel_loop3A_154 : i32 to vector<16xi32>
      %parallel_loop3A_156 = arith.cmpi slt, %parallel_loop3A_145, %parallel_loop3A_155 : vector<16xi32>
      %parallel_loop3A_157 = arith.constant 1 : i32
      %parallel_loop3A_158 = vector.broadcast %parallel_loop3A_157 : i32 to vector<16xi32>
      %parallel_loop3A_159 = arith.subi %parallel_loop3A_145, %parallel_loop3A_158 : vector<16xi32>
      %parallel_loop3A_160 = arith.constant 6 : i32
      %parallel_loop3A_161 = vector.broadcast %parallel_loop3A_160 : i32 to vector<16xi32>
      %parallel_loop3A_162 = arith.minsi %parallel_loop3A_153, %parallel_loop3A_161 : vector<16xi32>
      %parallel_loop3A_163 = arith.constant 2 : i32
      %parallel_loop3A_164 = vector.broadcast %parallel_loop3A_163 : i32 to vector<16xi32>
      %parallel_loop3A_165 = arith.addi %parallel_loop3A_162, %parallel_loop3A_164 : vector<16xi32>
      %parallel_loop3A_166 = arith.select %parallel_loop3A_156, %parallel_loop3A_159, %parallel_loop3A_165 : vector<16xi1>, vector<16xi32>
      %parallel_loop3A_167 = arith.cmpi eq, %parallel_loop3A_141, %parallel_loop3A_10 : vector<16xi32>
      %parallel_loop3A_168 = arith.constant 9 : i32
      %parallel_loop3A_169 = arith.constant 0 : i32
      %parallel_loop3A_170 = vector.broadcast %parallel_loop3A_168 : i32 to vector<16xi32>
      %parallel_loop3A_171 = vector.broadcast %parallel_loop3A_169 : i32 to vector<16xi32>
      %parallel_loop3A_172 = arith.select %parallel_loop3A_167, %parallel_loop3A_170, %parallel_loop3A_171 : vector<16xi1>, vector<16xi32>
      %parallel_loop3A_173 = arith.addi %parallel_loop3A_166, %parallel_loop3A_172 : vector<16xi32>
      %parallel_loop3A_174 = arith.constant 3 : i32
      %parallel_loop3A_175 = arith.index_cast %parallel_loop3A_174 : i32 to index
      %parallel_loop3A_176 = arith.index_cast %parallel_loop3A_7 : i32 to index
      %parallel_loop3A_177 = tpu.vector_load %arg7[%parallel_loop3A_175, %parallel_loop3A_176] {strides = array<i32>} : memref<64x256xi32, #tpu.memory_space<vmem>>, vector<16xi32>,
      tpu.vector_store %arg7[%parallel_loop3A_175, %parallel_loop3A_176], %parallel_loop3A_173 {strides = array<i32>} : memref<64x256xi32, #tpu.memory_space<vmem>>, vector<16xi32>,
      %parallel_loop3A_178 = arith.constant 4 : i32
      %parallel_loop3A_179 = arith.index_cast %parallel_loop3A_178 : i32 to index
      %parallel_loop3A_180 = arith.index_cast %parallel_loop3A_7 : i32 to index
      %parallel_loop3A_181 = tpu.vector_load %arg6[%parallel_loop3A_179, %parallel_loop3A_180] {strides = array<i32>} : memref<64x256xi32, #tpu.memory_space<vmem>>, vector<16xi32>,
      %parallel_loop3A_182 = tpu.vector_load_idx %arg5[%parallel_loop3A_181] : memref<8192xi32, #tpu.memory_space<vmem>>[vector<16xi32>], vector<16xi32>,
      %parallel_loop3A_183 = arith.subi %parallel_loop3A_13, %parallel_loop3A_181 : vector<16xi32>
      %parallel_loop3A_184 = arith.constant 1 : i32
      %parallel_loop3A_185 = vector.broadcast %parallel_loop3A_184 : i32 to vector<16xi32>
      %parallel_loop3A_186 = arith.maxsi %parallel_loop3A_183, %parallel_loop3A_185 : vector<16xi32>
      %parallel_loop3A_187 = arith.sitofp %parallel_loop3A_186 : vector<16xi32> to vector<16xf32>
      %parallel_loop3A_188 = vector.bitcast %parallel_loop3A_187 : vector<16xf32> to vector<16xi32>
      %parallel_loop3A_189 = arith.constant 23 : i32
      %parallel_loop3A_190 = vector.broadcast %parallel_loop3A_189 : i32 to vector<16xi32>
      %parallel_loop3A_191 = arith.shrsi %parallel_loop3A_188, %parallel_loop3A_190 : vector<16xi32>
      %parallel_loop3A_192 = arith.constant 127 : i32
      %parallel_loop3A_193 = vector.broadcast %parallel_loop3A_192 : i32 to vector<16xi32>
      %parallel_loop3A_194 = arith.subi %parallel_loop3A_191, %parallel_loop3A_193 : vector<16xi32>
      %parallel_loop3A_195 = arith.constant 5 : i32
      %parallel_loop3A_196 = vector.broadcast %parallel_loop3A_195 : i32 to vector<16xi32>
      %parallel_loop3A_197 = arith.cmpi slt, %parallel_loop3A_186, %parallel_loop3A_196 : vector<16xi32>
      %parallel_loop3A_198 = arith.constant 1 : i32
      %parallel_loop3A_199 = vector.broadcast %parallel_loop3A_198 : i32 to vector<16xi32>
      %parallel_loop3A_200 = arith.subi %parallel_loop3A_186, %parallel_loop3A_199 : vector<16xi32>
      %parallel_loop3A_201 = arith.constant 6 : i32
      %parallel_loop3A_202 = vector.broadcast %parallel_loop3A_201 : i32 to vector<16xi32>
      %parallel_loop3A_203 = arith.minsi %parallel_loop3A_194, %parallel_loop3A_202 : vector<16xi32>
      %parallel_loop3A_204 = arith.constant 2 : i32
      %parallel_loop3A_205 = vector.broadcast %parallel_loop3A_204 : i32 to vector<16xi32>
      %parallel_loop3A_206 = arith.addi %parallel_loop3A_203, %parallel_loop3A_205 : vector<16xi32>
      %parallel_loop3A_207 = arith.select %parallel_loop3A_197, %parallel_loop3A_200, %parallel_loop3A_206 : vector<16xi1>, vector<16xi32>
      %parallel_loop3A_208 = arith.cmpi eq, %parallel_loop3A_182, %parallel_loop3A_10 : vector<16xi32>
      %parallel_loop3A_209 = arith.constant 9 : i32
      %parallel_loop3A_210 = arith.constant 0 : i32
      %parallel_loop3A_211 = vector.broadcast %parallel_loop3A_209 : i32 to vector<16xi32>
      %parallel_loop3A_212 = vector.broadcast %parallel_loop3A_210 : i32 to vector<16xi32>
      %parallel_loop3A_213 = arith.select %parallel_loop3A_208, %parallel_loop3A_211, %parallel_loop3A_212 : vector<16xi1>, vector<16xi32>
      %parallel_loop3A_214 = arith.addi %parallel_loop3A_207, %parallel_loop3A_213 : vector<16xi32>
      %parallel_loop3A_215 = arith.constant 4 : i32
      %parallel_loop3A_216 = arith.index_cast %parallel_loop3A_215 : i32 to index
      %parallel_loop3A_217 = arith.index_cast %parallel_loop3A_7 : i32 to index
      %parallel_loop3A_218 = tpu.vector_load %arg7[%parallel_loop3A_216, %parallel_loop3A_217] {strides = array<i32>} : memref<64x256xi32, #tpu.memory_space<vmem>>, vector<16xi32>,
      tpu.vector_store %arg7[%parallel_loop3A_216, %parallel_loop3A_217], %parallel_loop3A_214 {strides = array<i32>} : memref<64x256xi32, #tpu.memory_space<vmem>>, vector<16xi32>,
      %parallel_loop3A_219 = arith.constant 5 : i32
      %parallel_loop3A_220 = arith.index_cast %parallel_loop3A_219 : i32 to index
      %parallel_loop3A_221 = arith.index_cast %parallel_loop3A_7 : i32 to index
      %parallel_loop3A_222 = tpu.vector_load %arg6[%parallel_loop3A_220, %parallel_loop3A_221] {strides = array<i32>} : memref<64x256xi32, #tpu.memory_space<vmem>>, vector<16xi32>,
      %parallel_loop3A_223 = tpu.vector_load_idx %arg5[%parallel_loop3A_222] : memref<8192xi32, #tpu.memory_space<vmem>>[vector<16xi32>], vector<16xi32>,
      %parallel_loop3A_224 = arith.subi %parallel_loop3A_13, %parallel_loop3A_222 : vector<16xi32>
      %parallel_loop3A_225 = arith.constant 1 : i32
      %parallel_loop3A_226 = vector.broadcast %parallel_loop3A_225 : i32 to vector<16xi32>
      %parallel_loop3A_227 = arith.maxsi %parallel_loop3A_224, %parallel_loop3A_226 : vector<16xi32>
      %parallel_loop3A_228 = arith.sitofp %parallel_loop3A_227 : vector<16xi32> to vector<16xf32>
      %parallel_loop3A_229 = vector.bitcast %parallel_loop3A_228 : vector<16xf32> to vector<16xi32>
      %parallel_loop3A_230 = arith.constant 23 : i32
      %parallel_loop3A_231 = vector.broadcast %parallel_loop3A_230 : i32 to vector<16xi32>
      %parallel_loop3A_232 = arith.shrsi %parallel_loop3A_229, %parallel_loop3A_231 : vector<16xi32>
      %parallel_loop3A_233 = arith.constant 127 : i32
      %parallel_loop3A_234 = vector.broadcast %parallel_loop3A_233 : i32 to vector<16xi32>
      %parallel_loop3A_235 = arith.subi %parallel_loop3A_232, %parallel_loop3A_234 : vector<16xi32>
      %parallel_loop3A_236 = arith.constant 5 : i32
      %parallel_loop3A_237 = vector.broadcast %parallel_loop3A_236 : i32 to vector<16xi32>
      %parallel_loop3A_238 = arith.cmpi slt, %parallel_loop3A_227, %parallel_loop3A_237 : vector<16xi32>
      %parallel_loop3A_239 = arith.constant 1 : i32
      %parallel_loop3A_240 = vector.broadcast %parallel_loop3A_239 : i32 to vector<16xi32>
      %parallel_loop3A_241 = arith.subi %parallel_loop3A_227, %parallel_loop3A_240 : vector<16xi32>
      %parallel_loop3A_242 = arith.constant 6 : i32
      %parallel_loop3A_243 = vector.broadcast %parallel_loop3A_242 : i32 to vector<16xi32>
      %parallel_loop3A_244 = arith.minsi %parallel_loop3A_235, %parallel_loop3A_243 : vector<16xi32>
      %parallel_loop3A_245 = arith.constant 2 : i32
      %parallel_loop3A_246 = vector.broadcast %parallel_loop3A_245 : i32 to vector<16xi32>
      %parallel_loop3A_247 = arith.addi %parallel_loop3A_244, %parallel_loop3A_246 : vector<16xi32>
      %parallel_loop3A_248 = arith.select %parallel_loop3A_238, %parallel_loop3A_241, %parallel_loop3A_247 : vector<16xi1>, vector<16xi32>
      %parallel_loop3A_249 = arith.cmpi eq, %parallel_loop3A_223, %parallel_loop3A_10 : vector<16xi32>
      %parallel_loop3A_250 = arith.constant 9 : i32
      %parallel_loop3A_251 = arith.constant 0 : i32
      %parallel_loop3A_252 = vector.broadcast %parallel_loop3A_250 : i32 to vector<16xi32>
      %parallel_loop3A_253 = vector.broadcast %parallel_loop3A_251 : i32 to vector<16xi32>
      %parallel_loop3A_254 = arith.select %parallel_loop3A_249, %parallel_loop3A_252, %parallel_loop3A_253 : vector<16xi1>, vector<16xi32>
      %parallel_loop3A_255 = arith.addi %parallel_loop3A_248, %parallel_loop3A_254 : vector<16xi32>
      %parallel_loop3A_256 = arith.constant 5 : i32
      %parallel_loop3A_257 = arith.index_cast %parallel_loop3A_256 : i32 to index
      %parallel_loop3A_258 = arith.index_cast %parallel_loop3A_7 : i32 to index
      %parallel_loop3A_259 = tpu.vector_load %arg7[%parallel_loop3A_257, %parallel_loop3A_258] {strides = array<i32>} : memref<64x256xi32, #tpu.memory_space<vmem>>, vector<16xi32>,
      tpu.vector_store %arg7[%parallel_loop3A_257, %parallel_loop3A_258], %parallel_loop3A_255 {strides = array<i32>} : memref<64x256xi32, #tpu.memory_space<vmem>>, vector<16xi32>,
      %parallel_loop3A_260 = arith.constant 6 : i32
      %parallel_loop3A_261 = arith.index_cast %parallel_loop3A_260 : i32 to index
      %parallel_loop3A_262 = arith.index_cast %parallel_loop3A_7 : i32 to index
      %parallel_loop3A_263 = tpu.vector_load %arg6[%parallel_loop3A_261, %parallel_loop3A_262] {strides = array<i32>} : memref<64x256xi32, #tpu.memory_space<vmem>>, vector<16xi32>,
      %parallel_loop3A_264 = tpu.vector_load_idx %arg5[%parallel_loop3A_263] : memref<8192xi32, #tpu.memory_space<vmem>>[vector<16xi32>], vector<16xi32>,
      %parallel_loop3A_265 = arith.subi %parallel_loop3A_13, %parallel_loop3A_263 : vector<16xi32>
      %parallel_loop3A_266 = arith.constant 1 : i32
      %parallel_loop3A_267 = vector.broadcast %parallel_loop3A_266 : i32 to vector<16xi32>
      %parallel_loop3A_268 = arith.maxsi %parallel_loop3A_265, %parallel_loop3A_267 : vector<16xi32>
      %parallel_loop3A_269 = arith.sitofp %parallel_loop3A_268 : vector<16xi32> to vector<16xf32>
      %parallel_loop3A_270 = vector.bitcast %parallel_loop3A_269 : vector<16xf32> to vector<16xi32>
      %parallel_loop3A_271 = arith.constant 23 : i32
      %parallel_loop3A_272 = vector.broadcast %parallel_loop3A_271 : i32 to vector<16xi32>
      %parallel_loop3A_273 = arith.shrsi %parallel_loop3A_270, %parallel_loop3A_272 : vector<16xi32>
      %parallel_loop3A_274 = arith.constant 127 : i32
      %parallel_loop3A_275 = vector.broadcast %parallel_loop3A_274 : i32 to vector<16xi32>
      %parallel_loop3A_276 = arith.subi %parallel_loop3A_273, %parallel_loop3A_275 : vector<16xi32>
      %parallel_loop3A_277 = arith.constant 5 : i32
      %parallel_loop3A_278 = vector.broadcast %parallel_loop3A_277 : i32 to vector<16xi32>
      %parallel_loop3A_279 = arith.cmpi slt, %parallel_loop3A_268, %parallel_loop3A_278 : vector<16xi32>
      %parallel_loop3A_280 = arith.constant 1 : i32
      %parallel_loop3A_281 = vector.broadcast %parallel_loop3A_280 : i32 to vector<16xi32>
      %parallel_loop3A_282 = arith.subi %parallel_loop3A_268, %parallel_loop3A_281 : vector<16xi32>
      %parallel_loop3A_283 = arith.constant 6 : i32
      %parallel_loop3A_284 = vector.broadcast %parallel_loop3A_283 : i32 to vector<16xi32>
      %parallel_loop3A_285 = arith.minsi %parallel_loop3A_276, %parallel_loop3A_284 : vector<16xi32>
      %parallel_loop3A_286 = arith.constant 2 : i32
      %parallel_loop3A_287 = vector.broadcast %parallel_loop3A_286 : i32 to vector<16xi32>
      %parallel_loop3A_288 = arith.addi %parallel_loop3A_285, %parallel_loop3A_287 : vector<16xi32>
      %parallel_loop3A_289 = arith.select %parallel_loop3A_279, %parallel_loop3A_282, %parallel_loop3A_288 : vector<16xi1>, vector<16xi32>
      %parallel_loop3A_290 = arith.cmpi eq, %parallel_loop3A_264, %parallel_loop3A_10 : vector<16xi32>
      %parallel_loop3A_291 = arith.constant 9 : i32
      %parallel_loop3A_292 = arith.constant 0 : i32
      %parallel_loop3A_293 = vector.broadcast %parallel_loop3A_291 : i32 to vector<16xi32>
      %parallel_loop3A_294 = vector.broadcast %parallel_loop3A_292 : i32 to vector<16xi32>
      %parallel_loop3A_295 = arith.select %parallel_loop3A_290, %parallel_loop3A_293, %parallel_loop3A_294 : vector<16xi1>, vector<16xi32>
      %parallel_loop3A_296 = arith.addi %parallel_loop3A_289, %parallel_loop3A_295 : vector<16xi32>
      %parallel_loop3A_297 = arith.constant 6 : i32
      %parallel_loop3A_298 = arith.index_cast %parallel_loop3A_297 : i32 to index
      %parallel_loop3A_299 = arith.index_cast %parallel_loop3A_7 : i32 to index
      %parallel_loop3A_300 = tpu.vector_load %arg7[%parallel_loop3A_298, %parallel_loop3A_299] {strides = array<i32>} : memref<64x256xi32, #tpu.memory_space<vmem>>, vector<16xi32>,
      tpu.vector_store %arg7[%parallel_loop3A_298, %parallel_loop3A_299], %parallel_loop3A_296 {strides = array<i32>} : memref<64x256xi32, #tpu.memory_space<vmem>>, vector<16xi32>,
      %parallel_loop3A_301 = arith.constant 7 : i32
      %parallel_loop3A_302 = arith.index_cast %parallel_loop3A_301 : i32 to index
      %parallel_loop3A_303 = arith.index_cast %parallel_loop3A_7 : i32 to index
      %parallel_loop3A_304 = tpu.vector_load %arg6[%parallel_loop3A_302, %parallel_loop3A_303] {strides = array<i32>} : memref<64x256xi32, #tpu.memory_space<vmem>>, vector<16xi32>,
      %parallel_loop3A_305 = tpu.vector_load_idx %arg5[%parallel_loop3A_304] : memref<8192xi32, #tpu.memory_space<vmem>>[vector<16xi32>], vector<16xi32>,
      %parallel_loop3A_306 = arith.subi %parallel_loop3A_13, %parallel_loop3A_304 : vector<16xi32>
      %parallel_loop3A_307 = arith.constant 1 : i32
      %parallel_loop3A_308 = vector.broadcast %parallel_loop3A_307 : i32 to vector<16xi32>
      %parallel_loop3A_309 = arith.maxsi %parallel_loop3A_306, %parallel_loop3A_308 : vector<16xi32>
      %parallel_loop3A_310 = arith.sitofp %parallel_loop3A_309 : vector<16xi32> to vector<16xf32>
      %parallel_loop3A_311 = vector.bitcast %parallel_loop3A_310 : vector<16xf32> to vector<16xi32>
      %parallel_loop3A_312 = arith.constant 23 : i32
      %parallel_loop3A_313 = vector.broadcast %parallel_loop3A_312 : i32 to vector<16xi32>
      %parallel_loop3A_314 = arith.shrsi %parallel_loop3A_311, %parallel_loop3A_313 : vector<16xi32>
      %parallel_loop3A_315 = arith.constant 127 : i32
      %parallel_loop3A_316 = vector.broadcast %parallel_loop3A_315 : i32 to vector<16xi32>
      %parallel_loop3A_317 = arith.subi %parallel_loop3A_314, %parallel_loop3A_316 : vector<16xi32>
      %parallel_loop3A_318 = arith.constant 5 : i32
      %parallel_loop3A_319 = vector.broadcast %parallel_loop3A_318 : i32 to vector<16xi32>
      %parallel_loop3A_320 = arith.cmpi slt, %parallel_loop3A_309, %parallel_loop3A_319 : vector<16xi32>
      %parallel_loop3A_321 = arith.constant 1 : i32
      %parallel_loop3A_322 = vector.broadcast %parallel_loop3A_321 : i32 to vector<16xi32>
      %parallel_loop3A_323 = arith.subi %parallel_loop3A_309, %parallel_loop3A_322 : vector<16xi32>
      %parallel_loop3A_324 = arith.constant 6 : i32
      %parallel_loop3A_325 = vector.broadcast %parallel_loop3A_324 : i32 to vector<16xi32>
      %parallel_loop3A_326 = arith.minsi %parallel_loop3A_317, %parallel_loop3A_325 : vector<16xi32>
      %parallel_loop3A_327 = arith.constant 2 : i32
      %parallel_loop3A_328 = vector.broadcast %parallel_loop3A_327 : i32 to vector<16xi32>
      %parallel_loop3A_329 = arith.addi %parallel_loop3A_326, %parallel_loop3A_328 : vector<16xi32>
      %parallel_loop3A_330 = arith.select %parallel_loop3A_320, %parallel_loop3A_323, %parallel_loop3A_329 : vector<16xi1>, vector<16xi32>
      %parallel_loop3A_331 = arith.cmpi eq, %parallel_loop3A_305, %parallel_loop3A_10 : vector<16xi32>
      %parallel_loop3A_332 = arith.constant 9 : i32
      %parallel_loop3A_333 = arith.constant 0 : i32
      %parallel_loop3A_334 = vector.broadcast %parallel_loop3A_332 : i32 to vector<16xi32>
      %parallel_loop3A_335 = vector.broadcast %parallel_loop3A_333 : i32 to vector<16xi32>
      %parallel_loop3A_336 = arith.select %parallel_loop3A_331, %parallel_loop3A_334, %parallel_loop3A_335 : vector<16xi1>, vector<16xi32>
      %parallel_loop3A_337 = arith.addi %parallel_loop3A_330, %parallel_loop3A_336 : vector<16xi32>
      %parallel_loop3A_338 = arith.constant 7 : i32
      %parallel_loop3A_339 = arith.index_cast %parallel_loop3A_338 : i32 to index
      %parallel_loop3A_340 = arith.index_cast %parallel_loop3A_7 : i32 to index
      %parallel_loop3A_341 = tpu.vector_load %arg7[%parallel_loop3A_339, %parallel_loop3A_340] {strides = array<i32>} : memref<64x256xi32, #tpu.memory_space<vmem>>, vector<16xi32>,
      tpu.vector_store %arg7[%parallel_loop3A_339, %parallel_loop3A_340], %parallel_loop3A_337 {strides = array<i32>} : memref<64x256xi32, #tpu.memory_space<vmem>>, vector<16xi32>,
      %parallel_loop3A_342 = arith.constant 8 : i32
      %parallel_loop3A_343 = arith.index_cast %parallel_loop3A_342 : i32 to index
      %parallel_loop3A_344 = arith.index_cast %parallel_loop3A_7 : i32 to index
      %parallel_loop3A_345 = tpu.vector_load %arg6[%parallel_loop3A_343, %parallel_loop3A_344] {strides = array<i32>} : memref<64x256xi32, #tpu.memory_space<vmem>>, vector<16xi32>,
      %parallel_loop3A_346 = tpu.vector_load_idx %arg5[%parallel_loop3A_345] : memref<8192xi32, #tpu.memory_space<vmem>>[vector<16xi32>], vector<16xi32>,
      %parallel_loop3A_347 = arith.subi %parallel_loop3A_13, %parallel_loop3A_345 : vector<16xi32>
      %parallel_loop3A_348 = arith.constant 1 : i32
      %parallel_loop3A_349 = vector.broadcast %parallel_loop3A_348 : i32 to vector<16xi32>
      %parallel_loop3A_350 = arith.maxsi %parallel_loop3A_347, %parallel_loop3A_349 : vector<16xi32>
      %parallel_loop3A_351 = arith.sitofp %parallel_loop3A_350 : vector<16xi32> to vector<16xf32>
      %parallel_loop3A_352 = vector.bitcast %parallel_loop3A_351 : vector<16xf32> to vector<16xi32>
      %parallel_loop3A_353 = arith.constant 23 : i32
      %parallel_loop3A_354 = vector.broadcast %parallel_loop3A_353 : i32 to vector<16xi32>
      %parallel_loop3A_355 = arith.shrsi %parallel_loop3A_352, %parallel_loop3A_354 : vector<16xi32>
      %parallel_loop3A_356 = arith.constant 127 : i32
      %parallel_loop3A_357 = vector.broadcast %parallel_loop3A_356 : i32 to vector<16xi32>
      %parallel_loop3A_358 = arith.subi %parallel_loop3A_355, %parallel_loop3A_357 : vector<16xi32>
      %parallel_loop3A_359 = arith.constant 5 : i32
      %parallel_loop3A_360 = vector.broadcast %parallel_loop3A_359 : i32 to vector<16xi32>
      %parallel_loop3A_361 = arith.cmpi slt, %parallel_loop3A_350, %parallel_loop3A_360 : vector<16xi32>
      %parallel_loop3A_362 = arith.constant 1 : i32
      %parallel_loop3A_363 = vector.broadcast %parallel_loop3A_362 : i32 to vector<16xi32>
      %parallel_loop3A_364 = arith.subi %parallel_loop3A_350, %parallel_loop3A_363 : vector<16xi32>
      %parallel_loop3A_365 = arith.constant 6 : i32
      %parallel_loop3A_366 = vector.broadcast %parallel_loop3A_365 : i32 to vector<16xi32>
      %parallel_loop3A_367 = arith.minsi %parallel_loop3A_358, %parallel_loop3A_366 : vector<16xi32>
      %parallel_loop3A_368 = arith.constant 2 : i32
      %parallel_loop3A_369 = vector.broadcast %parallel_loop3A_368 : i32 to vector<16xi32>
      %parallel_loop3A_370 = arith.addi %parallel_loop3A_367, %parallel_loop3A_369 : vector<16xi32>
      %parallel_loop3A_371 = arith.select %parallel_loop3A_361, %parallel_loop3A_364, %parallel_loop3A_370 : vector<16xi1>, vector<16xi32>
      %parallel_loop3A_372 = arith.cmpi eq, %parallel_loop3A_346, %parallel_loop3A_10 : vector<16xi32>
      %parallel_loop3A_373 = arith.constant 9 : i32
      %parallel_loop3A_374 = arith.constant 0 : i32
      %parallel_loop3A_375 = vector.broadcast %parallel_loop3A_373 : i32 to vector<16xi32>
      %parallel_loop3A_376 = vector.broadcast %parallel_loop3A_374 : i32 to vector<16xi32>
      %parallel_loop3A_377 = arith.select %parallel_loop3A_372, %parallel_loop3A_375, %parallel_loop3A_376 : vector<16xi1>, vector<16xi32>
      %parallel_loop3A_378 = arith.addi %parallel_loop3A_371, %parallel_loop3A_377 : vector<16xi32>
      %parallel_loop3A_379 = arith.constant 8 : i32
      %parallel_loop3A_380 = arith.index_cast %parallel_loop3A_379 : i32 to index
      %parallel_loop3A_381 = arith.index_cast %parallel_loop3A_7 : i32 to index
      %parallel_loop3A_382 = tpu.vector_load %arg7[%parallel_loop3A_380, %parallel_loop3A_381] {strides = array<i32>} : memref<64x256xi32, #tpu.memory_space<vmem>>, vector<16xi32>,
      tpu.vector_store %arg7[%parallel_loop3A_380, %parallel_loop3A_381], %parallel_loop3A_378 {strides = array<i32>} : memref<64x256xi32, #tpu.memory_space<vmem>>, vector<16xi32>,
      %parallel_loop3A_383 = arith.constant 9 : i32
      %parallel_loop3A_384 = arith.index_cast %parallel_loop3A_383 : i32 to index
      %parallel_loop3A_385 = arith.index_cast %parallel_loop3A_7 : i32 to index
      %parallel_loop3A_386 = tpu.vector_load %arg6[%parallel_loop3A_384, %parallel_loop3A_385] {strides = array<i32>} : memref<64x256xi32, #tpu.memory_space<vmem>>, vector<16xi32>,
      %parallel_loop3A_387 = tpu.vector_load_idx %arg5[%parallel_loop3A_386] : memref<8192xi32, #tpu.memory_space<vmem>>[vector<16xi32>], vector<16xi32>,
      %parallel_loop3A_388 = arith.subi %parallel_loop3A_13, %parallel_loop3A_386 : vector<16xi32>
      %parallel_loop3A_389 = arith.constant 1 : i32
      %parallel_loop3A_390 = vector.broadcast %parallel_loop3A_389 : i32 to vector<16xi32>
      %parallel_loop3A_391 = arith.maxsi %parallel_loop3A_388, %parallel_loop3A_390 : vector<16xi32>
      %parallel_loop3A_392 = arith.sitofp %parallel_loop3A_391 : vector<16xi32> to vector<16xf32>
      %parallel_loop3A_393 = vector.bitcast %parallel_loop3A_392 : vector<16xf32> to vector<16xi32>
      %parallel_loop3A_394 = arith.constant 23 : i32
      %parallel_loop3A_395 = vector.broadcast %parallel_loop3A_394 : i32 to vector<16xi32>
      %parallel_loop3A_396 = arith.shrsi %parallel_loop3A_393, %parallel_loop3A_395 : vector<16xi32>
      %parallel_loop3A_397 = arith.constant 127 : i32
      %parallel_loop3A_398 = vector.broadcast %parallel_loop3A_397 : i32 to vector<16xi32>
      %parallel_loop3A_399 = arith.subi %parallel_loop3A_396, %parallel_loop3A_398 : vector<16xi32>
      %parallel_loop3A_400 = arith.constant 5 : i32
      %parallel_loop3A_401 = vector.broadcast %parallel_loop3A_400 : i32 to vector<16xi32>
      %parallel_loop3A_402 = arith.cmpi slt, %parallel_loop3A_391, %parallel_loop3A_401 : vector<16xi32>
      %parallel_loop3A_403 = arith.constant 1 : i32
      %parallel_loop3A_404 = vector.broadcast %parallel_loop3A_403 : i32 to vector<16xi32>
      %parallel_loop3A_405 = arith.subi %parallel_loop3A_391, %parallel_loop3A_404 : vector<16xi32>
      %parallel_loop3A_406 = arith.constant 6 : i32
      %parallel_loop3A_407 = vector.broadcast %parallel_loop3A_406 : i32 to vector<16xi32>
      %parallel_loop3A_408 = arith.minsi %parallel_loop3A_399, %parallel_loop3A_407 : vector<16xi32>
      %parallel_loop3A_409 = arith.constant 2 : i32
      %parallel_loop3A_410 = vector.broadcast %parallel_loop3A_409 : i32 to vector<16xi32>
      %parallel_loop3A_411 = arith.addi %parallel_loop3A_408, %parallel_loop3A_410 : vector<16xi32>
      %parallel_loop3A_412 = arith.select %parallel_loop3A_402, %parallel_loop3A_405, %parallel_loop3A_411 : vector<16xi1>, vector<16xi32>
      %parallel_loop3A_413 = arith.cmpi eq, %parallel_loop3A_387, %parallel_loop3A_10 : vector<16xi32>
      %parallel_loop3A_414 = arith.constant 9 : i32
      %parallel_loop3A_415 = arith.constant 0 : i32
      %parallel_loop3A_416 = vector.broadcast %parallel_loop3A_414 : i32 to vector<16xi32>
      %parallel_loop3A_417 = vector.broadcast %parallel_loop3A_415 : i32 to vector<16xi32>
      %parallel_loop3A_418 = arith.select %parallel_loop3A_413, %parallel_loop3A_416, %parallel_loop3A_417 : vector<16xi1>, vector<16xi32>
      %parallel_loop3A_419 = arith.addi %parallel_loop3A_412, %parallel_loop3A_418 : vector<16xi32>
      %parallel_loop3A_420 = arith.constant 9 : i32
      %parallel_loop3A_421 = arith.index_cast %parallel_loop3A_420 : i32 to index
      %parallel_loop3A_422 = arith.index_cast %parallel_loop3A_7 : i32 to index
      %parallel_loop3A_423 = tpu.vector_load %arg7[%parallel_loop3A_421, %parallel_loop3A_422] {strides = array<i32>} : memref<64x256xi32, #tpu.memory_space<vmem>>, vector<16xi32>,
      tpu.vector_store %arg7[%parallel_loop3A_421, %parallel_loop3A_422], %parallel_loop3A_419 {strides = array<i32>} : memref<64x256xi32, #tpu.memory_space<vmem>>, vector<16xi32>,
      %parallel_loop3A_424 = arith.constant 10 : i32
      %parallel_loop3A_425 = arith.index_cast %parallel_loop3A_424 : i32 to index
      %parallel_loop3A_426 = arith.index_cast %parallel_loop3A_7 : i32 to index
      %parallel_loop3A_427 = tpu.vector_load %arg6[%parallel_loop3A_425, %parallel_loop3A_426] {strides = array<i32>} : memref<64x256xi32, #tpu.memory_space<vmem>>, vector<16xi32>,
      %parallel_loop3A_428 = tpu.vector_load_idx %arg5[%parallel_loop3A_427] : memref<8192xi32, #tpu.memory_space<vmem>>[vector<16xi32>], vector<16xi32>,
      %parallel_loop3A_429 = arith.subi %parallel_loop3A_13, %parallel_loop3A_427 : vector<16xi32>
      %parallel_loop3A_430 = arith.constant 1 : i32
      %parallel_loop3A_431 = vector.broadcast %parallel_loop3A_430 : i32 to vector<16xi32>
      %parallel_loop3A_432 = arith.maxsi %parallel_loop3A_429, %parallel_loop3A_431 : vector<16xi32>
      %parallel_loop3A_433 = arith.sitofp %parallel_loop3A_432 : vector<16xi32> to vector<16xf32>
      %parallel_loop3A_434 = vector.bitcast %parallel_loop3A_433 : vector<16xf32> to vector<16xi32>
      %parallel_loop3A_435 = arith.constant 23 : i32
      %parallel_loop3A_436 = vector.broadcast %parallel_loop3A_435 : i32 to vector<16xi32>
      %parallel_loop3A_437 = arith.shrsi %parallel_loop3A_434, %parallel_loop3A_436 : vector<16xi32>
      %parallel_loop3A_438 = arith.constant 127 : i32
      %parallel_loop3A_439 = vector.broadcast %parallel_loop3A_438 : i32 to vector<16xi32>
      %parallel_loop3A_440 = arith.subi %parallel_loop3A_437, %parallel_loop3A_439 : vector<16xi32>
      %parallel_loop3A_441 = arith.constant 5 : i32
      %parallel_loop3A_442 = vector.broadcast %parallel_loop3A_441 : i32 to vector<16xi32>
      %parallel_loop3A_443 = arith.cmpi slt, %parallel_loop3A_432, %parallel_loop3A_442 : vector<16xi32>
      %parallel_loop3A_444 = arith.constant 1 : i32
      %parallel_loop3A_445 = vector.broadcast %parallel_loop3A_444 : i32 to vector<16xi32>
      %parallel_loop3A_446 = arith.subi %parallel_loop3A_432, %parallel_loop3A_445 : vector<16xi32>
      %parallel_loop3A_447 = arith.constant 6 : i32
      %parallel_loop3A_448 = vector.broadcast %parallel_loop3A_447 : i32 to vector<16xi32>
      %parallel_loop3A_449 = arith.minsi %parallel_loop3A_440, %parallel_loop3A_448 : vector<16xi32>
      %parallel_loop3A_450 = arith.constant 2 : i32
      %parallel_loop3A_451 = vector.broadcast %parallel_loop3A_450 : i32 to vector<16xi32>
      %parallel_loop3A_452 = arith.addi %parallel_loop3A_449, %parallel_loop3A_451 : vector<16xi32>
      %parallel_loop3A_453 = arith.select %parallel_loop3A_443, %parallel_loop3A_446, %parallel_loop3A_452 : vector<16xi1>, vector<16xi32>
      %parallel_loop3A_454 = arith.cmpi eq, %parallel_loop3A_428, %parallel_loop3A_10 : vector<16xi32>
      %parallel_loop3A_455 = arith.constant 9 : i32
      %parallel_loop3A_456 = arith.constant 0 : i32
      %parallel_loop3A_457 = vector.broadcast %parallel_loop3A_455 : i32 to vector<16xi32>
      %parallel_loop3A_458 = vector.broadcast %parallel_loop3A_456 : i32 to vector<16xi32>
      %parallel_loop3A_459 = arith.select %parallel_loop3A_454, %parallel_loop3A_457, %parallel_loop3A_458 : vector<16xi1>, vector<16xi32>
      %parallel_loop3A_460 = arith.addi %parallel_loop3A_453, %parallel_loop3A_459 : vector<16xi32>
      %parallel_loop3A_461 = arith.constant 10 : i32
      %parallel_loop3A_462 = arith.index_cast %parallel_loop3A_461 : i32 to index
      %parallel_loop3A_463 = arith.index_cast %parallel_loop3A_7 : i32 to index
      %parallel_loop3A_464 = tpu.vector_load %arg7[%parallel_loop3A_462, %parallel_loop3A_463] {strides = array<i32>} : memref<64x256xi32, #tpu.memory_space<vmem>>, vector<16xi32>,
      tpu.vector_store %arg7[%parallel_loop3A_462, %parallel_loop3A_463], %parallel_loop3A_460 {strides = array<i32>} : memref<64x256xi32, #tpu.memory_space<vmem>>, vector<16xi32>,
      %parallel_loop3A_465 = arith.constant 11 : i32
      %parallel_loop3A_466 = arith.index_cast %parallel_loop3A_465 : i32 to index
      %parallel_loop3A_467 = arith.index_cast %parallel_loop3A_7 : i32 to index
      %parallel_loop3A_468 = tpu.vector_load %arg6[%parallel_loop3A_466, %parallel_loop3A_467] {strides = array<i32>} : memref<64x256xi32, #tpu.memory_space<vmem>>, vector<16xi32>,
      %parallel_loop3A_469 = tpu.vector_load_idx %arg5[%parallel_loop3A_468] : memref<8192xi32, #tpu.memory_space<vmem>>[vector<16xi32>], vector<16xi32>,
      %parallel_loop3A_470 = arith.subi %parallel_loop3A_13, %parallel_loop3A_468 : vector<16xi32>
      %parallel_loop3A_471 = arith.constant 1 : i32
      %parallel_loop3A_472 = vector.broadcast %parallel_loop3A_471 : i32 to vector<16xi32>
      %parallel_loop3A_473 = arith.maxsi %parallel_loop3A_470, %parallel_loop3A_472 : vector<16xi32>
      %parallel_loop3A_474 = arith.sitofp %parallel_loop3A_473 : vector<16xi32> to vector<16xf32>
      %parallel_loop3A_475 = vector.bitcast %parallel_loop3A_474 : vector<16xf32> to vector<16xi32>
      %parallel_loop3A_476 = arith.constant 23 : i32
      %parallel_loop3A_477 = vector.broadcast %parallel_loop3A_476 : i32 to vector<16xi32>
      %parallel_loop3A_478 = arith.shrsi %parallel_loop3A_475, %parallel_loop3A_477 : vector<16xi32>
      %parallel_loop3A_479 = arith.constant 127 : i32
      %parallel_loop3A_480 = vector.broadcast %parallel_loop3A_479 : i32 to vector<16xi32>
      %parallel_loop3A_481 = arith.subi %parallel_loop3A_478, %parallel_loop3A_480 : vector<16xi32>
      %parallel_loop3A_482 = arith.constant 5 : i32
      %parallel_loop3A_483 = vector.broadcast %parallel_loop3A_482 : i32 to vector<16xi32>
      %parallel_loop3A_484 = arith.cmpi slt, %parallel_loop3A_473, %parallel_loop3A_483 : vector<16xi32>
      %parallel_loop3A_485 = arith.constant 1 : i32
      %parallel_loop3A_486 = vector.broadcast %parallel_loop3A_485 : i32 to vector<16xi32>
      %parallel_loop3A_487 = arith.subi %parallel_loop3A_473, %parallel_loop3A_486 : vector<16xi32>
      %parallel_loop3A_488 = arith.constant 6 : i32
      %parallel_loop3A_489 = vector.broadcast %parallel_loop3A_488 : i32 to vector<16xi32>
      %parallel_loop3A_490 = arith.minsi %parallel_loop3A_481, %parallel_loop3A_489 : vector<16xi32>
      %parallel_loop3A_491 = arith.constant 2 : i32
      %parallel_loop3A_492 = vector.broadcast %parallel_loop3A_491 : i32 to vector<16xi32>
      %parallel_loop3A_493 = arith.addi %parallel_loop3A_490, %parallel_loop3A_492 : vector<16xi32>
      %parallel_loop3A_494 = arith.select %parallel_loop3A_484, %parallel_loop3A_487, %parallel_loop3A_493 : vector<16xi1>, vector<16xi32>
      %parallel_loop3A_495 = arith.cmpi eq, %parallel_loop3A_469, %parallel_loop3A_10 : vector<16xi32>
      %parallel_loop3A_496 = arith.constant 9 : i32
      %parallel_loop3A_497 = arith.constant 0 : i32
      %parallel_loop3A_498 = vector.broadcast %parallel_loop3A_496 : i32 to vector<16xi32>
      %parallel_loop3A_499 = vector.broadcast %parallel_loop3A_497 : i32 to vector<16xi32>
      %parallel_loop3A_500 = arith.select %parallel_loop3A_495, %parallel_loop3A_498, %parallel_loop3A_499 : vector<16xi1>, vector<16xi32>
      %parallel_loop3A_501 = arith.addi %parallel_loop3A_494, %parallel_loop3A_500 : vector<16xi32>
      %parallel_loop3A_502 = arith.constant 11 : i32
      %parallel_loop3A_503 = arith.index_cast %parallel_loop3A_502 : i32 to index
      %parallel_loop3A_504 = arith.index_cast %parallel_loop3A_7 : i32 to index
      %parallel_loop3A_505 = tpu.vector_load %arg7[%parallel_loop3A_503, %parallel_loop3A_504] {strides = array<i32>} : memref<64x256xi32, #tpu.memory_space<vmem>>, vector<16xi32>,
      tpu.vector_store %arg7[%parallel_loop3A_503, %parallel_loop3A_504], %parallel_loop3A_501 {strides = array<i32>} : memref<64x256xi32, #tpu.memory_space<vmem>>, vector<16xi32>,
      %parallel_loop3A_506 = arith.constant 12 : i32
      %parallel_loop3A_507 = arith.index_cast %parallel_loop3A_506 : i32 to index
      %parallel_loop3A_508 = arith.index_cast %parallel_loop3A_7 : i32 to index
      %parallel_loop3A_509 = tpu.vector_load %arg6[%parallel_loop3A_507, %parallel_loop3A_508] {strides = array<i32>} : memref<64x256xi32, #tpu.memory_space<vmem>>, vector<16xi32>,
      %parallel_loop3A_510 = tpu.vector_load_idx %arg5[%parallel_loop3A_509] : memref<8192xi32, #tpu.memory_space<vmem>>[vector<16xi32>], vector<16xi32>,
      %parallel_loop3A_511 = arith.subi %parallel_loop3A_13, %parallel_loop3A_509 : vector<16xi32>
      %parallel_loop3A_512 = arith.constant 1 : i32
      %parallel_loop3A_513 = vector.broadcast %parallel_loop3A_512 : i32 to vector<16xi32>
      %parallel_loop3A_514 = arith.maxsi %parallel_loop3A_511, %parallel_loop3A_513 : vector<16xi32>
      %parallel_loop3A_515 = arith.sitofp %parallel_loop3A_514 : vector<16xi32> to vector<16xf32>
      %parallel_loop3A_516 = vector.bitcast %parallel_loop3A_515 : vector<16xf32> to vector<16xi32>
      %parallel_loop3A_517 = arith.constant 23 : i32
      %parallel_loop3A_518 = vector.broadcast %parallel_loop3A_517 : i32 to vector<16xi32>
      %parallel_loop3A_519 = arith.shrsi %parallel_loop3A_516, %parallel_loop3A_518 : vector<16xi32>
      %parallel_loop3A_520 = arith.constant 127 : i32
      %parallel_loop3A_521 = vector.broadcast %parallel_loop3A_520 : i32 to vector<16xi32>
      %parallel_loop3A_522 = arith.subi %parallel_loop3A_519, %parallel_loop3A_521 : vector<16xi32>
      %parallel_loop3A_523 = arith.constant 5 : i32
      %parallel_loop3A_524 = vector.broadcast %parallel_loop3A_523 : i32 to vector<16xi32>
      %parallel_loop3A_525 = arith.cmpi slt, %parallel_loop3A_514, %parallel_loop3A_524 : vector<16xi32>
      %parallel_loop3A_526 = arith.constant 1 : i32
      %parallel_loop3A_527 = vector.broadcast %parallel_loop3A_526 : i32 to vector<16xi32>
      %parallel_loop3A_528 = arith.subi %parallel_loop3A_514, %parallel_loop3A_527 : vector<16xi32>
      %parallel_loop3A_529 = arith.constant 6 : i32
      %parallel_loop3A_530 = vector.broadcast %parallel_loop3A_529 : i32 to vector<16xi32>
      %parallel_loop3A_531 = arith.minsi %parallel_loop3A_522, %parallel_loop3A_530 : vector<16xi32>
      %parallel_loop3A_532 = arith.constant 2 : i32
      %parallel_loop3A_533 = vector.broadcast %parallel_loop3A_532 : i32 to vector<16xi32>
      %parallel_loop3A_534 = arith.addi %parallel_loop3A_531, %parallel_loop3A_533 : vector<16xi32>
      %parallel_loop3A_535 = arith.select %parallel_loop3A_525, %parallel_loop3A_528, %parallel_loop3A_534 : vector<16xi1>, vector<16xi32>
      %parallel_loop3A_536 = arith.cmpi eq, %parallel_loop3A_510, %parallel_loop3A_10 : vector<16xi32>
      %parallel_loop3A_537 = arith.constant 9 : i32
      %parallel_loop3A_538 = arith.constant 0 : i32
      %parallel_loop3A_539 = vector.broadcast %parallel_loop3A_537 : i32 to vector<16xi32>
      %parallel_loop3A_540 = vector.broadcast %parallel_loop3A_538 : i32 to vector<16xi32>
      %parallel_loop3A_541 = arith.select %parallel_loop3A_536, %parallel_loop3A_539, %parallel_loop3A_540 : vector<16xi1>, vector<16xi32>
      %parallel_loop3A_542 = arith.addi %parallel_loop3A_535, %parallel_loop3A_541 : vector<16xi32>
      %parallel_loop3A_543 = arith.constant 12 : i32
      %parallel_loop3A_544 = arith.index_cast %parallel_loop3A_543 : i32 to index
      %parallel_loop3A_545 = arith.index_cast %parallel_loop3A_7 : i32 to index
      %parallel_loop3A_546 = tpu.vector_load %arg7[%parallel_loop3A_544, %parallel_loop3A_545] {strides = array<i32>} : memref<64x256xi32, #tpu.memory_space<vmem>>, vector<16xi32>,
      tpu.vector_store %arg7[%parallel_loop3A_544, %parallel_loop3A_545], %parallel_loop3A_542 {strides = array<i32>} : memref<64x256xi32, #tpu.memory_space<vmem>>, vector<16xi32>,
      %parallel_loop3A_547 = arith.constant 13 : i32
      %parallel_loop3A_548 = arith.index_cast %parallel_loop3A_547 : i32 to index
      %parallel_loop3A_549 = arith.index_cast %parallel_loop3A_7 : i32 to index
      %parallel_loop3A_550 = tpu.vector_load %arg6[%parallel_loop3A_548, %parallel_loop3A_549] {strides = array<i32>} : memref<64x256xi32, #tpu.memory_space<vmem>>, vector<16xi32>,
      %parallel_loop3A_551 = tpu.vector_load_idx %arg5[%parallel_loop3A_550] : memref<8192xi32, #tpu.memory_space<vmem>>[vector<16xi32>], vector<16xi32>,
      %parallel_loop3A_552 = arith.subi %parallel_loop3A_13, %parallel_loop3A_550 : vector<16xi32>
      %parallel_loop3A_553 = arith.constant 1 : i32
      %parallel_loop3A_554 = vector.broadcast %parallel_loop3A_553 : i32 to vector<16xi32>
      %parallel_loop3A_555 = arith.maxsi %parallel_loop3A_552, %parallel_loop3A_554 : vector<16xi32>
      %parallel_loop3A_556 = arith.sitofp %parallel_loop3A_555 : vector<16xi32> to vector<16xf32>
      %parallel_loop3A_557 = vector.bitcast %parallel_loop3A_556 : vector<16xf32> to vector<16xi32>
      %parallel_loop3A_558 = arith.constant 23 : i32
      %parallel_loop3A_559 = vector.broadcast %parallel_loop3A_558 : i32 to vector<16xi32>
      %parallel_loop3A_560 = arith.shrsi %parallel_loop3A_557, %parallel_loop3A_559 : vector<16xi32>
      %parallel_loop3A_561 = arith.constant 127 : i32
      %parallel_loop3A_562 = vector.broadcast %parallel_loop3A_561 : i32 to vector<16xi32>
      %parallel_loop3A_563 = arith.subi %parallel_loop3A_560, %parallel_loop3A_562 : vector<16xi32>
      %parallel_loop3A_564 = arith.constant 5 : i32
      %parallel_loop3A_565 = vector.broadcast %parallel_loop3A_564 : i32 to vector<16xi32>
      %parallel_loop3A_566 = arith.cmpi slt, %parallel_loop3A_555, %parallel_loop3A_565 : vector<16xi32>
      %parallel_loop3A_567 = arith.constant 1 : i32
      %parallel_loop3A_568 = vector.broadcast %parallel_loop3A_567 : i32 to vector<16xi32>
      %parallel_loop3A_569 = arith.subi %parallel_loop3A_555, %parallel_loop3A_568 : vector<16xi32>
      %parallel_loop3A_570 = arith.constant 6 : i32
      %parallel_loop3A_571 = vector.broadcast %parallel_loop3A_570 : i32 to vector<16xi32>
      %parallel_loop3A_572 = arith.minsi %parallel_loop3A_563, %parallel_loop3A_571 : vector<16xi32>
      %parallel_loop3A_573 = arith.constant 2 : i32
      %parallel_loop3A_574 = vector.broadcast %parallel_loop3A_573 : i32 to vector<16xi32>
      %parallel_loop3A_575 = arith.addi %parallel_loop3A_572, %parallel_loop3A_574 : vector<16xi32>
      %parallel_loop3A_576 = arith.select %parallel_loop3A_566, %parallel_loop3A_569, %parallel_loop3A_575 : vector<16xi1>, vector<16xi32>
      %parallel_loop3A_577 = arith.cmpi eq, %parallel_loop3A_551, %parallel_loop3A_10 : vector<16xi32>
      %parallel_loop3A_578 = arith.constant 9 : i32
      %parallel_loop3A_579 = arith.constant 0 : i32
      %parallel_loop3A_580 = vector.broadcast %parallel_loop3A_578 : i32 to vector<16xi32>
      %parallel_loop3A_581 = vector.broadcast %parallel_loop3A_579 : i32 to vector<16xi32>
      %parallel_loop3A_582 = arith.select %parallel_loop3A_577, %parallel_loop3A_580, %parallel_loop3A_581 : vector<16xi1>, vector<16xi32>
      %parallel_loop3A_583 = arith.addi %parallel_loop3A_576, %parallel_loop3A_582 : vector<16xi32>
      %parallel_loop3A_584 = arith.constant 13 : i32
      %parallel_loop3A_585 = arith.index_cast %parallel_loop3A_584 : i32 to index
      %parallel_loop3A_586 = arith.index_cast %parallel_loop3A_7 : i32 to index
      %parallel_loop3A_587 = tpu.vector_load %arg7[%parallel_loop3A_585, %parallel_loop3A_586] {strides = array<i32>} : memref<64x256xi32, #tpu.memory_space<vmem>>, vector<16xi32>,
      tpu.vector_store %arg7[%parallel_loop3A_585, %parallel_loop3A_586], %parallel_loop3A_583 {strides = array<i32>} : memref<64x256xi32, #tpu.memory_space<vmem>>, vector<16xi32>,
      %parallel_loop3A_588 = arith.constant 14 : i32
      %parallel_loop3A_589 = arith.index_cast %parallel_loop3A_588 : i32 to index
      %parallel_loop3A_590 = arith.index_cast %parallel_loop3A_7 : i32 to index
      %parallel_loop3A_591 = tpu.vector_load %arg6[%parallel_loop3A_589, %parallel_loop3A_590] {strides = array<i32>} : memref<64x256xi32, #tpu.memory_space<vmem>>, vector<16xi32>,
      %parallel_loop3A_592 = tpu.vector_load_idx %arg5[%parallel_loop3A_591] : memref<8192xi32, #tpu.memory_space<vmem>>[vector<16xi32>], vector<16xi32>,
      %parallel_loop3A_593 = arith.subi %parallel_loop3A_13, %parallel_loop3A_591 : vector<16xi32>
      %parallel_loop3A_594 = arith.constant 1 : i32
      %parallel_loop3A_595 = vector.broadcast %parallel_loop3A_594 : i32 to vector<16xi32>
      %parallel_loop3A_596 = arith.maxsi %parallel_loop3A_593, %parallel_loop3A_595 : vector<16xi32>
      %parallel_loop3A_597 = arith.sitofp %parallel_loop3A_596 : vector<16xi32> to vector<16xf32>
      %parallel_loop3A_598 = vector.bitcast %parallel_loop3A_597 : vector<16xf32> to vector<16xi32>
      %parallel_loop3A_599 = arith.constant 23 : i32
      %parallel_loop3A_600 = vector.broadcast %parallel_loop3A_599 : i32 to vector<16xi32>
      %parallel_loop3A_601 = arith.shrsi %parallel_loop3A_598, %parallel_loop3A_600 : vector<16xi32>
      %parallel_loop3A_602 = arith.constant 127 : i32
      %parallel_loop3A_603 = vector.broadcast %parallel_loop3A_602 : i32 to vector<16xi32>
      %parallel_loop3A_604 = arith.subi %parallel_loop3A_601, %parallel_loop3A_603 : vector<16xi32>
      %parallel_loop3A_605 = arith.constant 5 : i32
      %parallel_loop3A_606 = vector.broadcast %parallel_loop3A_605 : i32 to vector<16xi32>
      %parallel_loop3A_607 = arith.cmpi slt, %parallel_loop3A_596, %parallel_loop3A_606 : vector<16xi32>
      %parallel_loop3A_608 = arith.constant 1 : i32
      %parallel_loop3A_609 = vector.broadcast %parallel_loop3A_608 : i32 to vector<16xi32>
      %parallel_loop3A_610 = arith.subi %parallel_loop3A_596, %parallel_loop3A_609 : vector<16xi32>
      %parallel_loop3A_611 = arith.constant 6 : i32
      %parallel_loop3A_612 = vector.broadcast %parallel_loop3A_611 : i32 to vector<16xi32>
      %parallel_loop3A_613 = arith.minsi %parallel_loop3A_604, %parallel_loop3A_612 : vector<16xi32>
      %parallel_loop3A_614 = arith.constant 2 : i32
      %parallel_loop3A_615 = vector.broadcast %parallel_loop3A_614 : i32 to vector<16xi32>
      %parallel_loop3A_616 = arith.addi %parallel_loop3A_613, %parallel_loop3A_615 : vector<16xi32>
      %parallel_loop3A_617 = arith.select %parallel_loop3A_607, %parallel_loop3A_610, %parallel_loop3A_616 : vector<16xi1>, vector<16xi32>
      %parallel_loop3A_618 = arith.cmpi eq, %parallel_loop3A_592, %parallel_loop3A_10 : vector<16xi32>
      %parallel_loop3A_619 = arith.constant 9 : i32
      %parallel_loop3A_620 = arith.constant 0 : i32
      %parallel_loop3A_621 = vector.broadcast %parallel_loop3A_619 : i32 to vector<16xi32>
      %parallel_loop3A_622 = vector.broadcast %parallel_loop3A_620 : i32 to vector<16xi32>
      %parallel_loop3A_623 = arith.select %parallel_loop3A_618, %parallel_loop3A_621, %parallel_loop3A_622 : vector<16xi1>, vector<16xi32>
      %parallel_loop3A_624 = arith.addi %parallel_loop3A_617, %parallel_loop3A_623 : vector<16xi32>
      %parallel_loop3A_625 = arith.constant 14 : i32
      %parallel_loop3A_626 = arith.index_cast %parallel_loop3A_625 : i32 to index
      %parallel_loop3A_627 = arith.index_cast %parallel_loop3A_7 : i32 to index
      %parallel_loop3A_628 = tpu.vector_load %arg7[%parallel_loop3A_626, %parallel_loop3A_627] {strides = array<i32>} : memref<64x256xi32, #tpu.memory_space<vmem>>, vector<16xi32>,
      tpu.vector_store %arg7[%parallel_loop3A_626, %parallel_loop3A_627], %parallel_loop3A_624 {strides = array<i32>} : memref<64x256xi32, #tpu.memory_space<vmem>>, vector<16xi32>,
      %parallel_loop3A_629 = arith.constant 15 : i32
      %parallel_loop3A_630 = arith.index_cast %parallel_loop3A_629 : i32 to index
      %parallel_loop3A_631 = arith.index_cast %parallel_loop3A_7 : i32 to index
      %parallel_loop3A_632 = tpu.vector_load %arg6[%parallel_loop3A_630, %parallel_loop3A_631] {strides = array<i32>} : memref<64x256xi32, #tpu.memory_space<vmem>>, vector<16xi32>,
      %parallel_loop3A_633 = tpu.vector_load_idx %arg5[%parallel_loop3A_632] : memref<8192xi32, #tpu.memory_space<vmem>>[vector<16xi32>], vector<16xi32>,
      %parallel_loop3A_634 = arith.subi %parallel_loop3A_13, %parallel_loop3A_632 : vector<16xi32>
      %parallel_loop3A_635 = arith.constant 1 : i32
      %parallel_loop3A_636 = vector.broadcast %parallel_loop3A_635 : i32 to vector<16xi32>
      %parallel_loop3A_637 = arith.maxsi %parallel_loop3A_634, %parallel_loop3A_636 : vector<16xi32>
      %parallel_loop3A_638 = arith.sitofp %parallel_loop3A_637 : vector<16xi32> to vector<16xf32>
      %parallel_loop3A_639 = vector.bitcast %parallel_loop3A_638 : vector<16xf32> to vector<16xi32>
      %parallel_loop3A_640 = arith.constant 23 : i32
      %parallel_loop3A_641 = vector.broadcast %parallel_loop3A_640 : i32 to vector<16xi32>
      %parallel_loop3A_642 = arith.shrsi %parallel_loop3A_639, %parallel_loop3A_641 : vector<16xi32>
      %parallel_loop3A_643 = arith.constant 127 : i32
      %parallel_loop3A_644 = vector.broadcast %parallel_loop3A_643 : i32 to vector<16xi32>
      %parallel_loop3A_645 = arith.subi %parallel_loop3A_642, %parallel_loop3A_644 : vector<16xi32>
      %parallel_loop3A_646 = arith.constant 5 : i32
      %parallel_loop3A_647 = vector.broadcast %parallel_loop3A_646 : i32 to vector<16xi32>
      %parallel_loop3A_648 = arith.cmpi slt, %parallel_loop3A_637, %parallel_loop3A_647 : vector<16xi32>
      %parallel_loop3A_649 = arith.constant 1 : i32
      %parallel_loop3A_650 = vector.broadcast %parallel_loop3A_649 : i32 to vector<16xi32>
      %parallel_loop3A_651 = arith.subi %parallel_loop3A_637, %parallel_loop3A_650 : vector<16xi32>
      %parallel_loop3A_652 = arith.constant 6 : i32
      %parallel_loop3A_653 = vector.broadcast %parallel_loop3A_652 : i32 to vector<16xi32>
      %parallel_loop3A_654 = arith.minsi %parallel_loop3A_645, %parallel_loop3A_653 : vector<16xi32>
      %parallel_loop3A_655 = arith.constant 2 : i32
      %parallel_loop3A_656 = vector.broadcast %parallel_loop3A_655 : i32 to vector<16xi32>
      %parallel_loop3A_657 = arith.addi %parallel_loop3A_654, %parallel_loop3A_656 : vector<16xi32>
      %parallel_loop3A_658 = arith.select %parallel_loop3A_648, %parallel_loop3A_651, %parallel_loop3A_657 : vector<16xi1>, vector<16xi32>
      %parallel_loop3A_659 = arith.cmpi eq, %parallel_loop3A_633, %parallel_loop3A_10 : vector<16xi32>
      %parallel_loop3A_660 = arith.constant 9 : i32
      %parallel_loop3A_661 = arith.constant 0 : i32
      %parallel_loop3A_662 = vector.broadcast %parallel_loop3A_660 : i32 to vector<16xi32>
      %parallel_loop3A_663 = vector.broadcast %parallel_loop3A_661 : i32 to vector<16xi32>
      %parallel_loop3A_664 = arith.select %parallel_loop3A_659, %parallel_loop3A_662, %parallel_loop3A_663 : vector<16xi1>, vector<16xi32>
      %parallel_loop3A_665 = arith.addi %parallel_loop3A_658, %parallel_loop3A_664 : vector<16xi32>
      %parallel_loop3A_666 = arith.constant 15 : i32
      %parallel_loop3A_667 = arith.index_cast %parallel_loop3A_666 : i32 to index
      %parallel_loop3A_668 = arith.index_cast %parallel_loop3A_7 : i32 to index
      %parallel_loop3A_669 = tpu.vector_load %arg7[%parallel_loop3A_667, %parallel_loop3A_668] {strides = array<i32>} : memref<64x256xi32, #tpu.memory_space<vmem>>, vector<16xi32>,
      tpu.vector_store %arg7[%parallel_loop3A_667, %parallel_loop3A_668], %parallel_loop3A_665 {strides = array<i32>} : memref<64x256xi32, #tpu.memory_space<vmem>>, vector<16xi32>,
      %parallel_loop3A_670 = arith.constant 16 : i32
      %parallel_loop3A_671 = arith.index_cast %parallel_loop3A_670 : i32 to index
      %parallel_loop3A_672 = arith.index_cast %parallel_loop3A_7 : i32 to index
      %parallel_loop3A_673 = tpu.vector_load %arg6[%parallel_loop3A_671, %parallel_loop3A_672] {strides = array<i32>} : memref<64x256xi32, #tpu.memory_space<vmem>>, vector<16xi32>,
      %parallel_loop3A_674 = tpu.vector_load_idx %arg5[%parallel_loop3A_673] : memref<8192xi32, #tpu.memory_space<vmem>>[vector<16xi32>], vector<16xi32>,
      %parallel_loop3A_675 = arith.subi %parallel_loop3A_13, %parallel_loop3A_673 : vector<16xi32>
      %parallel_loop3A_676 = arith.constant 1 : i32
      %parallel_loop3A_677 = vector.broadcast %parallel_loop3A_676 : i32 to vector<16xi32>
      %parallel_loop3A_678 = arith.maxsi %parallel_loop3A_675, %parallel_loop3A_677 : vector<16xi32>
      %parallel_loop3A_679 = arith.sitofp %parallel_loop3A_678 : vector<16xi32> to vector<16xf32>
      %parallel_loop3A_680 = vector.bitcast %parallel_loop3A_679 : vector<16xf32> to vector<16xi32>
      %parallel_loop3A_681 = arith.constant 23 : i32
      %parallel_loop3A_682 = vector.broadcast %parallel_loop3A_681 : i32 to vector<16xi32>
      %parallel_loop3A_683 = arith.shrsi %parallel_loop3A_680, %parallel_loop3A_682 : vector<16xi32>
      %parallel_loop3A_684 = arith.constant 127 : i32
      %parallel_loop3A_685 = vector.broadcast %parallel_loop3A_684 : i32 to vector<16xi32>
      %parallel_loop3A_686 = arith.subi %parallel_loop3A_683, %parallel_loop3A_685 : vector<16xi32>
      %parallel_loop3A_687 = arith.constant 5 : i32
      %parallel_loop3A_688 = vector.broadcast %parallel_loop3A_687 : i32 to vector<16xi32>
      %parallel_loop3A_689 = arith.cmpi slt, %parallel_loop3A_678, %parallel_loop3A_688 : vector<16xi32>
      %parallel_loop3A_690 = arith.constant 1 : i32
      %parallel_loop3A_691 = vector.broadcast %parallel_loop3A_690 : i32 to vector<16xi32>
      %parallel_loop3A_692 = arith.subi %parallel_loop3A_678, %parallel_loop3A_691 : vector<16xi32>
      %parallel_loop3A_693 = arith.constant 6 : i32
      %parallel_loop3A_694 = vector.broadcast %parallel_loop3A_693 : i32 to vector<16xi32>
      %parallel_loop3A_695 = arith.minsi %parallel_loop3A_686, %parallel_loop3A_694 : vector<16xi32>
      %parallel_loop3A_696 = arith.constant 2 : i32
      %parallel_loop3A_697 = vector.broadcast %parallel_loop3A_696 : i32 to vector<16xi32>
      %parallel_loop3A_698 = arith.addi %parallel_loop3A_695, %parallel_loop3A_697 : vector<16xi32>
      %parallel_loop3A_699 = arith.select %parallel_loop3A_689, %parallel_loop3A_692, %parallel_loop3A_698 : vector<16xi1>, vector<16xi32>
      %parallel_loop3A_700 = arith.cmpi eq, %parallel_loop3A_674, %parallel_loop3A_10 : vector<16xi32>
      %parallel_loop3A_701 = arith.constant 9 : i32
      %parallel_loop3A_702 = arith.constant 0 : i32
      %parallel_loop3A_703 = vector.broadcast %parallel_loop3A_701 : i32 to vector<16xi32>
      %parallel_loop3A_704 = vector.broadcast %parallel_loop3A_702 : i32 to vector<16xi32>
      %parallel_loop3A_705 = arith.select %parallel_loop3A_700, %parallel_loop3A_703, %parallel_loop3A_704 : vector<16xi1>, vector<16xi32>
      %parallel_loop3A_706 = arith.addi %parallel_loop3A_699, %parallel_loop3A_705 : vector<16xi32>
      %parallel_loop3A_707 = arith.constant 16 : i32
      %parallel_loop3A_708 = arith.index_cast %parallel_loop3A_707 : i32 to index
      %parallel_loop3A_709 = arith.index_cast %parallel_loop3A_7 : i32 to index
      %parallel_loop3A_710 = tpu.vector_load %arg7[%parallel_loop3A_708, %parallel_loop3A_709] {strides = array<i32>} : memref<64x256xi32, #tpu.memory_space<vmem>>, vector<16xi32>,
      tpu.vector_store %arg7[%parallel_loop3A_708, %parallel_loop3A_709], %parallel_loop3A_706 {strides = array<i32>} : memref<64x256xi32, #tpu.memory_space<vmem>>, vector<16xi32>,
      %parallel_loop3A_711 = arith.constant 17 : i32
      %parallel_loop3A_712 = arith.index_cast %parallel_loop3A_711 : i32 to index
      %parallel_loop3A_713 = arith.index_cast %parallel_loop3A_7 : i32 to index
      %parallel_loop3A_714 = tpu.vector_load %arg6[%parallel_loop3A_712, %parallel_loop3A_713] {strides = array<i32>} : memref<64x256xi32, #tpu.memory_space<vmem>>, vector<16xi32>,
      %parallel_loop3A_715 = tpu.vector_load_idx %arg5[%parallel_loop3A_714] : memref<8192xi32, #tpu.memory_space<vmem>>[vector<16xi32>], vector<16xi32>,
      %parallel_loop3A_716 = arith.subi %parallel_loop3A_13, %parallel_loop3A_714 : vector<16xi32>
      %parallel_loop3A_717 = arith.constant 1 : i32
      %parallel_loop3A_718 = vector.broadcast %parallel_loop3A_717 : i32 to vector<16xi32>
      %parallel_loop3A_719 = arith.maxsi %parallel_loop3A_716, %parallel_loop3A_718 : vector<16xi32>
      %parallel_loop3A_720 = arith.sitofp %parallel_loop3A_719 : vector<16xi32> to vector<16xf32>
      %parallel_loop3A_721 = vector.bitcast %parallel_loop3A_720 : vector<16xf32> to vector<16xi32>
      %parallel_loop3A_722 = arith.constant 23 : i32
      %parallel_loop3A_723 = vector.broadcast %parallel_loop3A_722 : i32 to vector<16xi32>
      %parallel_loop3A_724 = arith.shrsi %parallel_loop3A_721, %parallel_loop3A_723 : vector<16xi32>
      %parallel_loop3A_725 = arith.constant 127 : i32
      %parallel_loop3A_726 = vector.broadcast %parallel_loop3A_725 : i32 to vector<16xi32>
      %parallel_loop3A_727 = arith.subi %parallel_loop3A_724, %parallel_loop3A_726 : vector<16xi32>
      %parallel_loop3A_728 = arith.constant 5 : i32
      %parallel_loop3A_729 = vector.broadcast %parallel_loop3A_728 : i32 to vector<16xi32>
      %parallel_loop3A_730 = arith.cmpi slt, %parallel_loop3A_719, %parallel_loop3A_729 : vector<16xi32>
      %parallel_loop3A_731 = arith.constant 1 : i32
      %parallel_loop3A_732 = vector.broadcast %parallel_loop3A_731 : i32 to vector<16xi32>
      %parallel_loop3A_733 = arith.subi %parallel_loop3A_719, %parallel_loop3A_732 : vector<16xi32>
      %parallel_loop3A_734 = arith.constant 6 : i32
      %parallel_loop3A_735 = vector.broadcast %parallel_loop3A_734 : i32 to vector<16xi32>
      %parallel_loop3A_736 = arith.minsi %parallel_loop3A_727, %parallel_loop3A_735 : vector<16xi32>
      %parallel_loop3A_737 = arith.constant 2 : i32
      %parallel_loop3A_738 = vector.broadcast %parallel_loop3A_737 : i32 to vector<16xi32>
      %parallel_loop3A_739 = arith.addi %parallel_loop3A_736, %parallel_loop3A_738 : vector<16xi32>
      %parallel_loop3A_740 = arith.select %parallel_loop3A_730, %parallel_loop3A_733, %parallel_loop3A_739 : vector<16xi1>, vector<16xi32>
      %parallel_loop3A_741 = arith.cmpi eq, %parallel_loop3A_715, %parallel_loop3A_10 : vector<16xi32>
      %parallel_loop3A_742 = arith.constant 9 : i32
      %parallel_loop3A_743 = arith.constant 0 : i32
      %parallel_loop3A_744 = vector.broadcast %parallel_loop3A_742 : i32 to vector<16xi32>
      %parallel_loop3A_745 = vector.broadcast %parallel_loop3A_743 : i32 to vector<16xi32>
      %parallel_loop3A_746 = arith.select %parallel_loop3A_741, %parallel_loop3A_744, %parallel_loop3A_745 : vector<16xi1>, vector<16xi32>
      %parallel_loop3A_747 = arith.addi %parallel_loop3A_740, %parallel_loop3A_746 : vector<16xi32>
      %parallel_loop3A_748 = arith.constant 17 : i32
      %parallel_loop3A_749 = arith.index_cast %parallel_loop3A_748 : i32 to index
      %parallel_loop3A_750 = arith.index_cast %parallel_loop3A_7 : i32 to index
      %parallel_loop3A_751 = tpu.vector_load %arg7[%parallel_loop3A_749, %parallel_loop3A_750] {strides = array<i32>} : memref<64x256xi32, #tpu.memory_space<vmem>>, vector<16xi32>,
      tpu.vector_store %arg7[%parallel_loop3A_749, %parallel_loop3A_750], %parallel_loop3A_747 {strides = array<i32>} : memref<64x256xi32, #tpu.memory_space<vmem>>, vector<16xi32>,
      %parallel_loop3A_752 = arith.constant 18 : i32
      %parallel_loop3A_753 = arith.index_cast %parallel_loop3A_752 : i32 to index
      %parallel_loop3A_754 = arith.index_cast %parallel_loop3A_7 : i32 to index
      %parallel_loop3A_755 = tpu.vector_load %arg6[%parallel_loop3A_753, %parallel_loop3A_754] {strides = array<i32>} : memref<64x256xi32, #tpu.memory_space<vmem>>, vector<16xi32>,
      %parallel_loop3A_756 = tpu.vector_load_idx %arg5[%parallel_loop3A_755] : memref<8192xi32, #tpu.memory_space<vmem>>[vector<16xi32>], vector<16xi32>,
      %parallel_loop3A_757 = arith.subi %parallel_loop3A_13, %parallel_loop3A_755 : vector<16xi32>
      %parallel_loop3A_758 = arith.constant 1 : i32
      %parallel_loop3A_759 = vector.broadcast %parallel_loop3A_758 : i32 to vector<16xi32>
      %parallel_loop3A_760 = arith.maxsi %parallel_loop3A_757, %parallel_loop3A_759 : vector<16xi32>
      %parallel_loop3A_761 = arith.sitofp %parallel_loop3A_760 : vector<16xi32> to vector<16xf32>
      %parallel_loop3A_762 = vector.bitcast %parallel_loop3A_761 : vector<16xf32> to vector<16xi32>
      %parallel_loop3A_763 = arith.constant 23 : i32
      %parallel_loop3A_764 = vector.broadcast %parallel_loop3A_763 : i32 to vector<16xi32>
      %parallel_loop3A_765 = arith.shrsi %parallel_loop3A_762, %parallel_loop3A_764 : vector<16xi32>
      %parallel_loop3A_766 = arith.constant 127 : i32
      %parallel_loop3A_767 = vector.broadcast %parallel_loop3A_766 : i32 to vector<16xi32>
      %parallel_loop3A_768 = arith.subi %parallel_loop3A_765, %parallel_loop3A_767 : vector<16xi32>
      %parallel_loop3A_769 = arith.constant 5 : i32
      %parallel_loop3A_770 = vector.broadcast %parallel_loop3A_769 : i32 to vector<16xi32>
      %parallel_loop3A_771 = arith.cmpi slt, %parallel_loop3A_760, %parallel_loop3A_770 : vector<16xi32>
      %parallel_loop3A_772 = arith.constant 1 : i32
      %parallel_loop3A_773 = vector.broadcast %parallel_loop3A_772 : i32 to vector<16xi32>
      %parallel_loop3A_774 = arith.subi %parallel_loop3A_760, %parallel_loop3A_773 : vector<16xi32>
      %parallel_loop3A_775 = arith.constant 6 : i32
      %parallel_loop3A_776 = vector.broadcast %parallel_loop3A_775 : i32 to vector<16xi32>
      %parallel_loop3A_777 = arith.minsi %parallel_loop3A_768, %parallel_loop3A_776 : vector<16xi32>
      %parallel_loop3A_778 = arith.constant 2 : i32
      %parallel_loop3A_779 = vector.broadcast %parallel_loop3A_778 : i32 to vector<16xi32>
      %parallel_loop3A_780 = arith.addi %parallel_loop3A_777, %parallel_loop3A_779 : vector<16xi32>
      %parallel_loop3A_781 = arith.select %parallel_loop3A_771, %parallel_loop3A_774, %parallel_loop3A_780 : vector<16xi1>, vector<16xi32>
      %parallel_loop3A_782 = arith.cmpi eq, %parallel_loop3A_756, %parallel_loop3A_10 : vector<16xi32>
      %parallel_loop3A_783 = arith.constant 9 : i32
      %parallel_loop3A_784 = arith.constant 0 : i32
      %parallel_loop3A_785 = vector.broadcast %parallel_loop3A_783 : i32 to vector<16xi32>
      %parallel_loop3A_786 = vector.broadcast %parallel_loop3A_784 : i32 to vector<16xi32>
      %parallel_loop3A_787 = arith.select %parallel_loop3A_782, %parallel_loop3A_785, %parallel_loop3A_786 : vector<16xi1>, vector<16xi32>
      %parallel_loop3A_788 = arith.addi %parallel_loop3A_781, %parallel_loop3A_787 : vector<16xi32>
      %parallel_loop3A_789 = arith.constant 18 : i32
      %parallel_loop3A_790 = arith.index_cast %parallel_loop3A_789 : i32 to index
      %parallel_loop3A_791 = arith.index_cast %parallel_loop3A_7 : i32 to index
      %parallel_loop3A_792 = tpu.vector_load %arg7[%parallel_loop3A_790, %parallel_loop3A_791] {strides = array<i32>} : memref<64x256xi32, #tpu.memory_space<vmem>>, vector<16xi32>,
      tpu.vector_store %arg7[%parallel_loop3A_790, %parallel_loop3A_791], %parallel_loop3A_788 {strides = array<i32>} : memref<64x256xi32, #tpu.memory_space<vmem>>, vector<16xi32>,
      %parallel_loop3A_793 = arith.constant 19 : i32
      %parallel_loop3A_794 = arith.index_cast %parallel_loop3A_793 : i32 to index
      %parallel_loop3A_795 = arith.index_cast %parallel_loop3A_7 : i32 to index
      %parallel_loop3A_796 = tpu.vector_load %arg6[%parallel_loop3A_794, %parallel_loop3A_795] {strides = array<i32>} : memref<64x256xi32, #tpu.memory_space<vmem>>, vector<16xi32>,
      %parallel_loop3A_797 = tpu.vector_load_idx %arg5[%parallel_loop3A_796] : memref<8192xi32, #tpu.memory_space<vmem>>[vector<16xi32>], vector<16xi32>,
      %parallel_loop3A_798 = arith.subi %parallel_loop3A_13, %parallel_loop3A_796 : vector<16xi32>
      %parallel_loop3A_799 = arith.constant 1 : i32
      %parallel_loop3A_800 = vector.broadcast %parallel_loop3A_799 : i32 to vector<16xi32>
      %parallel_loop3A_801 = arith.maxsi %parallel_loop3A_798, %parallel_loop3A_800 : vector<16xi32>
      %parallel_loop3A_802 = arith.sitofp %parallel_loop3A_801 : vector<16xi32> to vector<16xf32>
      %parallel_loop3A_803 = vector.bitcast %parallel_loop3A_802 : vector<16xf32> to vector<16xi32>
      %parallel_loop3A_804 = arith.constant 23 : i32
      %parallel_loop3A_805 = vector.broadcast %parallel_loop3A_804 : i32 to vector<16xi32>
      %parallel_loop3A_806 = arith.shrsi %parallel_loop3A_803, %parallel_loop3A_805 : vector<16xi32>
      %parallel_loop3A_807 = arith.constant 127 : i32
      %parallel_loop3A_808 = vector.broadcast %parallel_loop3A_807 : i32 to vector<16xi32>
      %parallel_loop3A_809 = arith.subi %parallel_loop3A_806, %parallel_loop3A_808 : vector<16xi32>
      %parallel_loop3A_810 = arith.constant 5 : i32
      %parallel_loop3A_811 = vector.broadcast %parallel_loop3A_810 : i32 to vector<16xi32>
      %parallel_loop3A_812 = arith.cmpi slt, %parallel_loop3A_801, %parallel_loop3A_811 : vector<16xi32>
      %parallel_loop3A_813 = arith.constant 1 : i32
      %parallel_loop3A_814 = vector.broadcast %parallel_loop3A_813 : i32 to vector<16xi32>
      %parallel_loop3A_815 = arith.subi %parallel_loop3A_801, %parallel_loop3A_814 : vector<16xi32>
      %parallel_loop3A_816 = arith.constant 6 : i32
      %parallel_loop3A_817 = vector.broadcast %parallel_loop3A_816 : i32 to vector<16xi32>
      %parallel_loop3A_818 = arith.minsi %parallel_loop3A_809, %parallel_loop3A_817 : vector<16xi32>
      %parallel_loop3A_819 = arith.constant 2 : i32
      %parallel_loop3A_820 = vector.broadcast %parallel_loop3A_819 : i32 to vector<16xi32>
      %parallel_loop3A_821 = arith.addi %parallel_loop3A_818, %parallel_loop3A_820 : vector<16xi32>
      %parallel_loop3A_822 = arith.select %parallel_loop3A_812, %parallel_loop3A_815, %parallel_loop3A_821 : vector<16xi1>, vector<16xi32>
      %parallel_loop3A_823 = arith.cmpi eq, %parallel_loop3A_797, %parallel_loop3A_10 : vector<16xi32>
      %parallel_loop3A_824 = arith.constant 9 : i32
      %parallel_loop3A_825 = arith.constant 0 : i32
      %parallel_loop3A_826 = vector.broadcast %parallel_loop3A_824 : i32 to vector<16xi32>
      %parallel_loop3A_827 = vector.broadcast %parallel_loop3A_825 : i32 to vector<16xi32>
      %parallel_loop3A_828 = arith.select %parallel_loop3A_823, %parallel_loop3A_826, %parallel_loop3A_827 : vector<16xi1>, vector<16xi32>
      %parallel_loop3A_829 = arith.addi %parallel_loop3A_822, %parallel_loop3A_828 : vector<16xi32>
      %parallel_loop3A_830 = arith.constant 19 : i32
      %parallel_loop3A_831 = arith.index_cast %parallel_loop3A_830 : i32 to index
      %parallel_loop3A_832 = arith.index_cast %parallel_loop3A_7 : i32 to index
      %parallel_loop3A_833 = tpu.vector_load %arg7[%parallel_loop3A_831, %parallel_loop3A_832] {strides = array<i32>} : memref<64x256xi32, #tpu.memory_space<vmem>>, vector<16xi32>,
      tpu.vector_store %arg7[%parallel_loop3A_831, %parallel_loop3A_832], %parallel_loop3A_829 {strides = array<i32>} : memref<64x256xi32, #tpu.memory_space<vmem>>, vector<16xi32>,
      %parallel_loop3A_834 = arith.constant 20 : i32
      %parallel_loop3A_835 = arith.index_cast %parallel_loop3A_834 : i32 to index
      %parallel_loop3A_836 = arith.index_cast %parallel_loop3A_7 : i32 to index
      %parallel_loop3A_837 = tpu.vector_load %arg6[%parallel_loop3A_835, %parallel_loop3A_836] {strides = array<i32>} : memref<64x256xi32, #tpu.memory_space<vmem>>, vector<16xi32>,
      %parallel_loop3A_838 = tpu.vector_load_idx %arg5[%parallel_loop3A_837] : memref<8192xi32, #tpu.memory_space<vmem>>[vector<16xi32>], vector<16xi32>,
      %parallel_loop3A_839 = arith.subi %parallel_loop3A_13, %parallel_loop3A_837 : vector<16xi32>
      %parallel_loop3A_840 = arith.constant 1 : i32
      %parallel_loop3A_841 = vector.broadcast %parallel_loop3A_840 : i32 to vector<16xi32>
      %parallel_loop3A_842 = arith.maxsi %parallel_loop3A_839, %parallel_loop3A_841 : vector<16xi32>
      %parallel_loop3A_843 = arith.sitofp %parallel_loop3A_842 : vector<16xi32> to vector<16xf32>
      %parallel_loop3A_844 = vector.bitcast %parallel_loop3A_843 : vector<16xf32> to vector<16xi32>
      %parallel_loop3A_845 = arith.constant 23 : i32
      %parallel_loop3A_846 = vector.broadcast %parallel_loop3A_845 : i32 to vector<16xi32>
      %parallel_loop3A_847 = arith.shrsi %parallel_loop3A_844, %parallel_loop3A_846 : vector<16xi32>
      %parallel_loop3A_848 = arith.constant 127 : i32
      %parallel_loop3A_849 = vector.broadcast %parallel_loop3A_848 : i32 to vector<16xi32>
      %parallel_loop3A_850 = arith.subi %parallel_loop3A_847, %parallel_loop3A_849 : vector<16xi32>
      %parallel_loop3A_851 = arith.constant 5 : i32
      %parallel_loop3A_852 = vector.broadcast %parallel_loop3A_851 : i32 to vector<16xi32>
      %parallel_loop3A_853 = arith.cmpi slt, %parallel_loop3A_842, %parallel_loop3A_852 : vector<16xi32>
      %parallel_loop3A_854 = arith.constant 1 : i32
      %parallel_loop3A_855 = vector.broadcast %parallel_loop3A_854 : i32 to vector<16xi32>
      %parallel_loop3A_856 = arith.subi %parallel_loop3A_842, %parallel_loop3A_855 : vector<16xi32>
      %parallel_loop3A_857 = arith.constant 6 : i32
      %parallel_loop3A_858 = vector.broadcast %parallel_loop3A_857 : i32 to vector<16xi32>
      %parallel_loop3A_859 = arith.minsi %parallel_loop3A_850, %parallel_loop3A_858 : vector<16xi32>
      %parallel_loop3A_860 = arith.constant 2 : i32
      %parallel_loop3A_861 = vector.broadcast %parallel_loop3A_860 : i32 to vector<16xi32>
      %parallel_loop3A_862 = arith.addi %parallel_loop3A_859, %parallel_loop3A_861 : vector<16xi32>
      %parallel_loop3A_863 = arith.select %parallel_loop3A_853, %parallel_loop3A_856, %parallel_loop3A_862 : vector<16xi1>, vector<16xi32>
      %parallel_loop3A_864 = arith.cmpi eq, %parallel_loop3A_838, %parallel_loop3A_10 : vector<16xi32>
      %parallel_loop3A_865 = arith.constant 9 : i32
      %parallel_loop3A_866 = arith.constant 0 : i32
      %parallel_loop3A_867 = vector.broadcast %parallel_loop3A_865 : i32 to vector<16xi32>
      %parallel_loop3A_868 = vector.broadcast %parallel_loop3A_866 : i32 to vector<16xi32>
      %parallel_loop3A_869 = arith.select %parallel_loop3A_864, %parallel_loop3A_867, %parallel_loop3A_868 : vector<16xi1>, vector<16xi32>
      %parallel_loop3A_870 = arith.addi %parallel_loop3A_863, %parallel_loop3A_869 : vector<16xi32>
      %parallel_loop3A_871 = arith.constant 20 : i32
      %parallel_loop3A_872 = arith.index_cast %parallel_loop3A_871 : i32 to index
      %parallel_loop3A_873 = arith.index_cast %parallel_loop3A_7 : i32 to index
      %parallel_loop3A_874 = tpu.vector_load %arg7[%parallel_loop3A_872, %parallel_loop3A_873] {strides = array<i32>} : memref<64x256xi32, #tpu.memory_space<vmem>>, vector<16xi32>,
      tpu.vector_store %arg7[%parallel_loop3A_872, %parallel_loop3A_873], %parallel_loop3A_870 {strides = array<i32>} : memref<64x256xi32, #tpu.memory_space<vmem>>, vector<16xi32>,
      %parallel_loop3A_875 = arith.constant 21 : i32
      %parallel_loop3A_876 = arith.index_cast %parallel_loop3A_875 : i32 to index
      %parallel_loop3A_877 = arith.index_cast %parallel_loop3A_7 : i32 to index
      %parallel_loop3A_878 = tpu.vector_load %arg6[%parallel_loop3A_876, %parallel_loop3A_877] {strides = array<i32>} : memref<64x256xi32, #tpu.memory_space<vmem>>, vector<16xi32>,
      %parallel_loop3A_879 = tpu.vector_load_idx %arg5[%parallel_loop3A_878] : memref<8192xi32, #tpu.memory_space<vmem>>[vector<16xi32>], vector<16xi32>,
      %parallel_loop3A_880 = arith.subi %parallel_loop3A_13, %parallel_loop3A_878 : vector<16xi32>
      %parallel_loop3A_881 = arith.constant 1 : i32
      %parallel_loop3A_882 = vector.broadcast %parallel_loop3A_881 : i32 to vector<16xi32>
      %parallel_loop3A_883 = arith.maxsi %parallel_loop3A_880, %parallel_loop3A_882 : vector<16xi32>
      %parallel_loop3A_884 = arith.sitofp %parallel_loop3A_883 : vector<16xi32> to vector<16xf32>
      %parallel_loop3A_885 = vector.bitcast %parallel_loop3A_884 : vector<16xf32> to vector<16xi32>
      %parallel_loop3A_886 = arith.constant 23 : i32
      %parallel_loop3A_887 = vector.broadcast %parallel_loop3A_886 : i32 to vector<16xi32>
      %parallel_loop3A_888 = arith.shrsi %parallel_loop3A_885, %parallel_loop3A_887 : vector<16xi32>
      %parallel_loop3A_889 = arith.constant 127 : i32
      %parallel_loop3A_890 = vector.broadcast %parallel_loop3A_889 : i32 to vector<16xi32>
      %parallel_loop3A_891 = arith.subi %parallel_loop3A_888, %parallel_loop3A_890 : vector<16xi32>
      %parallel_loop3A_892 = arith.constant 5 : i32
      %parallel_loop3A_893 = vector.broadcast %parallel_loop3A_892 : i32 to vector<16xi32>
      %parallel_loop3A_894 = arith.cmpi slt, %parallel_loop3A_883, %parallel_loop3A_893 : vector<16xi32>
      %parallel_loop3A_895 = arith.constant 1 : i32
      %parallel_loop3A_896 = vector.broadcast %parallel_loop3A_895 : i32 to vector<16xi32>
      %parallel_loop3A_897 = arith.subi %parallel_loop3A_883, %parallel_loop3A_896 : vector<16xi32>
      %parallel_loop3A_898 = arith.constant 6 : i32
      %parallel_loop3A_899 = vector.broadcast %parallel_loop3A_898 : i32 to vector<16xi32>
      %parallel_loop3A_900 = arith.minsi %parallel_loop3A_891, %parallel_loop3A_899 : vector<16xi32>
      %parallel_loop3A_901 = arith.constant 2 : i32
      %parallel_loop3A_902 = vector.broadcast %parallel_loop3A_901 : i32 to vector<16xi32>
      %parallel_loop3A_903 = arith.addi %parallel_loop3A_900, %parallel_loop3A_902 : vector<16xi32>
      %parallel_loop3A_904 = arith.select %parallel_loop3A_894, %parallel_loop3A_897, %parallel_loop3A_903 : vector<16xi1>, vector<16xi32>
      %parallel_loop3A_905 = arith.cmpi eq, %parallel_loop3A_879, %parallel_loop3A_10 : vector<16xi32>
      %parallel_loop3A_906 = arith.constant 9 : i32
      %parallel_loop3A_907 = arith.constant 0 : i32
      %parallel_loop3A_908 = vector.broadcast %parallel_loop3A_906 : i32 to vector<16xi32>
      %parallel_loop3A_909 = vector.broadcast %parallel_loop3A_907 : i32 to vector<16xi32>
      %parallel_loop3A_910 = arith.select %parallel_loop3A_905, %parallel_loop3A_908, %parallel_loop3A_909 : vector<16xi1>, vector<16xi32>
      %parallel_loop3A_911 = arith.addi %parallel_loop3A_904, %parallel_loop3A_910 : vector<16xi32>
      %parallel_loop3A_912 = arith.constant 21 : i32
      %parallel_loop3A_913 = arith.index_cast %parallel_loop3A_912 : i32 to index
      %parallel_loop3A_914 = arith.index_cast %parallel_loop3A_7 : i32 to index
      %parallel_loop3A_915 = tpu.vector_load %arg7[%parallel_loop3A_913, %parallel_loop3A_914] {strides = array<i32>} : memref<64x256xi32, #tpu.memory_space<vmem>>, vector<16xi32>,
      tpu.vector_store %arg7[%parallel_loop3A_913, %parallel_loop3A_914], %parallel_loop3A_911 {strides = array<i32>} : memref<64x256xi32, #tpu.memory_space<vmem>>, vector<16xi32>,
      %parallel_loop3A_916 = arith.constant 22 : i32
      %parallel_loop3A_917 = arith.index_cast %parallel_loop3A_916 : i32 to index
      %parallel_loop3A_918 = arith.index_cast %parallel_loop3A_7 : i32 to index
      %parallel_loop3A_919 = tpu.vector_load %arg6[%parallel_loop3A_917, %parallel_loop3A_918] {strides = array<i32>} : memref<64x256xi32, #tpu.memory_space<vmem>>, vector<16xi32>,
      %parallel_loop3A_920 = tpu.vector_load_idx %arg5[%parallel_loop3A_919] : memref<8192xi32, #tpu.memory_space<vmem>>[vector<16xi32>], vector<16xi32>,
      %parallel_loop3A_921 = arith.subi %parallel_loop3A_13, %parallel_loop3A_919 : vector<16xi32>
      %parallel_loop3A_922 = arith.constant 1 : i32
      %parallel_loop3A_923 = vector.broadcast %parallel_loop3A_922 : i32 to vector<16xi32>
      %parallel_loop3A_924 = arith.maxsi %parallel_loop3A_921, %parallel_loop3A_923 : vector<16xi32>
      %parallel_loop3A_925 = arith.sitofp %parallel_loop3A_924 : vector<16xi32> to vector<16xf32>
      %parallel_loop3A_926 = vector.bitcast %parallel_loop3A_925 : vector<16xf32> to vector<16xi32>
      %parallel_loop3A_927 = arith.constant 23 : i32
      %parallel_loop3A_928 = vector.broadcast %parallel_loop3A_927 : i32 to vector<16xi32>
      %parallel_loop3A_929 = arith.shrsi %parallel_loop3A_926, %parallel_loop3A_928 : vector<16xi32>
      %parallel_loop3A_930 = arith.constant 127 : i32
      %parallel_loop3A_931 = vector.broadcast %parallel_loop3A_930 : i32 to vector<16xi32>
      %parallel_loop3A_932 = arith.subi %parallel_loop3A_929, %parallel_loop3A_931 : vector<16xi32>
      %parallel_loop3A_933 = arith.constant 5 : i32
      %parallel_loop3A_934 = vector.broadcast %parallel_loop3A_933 : i32 to vector<16xi32>
      %parallel_loop3A_935 = arith.cmpi slt, %parallel_loop3A_924, %parallel_loop3A_934 : vector<16xi32>
      %parallel_loop3A_936 = arith.constant 1 : i32
      %parallel_loop3A_937 = vector.broadcast %parallel_loop3A_936 : i32 to vector<16xi32>
      %parallel_loop3A_938 = arith.subi %parallel_loop3A_924, %parallel_loop3A_937 : vector<16xi32>
      %parallel_loop3A_939 = arith.constant 6 : i32
      %parallel_loop3A_940 = vector.broadcast %parallel_loop3A_939 : i32 to vector<16xi32>
      %parallel_loop3A_941 = arith.minsi %parallel_loop3A_932, %parallel_loop3A_940 : vector<16xi32>
      %parallel_loop3A_942 = arith.constant 2 : i32
      %parallel_loop3A_943 = vector.broadcast %parallel_loop3A_942 : i32 to vector<16xi32>
      %parallel_loop3A_944 = arith.addi %parallel_loop3A_941, %parallel_loop3A_943 : vector<16xi32>
      %parallel_loop3A_945 = arith.select %parallel_loop3A_935, %parallel_loop3A_938, %parallel_loop3A_944 : vector<16xi1>, vector<16xi32>
      %parallel_loop3A_946 = arith.cmpi eq, %parallel_loop3A_920, %parallel_loop3A_10 : vector<16xi32>
      %parallel_loop3A_947 = arith.constant 9 : i32
      %parallel_loop3A_948 = arith.constant 0 : i32
      %parallel_loop3A_949 = vector.broadcast %parallel_loop3A_947 : i32 to vector<16xi32>
      %parallel_loop3A_950 = vector.broadcast %parallel_loop3A_948 : i32 to vector<16xi32>
      %parallel_loop3A_951 = arith.select %parallel_loop3A_946, %parallel_loop3A_949, %parallel_loop3A_950 : vector<16xi1>, vector<16xi32>
      %parallel_loop3A_952 = arith.addi %parallel_loop3A_945, %parallel_loop3A_951 : vector<16xi32>
      %parallel_loop3A_953 = arith.constant 22 : i32
      %parallel_loop3A_954 = arith.index_cast %parallel_loop3A_953 : i32 to index
      %parallel_loop3A_955 = arith.index_cast %parallel_loop3A_7 : i32 to index
      %parallel_loop3A_956 = tpu.vector_load %arg7[%parallel_loop3A_954, %parallel_loop3A_955] {strides = array<i32>} : memref<64x256xi32, #tpu.memory_space<vmem>>, vector<16xi32>,
      tpu.vector_store %arg7[%parallel_loop3A_954, %parallel_loop3A_955], %parallel_loop3A_952 {strides = array<i32>} : memref<64x256xi32, #tpu.memory_space<vmem>>, vector<16xi32>,
      %parallel_loop3A_957 = arith.constant 23 : i32
      %parallel_loop3A_958 = arith.index_cast %parallel_loop3A_957 : i32 to index
      %parallel_loop3A_959 = arith.index_cast %parallel_loop3A_7 : i32 to index
      %parallel_loop3A_960 = tpu.vector_load %arg6[%parallel_loop3A_958, %parallel_loop3A_959] {strides = array<i32>} : memref<64x256xi32, #tpu.memory_space<vmem>>, vector<16xi32>,
      %parallel_loop3A_961 = tpu.vector_load_idx %arg5[%parallel_loop3A_960] : memref<8192xi32, #tpu.memory_space<vmem>>[vector<16xi32>], vector<16xi32>,
      %parallel_loop3A_962 = arith.subi %parallel_loop3A_13, %parallel_loop3A_960 : vector<16xi32>
      %parallel_loop3A_963 = arith.constant 1 : i32
      %parallel_loop3A_964 = vector.broadcast %parallel_loop3A_963 : i32 to vector<16xi32>
      %parallel_loop3A_965 = arith.maxsi %parallel_loop3A_962, %parallel_loop3A_964 : vector<16xi32>
      %parallel_loop3A_966 = arith.sitofp %parallel_loop3A_965 : vector<16xi32> to vector<16xf32>
      %parallel_loop3A_967 = vector.bitcast %parallel_loop3A_966 : vector<16xf32> to vector<16xi32>
      %parallel_loop3A_968 = arith.constant 23 : i32
      %parallel_loop3A_969 = vector.broadcast %parallel_loop3A_968 : i32 to vector<16xi32>
      %parallel_loop3A_970 = arith.shrsi %parallel_loop3A_967, %parallel_loop3A_969 : vector<16xi32>
      %parallel_loop3A_971 = arith.constant 127 : i32
      %parallel_loop3A_972 = vector.broadcast %parallel_loop3A_971 : i32 to vector<16xi32>
      %parallel_loop3A_973 = arith.subi %parallel_loop3A_970, %parallel_loop3A_972 : vector<16xi32>
      %parallel_loop3A_974 = arith.constant 5 : i32
      %parallel_loop3A_975 = vector.broadcast %parallel_loop3A_974 : i32 to vector<16xi32>
      %parallel_loop3A_976 = arith.cmpi slt, %parallel_loop3A_965, %parallel_loop3A_975 : vector<16xi32>
      %parallel_loop3A_977 = arith.constant 1 : i32
      %parallel_loop3A_978 = vector.broadcast %parallel_loop3A_977 : i32 to vector<16xi32>
      %parallel_loop3A_979 = arith.subi %parallel_loop3A_965, %parallel_loop3A_978 : vector<16xi32>
      %parallel_loop3A_980 = arith.constant 6 : i32
      %parallel_loop3A_981 = vector.broadcast %parallel_loop3A_980 : i32 to vector<16xi32>
      %parallel_loop3A_982 = arith.minsi %parallel_loop3A_973, %parallel_loop3A_981 : vector<16xi32>
      %parallel_loop3A_983 = arith.constant 2 : i32
      %parallel_loop3A_984 = vector.broadcast %parallel_loop3A_983 : i32 to vector<16xi32>
      %parallel_loop3A_985 = arith.addi %parallel_loop3A_982, %parallel_loop3A_984 : vector<16xi32>
      %parallel_loop3A_986 = arith.select %parallel_loop3A_976, %parallel_loop3A_979, %parallel_loop3A_985 : vector<16xi1>, vector<16xi32>
      %parallel_loop3A_987 = arith.cmpi eq, %parallel_loop3A_961, %parallel_loop3A_10 : vector<16xi32>
      %parallel_loop3A_988 = arith.constant 9 : i32
      %parallel_loop3A_989 = arith.constant 0 : i32
      %parallel_loop3A_990 = vector.broadcast %parallel_loop3A_988 : i32 to vector<16xi32>
      %parallel_loop3A_991 = vector.broadcast %parallel_loop3A_989 : i32 to vector<16xi32>
      %parallel_loop3A_992 = arith.select %parallel_loop3A_987, %parallel_loop3A_990, %parallel_loop3A_991 : vector<16xi1>, vector<16xi32>
      %parallel_loop3A_993 = arith.addi %parallel_loop3A_986, %parallel_loop3A_992 : vector<16xi32>
      %parallel_loop3A_994 = arith.constant 23 : i32
      %parallel_loop3A_995 = arith.index_cast %parallel_loop3A_994 : i32 to index
      %parallel_loop3A_996 = arith.index_cast %parallel_loop3A_7 : i32 to index
      %parallel_loop3A_997 = tpu.vector_load %arg7[%parallel_loop3A_995, %parallel_loop3A_996] {strides = array<i32>} : memref<64x256xi32, #tpu.memory_space<vmem>>, vector<16xi32>,
      tpu.vector_store %arg7[%parallel_loop3A_995, %parallel_loop3A_996], %parallel_loop3A_993 {strides = array<i32>} : memref<64x256xi32, #tpu.memory_space<vmem>>, vector<16xi32>,
      %parallel_loop3A_998 = arith.constant 24 : i32
      %parallel_loop3A_999 = arith.index_cast %parallel_loop3A_998 : i32 to index
      %parallel_loop3A_1000 = arith.index_cast %parallel_loop3A_7 : i32 to index
      %parallel_loop3A_1001 = tpu.vector_load %arg6[%parallel_loop3A_999, %parallel_loop3A_1000] {strides = array<i32>} : memref<64x256xi32, #tpu.memory_space<vmem>>, vector<16xi32>,
      %parallel_loop3A_1002 = tpu.vector_load_idx %arg5[%parallel_loop3A_1001] : memref<8192xi32, #tpu.memory_space<vmem>>[vector<16xi32>], vector<16xi32>,
      %parallel_loop3A_1003 = arith.subi %parallel_loop3A_13, %parallel_loop3A_1001 : vector<16xi32>
      %parallel_loop3A_1004 = arith.constant 1 : i32
      %parallel_loop3A_1005 = vector.broadcast %parallel_loop3A_1004 : i32 to vector<16xi32>
      %parallel_loop3A_1006 = arith.maxsi %parallel_loop3A_1003, %parallel_loop3A_1005 : vector<16xi32>
      %parallel_loop3A_1007 = arith.sitofp %parallel_loop3A_1006 : vector<16xi32> to vector<16xf32>
      %parallel_loop3A_1008 = vector.bitcast %parallel_loop3A_1007 : vector<16xf32> to vector<16xi32>
      %parallel_loop3A_1009 = arith.constant 23 : i32
      %parallel_loop3A_1010 = vector.broadcast %parallel_loop3A_1009 : i32 to vector<16xi32>
      %parallel_loop3A_1011 = arith.shrsi %parallel_loop3A_1008, %parallel_loop3A_1010 : vector<16xi32>
      %parallel_loop3A_1012 = arith.constant 127 : i32
      %parallel_loop3A_1013 = vector.broadcast %parallel_loop3A_1012 : i32 to vector<16xi32>
      %parallel_loop3A_1014 = arith.subi %parallel_loop3A_1011, %parallel_loop3A_1013 : vector<16xi32>
      %parallel_loop3A_1015 = arith.constant 5 : i32
      %parallel_loop3A_1016 = vector.broadcast %parallel_loop3A_1015 : i32 to vector<16xi32>
      %parallel_loop3A_1017 = arith.cmpi slt, %parallel_loop3A_1006, %parallel_loop3A_1016 : vector<16xi32>
      %parallel_loop3A_1018 = arith.constant 1 : i32
      %parallel_loop3A_1019 = vector.broadcast %parallel_loop3A_1018 : i32 to vector<16xi32>
      %parallel_loop3A_1020 = arith.subi %parallel_loop3A_1006, %parallel_loop3A_1019 : vector<16xi32>
      %parallel_loop3A_1021 = arith.constant 6 : i32
      %parallel_loop3A_1022 = vector.broadcast %parallel_loop3A_1021 : i32 to vector<16xi32>
      %parallel_loop3A_1023 = arith.minsi %parallel_loop3A_1014, %parallel_loop3A_1022 : vector<16xi32>
      %parallel_loop3A_1024 = arith.constant 2 : i32
      %parallel_loop3A_1025 = vector.broadcast %parallel_loop3A_1024 : i32 to vector<16xi32>
      %parallel_loop3A_1026 = arith.addi %parallel_loop3A_1023, %parallel_loop3A_1025 : vector<16xi32>
      %parallel_loop3A_1027 = arith.select %parallel_loop3A_1017, %parallel_loop3A_1020, %parallel_loop3A_1026 : vector<16xi1>, vector<16xi32>
      %parallel_loop3A_1028 = arith.cmpi eq, %parallel_loop3A_1002, %parallel_loop3A_10 : vector<16xi32>
      %parallel_loop3A_1029 = arith.constant 9 : i32
      %parallel_loop3A_1030 = arith.constant 0 : i32
      %parallel_loop3A_1031 = vector.broadcast %parallel_loop3A_1029 : i32 to vector<16xi32>
      %parallel_loop3A_1032 = vector.broadcast %parallel_loop3A_1030 : i32 to vector<16xi32>
      %parallel_loop3A_1033 = arith.select %parallel_loop3A_1028, %parallel_loop3A_1031, %parallel_loop3A_1032 : vector<16xi1>, vector<16xi32>
      %parallel_loop3A_1034 = arith.addi %parallel_loop3A_1027, %parallel_loop3A_1033 : vector<16xi32>
      %parallel_loop3A_1035 = arith.constant 24 : i32
      %parallel_loop3A_1036 = arith.index_cast %parallel_loop3A_1035 : i32 to index
      %parallel_loop3A_1037 = arith.index_cast %parallel_loop3A_7 : i32 to index
      %parallel_loop3A_1038 = tpu.vector_load %arg7[%parallel_loop3A_1036, %parallel_loop3A_1037] {strides = array<i32>} : memref<64x256xi32, #tpu.memory_space<vmem>>, vector<16xi32>,
      tpu.vector_store %arg7[%parallel_loop3A_1036, %parallel_loop3A_1037], %parallel_loop3A_1034 {strides = array<i32>} : memref<64x256xi32, #tpu.memory_space<vmem>>, vector<16xi32>,
      %parallel_loop3A_1039 = arith.constant 25 : i32
      %parallel_loop3A_1040 = arith.index_cast %parallel_loop3A_1039 : i32 to index
      %parallel_loop3A_1041 = arith.index_cast %parallel_loop3A_7 : i32 to index
      %parallel_loop3A_1042 = tpu.vector_load %arg6[%parallel_loop3A_1040, %parallel_loop3A_1041] {strides = array<i32>} : memref<64x256xi32, #tpu.memory_space<vmem>>, vector<16xi32>,
      %parallel_loop3A_1043 = tpu.vector_load_idx %arg5[%parallel_loop3A_1042] : memref<8192xi32, #tpu.memory_space<vmem>>[vector<16xi32>], vector<16xi32>,
      %parallel_loop3A_1044 = arith.subi %parallel_loop3A_13, %parallel_loop3A_1042 : vector<16xi32>
      %parallel_loop3A_1045 = arith.constant 1 : i32
      %parallel_loop3A_1046 = vector.broadcast %parallel_loop3A_1045 : i32 to vector<16xi32>
      %parallel_loop3A_1047 = arith.maxsi %parallel_loop3A_1044, %parallel_loop3A_1046 : vector<16xi32>
      %parallel_loop3A_1048 = arith.sitofp %parallel_loop3A_1047 : vector<16xi32> to vector<16xf32>
      %parallel_loop3A_1049 = vector.bitcast %parallel_loop3A_1048 : vector<16xf32> to vector<16xi32>
      %parallel_loop3A_1050 = arith.constant 23 : i32
      %parallel_loop3A_1051 = vector.broadcast %parallel_loop3A_1050 : i32 to vector<16xi32>
      %parallel_loop3A_1052 = arith.shrsi %parallel_loop3A_1049, %parallel_loop3A_1051 : vector<16xi32>
      %parallel_loop3A_1053 = arith.constant 127 : i32
      %parallel_loop3A_1054 = vector.broadcast %parallel_loop3A_1053 : i32 to vector<16xi32>
      %parallel_loop3A_1055 = arith.subi %parallel_loop3A_1052, %parallel_loop3A_1054 : vector<16xi32>
      %parallel_loop3A_1056 = arith.constant 5 : i32
      %parallel_loop3A_1057 = vector.broadcast %parallel_loop3A_1056 : i32 to vector<16xi32>
      %parallel_loop3A_1058 = arith.cmpi slt, %parallel_loop3A_1047, %parallel_loop3A_1057 : vector<16xi32>
      %parallel_loop3A_1059 = arith.constant 1 : i32
      %parallel_loop3A_1060 = vector.broadcast %parallel_loop3A_1059 : i32 to vector<16xi32>
      %parallel_loop3A_1061 = arith.subi %parallel_loop3A_1047, %parallel_loop3A_1060 : vector<16xi32>
      %parallel_loop3A_1062 = arith.constant 6 : i32
      %parallel_loop3A_1063 = vector.broadcast %parallel_loop3A_1062 : i32 to vector<16xi32>
      %parallel_loop3A_1064 = arith.minsi %parallel_loop3A_1055, %parallel_loop3A_1063 : vector<16xi32>
      %parallel_loop3A_1065 = arith.constant 2 : i32
      %parallel_loop3A_1066 = vector.broadcast %parallel_loop3A_1065 : i32 to vector<16xi32>
      %parallel_loop3A_1067 = arith.addi %parallel_loop3A_1064, %parallel_loop3A_1066 : vector<16xi32>
      %parallel_loop3A_1068 = arith.select %parallel_loop3A_1058, %parallel_loop3A_1061, %parallel_loop3A_1067 : vector<16xi1>, vector<16xi32>
      %parallel_loop3A_1069 = arith.cmpi eq, %parallel_loop3A_1043, %parallel_loop3A_10 : vector<16xi32>
      %parallel_loop3A_1070 = arith.constant 9 : i32
      %parallel_loop3A_1071 = arith.constant 0 : i32
      %parallel_loop3A_1072 = vector.broadcast %parallel_loop3A_1070 : i32 to vector<16xi32>
      %parallel_loop3A_1073 = vector.broadcast %parallel_loop3A_1071 : i32 to vector<16xi32>
      %parallel_loop3A_1074 = arith.select %parallel_loop3A_1069, %parallel_loop3A_1072, %parallel_loop3A_1073 : vector<16xi1>, vector<16xi32>
      %parallel_loop3A_1075 = arith.addi %parallel_loop3A_1068, %parallel_loop3A_1074 : vector<16xi32>
      %parallel_loop3A_1076 = arith.constant 25 : i32
      %parallel_loop3A_1077 = arith.index_cast %parallel_loop3A_1076 : i32 to index
      %parallel_loop3A_1078 = arith.index_cast %parallel_loop3A_7 : i32 to index
      %parallel_loop3A_1079 = tpu.vector_load %arg7[%parallel_loop3A_1077, %parallel_loop3A_1078] {strides = array<i32>} : memref<64x256xi32, #tpu.memory_space<vmem>>, vector<16xi32>,
      tpu.vector_store %arg7[%parallel_loop3A_1077, %parallel_loop3A_1078], %parallel_loop3A_1075 {strides = array<i32>} : memref<64x256xi32, #tpu.memory_space<vmem>>, vector<16xi32>,
      %parallel_loop3A_1080 = arith.constant 26 : i32
      %parallel_loop3A_1081 = arith.index_cast %parallel_loop3A_1080 : i32 to index
      %parallel_loop3A_1082 = arith.index_cast %parallel_loop3A_7 : i32 to index
      %parallel_loop3A_1083 = tpu.vector_load %arg6[%parallel_loop3A_1081, %parallel_loop3A_1082] {strides = array<i32>} : memref<64x256xi32, #tpu.memory_space<vmem>>, vector<16xi32>,
      %parallel_loop3A_1084 = tpu.vector_load_idx %arg5[%parallel_loop3A_1083] : memref<8192xi32, #tpu.memory_space<vmem>>[vector<16xi32>], vector<16xi32>,
      %parallel_loop3A_1085 = arith.subi %parallel_loop3A_13, %parallel_loop3A_1083 : vector<16xi32>
      %parallel_loop3A_1086 = arith.constant 1 : i32
      %parallel_loop3A_1087 = vector.broadcast %parallel_loop3A_1086 : i32 to vector<16xi32>
      %parallel_loop3A_1088 = arith.maxsi %parallel_loop3A_1085, %parallel_loop3A_1087 : vector<16xi32>
      %parallel_loop3A_1089 = arith.sitofp %parallel_loop3A_1088 : vector<16xi32> to vector<16xf32>
      %parallel_loop3A_1090 = vector.bitcast %parallel_loop3A_1089 : vector<16xf32> to vector<16xi32>
      %parallel_loop3A_1091 = arith.constant 23 : i32
      %parallel_loop3A_1092 = vector.broadcast %parallel_loop3A_1091 : i32 to vector<16xi32>
      %parallel_loop3A_1093 = arith.shrsi %parallel_loop3A_1090, %parallel_loop3A_1092 : vector<16xi32>
      %parallel_loop3A_1094 = arith.constant 127 : i32
      %parallel_loop3A_1095 = vector.broadcast %parallel_loop3A_1094 : i32 to vector<16xi32>
      %parallel_loop3A_1096 = arith.subi %parallel_loop3A_1093, %parallel_loop3A_1095 : vector<16xi32>
      %parallel_loop3A_1097 = arith.constant 5 : i32
      %parallel_loop3A_1098 = vector.broadcast %parallel_loop3A_1097 : i32 to vector<16xi32>
      %parallel_loop3A_1099 = arith.cmpi slt, %parallel_loop3A_1088, %parallel_loop3A_1098 : vector<16xi32>
      %parallel_loop3A_1100 = arith.constant 1 : i32
      %parallel_loop3A_1101 = vector.broadcast %parallel_loop3A_1100 : i32 to vector<16xi32>
      %parallel_loop3A_1102 = arith.subi %parallel_loop3A_1088, %parallel_loop3A_1101 : vector<16xi32>
      %parallel_loop3A_1103 = arith.constant 6 : i32
      %parallel_loop3A_1104 = vector.broadcast %parallel_loop3A_1103 : i32 to vector<16xi32>
      %parallel_loop3A_1105 = arith.minsi %parallel_loop3A_1096, %parallel_loop3A_1104 : vector<16xi32>
      %parallel_loop3A_1106 = arith.constant 2 : i32
      %parallel_loop3A_1107 = vector.broadcast %parallel_loop3A_1106 : i32 to vector<16xi32>
      %parallel_loop3A_1108 = arith.addi %parallel_loop3A_1105, %parallel_loop3A_1107 : vector<16xi32>
      %parallel_loop3A_1109 = arith.select %parallel_loop3A_1099, %parallel_loop3A_1102, %parallel_loop3A_1108 : vector<16xi1>, vector<16xi32>
      %parallel_loop3A_1110 = arith.cmpi eq, %parallel_loop3A_1084, %parallel_loop3A_10 : vector<16xi32>
      %parallel_loop3A_1111 = arith.constant 9 : i32
      %parallel_loop3A_1112 = arith.constant 0 : i32
      %parallel_loop3A_1113 = vector.broadcast %parallel_loop3A_1111 : i32 to vector<16xi32>
      %parallel_loop3A_1114 = vector.broadcast %parallel_loop3A_1112 : i32 to vector<16xi32>
      %parallel_loop3A_1115 = arith.select %parallel_loop3A_1110, %parallel_loop3A_1113, %parallel_loop3A_1114 : vector<16xi1>, vector<16xi32>
      %parallel_loop3A_1116 = arith.addi %parallel_loop3A_1109, %parallel_loop3A_1115 : vector<16xi32>
      %parallel_loop3A_1117 = arith.constant 26 : i32
      %parallel_loop3A_1118 = arith.index_cast %parallel_loop3A_1117 : i32 to index
      %parallel_loop3A_1119 = arith.index_cast %parallel_loop3A_7 : i32 to index
      %parallel_loop3A_1120 = tpu.vector_load %arg7[%parallel_loop3A_1118, %parallel_loop3A_1119] {strides = array<i32>} : memref<64x256xi32, #tpu.memory_space<vmem>>, vector<16xi32>,
      tpu.vector_store %arg7[%parallel_loop3A_1118, %parallel_loop3A_1119], %parallel_loop3A_1116 {strides = array<i32>} : memref<64x256xi32, #tpu.memory_space<vmem>>, vector<16xi32>,
      %parallel_loop3A_1121 = arith.constant 27 : i32
      %parallel_loop3A_1122 = arith.index_cast %parallel_loop3A_1121 : i32 to index
      %parallel_loop3A_1123 = arith.index_cast %parallel_loop3A_7 : i32 to index
      %parallel_loop3A_1124 = tpu.vector_load %arg6[%parallel_loop3A_1122, %parallel_loop3A_1123] {strides = array<i32>} : memref<64x256xi32, #tpu.memory_space<vmem>>, vector<16xi32>,
      %parallel_loop3A_1125 = tpu.vector_load_idx %arg5[%parallel_loop3A_1124] : memref<8192xi32, #tpu.memory_space<vmem>>[vector<16xi32>], vector<16xi32>,
      %parallel_loop3A_1126 = arith.subi %parallel_loop3A_13, %parallel_loop3A_1124 : vector<16xi32>
      %parallel_loop3A_1127 = arith.constant 1 : i32
      %parallel_loop3A_1128 = vector.broadcast %parallel_loop3A_1127 : i32 to vector<16xi32>
      %parallel_loop3A_1129 = arith.maxsi %parallel_loop3A_1126, %parallel_loop3A_1128 : vector<16xi32>
      %parallel_loop3A_1130 = arith.sitofp %parallel_loop3A_1129 : vector<16xi32> to vector<16xf32>
      %parallel_loop3A_1131 = vector.bitcast %parallel_loop3A_1130 : vector<16xf32> to vector<16xi32>
      %parallel_loop3A_1132 = arith.constant 23 : i32
      %parallel_loop3A_1133 = vector.broadcast %parallel_loop3A_1132 : i32 to vector<16xi32>
      %parallel_loop3A_1134 = arith.shrsi %parallel_loop3A_1131, %parallel_loop3A_1133 : vector<16xi32>
      %parallel_loop3A_1135 = arith.constant 127 : i32
      %parallel_loop3A_1136 = vector.broadcast %parallel_loop3A_1135 : i32 to vector<16xi32>
      %parallel_loop3A_1137 = arith.subi %parallel_loop3A_1134, %parallel_loop3A_1136 : vector<16xi32>
      %parallel_loop3A_1138 = arith.constant 5 : i32
      %parallel_loop3A_1139 = vector.broadcast %parallel_loop3A_1138 : i32 to vector<16xi32>
      %parallel_loop3A_1140 = arith.cmpi slt, %parallel_loop3A_1129, %parallel_loop3A_1139 : vector<16xi32>
      %parallel_loop3A_1141 = arith.constant 1 : i32
      %parallel_loop3A_1142 = vector.broadcast %parallel_loop3A_1141 : i32 to vector<16xi32>
      %parallel_loop3A_1143 = arith.subi %parallel_loop3A_1129, %parallel_loop3A_1142 : vector<16xi32>
      %parallel_loop3A_1144 = arith.constant 6 : i32
      %parallel_loop3A_1145 = vector.broadcast %parallel_loop3A_1144 : i32 to vector<16xi32>
      %parallel_loop3A_1146 = arith.minsi %parallel_loop3A_1137, %parallel_loop3A_1145 : vector<16xi32>
      %parallel_loop3A_1147 = arith.constant 2 : i32
      %parallel_loop3A_1148 = vector.broadcast %parallel_loop3A_1147 : i32 to vector<16xi32>
      %parallel_loop3A_1149 = arith.addi %parallel_loop3A_1146, %parallel_loop3A_1148 : vector<16xi32>
      %parallel_loop3A_1150 = arith.select %parallel_loop3A_1140, %parallel_loop3A_1143, %parallel_loop3A_1149 : vector<16xi1>, vector<16xi32>
      %parallel_loop3A_1151 = arith.cmpi eq, %parallel_loop3A_1125, %parallel_loop3A_10 : vector<16xi32>
      %parallel_loop3A_1152 = arith.constant 9 : i32
      %parallel_loop3A_1153 = arith.constant 0 : i32
      %parallel_loop3A_1154 = vector.broadcast %parallel_loop3A_1152 : i32 to vector<16xi32>
      %parallel_loop3A_1155 = vector.broadcast %parallel_loop3A_1153 : i32 to vector<16xi32>
      %parallel_loop3A_1156 = arith.select %parallel_loop3A_1151, %parallel_loop3A_1154, %parallel_loop3A_1155 : vector<16xi1>, vector<16xi32>
      %parallel_loop3A_1157 = arith.addi %parallel_loop3A_1150, %parallel_loop3A_1156 : vector<16xi32>
      %parallel_loop3A_1158 = arith.constant 27 : i32
      %parallel_loop3A_1159 = arith.index_cast %parallel_loop3A_1158 : i32 to index
      %parallel_loop3A_1160 = arith.index_cast %parallel_loop3A_7 : i32 to index
      %parallel_loop3A_1161 = tpu.vector_load %arg7[%parallel_loop3A_1159, %parallel_loop3A_1160] {strides = array<i32>} : memref<64x256xi32, #tpu.memory_space<vmem>>, vector<16xi32>,
      tpu.vector_store %arg7[%parallel_loop3A_1159, %parallel_loop3A_1160], %parallel_loop3A_1157 {strides = array<i32>} : memref<64x256xi32, #tpu.memory_space<vmem>>, vector<16xi32>,
      %parallel_loop3A_1162 = arith.constant 28 : i32
      %parallel_loop3A_1163 = arith.index_cast %parallel_loop3A_1162 : i32 to index
      %parallel_loop3A_1164 = arith.index_cast %parallel_loop3A_7 : i32 to index
      %parallel_loop3A_1165 = tpu.vector_load %arg6[%parallel_loop3A_1163, %parallel_loop3A_1164] {strides = array<i32>} : memref<64x256xi32, #tpu.memory_space<vmem>>, vector<16xi32>,
      %parallel_loop3A_1166 = tpu.vector_load_idx %arg5[%parallel_loop3A_1165] : memref<8192xi32, #tpu.memory_space<vmem>>[vector<16xi32>], vector<16xi32>,
      %parallel_loop3A_1167 = arith.subi %parallel_loop3A_13, %parallel_loop3A_1165 : vector<16xi32>
      %parallel_loop3A_1168 = arith.constant 1 : i32
      %parallel_loop3A_1169 = vector.broadcast %parallel_loop3A_1168 : i32 to vector<16xi32>
      %parallel_loop3A_1170 = arith.maxsi %parallel_loop3A_1167, %parallel_loop3A_1169 : vector<16xi32>
      %parallel_loop3A_1171 = arith.sitofp %parallel_loop3A_1170 : vector<16xi32> to vector<16xf32>
      %parallel_loop3A_1172 = vector.bitcast %parallel_loop3A_1171 : vector<16xf32> to vector<16xi32>
      %parallel_loop3A_1173 = arith.constant 23 : i32
      %parallel_loop3A_1174 = vector.broadcast %parallel_loop3A_1173 : i32 to vector<16xi32>
      %parallel_loop3A_1175 = arith.shrsi %parallel_loop3A_1172, %parallel_loop3A_1174 : vector<16xi32>
      %parallel_loop3A_1176 = arith.constant 127 : i32
      %parallel_loop3A_1177 = vector.broadcast %parallel_loop3A_1176 : i32 to vector<16xi32>
      %parallel_loop3A_1178 = arith.subi %parallel_loop3A_1175, %parallel_loop3A_1177 : vector<16xi32>
      %parallel_loop3A_1179 = arith.constant 5 : i32
      %parallel_loop3A_1180 = vector.broadcast %parallel_loop3A_1179 : i32 to vector<16xi32>
      %parallel_loop3A_1181 = arith.cmpi slt, %parallel_loop3A_1170, %parallel_loop3A_1180 : vector<16xi32>
      %parallel_loop3A_1182 = arith.constant 1 : i32
      %parallel_loop3A_1183 = vector.broadcast %parallel_loop3A_1182 : i32 to vector<16xi32>
      %parallel_loop3A_1184 = arith.subi %parallel_loop3A_1170, %parallel_loop3A_1183 : vector<16xi32>
      %parallel_loop3A_1185 = arith.constant 6 : i32
      %parallel_loop3A_1186 = vector.broadcast %parallel_loop3A_1185 : i32 to vector<16xi32>
      %parallel_loop3A_1187 = arith.minsi %parallel_loop3A_1178, %parallel_loop3A_1186 : vector<16xi32>
      %parallel_loop3A_1188 = arith.constant 2 : i32
      %parallel_loop3A_1189 = vector.broadcast %parallel_loop3A_1188 : i32 to vector<16xi32>
      %parallel_loop3A_1190 = arith.addi %parallel_loop3A_1187, %parallel_loop3A_1189 : vector<16xi32>
      %parallel_loop3A_1191 = arith.select %parallel_loop3A_1181, %parallel_loop3A_1184, %parallel_loop3A_1190 : vector<16xi1>, vector<16xi32>
      %parallel_loop3A_1192 = arith.cmpi eq, %parallel_loop3A_1166, %parallel_loop3A_10 : vector<16xi32>
      %parallel_loop3A_1193 = arith.constant 9 : i32
      %parallel_loop3A_1194 = arith.constant 0 : i32
      %parallel_loop3A_1195 = vector.broadcast %parallel_loop3A_1193 : i32 to vector<16xi32>
      %parallel_loop3A_1196 = vector.broadcast %parallel_loop3A_1194 : i32 to vector<16xi32>
      %parallel_loop3A_1197 = arith.select %parallel_loop3A_1192, %parallel_loop3A_1195, %parallel_loop3A_1196 : vector<16xi1>, vector<16xi32>
      %parallel_loop3A_1198 = arith.addi %parallel_loop3A_1191, %parallel_loop3A_1197 : vector<16xi32>
      %parallel_loop3A_1199 = arith.constant 28 : i32
      %parallel_loop3A_1200 = arith.index_cast %parallel_loop3A_1199 : i32 to index
      %parallel_loop3A_1201 = arith.index_cast %parallel_loop3A_7 : i32 to index
      %parallel_loop3A_1202 = tpu.vector_load %arg7[%parallel_loop3A_1200, %parallel_loop3A_1201] {strides = array<i32>} : memref<64x256xi32, #tpu.memory_space<vmem>>, vector<16xi32>,
      tpu.vector_store %arg7[%parallel_loop3A_1200, %parallel_loop3A_1201], %parallel_loop3A_1198 {strides = array<i32>} : memref<64x256xi32, #tpu.memory_space<vmem>>, vector<16xi32>,
      %parallel_loop3A_1203 = arith.constant 29 : i32
      %parallel_loop3A_1204 = arith.index_cast %parallel_loop3A_1203 : i32 to index
      %parallel_loop3A_1205 = arith.index_cast %parallel_loop3A_7 : i32 to index
      %parallel_loop3A_1206 = tpu.vector_load %arg6[%parallel_loop3A_1204, %parallel_loop3A_1205] {strides = array<i32>} : memref<64x256xi32, #tpu.memory_space<vmem>>, vector<16xi32>,
      %parallel_loop3A_1207 = tpu.vector_load_idx %arg5[%parallel_loop3A_1206] : memref<8192xi32, #tpu.memory_space<vmem>>[vector<16xi32>], vector<16xi32>,
      %parallel_loop3A_1208 = arith.subi %parallel_loop3A_13, %parallel_loop3A_1206 : vector<16xi32>
      %parallel_loop3A_1209 = arith.constant 1 : i32
      %parallel_loop3A_1210 = vector.broadcast %parallel_loop3A_1209 : i32 to vector<16xi32>
      %parallel_loop3A_1211 = arith.maxsi %parallel_loop3A_1208, %parallel_loop3A_1210 : vector<16xi32>
      %parallel_loop3A_1212 = arith.sitofp %parallel_loop3A_1211 : vector<16xi32> to vector<16xf32>
      %parallel_loop3A_1213 = vector.bitcast %parallel_loop3A_1212 : vector<16xf32> to vector<16xi32>
      %parallel_loop3A_1214 = arith.constant 23 : i32
      %parallel_loop3A_1215 = vector.broadcast %parallel_loop3A_1214 : i32 to vector<16xi32>
      %parallel_loop3A_1216 = arith.shrsi %parallel_loop3A_1213, %parallel_loop3A_1215 : vector<16xi32>
      %parallel_loop3A_1217 = arith.constant 127 : i32
      %parallel_loop3A_1218 = vector.broadcast %parallel_loop3A_1217 : i32 to vector<16xi32>
      %parallel_loop3A_1219 = arith.subi %parallel_loop3A_1216, %parallel_loop3A_1218 : vector<16xi32>
      %parallel_loop3A_1220 = arith.constant 5 : i32
      %parallel_loop3A_1221 = vector.broadcast %parallel_loop3A_1220 : i32 to vector<16xi32>
      %parallel_loop3A_1222 = arith.cmpi slt, %parallel_loop3A_1211, %parallel_loop3A_1221 : vector<16xi32>
      %parallel_loop3A_1223 = arith.constant 1 : i32
      %parallel_loop3A_1224 = vector.broadcast %parallel_loop3A_1223 : i32 to vector<16xi32>
      %parallel_loop3A_1225 = arith.subi %parallel_loop3A_1211, %parallel_loop3A_1224 : vector<16xi32>
      %parallel_loop3A_1226 = arith.constant 6 : i32
      %parallel_loop3A_1227 = vector.broadcast %parallel_loop3A_1226 : i32 to vector<16xi32>
      %parallel_loop3A_1228 = arith.minsi %parallel_loop3A_1219, %parallel_loop3A_1227 : vector<16xi32>
      %parallel_loop3A_1229 = arith.constant 2 : i32
      %parallel_loop3A_1230 = vector.broadcast %parallel_loop3A_1229 : i32 to vector<16xi32>
      %parallel_loop3A_1231 = arith.addi %parallel_loop3A_1228, %parallel_loop3A_1230 : vector<16xi32>
      %parallel_loop3A_1232 = arith.select %parallel_loop3A_1222, %parallel_loop3A_1225, %parallel_loop3A_1231 : vector<16xi1>, vector<16xi32>
      %parallel_loop3A_1233 = arith.cmpi eq, %parallel_loop3A_1207, %parallel_loop3A_10 : vector<16xi32>
      %parallel_loop3A_1234 = arith.constant 9 : i32
      %parallel_loop3A_1235 = arith.constant 0 : i32
      %parallel_loop3A_1236 = vector.broadcast %parallel_loop3A_1234 : i32 to vector<16xi32>
      %parallel_loop3A_1237 = vector.broadcast %parallel_loop3A_1235 : i32 to vector<16xi32>
      %parallel_loop3A_1238 = arith.select %parallel_loop3A_1233, %parallel_loop3A_1236, %parallel_loop3A_1237 : vector<16xi1>, vector<16xi32>
      %parallel_loop3A_1239 = arith.addi %parallel_loop3A_1232, %parallel_loop3A_1238 : vector<16xi32>
      %parallel_loop3A_1240 = arith.constant 29 : i32
      %parallel_loop3A_1241 = arith.index_cast %parallel_loop3A_1240 : i32 to index
      %parallel_loop3A_1242 = arith.index_cast %parallel_loop3A_7 : i32 to index
      %parallel_loop3A_1243 = tpu.vector_load %arg7[%parallel_loop3A_1241, %parallel_loop3A_1242] {strides = array<i32>} : memref<64x256xi32, #tpu.memory_space<vmem>>, vector<16xi32>,
      tpu.vector_store %arg7[%parallel_loop3A_1241, %parallel_loop3A_1242], %parallel_loop3A_1239 {strides = array<i32>} : memref<64x256xi32, #tpu.memory_space<vmem>>, vector<16xi32>,
      %parallel_loop3A_1244 = arith.constant 30 : i32
      %parallel_loop3A_1245 = arith.index_cast %parallel_loop3A_1244 : i32 to index
      %parallel_loop3A_1246 = arith.index_cast %parallel_loop3A_7 : i32 to index
      %parallel_loop3A_1247 = tpu.vector_load %arg6[%parallel_loop3A_1245, %parallel_loop3A_1246] {strides = array<i32>} : memref<64x256xi32, #tpu.memory_space<vmem>>, vector<16xi32>,
      %parallel_loop3A_1248 = tpu.vector_load_idx %arg5[%parallel_loop3A_1247] : memref<8192xi32, #tpu.memory_space<vmem>>[vector<16xi32>], vector<16xi32>,
      %parallel_loop3A_1249 = arith.subi %parallel_loop3A_13, %parallel_loop3A_1247 : vector<16xi32>
      %parallel_loop3A_1250 = arith.constant 1 : i32
      %parallel_loop3A_1251 = vector.broadcast %parallel_loop3A_1250 : i32 to vector<16xi32>
      %parallel_loop3A_1252 = arith.maxsi %parallel_loop3A_1249, %parallel_loop3A_1251 : vector<16xi32>
      %parallel_loop3A_1253 = arith.sitofp %parallel_loop3A_1252 : vector<16xi32> to vector<16xf32>
      %parallel_loop3A_1254 = vector.bitcast %parallel_loop3A_1253 : vector<16xf32> to vector<16xi32>
      %parallel_loop3A_1255 = arith.constant 23 : i32
      %parallel_loop3A_1256 = vector.broadcast %parallel_loop3A_1255 : i32 to vector<16xi32>
      %parallel_loop3A_1257 = arith.shrsi %parallel_loop3A_1254, %parallel_loop3A_1256 : vector<16xi32>
      %parallel_loop3A_1258 = arith.constant 127 : i32
      %parallel_loop3A_1259 = vector.broadcast %parallel_loop3A_1258 : i32 to vector<16xi32>
      %parallel_loop3A_1260 = arith.subi %parallel_loop3A_1257, %parallel_loop3A_1259 : vector<16xi32>
      %parallel_loop3A_1261 = arith.constant 5 : i32
      %parallel_loop3A_1262 = vector.broadcast %parallel_loop3A_1261 : i32 to vector<16xi32>
      %parallel_loop3A_1263 = arith.cmpi slt, %parallel_loop3A_1252, %parallel_loop3A_1262 : vector<16xi32>
      %parallel_loop3A_1264 = arith.constant 1 : i32
      %parallel_loop3A_1265 = vector.broadcast %parallel_loop3A_1264 : i32 to vector<16xi32>
      %parallel_loop3A_1266 = arith.subi %parallel_loop3A_1252, %parallel_loop3A_1265 : vector<16xi32>
      %parallel_loop3A_1267 = arith.constant 6 : i32
      %parallel_loop3A_1268 = vector.broadcast %parallel_loop3A_1267 : i32 to vector<16xi32>
      %parallel_loop3A_1269 = arith.minsi %parallel_loop3A_1260, %parallel_loop3A_1268 : vector<16xi32>
      %parallel_loop3A_1270 = arith.constant 2 : i32
      %parallel_loop3A_1271 = vector.broadcast %parallel_loop3A_1270 : i32 to vector<16xi32>
      %parallel_loop3A_1272 = arith.addi %parallel_loop3A_1269, %parallel_loop3A_1271 : vector<16xi32>
      %parallel_loop3A_1273 = arith.select %parallel_loop3A_1263, %parallel_loop3A_1266, %parallel_loop3A_1272 : vector<16xi1>, vector<16xi32>
      %parallel_loop3A_1274 = arith.cmpi eq, %parallel_loop3A_1248, %parallel_loop3A_10 : vector<16xi32>
      %parallel_loop3A_1275 = arith.constant 9 : i32
      %parallel_loop3A_1276 = arith.constant 0 : i32
      %parallel_loop3A_1277 = vector.broadcast %parallel_loop3A_1275 : i32 to vector<16xi32>
      %parallel_loop3A_1278 = vector.broadcast %parallel_loop3A_1276 : i32 to vector<16xi32>
      %parallel_loop3A_1279 = arith.select %parallel_loop3A_1274, %parallel_loop3A_1277, %parallel_loop3A_1278 : vector<16xi1>, vector<16xi32>
      %parallel_loop3A_1280 = arith.addi %parallel_loop3A_1273, %parallel_loop3A_1279 : vector<16xi32>
      %parallel_loop3A_1281 = arith.constant 30 : i32
      %parallel_loop3A_1282 = arith.index_cast %parallel_loop3A_1281 : i32 to index
      %parallel_loop3A_1283 = arith.index_cast %parallel_loop3A_7 : i32 to index
      %parallel_loop3A_1284 = tpu.vector_load %arg7[%parallel_loop3A_1282, %parallel_loop3A_1283] {strides = array<i32>} : memref<64x256xi32, #tpu.memory_space<vmem>>, vector<16xi32>,
      tpu.vector_store %arg7[%parallel_loop3A_1282, %parallel_loop3A_1283], %parallel_loop3A_1280 {strides = array<i32>} : memref<64x256xi32, #tpu.memory_space<vmem>>, vector<16xi32>,
      %parallel_loop3A_1285 = arith.constant 31 : i32
      %parallel_loop3A_1286 = arith.index_cast %parallel_loop3A_1285 : i32 to index
      %parallel_loop3A_1287 = arith.index_cast %parallel_loop3A_7 : i32 to index
      %parallel_loop3A_1288 = tpu.vector_load %arg6[%parallel_loop3A_1286, %parallel_loop3A_1287] {strides = array<i32>} : memref<64x256xi32, #tpu.memory_space<vmem>>, vector<16xi32>,
      %parallel_loop3A_1289 = tpu.vector_load_idx %arg5[%parallel_loop3A_1288] : memref<8192xi32, #tpu.memory_space<vmem>>[vector<16xi32>], vector<16xi32>,
      %parallel_loop3A_1290 = arith.subi %parallel_loop3A_13, %parallel_loop3A_1288 : vector<16xi32>
      %parallel_loop3A_1291 = arith.constant 1 : i32
      %parallel_loop3A_1292 = vector.broadcast %parallel_loop3A_1291 : i32 to vector<16xi32>
      %parallel_loop3A_1293 = arith.maxsi %parallel_loop3A_1290, %parallel_loop3A_1292 : vector<16xi32>
      %parallel_loop3A_1294 = arith.sitofp %parallel_loop3A_1293 : vector<16xi32> to vector<16xf32>
      %parallel_loop3A_1295 = vector.bitcast %parallel_loop3A_1294 : vector<16xf32> to vector<16xi32>
      %parallel_loop3A_1296 = arith.constant 23 : i32
      %parallel_loop3A_1297 = vector.broadcast %parallel_loop3A_1296 : i32 to vector<16xi32>
      %parallel_loop3A_1298 = arith.shrsi %parallel_loop3A_1295, %parallel_loop3A_1297 : vector<16xi32>
      %parallel_loop3A_1299 = arith.constant 127 : i32
      %parallel_loop3A_1300 = vector.broadcast %parallel_loop3A_1299 : i32 to vector<16xi32>
      %parallel_loop3A_1301 = arith.subi %parallel_loop3A_1298, %parallel_loop3A_1300 : vector<16xi32>
      %parallel_loop3A_1302 = arith.constant 5 : i32
      %parallel_loop3A_1303 = vector.broadcast %parallel_loop3A_1302 : i32 to vector<16xi32>
      %parallel_loop3A_1304 = arith.cmpi slt, %parallel_loop3A_1293, %parallel_loop3A_1303 : vector<16xi32>
      %parallel_loop3A_1305 = arith.constant 1 : i32
      %parallel_loop3A_1306 = vector.broadcast %parallel_loop3A_1305 : i32 to vector<16xi32>
      %parallel_loop3A_1307 = arith.subi %parallel_loop3A_1293, %parallel_loop3A_1306 : vector<16xi32>
      %parallel_loop3A_1308 = arith.constant 6 : i32
      %parallel_loop3A_1309 = vector.broadcast %parallel_loop3A_1308 : i32 to vector<16xi32>
      %parallel_loop3A_1310 = arith.minsi %parallel_loop3A_1301, %parallel_loop3A_1309 : vector<16xi32>
      %parallel_loop3A_1311 = arith.constant 2 : i32
      %parallel_loop3A_1312 = vector.broadcast %parallel_loop3A_1311 : i32 to vector<16xi32>
      %parallel_loop3A_1313 = arith.addi %parallel_loop3A_1310, %parallel_loop3A_1312 : vector<16xi32>
      %parallel_loop3A_1314 = arith.select %parallel_loop3A_1304, %parallel_loop3A_1307, %parallel_loop3A_1313 : vector<16xi1>, vector<16xi32>
      %parallel_loop3A_1315 = arith.cmpi eq, %parallel_loop3A_1289, %parallel_loop3A_10 : vector<16xi32>
      %parallel_loop3A_1316 = arith.constant 9 : i32
      %parallel_loop3A_1317 = arith.constant 0 : i32
      %parallel_loop3A_1318 = vector.broadcast %parallel_loop3A_1316 : i32 to vector<16xi32>
      %parallel_loop3A_1319 = vector.broadcast %parallel_loop3A_1317 : i32 to vector<16xi32>
      %parallel_loop3A_1320 = arith.select %parallel_loop3A_1315, %parallel_loop3A_1318, %parallel_loop3A_1319 : vector<16xi1>, vector<16xi32>
      %parallel_loop3A_1321 = arith.addi %parallel_loop3A_1314, %parallel_loop3A_1320 : vector<16xi32>
      %parallel_loop3A_1322 = arith.constant 31 : i32
      %parallel_loop3A_1323 = arith.index_cast %parallel_loop3A_1322 : i32 to index
      %parallel_loop3A_1324 = arith.index_cast %parallel_loop3A_7 : i32 to index
      %parallel_loop3A_1325 = tpu.vector_load %arg7[%parallel_loop3A_1323, %parallel_loop3A_1324] {strides = array<i32>} : memref<64x256xi32, #tpu.memory_space<vmem>>, vector<16xi32>,
      tpu.vector_store %arg7[%parallel_loop3A_1323, %parallel_loop3A_1324], %parallel_loop3A_1321 {strides = array<i32>} : memref<64x256xi32, #tpu.memory_space<vmem>>, vector<16xi32>,
      %parallel_loop3A_1326 = arith.constant 32 : i32
      %parallel_loop3A_1327 = arith.index_cast %parallel_loop3A_1326 : i32 to index
      %parallel_loop3A_1328 = arith.index_cast %parallel_loop3A_7 : i32 to index
      %parallel_loop3A_1329 = tpu.vector_load %arg6[%parallel_loop3A_1327, %parallel_loop3A_1328] {strides = array<i32>} : memref<64x256xi32, #tpu.memory_space<vmem>>, vector<16xi32>,
      %parallel_loop3A_1330 = tpu.vector_load_idx %arg5[%parallel_loop3A_1329] : memref<8192xi32, #tpu.memory_space<vmem>>[vector<16xi32>], vector<16xi32>,
      %parallel_loop3A_1331 = arith.subi %parallel_loop3A_13, %parallel_loop3A_1329 : vector<16xi32>
      %parallel_loop3A_1332 = arith.constant 1 : i32
      %parallel_loop3A_1333 = vector.broadcast %parallel_loop3A_1332 : i32 to vector<16xi32>
      %parallel_loop3A_1334 = arith.maxsi %parallel_loop3A_1331, %parallel_loop3A_1333 : vector<16xi32>
      %parallel_loop3A_1335 = arith.sitofp %parallel_loop3A_1334 : vector<16xi32> to vector<16xf32>
      %parallel_loop3A_1336 = vector.bitcast %parallel_loop3A_1335 : vector<16xf32> to vector<16xi32>
      %parallel_loop3A_1337 = arith.constant 23 : i32
      %parallel_loop3A_1338 = vector.broadcast %parallel_loop3A_1337 : i32 to vector<16xi32>
      %parallel_loop3A_1339 = arith.shrsi %parallel_loop3A_1336, %parallel_loop3A_1338 : vector<16xi32>
      %parallel_loop3A_1340 = arith.constant 127 : i32
      %parallel_loop3A_1341 = vector.broadcast %parallel_loop3A_1340 : i32 to vector<16xi32>
      %parallel_loop3A_1342 = arith.subi %parallel_loop3A_1339, %parallel_loop3A_1341 : vector<16xi32>
      %parallel_loop3A_1343 = arith.constant 5 : i32
      %parallel_loop3A_1344 = vector.broadcast %parallel_loop3A_1343 : i32 to vector<16xi32>
      %parallel_loop3A_1345 = arith.cmpi slt, %parallel_loop3A_1334, %parallel_loop3A_1344 : vector<16xi32>
      %parallel_loop3A_1346 = arith.constant 1 : i32
      %parallel_loop3A_1347 = vector.broadcast %parallel_loop3A_1346 : i32 to vector<16xi32>
      %parallel_loop3A_1348 = arith.subi %parallel_loop3A_1334, %parallel_loop3A_1347 : vector<16xi32>
      %parallel_loop3A_1349 = arith.constant 6 : i32
      %parallel_loop3A_1350 = vector.broadcast %parallel_loop3A_1349 : i32 to vector<16xi32>
      %parallel_loop3A_1351 = arith.minsi %parallel_loop3A_1342, %parallel_loop3A_1350 : vector<16xi32>
      %parallel_loop3A_1352 = arith.constant 2 : i32
      %parallel_loop3A_1353 = vector.broadcast %parallel_loop3A_1352 : i32 to vector<16xi32>
      %parallel_loop3A_1354 = arith.addi %parallel_loop3A_1351, %parallel_loop3A_1353 : vector<16xi32>
      %parallel_loop3A_1355 = arith.select %parallel_loop3A_1345, %parallel_loop3A_1348, %parallel_loop3A_1354 : vector<16xi1>, vector<16xi32>
      %parallel_loop3A_1356 = arith.cmpi eq, %parallel_loop3A_1330, %parallel_loop3A_10 : vector<16xi32>
      %parallel_loop3A_1357 = arith.constant 9 : i32
      %parallel_loop3A_1358 = arith.constant 0 : i32
      %parallel_loop3A_1359 = vector.broadcast %parallel_loop3A_1357 : i32 to vector<16xi32>
      %parallel_loop3A_1360 = vector.broadcast %parallel_loop3A_1358 : i32 to vector<16xi32>
      %parallel_loop3A_1361 = arith.select %parallel_loop3A_1356, %parallel_loop3A_1359, %parallel_loop3A_1360 : vector<16xi1>, vector<16xi32>
      %parallel_loop3A_1362 = arith.addi %parallel_loop3A_1355, %parallel_loop3A_1361 : vector<16xi32>
      %parallel_loop3A_1363 = arith.constant 32 : i32
      %parallel_loop3A_1364 = arith.index_cast %parallel_loop3A_1363 : i32 to index
      %parallel_loop3A_1365 = arith.index_cast %parallel_loop3A_7 : i32 to index
      %parallel_loop3A_1366 = tpu.vector_load %arg7[%parallel_loop3A_1364, %parallel_loop3A_1365] {strides = array<i32>} : memref<64x256xi32, #tpu.memory_space<vmem>>, vector<16xi32>,
      tpu.vector_store %arg7[%parallel_loop3A_1364, %parallel_loop3A_1365], %parallel_loop3A_1362 {strides = array<i32>} : memref<64x256xi32, #tpu.memory_space<vmem>>, vector<16xi32>,
      %parallel_loop3A_1367 = arith.constant 33 : i32
      %parallel_loop3A_1368 = arith.index_cast %parallel_loop3A_1367 : i32 to index
      %parallel_loop3A_1369 = arith.index_cast %parallel_loop3A_7 : i32 to index
      %parallel_loop3A_1370 = tpu.vector_load %arg6[%parallel_loop3A_1368, %parallel_loop3A_1369] {strides = array<i32>} : memref<64x256xi32, #tpu.memory_space<vmem>>, vector<16xi32>,
      %parallel_loop3A_1371 = tpu.vector_load_idx %arg5[%parallel_loop3A_1370] : memref<8192xi32, #tpu.memory_space<vmem>>[vector<16xi32>], vector<16xi32>,
      %parallel_loop3A_1372 = arith.subi %parallel_loop3A_13, %parallel_loop3A_1370 : vector<16xi32>
      %parallel_loop3A_1373 = arith.constant 1 : i32
      %parallel_loop3A_1374 = vector.broadcast %parallel_loop3A_1373 : i32 to vector<16xi32>
      %parallel_loop3A_1375 = arith.maxsi %parallel_loop3A_1372, %parallel_loop3A_1374 : vector<16xi32>
      %parallel_loop3A_1376 = arith.sitofp %parallel_loop3A_1375 : vector<16xi32> to vector<16xf32>
      %parallel_loop3A_1377 = vector.bitcast %parallel_loop3A_1376 : vector<16xf32> to vector<16xi32>
      %parallel_loop3A_1378 = arith.constant 23 : i32
      %parallel_loop3A_1379 = vector.broadcast %parallel_loop3A_1378 : i32 to vector<16xi32>
      %parallel_loop3A_1380 = arith.shrsi %parallel_loop3A_1377, %parallel_loop3A_1379 : vector<16xi32>
      %parallel_loop3A_1381 = arith.constant 127 : i32
      %parallel_loop3A_1382 = vector.broadcast %parallel_loop3A_1381 : i32 to vector<16xi32>
      %parallel_loop3A_1383 = arith.subi %parallel_loop3A_1380, %parallel_loop3A_1382 : vector<16xi32>
      %parallel_loop3A_1384 = arith.constant 5 : i32
      %parallel_loop3A_1385 = vector.broadcast %parallel_loop3A_1384 : i32 to vector<16xi32>
      %parallel_loop3A_1386 = arith.cmpi slt, %parallel_loop3A_1375, %parallel_loop3A_1385 : vector<16xi32>
      %parallel_loop3A_1387 = arith.constant 1 : i32
      %parallel_loop3A_1388 = vector.broadcast %parallel_loop3A_1387 : i32 to vector<16xi32>
      %parallel_loop3A_1389 = arith.subi %parallel_loop3A_1375, %parallel_loop3A_1388 : vector<16xi32>
      %parallel_loop3A_1390 = arith.constant 6 : i32
      %parallel_loop3A_1391 = vector.broadcast %parallel_loop3A_1390 : i32 to vector<16xi32>
      %parallel_loop3A_1392 = arith.minsi %parallel_loop3A_1383, %parallel_loop3A_1391 : vector<16xi32>
      %parallel_loop3A_1393 = arith.constant 2 : i32
      %parallel_loop3A_1394 = vector.broadcast %parallel_loop3A_1393 : i32 to vector<16xi32>
      %parallel_loop3A_1395 = arith.addi %parallel_loop3A_1392, %parallel_loop3A_1394 : vector<16xi32>
      %parallel_loop3A_1396 = arith.select %parallel_loop3A_1386, %parallel_loop3A_1389, %parallel_loop3A_1395 : vector<16xi1>, vector<16xi32>
      %parallel_loop3A_1397 = arith.cmpi eq, %parallel_loop3A_1371, %parallel_loop3A_10 : vector<16xi32>
      %parallel_loop3A_1398 = arith.constant 9 : i32
      %parallel_loop3A_1399 = arith.constant 0 : i32
      %parallel_loop3A_1400 = vector.broadcast %parallel_loop3A_1398 : i32 to vector<16xi32>
      %parallel_loop3A_1401 = vector.broadcast %parallel_loop3A_1399 : i32 to vector<16xi32>
      %parallel_loop3A_1402 = arith.select %parallel_loop3A_1397, %parallel_loop3A_1400, %parallel_loop3A_1401 : vector<16xi1>, vector<16xi32>
      %parallel_loop3A_1403 = arith.addi %parallel_loop3A_1396, %parallel_loop3A_1402 : vector<16xi32>
      %parallel_loop3A_1404 = arith.constant 33 : i32
      %parallel_loop3A_1405 = arith.index_cast %parallel_loop3A_1404 : i32 to index
      %parallel_loop3A_1406 = arith.index_cast %parallel_loop3A_7 : i32 to index
      %parallel_loop3A_1407 = tpu.vector_load %arg7[%parallel_loop3A_1405, %parallel_loop3A_1406] {strides = array<i32>} : memref<64x256xi32, #tpu.memory_space<vmem>>, vector<16xi32>,
      tpu.vector_store %arg7[%parallel_loop3A_1405, %parallel_loop3A_1406], %parallel_loop3A_1403 {strides = array<i32>} : memref<64x256xi32, #tpu.memory_space<vmem>>, vector<16xi32>,
      %parallel_loop3A_1408 = arith.constant 34 : i32
      %parallel_loop3A_1409 = arith.index_cast %parallel_loop3A_1408 : i32 to index
      %parallel_loop3A_1410 = arith.index_cast %parallel_loop3A_7 : i32 to index
      %parallel_loop3A_1411 = tpu.vector_load %arg6[%parallel_loop3A_1409, %parallel_loop3A_1410] {strides = array<i32>} : memref<64x256xi32, #tpu.memory_space<vmem>>, vector<16xi32>,
      %parallel_loop3A_1412 = tpu.vector_load_idx %arg5[%parallel_loop3A_1411] : memref<8192xi32, #tpu.memory_space<vmem>>[vector<16xi32>], vector<16xi32>,
      %parallel_loop3A_1413 = arith.subi %parallel_loop3A_13, %parallel_loop3A_1411 : vector<16xi32>
      %parallel_loop3A_1414 = arith.constant 1 : i32
      %parallel_loop3A_1415 = vector.broadcast %parallel_loop3A_1414 : i32 to vector<16xi32>
      %parallel_loop3A_1416 = arith.maxsi %parallel_loop3A_1413, %parallel_loop3A_1415 : vector<16xi32>
      %parallel_loop3A_1417 = arith.sitofp %parallel_loop3A_1416 : vector<16xi32> to vector<16xf32>
      %parallel_loop3A_1418 = vector.bitcast %parallel_loop3A_1417 : vector<16xf32> to vector<16xi32>
      %parallel_loop3A_1419 = arith.constant 23 : i32
      %parallel_loop3A_1420 = vector.broadcast %parallel_loop3A_1419 : i32 to vector<16xi32>
      %parallel_loop3A_1421 = arith.shrsi %parallel_loop3A_1418, %parallel_loop3A_1420 : vector<16xi32>
      %parallel_loop3A_1422 = arith.constant 127 : i32
      %parallel_loop3A_1423 = vector.broadcast %parallel_loop3A_1422 : i32 to vector<16xi32>
      %parallel_loop3A_1424 = arith.subi %parallel_loop3A_1421, %parallel_loop3A_1423 : vector<16xi32>
      %parallel_loop3A_1425 = arith.constant 5 : i32
      %parallel_loop3A_1426 = vector.broadcast %parallel_loop3A_1425 : i32 to vector<16xi32>
      %parallel_loop3A_1427 = arith.cmpi slt, %parallel_loop3A_1416, %parallel_loop3A_1426 : vector<16xi32>
      %parallel_loop3A_1428 = arith.constant 1 : i32
      %parallel_loop3A_1429 = vector.broadcast %parallel_loop3A_1428 : i32 to vector<16xi32>
      %parallel_loop3A_1430 = arith.subi %parallel_loop3A_1416, %parallel_loop3A_1429 : vector<16xi32>
      %parallel_loop3A_1431 = arith.constant 6 : i32
      %parallel_loop3A_1432 = vector.broadcast %parallel_loop3A_1431 : i32 to vector<16xi32>
      %parallel_loop3A_1433 = arith.minsi %parallel_loop3A_1424, %parallel_loop3A_1432 : vector<16xi32>
      %parallel_loop3A_1434 = arith.constant 2 : i32
      %parallel_loop3A_1435 = vector.broadcast %parallel_loop3A_1434 : i32 to vector<16xi32>
      %parallel_loop3A_1436 = arith.addi %parallel_loop3A_1433, %parallel_loop3A_1435 : vector<16xi32>
      %parallel_loop3A_1437 = arith.select %parallel_loop3A_1427, %parallel_loop3A_1430, %parallel_loop3A_1436 : vector<16xi1>, vector<16xi32>
      %parallel_loop3A_1438 = arith.cmpi eq, %parallel_loop3A_1412, %parallel_loop3A_10 : vector<16xi32>
      %parallel_loop3A_1439 = arith.constant 9 : i32
      %parallel_loop3A_1440 = arith.constant 0 : i32
      %parallel_loop3A_1441 = vector.broadcast %parallel_loop3A_1439 : i32 to vector<16xi32>
      %parallel_loop3A_1442 = vector.broadcast %parallel_loop3A_1440 : i32 to vector<16xi32>
      %parallel_loop3A_1443 = arith.select %parallel_loop3A_1438, %parallel_loop3A_1441, %parallel_loop3A_1442 : vector<16xi1>, vector<16xi32>
      %parallel_loop3A_1444 = arith.addi %parallel_loop3A_1437, %parallel_loop3A_1443 : vector<16xi32>
      %parallel_loop3A_1445 = arith.constant 34 : i32
      %parallel_loop3A_1446 = arith.index_cast %parallel_loop3A_1445 : i32 to index
      %parallel_loop3A_1447 = arith.index_cast %parallel_loop3A_7 : i32 to index
      %parallel_loop3A_1448 = tpu.vector_load %arg7[%parallel_loop3A_1446, %parallel_loop3A_1447] {strides = array<i32>} : memref<64x256xi32, #tpu.memory_space<vmem>>, vector<16xi32>,
      tpu.vector_store %arg7[%parallel_loop3A_1446, %parallel_loop3A_1447], %parallel_loop3A_1444 {strides = array<i32>} : memref<64x256xi32, #tpu.memory_space<vmem>>, vector<16xi32>,
      %parallel_loop3A_1449 = arith.constant 35 : i32
      %parallel_loop3A_1450 = arith.index_cast %parallel_loop3A_1449 : i32 to index
      %parallel_loop3A_1451 = arith.index_cast %parallel_loop3A_7 : i32 to index
      %parallel_loop3A_1452 = tpu.vector_load %arg6[%parallel_loop3A_1450, %parallel_loop3A_1451] {strides = array<i32>} : memref<64x256xi32, #tpu.memory_space<vmem>>, vector<16xi32>,
      %parallel_loop3A_1453 = tpu.vector_load_idx %arg5[%parallel_loop3A_1452] : memref<8192xi32, #tpu.memory_space<vmem>>[vector<16xi32>], vector<16xi32>,
      %parallel_loop3A_1454 = arith.subi %parallel_loop3A_13, %parallel_loop3A_1452 : vector<16xi32>
      %parallel_loop3A_1455 = arith.constant 1 : i32
      %parallel_loop3A_1456 = vector.broadcast %parallel_loop3A_1455 : i32 to vector<16xi32>
      %parallel_loop3A_1457 = arith.maxsi %parallel_loop3A_1454, %parallel_loop3A_1456 : vector<16xi32>
      %parallel_loop3A_1458 = arith.sitofp %parallel_loop3A_1457 : vector<16xi32> to vector<16xf32>
      %parallel_loop3A_1459 = vector.bitcast %parallel_loop3A_1458 : vector<16xf32> to vector<16xi32>
      %parallel_loop3A_1460 = arith.constant 23 : i32
      %parallel_loop3A_1461 = vector.broadcast %parallel_loop3A_1460 : i32 to vector<16xi32>
      %parallel_loop3A_1462 = arith.shrsi %parallel_loop3A_1459, %parallel_loop3A_1461 : vector<16xi32>
      %parallel_loop3A_1463 = arith.constant 127 : i32
      %parallel_loop3A_1464 = vector.broadcast %parallel_loop3A_1463 : i32 to vector<16xi32>
      %parallel_loop3A_1465 = arith.subi %parallel_loop3A_1462, %parallel_loop3A_1464 : vector<16xi32>
      %parallel_loop3A_1466 = arith.constant 5 : i32
      %parallel_loop3A_1467 = vector.broadcast %parallel_loop3A_1466 : i32 to vector<16xi32>
      %parallel_loop3A_1468 = arith.cmpi slt, %parallel_loop3A_1457, %parallel_loop3A_1467 : vector<16xi32>
      %parallel_loop3A_1469 = arith.constant 1 : i32
      %parallel_loop3A_1470 = vector.broadcast %parallel_loop3A_1469 : i32 to vector<16xi32>
      %parallel_loop3A_1471 = arith.subi %parallel_loop3A_1457, %parallel_loop3A_1470 : vector<16xi32>
      %parallel_loop3A_1472 = arith.constant 6 : i32
      %parallel_loop3A_1473 = vector.broadcast %parallel_loop3A_1472 : i32 to vector<16xi32>
      %parallel_loop3A_1474 = arith.minsi %parallel_loop3A_1465, %parallel_loop3A_1473 : vector<16xi32>
      %parallel_loop3A_1475 = arith.constant 2 : i32
      %parallel_loop3A_1476 = vector.broadcast %parallel_loop3A_1475 : i32 to vector<16xi32>
      %parallel_loop3A_1477 = arith.addi %parallel_loop3A_1474, %parallel_loop3A_1476 : vector<16xi32>
      %parallel_loop3A_1478 = arith.select %parallel_loop3A_1468, %parallel_loop3A_1471, %parallel_loop3A_1477 : vector<16xi1>, vector<16xi32>
      %parallel_loop3A_1479 = arith.cmpi eq, %parallel_loop3A_1453, %parallel_loop3A_10 : vector<16xi32>
      %parallel_loop3A_1480 = arith.constant 9 : i32
      %parallel_loop3A_1481 = arith.constant 0 : i32
      %parallel_loop3A_1482 = vector.broadcast %parallel_loop3A_1480 : i32 to vector<16xi32>
      %parallel_loop3A_1483 = vector.broadcast %parallel_loop3A_1481 : i32 to vector<16xi32>
      %parallel_loop3A_1484 = arith.select %parallel_loop3A_1479, %parallel_loop3A_1482, %parallel_loop3A_1483 : vector<16xi1>, vector<16xi32>
      %parallel_loop3A_1485 = arith.addi %parallel_loop3A_1478, %parallel_loop3A_1484 : vector<16xi32>
      %parallel_loop3A_1486 = arith.constant 35 : i32
      %parallel_loop3A_1487 = arith.index_cast %parallel_loop3A_1486 : i32 to index
      %parallel_loop3A_1488 = arith.index_cast %parallel_loop3A_7 : i32 to index
      %parallel_loop3A_1489 = tpu.vector_load %arg7[%parallel_loop3A_1487, %parallel_loop3A_1488] {strides = array<i32>} : memref<64x256xi32, #tpu.memory_space<vmem>>, vector<16xi32>,
      tpu.vector_store %arg7[%parallel_loop3A_1487, %parallel_loop3A_1488], %parallel_loop3A_1485 {strides = array<i32>} : memref<64x256xi32, #tpu.memory_space<vmem>>, vector<16xi32>,
      %parallel_loop3A_1490 = arith.constant 36 : i32
      %parallel_loop3A_1491 = arith.index_cast %parallel_loop3A_1490 : i32 to index
      %parallel_loop3A_1492 = arith.index_cast %parallel_loop3A_7 : i32 to index
      %parallel_loop3A_1493 = tpu.vector_load %arg6[%parallel_loop3A_1491, %parallel_loop3A_1492] {strides = array<i32>} : memref<64x256xi32, #tpu.memory_space<vmem>>, vector<16xi32>,
      %parallel_loop3A_1494 = tpu.vector_load_idx %arg5[%parallel_loop3A_1493] : memref<8192xi32, #tpu.memory_space<vmem>>[vector<16xi32>], vector<16xi32>,
      %parallel_loop3A_1495 = arith.subi %parallel_loop3A_13, %parallel_loop3A_1493 : vector<16xi32>
      %parallel_loop3A_1496 = arith.constant 1 : i32
      %parallel_loop3A_1497 = vector.broadcast %parallel_loop3A_1496 : i32 to vector<16xi32>
      %parallel_loop3A_1498 = arith.maxsi %parallel_loop3A_1495, %parallel_loop3A_1497 : vector<16xi32>
      %parallel_loop3A_1499 = arith.sitofp %parallel_loop3A_1498 : vector<16xi32> to vector<16xf32>
      %parallel_loop3A_1500 = vector.bitcast %parallel_loop3A_1499 : vector<16xf32> to vector<16xi32>
      %parallel_loop3A_1501 = arith.constant 23 : i32
      %parallel_loop3A_1502 = vector.broadcast %parallel_loop3A_1501 : i32 to vector<16xi32>
      %parallel_loop3A_1503 = arith.shrsi %parallel_loop3A_1500, %parallel_loop3A_1502 : vector<16xi32>
      %parallel_loop3A_1504 = arith.constant 127 : i32
      %parallel_loop3A_1505 = vector.broadcast %parallel_loop3A_1504 : i32 to vector<16xi32>
      %parallel_loop3A_1506 = arith.subi %parallel_loop3A_1503, %parallel_loop3A_1505 : vector<16xi32>
      %parallel_loop3A_1507 = arith.constant 5 : i32
      %parallel_loop3A_1508 = vector.broadcast %parallel_loop3A_1507 : i32 to vector<16xi32>
      %parallel_loop3A_1509 = arith.cmpi slt, %parallel_loop3A_1498, %parallel_loop3A_1508 : vector<16xi32>
      %parallel_loop3A_1510 = arith.constant 1 : i32
      %parallel_loop3A_1511 = vector.broadcast %parallel_loop3A_1510 : i32 to vector<16xi32>
      %parallel_loop3A_1512 = arith.subi %parallel_loop3A_1498, %parallel_loop3A_1511 : vector<16xi32>
      %parallel_loop3A_1513 = arith.constant 6 : i32
      %parallel_loop3A_1514 = vector.broadcast %parallel_loop3A_1513 : i32 to vector<16xi32>
      %parallel_loop3A_1515 = arith.minsi %parallel_loop3A_1506, %parallel_loop3A_1514 : vector<16xi32>
      %parallel_loop3A_1516 = arith.constant 2 : i32
      %parallel_loop3A_1517 = vector.broadcast %parallel_loop3A_1516 : i32 to vector<16xi32>
      %parallel_loop3A_1518 = arith.addi %parallel_loop3A_1515, %parallel_loop3A_1517 : vector<16xi32>
      %parallel_loop3A_1519 = arith.select %parallel_loop3A_1509, %parallel_loop3A_1512, %parallel_loop3A_1518 : vector<16xi1>, vector<16xi32>
      %parallel_loop3A_1520 = arith.cmpi eq, %parallel_loop3A_1494, %parallel_loop3A_10 : vector<16xi32>
      %parallel_loop3A_1521 = arith.constant 9 : i32
      %parallel_loop3A_1522 = arith.constant 0 : i32
      %parallel_loop3A_1523 = vector.broadcast %parallel_loop3A_1521 : i32 to vector<16xi32>
      %parallel_loop3A_1524 = vector.broadcast %parallel_loop3A_1522 : i32 to vector<16xi32>
      %parallel_loop3A_1525 = arith.select %parallel_loop3A_1520, %parallel_loop3A_1523, %parallel_loop3A_1524 : vector<16xi1>, vector<16xi32>
      %parallel_loop3A_1526 = arith.addi %parallel_loop3A_1519, %parallel_loop3A_1525 : vector<16xi32>
      %parallel_loop3A_1527 = arith.constant 36 : i32
      %parallel_loop3A_1528 = arith.index_cast %parallel_loop3A_1527 : i32 to index
      %parallel_loop3A_1529 = arith.index_cast %parallel_loop3A_7 : i32 to index
      %parallel_loop3A_1530 = tpu.vector_load %arg7[%parallel_loop3A_1528, %parallel_loop3A_1529] {strides = array<i32>} : memref<64x256xi32, #tpu.memory_space<vmem>>, vector<16xi32>,
      tpu.vector_store %arg7[%parallel_loop3A_1528, %parallel_loop3A_1529], %parallel_loop3A_1526 {strides = array<i32>} : memref<64x256xi32, #tpu.memory_space<vmem>>, vector<16xi32>,
      %parallel_loop3A_1531 = arith.constant 37 : i32
      %parallel_loop3A_1532 = arith.index_cast %parallel_loop3A_1531 : i32 to index
      %parallel_loop3A_1533 = arith.index_cast %parallel_loop3A_7 : i32 to index
      %parallel_loop3A_1534 = tpu.vector_load %arg6[%parallel_loop3A_1532, %parallel_loop3A_1533] {strides = array<i32>} : memref<64x256xi32, #tpu.memory_space<vmem>>, vector<16xi32>,
      %parallel_loop3A_1535 = tpu.vector_load_idx %arg5[%parallel_loop3A_1534] : memref<8192xi32, #tpu.memory_space<vmem>>[vector<16xi32>], vector<16xi32>,
      %parallel_loop3A_1536 = arith.subi %parallel_loop3A_13, %parallel_loop3A_1534 : vector<16xi32>
      %parallel_loop3A_1537 = arith.constant 1 : i32
      %parallel_loop3A_1538 = vector.broadcast %parallel_loop3A_1537 : i32 to vector<16xi32>
      %parallel_loop3A_1539 = arith.maxsi %parallel_loop3A_1536, %parallel_loop3A_1538 : vector<16xi32>
      %parallel_loop3A_1540 = arith.sitofp %parallel_loop3A_1539 : vector<16xi32> to vector<16xf32>
      %parallel_loop3A_1541 = vector.bitcast %parallel_loop3A_1540 : vector<16xf32> to vector<16xi32>
      %parallel_loop3A_1542 = arith.constant 23 : i32
      %parallel_loop3A_1543 = vector.broadcast %parallel_loop3A_1542 : i32 to vector<16xi32>
      %parallel_loop3A_1544 = arith.shrsi %parallel_loop3A_1541, %parallel_loop3A_1543 : vector<16xi32>
      %parallel_loop3A_1545 = arith.constant 127 : i32
      %parallel_loop3A_1546 = vector.broadcast %parallel_loop3A_1545 : i32 to vector<16xi32>
      %parallel_loop3A_1547 = arith.subi %parallel_loop3A_1544, %parallel_loop3A_1546 : vector<16xi32>
      %parallel_loop3A_1548 = arith.constant 5 : i32
      %parallel_loop3A_1549 = vector.broadcast %parallel_loop3A_1548 : i32 to vector<16xi32>
      %parallel_loop3A_1550 = arith.cmpi slt, %parallel_loop3A_1539, %parallel_loop3A_1549 : vector<16xi32>
      %parallel_loop3A_1551 = arith.constant 1 : i32
      %parallel_loop3A_1552 = vector.broadcast %parallel_loop3A_1551 : i32 to vector<16xi32>
      %parallel_loop3A_1553 = arith.subi %parallel_loop3A_1539, %parallel_loop3A_1552 : vector<16xi32>
      %parallel_loop3A_1554 = arith.constant 6 : i32
      %parallel_loop3A_1555 = vector.broadcast %parallel_loop3A_1554 : i32 to vector<16xi32>
      %parallel_loop3A_1556 = arith.minsi %parallel_loop3A_1547, %parallel_loop3A_1555 : vector<16xi32>
      %parallel_loop3A_1557 = arith.constant 2 : i32
      %parallel_loop3A_1558 = vector.broadcast %parallel_loop3A_1557 : i32 to vector<16xi32>
      %parallel_loop3A_1559 = arith.addi %parallel_loop3A_1556, %parallel_loop3A_1558 : vector<16xi32>
      %parallel_loop3A_1560 = arith.select %parallel_loop3A_1550, %parallel_loop3A_1553, %parallel_loop3A_1559 : vector<16xi1>, vector<16xi32>
      %parallel_loop3A_1561 = arith.cmpi eq, %parallel_loop3A_1535, %parallel_loop3A_10 : vector<16xi32>
      %parallel_loop3A_1562 = arith.constant 9 : i32
      %parallel_loop3A_1563 = arith.constant 0 : i32
      %parallel_loop3A_1564 = vector.broadcast %parallel_loop3A_1562 : i32 to vector<16xi32>
      %parallel_loop3A_1565 = vector.broadcast %parallel_loop3A_1563 : i32 to vector<16xi32>
      %parallel_loop3A_1566 = arith.select %parallel_loop3A_1561, %parallel_loop3A_1564, %parallel_loop3A_1565 : vector<16xi1>, vector<16xi32>
      %parallel_loop3A_1567 = arith.addi %parallel_loop3A_1560, %parallel_loop3A_1566 : vector<16xi32>
      %parallel_loop3A_1568 = arith.constant 37 : i32
      %parallel_loop3A_1569 = arith.index_cast %parallel_loop3A_1568 : i32 to index
      %parallel_loop3A_1570 = arith.index_cast %parallel_loop3A_7 : i32 to index
      %parallel_loop3A_1571 = tpu.vector_load %arg7[%parallel_loop3A_1569, %parallel_loop3A_1570] {strides = array<i32>} : memref<64x256xi32, #tpu.memory_space<vmem>>, vector<16xi32>,
      tpu.vector_store %arg7[%parallel_loop3A_1569, %parallel_loop3A_1570], %parallel_loop3A_1567 {strides = array<i32>} : memref<64x256xi32, #tpu.memory_space<vmem>>, vector<16xi32>,
      %parallel_loop3A_1572 = arith.constant 38 : i32
      %parallel_loop3A_1573 = arith.index_cast %parallel_loop3A_1572 : i32 to index
      %parallel_loop3A_1574 = arith.index_cast %parallel_loop3A_7 : i32 to index
      %parallel_loop3A_1575 = tpu.vector_load %arg6[%parallel_loop3A_1573, %parallel_loop3A_1574] {strides = array<i32>} : memref<64x256xi32, #tpu.memory_space<vmem>>, vector<16xi32>,
      %parallel_loop3A_1576 = tpu.vector_load_idx %arg5[%parallel_loop3A_1575] : memref<8192xi32, #tpu.memory_space<vmem>>[vector<16xi32>], vector<16xi32>,
      %parallel_loop3A_1577 = arith.subi %parallel_loop3A_13, %parallel_loop3A_1575 : vector<16xi32>
      %parallel_loop3A_1578 = arith.constant 1 : i32
      %parallel_loop3A_1579 = vector.broadcast %parallel_loop3A_1578 : i32 to vector<16xi32>
      %parallel_loop3A_1580 = arith.maxsi %parallel_loop3A_1577, %parallel_loop3A_1579 : vector<16xi32>
      %parallel_loop3A_1581 = arith.sitofp %parallel_loop3A_1580 : vector<16xi32> to vector<16xf32>
      %parallel_loop3A_1582 = vector.bitcast %parallel_loop3A_1581 : vector<16xf32> to vector<16xi32>
      %parallel_loop3A_1583 = arith.constant 23 : i32
      %parallel_loop3A_1584 = vector.broadcast %parallel_loop3A_1583 : i32 to vector<16xi32>
      %parallel_loop3A_1585 = arith.shrsi %parallel_loop3A_1582, %parallel_loop3A_1584 : vector<16xi32>
      %parallel_loop3A_1586 = arith.constant 127 : i32
      %parallel_loop3A_1587 = vector.broadcast %parallel_loop3A_1586 : i32 to vector<16xi32>
      %parallel_loop3A_1588 = arith.subi %parallel_loop3A_1585, %parallel_loop3A_1587 : vector<16xi32>
      %parallel_loop3A_1589 = arith.constant 5 : i32
      %parallel_loop3A_1590 = vector.broadcast %parallel_loop3A_1589 : i32 to vector<16xi32>
      %parallel_loop3A_1591 = arith.cmpi slt, %parallel_loop3A_1580, %parallel_loop3A_1590 : vector<16xi32>
      %parallel_loop3A_1592 = arith.constant 1 : i32
      %parallel_loop3A_1593 = vector.broadcast %parallel_loop3A_1592 : i32 to vector<16xi32>
      %parallel_loop3A_1594 = arith.subi %parallel_loop3A_1580, %parallel_loop3A_1593 : vector<16xi32>
      %parallel_loop3A_1595 = arith.constant 6 : i32
      %parallel_loop3A_1596 = vector.broadcast %parallel_loop3A_1595 : i32 to vector<16xi32>
      %parallel_loop3A_1597 = arith.minsi %parallel_loop3A_1588, %parallel_loop3A_1596 : vector<16xi32>
      %parallel_loop3A_1598 = arith.constant 2 : i32
      %parallel_loop3A_1599 = vector.broadcast %parallel_loop3A_1598 : i32 to vector<16xi32>
      %parallel_loop3A_1600 = arith.addi %parallel_loop3A_1597, %parallel_loop3A_1599 : vector<16xi32>
      %parallel_loop3A_1601 = arith.select %parallel_loop3A_1591, %parallel_loop3A_1594, %parallel_loop3A_1600 : vector<16xi1>, vector<16xi32>
      %parallel_loop3A_1602 = arith.cmpi eq, %parallel_loop3A_1576, %parallel_loop3A_10 : vector<16xi32>
      %parallel_loop3A_1603 = arith.constant 9 : i32
      %parallel_loop3A_1604 = arith.constant 0 : i32
      %parallel_loop3A_1605 = vector.broadcast %parallel_loop3A_1603 : i32 to vector<16xi32>
      %parallel_loop3A_1606 = vector.broadcast %parallel_loop3A_1604 : i32 to vector<16xi32>
      %parallel_loop3A_1607 = arith.select %parallel_loop3A_1602, %parallel_loop3A_1605, %parallel_loop3A_1606 : vector<16xi1>, vector<16xi32>
      %parallel_loop3A_1608 = arith.addi %parallel_loop3A_1601, %parallel_loop3A_1607 : vector<16xi32>
      %parallel_loop3A_1609 = arith.constant 38 : i32
      %parallel_loop3A_1610 = arith.index_cast %parallel_loop3A_1609 : i32 to index
      %parallel_loop3A_1611 = arith.index_cast %parallel_loop3A_7 : i32 to index
      %parallel_loop3A_1612 = tpu.vector_load %arg7[%parallel_loop3A_1610, %parallel_loop3A_1611] {strides = array<i32>} : memref<64x256xi32, #tpu.memory_space<vmem>>, vector<16xi32>,
      tpu.vector_store %arg7[%parallel_loop3A_1610, %parallel_loop3A_1611], %parallel_loop3A_1608 {strides = array<i32>} : memref<64x256xi32, #tpu.memory_space<vmem>>, vector<16xi32>,
      %parallel_loop3A_1613 = arith.constant 39 : i32
      %parallel_loop3A_1614 = arith.index_cast %parallel_loop3A_1613 : i32 to index
      %parallel_loop3A_1615 = arith.index_cast %parallel_loop3A_7 : i32 to index
      %parallel_loop3A_1616 = tpu.vector_load %arg6[%parallel_loop3A_1614, %parallel_loop3A_1615] {strides = array<i32>} : memref<64x256xi32, #tpu.memory_space<vmem>>, vector<16xi32>,
      %parallel_loop3A_1617 = tpu.vector_load_idx %arg5[%parallel_loop3A_1616] : memref<8192xi32, #tpu.memory_space<vmem>>[vector<16xi32>], vector<16xi32>,
      %parallel_loop3A_1618 = arith.subi %parallel_loop3A_13, %parallel_loop3A_1616 : vector<16xi32>
      %parallel_loop3A_1619 = arith.constant 1 : i32
      %parallel_loop3A_1620 = vector.broadcast %parallel_loop3A_1619 : i32 to vector<16xi32>
      %parallel_loop3A_1621 = arith.maxsi %parallel_loop3A_1618, %parallel_loop3A_1620 : vector<16xi32>
      %parallel_loop3A_1622 = arith.sitofp %parallel_loop3A_1621 : vector<16xi32> to vector<16xf32>
      %parallel_loop3A_1623 = vector.bitcast %parallel_loop3A_1622 : vector<16xf32> to vector<16xi32>
      %parallel_loop3A_1624 = arith.constant 23 : i32
      %parallel_loop3A_1625 = vector.broadcast %parallel_loop3A_1624 : i32 to vector<16xi32>
      %parallel_loop3A_1626 = arith.shrsi %parallel_loop3A_1623, %parallel_loop3A_1625 : vector<16xi32>
      %parallel_loop3A_1627 = arith.constant 127 : i32
      %parallel_loop3A_1628 = vector.broadcast %parallel_loop3A_1627 : i32 to vector<16xi32>
      %parallel_loop3A_1629 = arith.subi %parallel_loop3A_1626, %parallel_loop3A_1628 : vector<16xi32>
      %parallel_loop3A_1630 = arith.constant 5 : i32
      %parallel_loop3A_1631 = vector.broadcast %parallel_loop3A_1630 : i32 to vector<16xi32>
      %parallel_loop3A_1632 = arith.cmpi slt, %parallel_loop3A_1621, %parallel_loop3A_1631 : vector<16xi32>
      %parallel_loop3A_1633 = arith.constant 1 : i32
      %parallel_loop3A_1634 = vector.broadcast %parallel_loop3A_1633 : i32 to vector<16xi32>
      %parallel_loop3A_1635 = arith.subi %parallel_loop3A_1621, %parallel_loop3A_1634 : vector<16xi32>
      %parallel_loop3A_1636 = arith.constant 6 : i32
      %parallel_loop3A_1637 = vector.broadcast %parallel_loop3A_1636 : i32 to vector<16xi32>
      %parallel_loop3A_1638 = arith.minsi %parallel_loop3A_1629, %parallel_loop3A_1637 : vector<16xi32>
      %parallel_loop3A_1639 = arith.constant 2 : i32
      %parallel_loop3A_1640 = vector.broadcast %parallel_loop3A_1639 : i32 to vector<16xi32>
      %parallel_loop3A_1641 = arith.addi %parallel_loop3A_1638, %parallel_loop3A_1640 : vector<16xi32>
      %parallel_loop3A_1642 = arith.select %parallel_loop3A_1632, %parallel_loop3A_1635, %parallel_loop3A_1641 : vector<16xi1>, vector<16xi32>
      %parallel_loop3A_1643 = arith.cmpi eq, %parallel_loop3A_1617, %parallel_loop3A_10 : vector<16xi32>
      %parallel_loop3A_1644 = arith.constant 9 : i32
      %parallel_loop3A_1645 = arith.constant 0 : i32
      %parallel_loop3A_1646 = vector.broadcast %parallel_loop3A_1644 : i32 to vector<16xi32>
      %parallel_loop3A_1647 = vector.broadcast %parallel_loop3A_1645 : i32 to vector<16xi32>
      %parallel_loop3A_1648 = arith.select %parallel_loop3A_1643, %parallel_loop3A_1646, %parallel_loop3A_1647 : vector<16xi1>, vector<16xi32>
      %parallel_loop3A_1649 = arith.addi %parallel_loop3A_1642, %parallel_loop3A_1648 : vector<16xi32>
      %parallel_loop3A_1650 = arith.constant 39 : i32
      %parallel_loop3A_1651 = arith.index_cast %parallel_loop3A_1650 : i32 to index
      %parallel_loop3A_1652 = arith.index_cast %parallel_loop3A_7 : i32 to index
      %parallel_loop3A_1653 = tpu.vector_load %arg7[%parallel_loop3A_1651, %parallel_loop3A_1652] {strides = array<i32>} : memref<64x256xi32, #tpu.memory_space<vmem>>, vector<16xi32>,
      tpu.vector_store %arg7[%parallel_loop3A_1651, %parallel_loop3A_1652], %parallel_loop3A_1649 {strides = array<i32>} : memref<64x256xi32, #tpu.memory_space<vmem>>, vector<16xi32>,
      %parallel_loop3A_1654 = arith.constant 40 : i32
      %parallel_loop3A_1655 = arith.index_cast %parallel_loop3A_1654 : i32 to index
      %parallel_loop3A_1656 = arith.index_cast %parallel_loop3A_7 : i32 to index
      %parallel_loop3A_1657 = tpu.vector_load %arg6[%parallel_loop3A_1655, %parallel_loop3A_1656] {strides = array<i32>} : memref<64x256xi32, #tpu.memory_space<vmem>>, vector<16xi32>,
      %parallel_loop3A_1658 = tpu.vector_load_idx %arg5[%parallel_loop3A_1657] : memref<8192xi32, #tpu.memory_space<vmem>>[vector<16xi32>], vector<16xi32>,
      %parallel_loop3A_1659 = arith.subi %parallel_loop3A_13, %parallel_loop3A_1657 : vector<16xi32>
      %parallel_loop3A_1660 = arith.constant 1 : i32
      %parallel_loop3A_1661 = vector.broadcast %parallel_loop3A_1660 : i32 to vector<16xi32>
      %parallel_loop3A_1662 = arith.maxsi %parallel_loop3A_1659, %parallel_loop3A_1661 : vector<16xi32>
      %parallel_loop3A_1663 = arith.sitofp %parallel_loop3A_1662 : vector<16xi32> to vector<16xf32>
      %parallel_loop3A_1664 = vector.bitcast %parallel_loop3A_1663 : vector<16xf32> to vector<16xi32>
      %parallel_loop3A_1665 = arith.constant 23 : i32
      %parallel_loop3A_1666 = vector.broadcast %parallel_loop3A_1665 : i32 to vector<16xi32>
      %parallel_loop3A_1667 = arith.shrsi %parallel_loop3A_1664, %parallel_loop3A_1666 : vector<16xi32>
      %parallel_loop3A_1668 = arith.constant 127 : i32
      %parallel_loop3A_1669 = vector.broadcast %parallel_loop3A_1668 : i32 to vector<16xi32>
      %parallel_loop3A_1670 = arith.subi %parallel_loop3A_1667, %parallel_loop3A_1669 : vector<16xi32>
      %parallel_loop3A_1671 = arith.constant 5 : i32
      %parallel_loop3A_1672 = vector.broadcast %parallel_loop3A_1671 : i32 to vector<16xi32>
      %parallel_loop3A_1673 = arith.cmpi slt, %parallel_loop3A_1662, %parallel_loop3A_1672 : vector<16xi32>
      %parallel_loop3A_1674 = arith.constant 1 : i32
      %parallel_loop3A_1675 = vector.broadcast %parallel_loop3A_1674 : i32 to vector<16xi32>
      %parallel_loop3A_1676 = arith.subi %parallel_loop3A_1662, %parallel_loop3A_1675 : vector<16xi32>
      %parallel_loop3A_1677 = arith.constant 6 : i32
      %parallel_loop3A_1678 = vector.broadcast %parallel_loop3A_1677 : i32 to vector<16xi32>
      %parallel_loop3A_1679 = arith.minsi %parallel_loop3A_1670, %parallel_loop3A_1678 : vector<16xi32>
      %parallel_loop3A_1680 = arith.constant 2 : i32
      %parallel_loop3A_1681 = vector.broadcast %parallel_loop3A_1680 : i32 to vector<16xi32>
      %parallel_loop3A_1682 = arith.addi %parallel_loop3A_1679, %parallel_loop3A_1681 : vector<16xi32>
      %parallel_loop3A_1683 = arith.select %parallel_loop3A_1673, %parallel_loop3A_1676, %parallel_loop3A_1682 : vector<16xi1>, vector<16xi32>
      %parallel_loop3A_1684 = arith.cmpi eq, %parallel_loop3A_1658, %parallel_loop3A_10 : vector<16xi32>
      %parallel_loop3A_1685 = arith.constant 9 : i32
      %parallel_loop3A_1686 = arith.constant 0 : i32
      %parallel_loop3A_1687 = vector.broadcast %parallel_loop3A_1685 : i32 to vector<16xi32>
      %parallel_loop3A_1688 = vector.broadcast %parallel_loop3A_1686 : i32 to vector<16xi32>
      %parallel_loop3A_1689 = arith.select %parallel_loop3A_1684, %parallel_loop3A_1687, %parallel_loop3A_1688 : vector<16xi1>, vector<16xi32>
      %parallel_loop3A_1690 = arith.addi %parallel_loop3A_1683, %parallel_loop3A_1689 : vector<16xi32>
      %parallel_loop3A_1691 = arith.constant 40 : i32
      %parallel_loop3A_1692 = arith.index_cast %parallel_loop3A_1691 : i32 to index
      %parallel_loop3A_1693 = arith.index_cast %parallel_loop3A_7 : i32 to index
      %parallel_loop3A_1694 = tpu.vector_load %arg7[%parallel_loop3A_1692, %parallel_loop3A_1693] {strides = array<i32>} : memref<64x256xi32, #tpu.memory_space<vmem>>, vector<16xi32>,
      tpu.vector_store %arg7[%parallel_loop3A_1692, %parallel_loop3A_1693], %parallel_loop3A_1690 {strides = array<i32>} : memref<64x256xi32, #tpu.memory_space<vmem>>, vector<16xi32>,
      %parallel_loop3A_1695 = arith.constant 41 : i32
      %parallel_loop3A_1696 = arith.index_cast %parallel_loop3A_1695 : i32 to index
      %parallel_loop3A_1697 = arith.index_cast %parallel_loop3A_7 : i32 to index
      %parallel_loop3A_1698 = tpu.vector_load %arg6[%parallel_loop3A_1696, %parallel_loop3A_1697] {strides = array<i32>} : memref<64x256xi32, #tpu.memory_space<vmem>>, vector<16xi32>,
      %parallel_loop3A_1699 = tpu.vector_load_idx %arg5[%parallel_loop3A_1698] : memref<8192xi32, #tpu.memory_space<vmem>>[vector<16xi32>], vector<16xi32>,
      %parallel_loop3A_1700 = arith.subi %parallel_loop3A_13, %parallel_loop3A_1698 : vector<16xi32>
      %parallel_loop3A_1701 = arith.constant 1 : i32
      %parallel_loop3A_1702 = vector.broadcast %parallel_loop3A_1701 : i32 to vector<16xi32>
      %parallel_loop3A_1703 = arith.maxsi %parallel_loop3A_1700, %parallel_loop3A_1702 : vector<16xi32>
      %parallel_loop3A_1704 = arith.sitofp %parallel_loop3A_1703 : vector<16xi32> to vector<16xf32>
      %parallel_loop3A_1705 = vector.bitcast %parallel_loop3A_1704 : vector<16xf32> to vector<16xi32>
      %parallel_loop3A_1706 = arith.constant 23 : i32
      %parallel_loop3A_1707 = vector.broadcast %parallel_loop3A_1706 : i32 to vector<16xi32>
      %parallel_loop3A_1708 = arith.shrsi %parallel_loop3A_1705, %parallel_loop3A_1707 : vector<16xi32>
      %parallel_loop3A_1709 = arith.constant 127 : i32
      %parallel_loop3A_1710 = vector.broadcast %parallel_loop3A_1709 : i32 to vector<16xi32>
      %parallel_loop3A_1711 = arith.subi %parallel_loop3A_1708, %parallel_loop3A_1710 : vector<16xi32>
      %parallel_loop3A_1712 = arith.constant 5 : i32
      %parallel_loop3A_1713 = vector.broadcast %parallel_loop3A_1712 : i32 to vector<16xi32>
      %parallel_loop3A_1714 = arith.cmpi slt, %parallel_loop3A_1703, %parallel_loop3A_1713 : vector<16xi32>
      %parallel_loop3A_1715 = arith.constant 1 : i32
      %parallel_loop3A_1716 = vector.broadcast %parallel_loop3A_1715 : i32 to vector<16xi32>
      %parallel_loop3A_1717 = arith.subi %parallel_loop3A_1703, %parallel_loop3A_1716 : vector<16xi32>
      %parallel_loop3A_1718 = arith.constant 6 : i32
      %parallel_loop3A_1719 = vector.broadcast %parallel_loop3A_1718 : i32 to vector<16xi32>
      %parallel_loop3A_1720 = arith.minsi %parallel_loop3A_1711, %parallel_loop3A_1719 : vector<16xi32>
      %parallel_loop3A_1721 = arith.constant 2 : i32
      %parallel_loop3A_1722 = vector.broadcast %parallel_loop3A_1721 : i32 to vector<16xi32>
      %parallel_loop3A_1723 = arith.addi %parallel_loop3A_1720, %parallel_loop3A_1722 : vector<16xi32>
      %parallel_loop3A_1724 = arith.select %parallel_loop3A_1714, %parallel_loop3A_1717, %parallel_loop3A_1723 : vector<16xi1>, vector<16xi32>
      %parallel_loop3A_1725 = arith.cmpi eq, %parallel_loop3A_1699, %parallel_loop3A_10 : vector<16xi32>
      %parallel_loop3A_1726 = arith.constant 9 : i32
      %parallel_loop3A_1727 = arith.constant 0 : i32
      %parallel_loop3A_1728 = vector.broadcast %parallel_loop3A_1726 : i32 to vector<16xi32>
      %parallel_loop3A_1729 = vector.broadcast %parallel_loop3A_1727 : i32 to vector<16xi32>
      %parallel_loop3A_1730 = arith.select %parallel_loop3A_1725, %parallel_loop3A_1728, %parallel_loop3A_1729 : vector<16xi1>, vector<16xi32>
      %parallel_loop3A_1731 = arith.addi %parallel_loop3A_1724, %parallel_loop3A_1730 : vector<16xi32>
      %parallel_loop3A_1732 = arith.constant 41 : i32
      %parallel_loop3A_1733 = arith.index_cast %parallel_loop3A_1732 : i32 to index
      %parallel_loop3A_1734 = arith.index_cast %parallel_loop3A_7 : i32 to index
      %parallel_loop3A_1735 = tpu.vector_load %arg7[%parallel_loop3A_1733, %parallel_loop3A_1734] {strides = array<i32>} : memref<64x256xi32, #tpu.memory_space<vmem>>, vector<16xi32>,
      tpu.vector_store %arg7[%parallel_loop3A_1733, %parallel_loop3A_1734], %parallel_loop3A_1731 {strides = array<i32>} : memref<64x256xi32, #tpu.memory_space<vmem>>, vector<16xi32>,
      %parallel_loop3A_1736 = arith.constant 42 : i32
      %parallel_loop3A_1737 = arith.index_cast %parallel_loop3A_1736 : i32 to index
      %parallel_loop3A_1738 = arith.index_cast %parallel_loop3A_7 : i32 to index
      %parallel_loop3A_1739 = tpu.vector_load %arg6[%parallel_loop3A_1737, %parallel_loop3A_1738] {strides = array<i32>} : memref<64x256xi32, #tpu.memory_space<vmem>>, vector<16xi32>,
      %parallel_loop3A_1740 = tpu.vector_load_idx %arg5[%parallel_loop3A_1739] : memref<8192xi32, #tpu.memory_space<vmem>>[vector<16xi32>], vector<16xi32>,
      %parallel_loop3A_1741 = arith.subi %parallel_loop3A_13, %parallel_loop3A_1739 : vector<16xi32>
      %parallel_loop3A_1742 = arith.constant 1 : i32
      %parallel_loop3A_1743 = vector.broadcast %parallel_loop3A_1742 : i32 to vector<16xi32>
      %parallel_loop3A_1744 = arith.maxsi %parallel_loop3A_1741, %parallel_loop3A_1743 : vector<16xi32>
      %parallel_loop3A_1745 = arith.sitofp %parallel_loop3A_1744 : vector<16xi32> to vector<16xf32>
      %parallel_loop3A_1746 = vector.bitcast %parallel_loop3A_1745 : vector<16xf32> to vector<16xi32>
      %parallel_loop3A_1747 = arith.constant 23 : i32
      %parallel_loop3A_1748 = vector.broadcast %parallel_loop3A_1747 : i32 to vector<16xi32>
      %parallel_loop3A_1749 = arith.shrsi %parallel_loop3A_1746, %parallel_loop3A_1748 : vector<16xi32>
      %parallel_loop3A_1750 = arith.constant 127 : i32
      %parallel_loop3A_1751 = vector.broadcast %parallel_loop3A_1750 : i32 to vector<16xi32>
      %parallel_loop3A_1752 = arith.subi %parallel_loop3A_1749, %parallel_loop3A_1751 : vector<16xi32>
      %parallel_loop3A_1753 = arith.constant 5 : i32
      %parallel_loop3A_1754 = vector.broadcast %parallel_loop3A_1753 : i32 to vector<16xi32>
      %parallel_loop3A_1755 = arith.cmpi slt, %parallel_loop3A_1744, %parallel_loop3A_1754 : vector<16xi32>
      %parallel_loop3A_1756 = arith.constant 1 : i32
      %parallel_loop3A_1757 = vector.broadcast %parallel_loop3A_1756 : i32 to vector<16xi32>
      %parallel_loop3A_1758 = arith.subi %parallel_loop3A_1744, %parallel_loop3A_1757 : vector<16xi32>
      %parallel_loop3A_1759 = arith.constant 6 : i32
      %parallel_loop3A_1760 = vector.broadcast %parallel_loop3A_1759 : i32 to vector<16xi32>
      %parallel_loop3A_1761 = arith.minsi %parallel_loop3A_1752, %parallel_loop3A_1760 : vector<16xi32>
      %parallel_loop3A_1762 = arith.constant 2 : i32
      %parallel_loop3A_1763 = vector.broadcast %parallel_loop3A_1762 : i32 to vector<16xi32>
      %parallel_loop3A_1764 = arith.addi %parallel_loop3A_1761, %parallel_loop3A_1763 : vector<16xi32>
      %parallel_loop3A_1765 = arith.select %parallel_loop3A_1755, %parallel_loop3A_1758, %parallel_loop3A_1764 : vector<16xi1>, vector<16xi32>
      %parallel_loop3A_1766 = arith.cmpi eq, %parallel_loop3A_1740, %parallel_loop3A_10 : vector<16xi32>
      %parallel_loop3A_1767 = arith.constant 9 : i32
      %parallel_loop3A_1768 = arith.constant 0 : i32
      %parallel_loop3A_1769 = vector.broadcast %parallel_loop3A_1767 : i32 to vector<16xi32>
      %parallel_loop3A_1770 = vector.broadcast %parallel_loop3A_1768 : i32 to vector<16xi32>
      %parallel_loop3A_1771 = arith.select %parallel_loop3A_1766, %parallel_loop3A_1769, %parallel_loop3A_1770 : vector<16xi1>, vector<16xi32>
      %parallel_loop3A_1772 = arith.addi %parallel_loop3A_1765, %parallel_loop3A_1771 : vector<16xi32>
      %parallel_loop3A_1773 = arith.constant 42 : i32
      %parallel_loop3A_1774 = arith.index_cast %parallel_loop3A_1773 : i32 to index
      %parallel_loop3A_1775 = arith.index_cast %parallel_loop3A_7 : i32 to index
      %parallel_loop3A_1776 = tpu.vector_load %arg7[%parallel_loop3A_1774, %parallel_loop3A_1775] {strides = array<i32>} : memref<64x256xi32, #tpu.memory_space<vmem>>, vector<16xi32>,
      tpu.vector_store %arg7[%parallel_loop3A_1774, %parallel_loop3A_1775], %parallel_loop3A_1772 {strides = array<i32>} : memref<64x256xi32, #tpu.memory_space<vmem>>, vector<16xi32>,
      %parallel_loop3A_1777 = arith.constant 43 : i32
      %parallel_loop3A_1778 = arith.index_cast %parallel_loop3A_1777 : i32 to index
      %parallel_loop3A_1779 = arith.index_cast %parallel_loop3A_7 : i32 to index
      %parallel_loop3A_1780 = tpu.vector_load %arg6[%parallel_loop3A_1778, %parallel_loop3A_1779] {strides = array<i32>} : memref<64x256xi32, #tpu.memory_space<vmem>>, vector<16xi32>,
      %parallel_loop3A_1781 = tpu.vector_load_idx %arg5[%parallel_loop3A_1780] : memref<8192xi32, #tpu.memory_space<vmem>>[vector<16xi32>], vector<16xi32>,
      %parallel_loop3A_1782 = arith.subi %parallel_loop3A_13, %parallel_loop3A_1780 : vector<16xi32>
      %parallel_loop3A_1783 = arith.constant 1 : i32
      %parallel_loop3A_1784 = vector.broadcast %parallel_loop3A_1783 : i32 to vector<16xi32>
      %parallel_loop3A_1785 = arith.maxsi %parallel_loop3A_1782, %parallel_loop3A_1784 : vector<16xi32>
      %parallel_loop3A_1786 = arith.sitofp %parallel_loop3A_1785 : vector<16xi32> to vector<16xf32>
      %parallel_loop3A_1787 = vector.bitcast %parallel_loop3A_1786 : vector<16xf32> to vector<16xi32>
      %parallel_loop3A_1788 = arith.constant 23 : i32
      %parallel_loop3A_1789 = vector.broadcast %parallel_loop3A_1788 : i32 to vector<16xi32>
      %parallel_loop3A_1790 = arith.shrsi %parallel_loop3A_1787, %parallel_loop3A_1789 : vector<16xi32>
      %parallel_loop3A_1791 = arith.constant 127 : i32
      %parallel_loop3A_1792 = vector.broadcast %parallel_loop3A_1791 : i32 to vector<16xi32>
      %parallel_loop3A_1793 = arith.subi %parallel_loop3A_1790, %parallel_loop3A_1792 : vector<16xi32>
      %parallel_loop3A_1794 = arith.constant 5 : i32
      %parallel_loop3A_1795 = vector.broadcast %parallel_loop3A_1794 : i32 to vector<16xi32>
      %parallel_loop3A_1796 = arith.cmpi slt, %parallel_loop3A_1785, %parallel_loop3A_1795 : vector<16xi32>
      %parallel_loop3A_1797 = arith.constant 1 : i32
      %parallel_loop3A_1798 = vector.broadcast %parallel_loop3A_1797 : i32 to vector<16xi32>
      %parallel_loop3A_1799 = arith.subi %parallel_loop3A_1785, %parallel_loop3A_1798 : vector<16xi32>
      %parallel_loop3A_1800 = arith.constant 6 : i32
      %parallel_loop3A_1801 = vector.broadcast %parallel_loop3A_1800 : i32 to vector<16xi32>
      %parallel_loop3A_1802 = arith.minsi %parallel_loop3A_1793, %parallel_loop3A_1801 : vector<16xi32>
      %parallel_loop3A_1803 = arith.constant 2 : i32
      %parallel_loop3A_1804 = vector.broadcast %parallel_loop3A_1803 : i32 to vector<16xi32>
      %parallel_loop3A_1805 = arith.addi %parallel_loop3A_1802, %parallel_loop3A_1804 : vector<16xi32>
      %parallel_loop3A_1806 = arith.select %parallel_loop3A_1796, %parallel_loop3A_1799, %parallel_loop3A_1805 : vector<16xi1>, vector<16xi32>
      %parallel_loop3A_1807 = arith.cmpi eq, %parallel_loop3A_1781, %parallel_loop3A_10 : vector<16xi32>
      %parallel_loop3A_1808 = arith.constant 9 : i32
      %parallel_loop3A_1809 = arith.constant 0 : i32
      %parallel_loop3A_1810 = vector.broadcast %parallel_loop3A_1808 : i32 to vector<16xi32>
      %parallel_loop3A_1811 = vector.broadcast %parallel_loop3A_1809 : i32 to vector<16xi32>
      %parallel_loop3A_1812 = arith.select %parallel_loop3A_1807, %parallel_loop3A_1810, %parallel_loop3A_1811 : vector<16xi1>, vector<16xi32>
      %parallel_loop3A_1813 = arith.addi %parallel_loop3A_1806, %parallel_loop3A_1812 : vector<16xi32>
      %parallel_loop3A_1814 = arith.constant 43 : i32
      %parallel_loop3A_1815 = arith.index_cast %parallel_loop3A_1814 : i32 to index
      %parallel_loop3A_1816 = arith.index_cast %parallel_loop3A_7 : i32 to index
      %parallel_loop3A_1817 = tpu.vector_load %arg7[%parallel_loop3A_1815, %parallel_loop3A_1816] {strides = array<i32>} : memref<64x256xi32, #tpu.memory_space<vmem>>, vector<16xi32>,
      tpu.vector_store %arg7[%parallel_loop3A_1815, %parallel_loop3A_1816], %parallel_loop3A_1813 {strides = array<i32>} : memref<64x256xi32, #tpu.memory_space<vmem>>, vector<16xi32>,
      %parallel_loop3A_1818 = arith.constant 44 : i32
      %parallel_loop3A_1819 = arith.index_cast %parallel_loop3A_1818 : i32 to index
      %parallel_loop3A_1820 = arith.index_cast %parallel_loop3A_7 : i32 to index
      %parallel_loop3A_1821 = tpu.vector_load %arg6[%parallel_loop3A_1819, %parallel_loop3A_1820] {strides = array<i32>} : memref<64x256xi32, #tpu.memory_space<vmem>>, vector<16xi32>,
      %parallel_loop3A_1822 = tpu.vector_load_idx %arg5[%parallel_loop3A_1821] : memref<8192xi32, #tpu.memory_space<vmem>>[vector<16xi32>], vector<16xi32>,
      %parallel_loop3A_1823 = arith.subi %parallel_loop3A_13, %parallel_loop3A_1821 : vector<16xi32>
      %parallel_loop3A_1824 = arith.constant 1 : i32
      %parallel_loop3A_1825 = vector.broadcast %parallel_loop3A_1824 : i32 to vector<16xi32>
      %parallel_loop3A_1826 = arith.maxsi %parallel_loop3A_1823, %parallel_loop3A_1825 : vector<16xi32>
      %parallel_loop3A_1827 = arith.sitofp %parallel_loop3A_1826 : vector<16xi32> to vector<16xf32>
      %parallel_loop3A_1828 = vector.bitcast %parallel_loop3A_1827 : vector<16xf32> to vector<16xi32>
      %parallel_loop3A_1829 = arith.constant 23 : i32
      %parallel_loop3A_1830 = vector.broadcast %parallel_loop3A_1829 : i32 to vector<16xi32>
      %parallel_loop3A_1831 = arith.shrsi %parallel_loop3A_1828, %parallel_loop3A_1830 : vector<16xi32>
      %parallel_loop3A_1832 = arith.constant 127 : i32
      %parallel_loop3A_1833 = vector.broadcast %parallel_loop3A_1832 : i32 to vector<16xi32>
      %parallel_loop3A_1834 = arith.subi %parallel_loop3A_1831, %parallel_loop3A_1833 : vector<16xi32>
      %parallel_loop3A_1835 = arith.constant 5 : i32
      %parallel_loop3A_1836 = vector.broadcast %parallel_loop3A_1835 : i32 to vector<16xi32>
      %parallel_loop3A_1837 = arith.cmpi slt, %parallel_loop3A_1826, %parallel_loop3A_1836 : vector<16xi32>
      %parallel_loop3A_1838 = arith.constant 1 : i32
      %parallel_loop3A_1839 = vector.broadcast %parallel_loop3A_1838 : i32 to vector<16xi32>
      %parallel_loop3A_1840 = arith.subi %parallel_loop3A_1826, %parallel_loop3A_1839 : vector<16xi32>
      %parallel_loop3A_1841 = arith.constant 6 : i32
      %parallel_loop3A_1842 = vector.broadcast %parallel_loop3A_1841 : i32 to vector<16xi32>
      %parallel_loop3A_1843 = arith.minsi %parallel_loop3A_1834, %parallel_loop3A_1842 : vector<16xi32>
      %parallel_loop3A_1844 = arith.constant 2 : i32
      %parallel_loop3A_1845 = vector.broadcast %parallel_loop3A_1844 : i32 to vector<16xi32>
      %parallel_loop3A_1846 = arith.addi %parallel_loop3A_1843, %parallel_loop3A_1845 : vector<16xi32>
      %parallel_loop3A_1847 = arith.select %parallel_loop3A_1837, %parallel_loop3A_1840, %parallel_loop3A_1846 : vector<16xi1>, vector<16xi32>
      %parallel_loop3A_1848 = arith.cmpi eq, %parallel_loop3A_1822, %parallel_loop3A_10 : vector<16xi32>
      %parallel_loop3A_1849 = arith.constant 9 : i32
      %parallel_loop3A_1850 = arith.constant 0 : i32
      %parallel_loop3A_1851 = vector.broadcast %parallel_loop3A_1849 : i32 to vector<16xi32>
      %parallel_loop3A_1852 = vector.broadcast %parallel_loop3A_1850 : i32 to vector<16xi32>
      %parallel_loop3A_1853 = arith.select %parallel_loop3A_1848, %parallel_loop3A_1851, %parallel_loop3A_1852 : vector<16xi1>, vector<16xi32>
      %parallel_loop3A_1854 = arith.addi %parallel_loop3A_1847, %parallel_loop3A_1853 : vector<16xi32>
      %parallel_loop3A_1855 = arith.constant 44 : i32
      %parallel_loop3A_1856 = arith.index_cast %parallel_loop3A_1855 : i32 to index
      %parallel_loop3A_1857 = arith.index_cast %parallel_loop3A_7 : i32 to index
      %parallel_loop3A_1858 = tpu.vector_load %arg7[%parallel_loop3A_1856, %parallel_loop3A_1857] {strides = array<i32>} : memref<64x256xi32, #tpu.memory_space<vmem>>, vector<16xi32>,
      tpu.vector_store %arg7[%parallel_loop3A_1856, %parallel_loop3A_1857], %parallel_loop3A_1854 {strides = array<i32>} : memref<64x256xi32, #tpu.memory_space<vmem>>, vector<16xi32>,
      %parallel_loop3A_1859 = arith.constant 45 : i32
      %parallel_loop3A_1860 = arith.index_cast %parallel_loop3A_1859 : i32 to index
      %parallel_loop3A_1861 = arith.index_cast %parallel_loop3A_7 : i32 to index
      %parallel_loop3A_1862 = tpu.vector_load %arg6[%parallel_loop3A_1860, %parallel_loop3A_1861] {strides = array<i32>} : memref<64x256xi32, #tpu.memory_space<vmem>>, vector<16xi32>,
      %parallel_loop3A_1863 = tpu.vector_load_idx %arg5[%parallel_loop3A_1862] : memref<8192xi32, #tpu.memory_space<vmem>>[vector<16xi32>], vector<16xi32>,
      %parallel_loop3A_1864 = arith.subi %parallel_loop3A_13, %parallel_loop3A_1862 : vector<16xi32>
      %parallel_loop3A_1865 = arith.constant 1 : i32
      %parallel_loop3A_1866 = vector.broadcast %parallel_loop3A_1865 : i32 to vector<16xi32>
      %parallel_loop3A_1867 = arith.maxsi %parallel_loop3A_1864, %parallel_loop3A_1866 : vector<16xi32>
      %parallel_loop3A_1868 = arith.sitofp %parallel_loop3A_1867 : vector<16xi32> to vector<16xf32>
      %parallel_loop3A_1869 = vector.bitcast %parallel_loop3A_1868 : vector<16xf32> to vector<16xi32>
      %parallel_loop3A_1870 = arith.constant 23 : i32
      %parallel_loop3A_1871 = vector.broadcast %parallel_loop3A_1870 : i32 to vector<16xi32>
      %parallel_loop3A_1872 = arith.shrsi %parallel_loop3A_1869, %parallel_loop3A_1871 : vector<16xi32>
      %parallel_loop3A_1873 = arith.constant 127 : i32
      %parallel_loop3A_1874 = vector.broadcast %parallel_loop3A_1873 : i32 to vector<16xi32>
      %parallel_loop3A_1875 = arith.subi %parallel_loop3A_1872, %parallel_loop3A_1874 : vector<16xi32>
      %parallel_loop3A_1876 = arith.constant 5 : i32
      %parallel_loop3A_1877 = vector.broadcast %parallel_loop3A_1876 : i32 to vector<16xi32>
      %parallel_loop3A_1878 = arith.cmpi slt, %parallel_loop3A_1867, %parallel_loop3A_1877 : vector<16xi32>
      %parallel_loop3A_1879 = arith.constant 1 : i32
      %parallel_loop3A_1880 = vector.broadcast %parallel_loop3A_1879 : i32 to vector<16xi32>
      %parallel_loop3A_1881 = arith.subi %parallel_loop3A_1867, %parallel_loop3A_1880 : vector<16xi32>
      %parallel_loop3A_1882 = arith.constant 6 : i32
      %parallel_loop3A_1883 = vector.broadcast %parallel_loop3A_1882 : i32 to vector<16xi32>
      %parallel_loop3A_1884 = arith.minsi %parallel_loop3A_1875, %parallel_loop3A_1883 : vector<16xi32>
      %parallel_loop3A_1885 = arith.constant 2 : i32
      %parallel_loop3A_1886 = vector.broadcast %parallel_loop3A_1885 : i32 to vector<16xi32>
      %parallel_loop3A_1887 = arith.addi %parallel_loop3A_1884, %parallel_loop3A_1886 : vector<16xi32>
      %parallel_loop3A_1888 = arith.select %parallel_loop3A_1878, %parallel_loop3A_1881, %parallel_loop3A_1887 : vector<16xi1>, vector<16xi32>
      %parallel_loop3A_1889 = arith.cmpi eq, %parallel_loop3A_1863, %parallel_loop3A_10 : vector<16xi32>
      %parallel_loop3A_1890 = arith.constant 9 : i32
      %parallel_loop3A_1891 = arith.constant 0 : i32
      %parallel_loop3A_1892 = vector.broadcast %parallel_loop3A_1890 : i32 to vector<16xi32>
      %parallel_loop3A_1893 = vector.broadcast %parallel_loop3A_1891 : i32 to vector<16xi32>
      %parallel_loop3A_1894 = arith.select %parallel_loop3A_1889, %parallel_loop3A_1892, %parallel_loop3A_1893 : vector<16xi1>, vector<16xi32>
      %parallel_loop3A_1895 = arith.addi %parallel_loop3A_1888, %parallel_loop3A_1894 : vector<16xi32>
      %parallel_loop3A_1896 = arith.constant 45 : i32
      %parallel_loop3A_1897 = arith.index_cast %parallel_loop3A_1896 : i32 to index
      %parallel_loop3A_1898 = arith.index_cast %parallel_loop3A_7 : i32 to index
      %parallel_loop3A_1899 = tpu.vector_load %arg7[%parallel_loop3A_1897, %parallel_loop3A_1898] {strides = array<i32>} : memref<64x256xi32, #tpu.memory_space<vmem>>, vector<16xi32>,
      tpu.vector_store %arg7[%parallel_loop3A_1897, %parallel_loop3A_1898], %parallel_loop3A_1895 {strides = array<i32>} : memref<64x256xi32, #tpu.memory_space<vmem>>, vector<16xi32>,
      %parallel_loop3A_1900 = arith.constant 46 : i32
      %parallel_loop3A_1901 = arith.index_cast %parallel_loop3A_1900 : i32 to index
      %parallel_loop3A_1902 = arith.index_cast %parallel_loop3A_7 : i32 to index
      %parallel_loop3A_1903 = tpu.vector_load %arg6[%parallel_loop3A_1901, %parallel_loop3A_1902] {strides = array<i32>} : memref<64x256xi32, #tpu.memory_space<vmem>>, vector<16xi32>,
      %parallel_loop3A_1904 = tpu.vector_load_idx %arg5[%parallel_loop3A_1903] : memref<8192xi32, #tpu.memory_space<vmem>>[vector<16xi32>], vector<16xi32>,
      %parallel_loop3A_1905 = arith.subi %parallel_loop3A_13, %parallel_loop3A_1903 : vector<16xi32>
      %parallel_loop3A_1906 = arith.constant 1 : i32
      %parallel_loop3A_1907 = vector.broadcast %parallel_loop3A_1906 : i32 to vector<16xi32>
      %parallel_loop3A_1908 = arith.maxsi %parallel_loop3A_1905, %parallel_loop3A_1907 : vector<16xi32>
      %parallel_loop3A_1909 = arith.sitofp %parallel_loop3A_1908 : vector<16xi32> to vector<16xf32>
      %parallel_loop3A_1910 = vector.bitcast %parallel_loop3A_1909 : vector<16xf32> to vector<16xi32>
      %parallel_loop3A_1911 = arith.constant 23 : i32
      %parallel_loop3A_1912 = vector.broadcast %parallel_loop3A_1911 : i32 to vector<16xi32>
      %parallel_loop3A_1913 = arith.shrsi %parallel_loop3A_1910, %parallel_loop3A_1912 : vector<16xi32>
      %parallel_loop3A_1914 = arith.constant 127 : i32
      %parallel_loop3A_1915 = vector.broadcast %parallel_loop3A_1914 : i32 to vector<16xi32>
      %parallel_loop3A_1916 = arith.subi %parallel_loop3A_1913, %parallel_loop3A_1915 : vector<16xi32>
      %parallel_loop3A_1917 = arith.constant 5 : i32
      %parallel_loop3A_1918 = vector.broadcast %parallel_loop3A_1917 : i32 to vector<16xi32>
      %parallel_loop3A_1919 = arith.cmpi slt, %parallel_loop3A_1908, %parallel_loop3A_1918 : vector<16xi32>
      %parallel_loop3A_1920 = arith.constant 1 : i32
      %parallel_loop3A_1921 = vector.broadcast %parallel_loop3A_1920 : i32 to vector<16xi32>
      %parallel_loop3A_1922 = arith.subi %parallel_loop3A_1908, %parallel_loop3A_1921 : vector<16xi32>
      %parallel_loop3A_1923 = arith.constant 6 : i32
      %parallel_loop3A_1924 = vector.broadcast %parallel_loop3A_1923 : i32 to vector<16xi32>
      %parallel_loop3A_1925 = arith.minsi %parallel_loop3A_1916, %parallel_loop3A_1924 : vector<16xi32>
      %parallel_loop3A_1926 = arith.constant 2 : i32
      %parallel_loop3A_1927 = vector.broadcast %parallel_loop3A_1926 : i32 to vector<16xi32>
      %parallel_loop3A_1928 = arith.addi %parallel_loop3A_1925, %parallel_loop3A_1927 : vector<16xi32>
      %parallel_loop3A_1929 = arith.select %parallel_loop3A_1919, %parallel_loop3A_1922, %parallel_loop3A_1928 : vector<16xi1>, vector<16xi32>
      %parallel_loop3A_1930 = arith.cmpi eq, %parallel_loop3A_1904, %parallel_loop3A_10 : vector<16xi32>
      %parallel_loop3A_1931 = arith.constant 9 : i32
      %parallel_loop3A_1932 = arith.constant 0 : i32
      %parallel_loop3A_1933 = vector.broadcast %parallel_loop3A_1931 : i32 to vector<16xi32>
      %parallel_loop3A_1934 = vector.broadcast %parallel_loop3A_1932 : i32 to vector<16xi32>
      %parallel_loop3A_1935 = arith.select %parallel_loop3A_1930, %parallel_loop3A_1933, %parallel_loop3A_1934 : vector<16xi1>, vector<16xi32>
      %parallel_loop3A_1936 = arith.addi %parallel_loop3A_1929, %parallel_loop3A_1935 : vector<16xi32>
      %parallel_loop3A_1937 = arith.constant 46 : i32
      %parallel_loop3A_1938 = arith.index_cast %parallel_loop3A_1937 : i32 to index
      %parallel_loop3A_1939 = arith.index_cast %parallel_loop3A_7 : i32 to index
      %parallel_loop3A_1940 = tpu.vector_load %arg7[%parallel_loop3A_1938, %parallel_loop3A_1939] {strides = array<i32>} : memref<64x256xi32, #tpu.memory_space<vmem>>, vector<16xi32>,
      tpu.vector_store %arg7[%parallel_loop3A_1938, %parallel_loop3A_1939], %parallel_loop3A_1936 {strides = array<i32>} : memref<64x256xi32, #tpu.memory_space<vmem>>, vector<16xi32>,
      %parallel_loop3A_1941 = arith.constant 47 : i32
      %parallel_loop3A_1942 = arith.index_cast %parallel_loop3A_1941 : i32 to index
      %parallel_loop3A_1943 = arith.index_cast %parallel_loop3A_7 : i32 to index
      %parallel_loop3A_1944 = tpu.vector_load %arg6[%parallel_loop3A_1942, %parallel_loop3A_1943] {strides = array<i32>} : memref<64x256xi32, #tpu.memory_space<vmem>>, vector<16xi32>,
      %parallel_loop3A_1945 = tpu.vector_load_idx %arg5[%parallel_loop3A_1944] : memref<8192xi32, #tpu.memory_space<vmem>>[vector<16xi32>], vector<16xi32>,
      %parallel_loop3A_1946 = arith.subi %parallel_loop3A_13, %parallel_loop3A_1944 : vector<16xi32>
      %parallel_loop3A_1947 = arith.constant 1 : i32
      %parallel_loop3A_1948 = vector.broadcast %parallel_loop3A_1947 : i32 to vector<16xi32>
      %parallel_loop3A_1949 = arith.maxsi %parallel_loop3A_1946, %parallel_loop3A_1948 : vector<16xi32>
      %parallel_loop3A_1950 = arith.sitofp %parallel_loop3A_1949 : vector<16xi32> to vector<16xf32>
      %parallel_loop3A_1951 = vector.bitcast %parallel_loop3A_1950 : vector<16xf32> to vector<16xi32>
      %parallel_loop3A_1952 = arith.constant 23 : i32
      %parallel_loop3A_1953 = vector.broadcast %parallel_loop3A_1952 : i32 to vector<16xi32>
      %parallel_loop3A_1954 = arith.shrsi %parallel_loop3A_1951, %parallel_loop3A_1953 : vector<16xi32>
      %parallel_loop3A_1955 = arith.constant 127 : i32
      %parallel_loop3A_1956 = vector.broadcast %parallel_loop3A_1955 : i32 to vector<16xi32>
      %parallel_loop3A_1957 = arith.subi %parallel_loop3A_1954, %parallel_loop3A_1956 : vector<16xi32>
      %parallel_loop3A_1958 = arith.constant 5 : i32
      %parallel_loop3A_1959 = vector.broadcast %parallel_loop3A_1958 : i32 to vector<16xi32>
      %parallel_loop3A_1960 = arith.cmpi slt, %parallel_loop3A_1949, %parallel_loop3A_1959 : vector<16xi32>
      %parallel_loop3A_1961 = arith.constant 1 : i32
      %parallel_loop3A_1962 = vector.broadcast %parallel_loop3A_1961 : i32 to vector<16xi32>
      %parallel_loop3A_1963 = arith.subi %parallel_loop3A_1949, %parallel_loop3A_1962 : vector<16xi32>
      %parallel_loop3A_1964 = arith.constant 6 : i32
      %parallel_loop3A_1965 = vector.broadcast %parallel_loop3A_1964 : i32 to vector<16xi32>
      %parallel_loop3A_1966 = arith.minsi %parallel_loop3A_1957, %parallel_loop3A_1965 : vector<16xi32>
      %parallel_loop3A_1967 = arith.constant 2 : i32
      %parallel_loop3A_1968 = vector.broadcast %parallel_loop3A_1967 : i32 to vector<16xi32>
      %parallel_loop3A_1969 = arith.addi %parallel_loop3A_1966, %parallel_loop3A_1968 : vector<16xi32>
      %parallel_loop3A_1970 = arith.select %parallel_loop3A_1960, %parallel_loop3A_1963, %parallel_loop3A_1969 : vector<16xi1>, vector<16xi32>
      %parallel_loop3A_1971 = arith.cmpi eq, %parallel_loop3A_1945, %parallel_loop3A_10 : vector<16xi32>
      %parallel_loop3A_1972 = arith.constant 9 : i32
      %parallel_loop3A_1973 = arith.constant 0 : i32
      %parallel_loop3A_1974 = vector.broadcast %parallel_loop3A_1972 : i32 to vector<16xi32>
      %parallel_loop3A_1975 = vector.broadcast %parallel_loop3A_1973 : i32 to vector<16xi32>
      %parallel_loop3A_1976 = arith.select %parallel_loop3A_1971, %parallel_loop3A_1974, %parallel_loop3A_1975 : vector<16xi1>, vector<16xi32>
      %parallel_loop3A_1977 = arith.addi %parallel_loop3A_1970, %parallel_loop3A_1976 : vector<16xi32>
      %parallel_loop3A_1978 = arith.constant 47 : i32
      %parallel_loop3A_1979 = arith.index_cast %parallel_loop3A_1978 : i32 to index
      %parallel_loop3A_1980 = arith.index_cast %parallel_loop3A_7 : i32 to index
      %parallel_loop3A_1981 = tpu.vector_load %arg7[%parallel_loop3A_1979, %parallel_loop3A_1980] {strides = array<i32>} : memref<64x256xi32, #tpu.memory_space<vmem>>, vector<16xi32>,
      tpu.vector_store %arg7[%parallel_loop3A_1979, %parallel_loop3A_1980], %parallel_loop3A_1977 {strides = array<i32>} : memref<64x256xi32, #tpu.memory_space<vmem>>, vector<16xi32>,
      %parallel_loop3A_1982 = arith.constant 48 : i32
      %parallel_loop3A_1983 = arith.index_cast %parallel_loop3A_1982 : i32 to index
      %parallel_loop3A_1984 = arith.index_cast %parallel_loop3A_7 : i32 to index
      %parallel_loop3A_1985 = tpu.vector_load %arg6[%parallel_loop3A_1983, %parallel_loop3A_1984] {strides = array<i32>} : memref<64x256xi32, #tpu.memory_space<vmem>>, vector<16xi32>,
      %parallel_loop3A_1986 = tpu.vector_load_idx %arg5[%parallel_loop3A_1985] : memref<8192xi32, #tpu.memory_space<vmem>>[vector<16xi32>], vector<16xi32>,
      %parallel_loop3A_1987 = arith.subi %parallel_loop3A_13, %parallel_loop3A_1985 : vector<16xi32>
      %parallel_loop3A_1988 = arith.constant 1 : i32
      %parallel_loop3A_1989 = vector.broadcast %parallel_loop3A_1988 : i32 to vector<16xi32>
      %parallel_loop3A_1990 = arith.maxsi %parallel_loop3A_1987, %parallel_loop3A_1989 : vector<16xi32>
      %parallel_loop3A_1991 = arith.sitofp %parallel_loop3A_1990 : vector<16xi32> to vector<16xf32>
      %parallel_loop3A_1992 = vector.bitcast %parallel_loop3A_1991 : vector<16xf32> to vector<16xi32>
      %parallel_loop3A_1993 = arith.constant 23 : i32
      %parallel_loop3A_1994 = vector.broadcast %parallel_loop3A_1993 : i32 to vector<16xi32>
      %parallel_loop3A_1995 = arith.shrsi %parallel_loop3A_1992, %parallel_loop3A_1994 : vector<16xi32>
      %parallel_loop3A_1996 = arith.constant 127 : i32
      %parallel_loop3A_1997 = vector.broadcast %parallel_loop3A_1996 : i32 to vector<16xi32>
      %parallel_loop3A_1998 = arith.subi %parallel_loop3A_1995, %parallel_loop3A_1997 : vector<16xi32>
      %parallel_loop3A_1999 = arith.constant 5 : i32
      %parallel_loop3A_2000 = vector.broadcast %parallel_loop3A_1999 : i32 to vector<16xi32>
      %parallel_loop3A_2001 = arith.cmpi slt, %parallel_loop3A_1990, %parallel_loop3A_2000 : vector<16xi32>
      %parallel_loop3A_2002 = arith.constant 1 : i32
      %parallel_loop3A_2003 = vector.broadcast %parallel_loop3A_2002 : i32 to vector<16xi32>
      %parallel_loop3A_2004 = arith.subi %parallel_loop3A_1990, %parallel_loop3A_2003 : vector<16xi32>
      %parallel_loop3A_2005 = arith.constant 6 : i32
      %parallel_loop3A_2006 = vector.broadcast %parallel_loop3A_2005 : i32 to vector<16xi32>
      %parallel_loop3A_2007 = arith.minsi %parallel_loop3A_1998, %parallel_loop3A_2006 : vector<16xi32>
      %parallel_loop3A_2008 = arith.constant 2 : i32
      %parallel_loop3A_2009 = vector.broadcast %parallel_loop3A_2008 : i32 to vector<16xi32>
      %parallel_loop3A_2010 = arith.addi %parallel_loop3A_2007, %parallel_loop3A_2009 : vector<16xi32>
      %parallel_loop3A_2011 = arith.select %parallel_loop3A_2001, %parallel_loop3A_2004, %parallel_loop3A_2010 : vector<16xi1>, vector<16xi32>
      %parallel_loop3A_2012 = arith.cmpi eq, %parallel_loop3A_1986, %parallel_loop3A_10 : vector<16xi32>
      %parallel_loop3A_2013 = arith.constant 9 : i32
      %parallel_loop3A_2014 = arith.constant 0 : i32
      %parallel_loop3A_2015 = vector.broadcast %parallel_loop3A_2013 : i32 to vector<16xi32>
      %parallel_loop3A_2016 = vector.broadcast %parallel_loop3A_2014 : i32 to vector<16xi32>
      %parallel_loop3A_2017 = arith.select %parallel_loop3A_2012, %parallel_loop3A_2015, %parallel_loop3A_2016 : vector<16xi1>, vector<16xi32>
      %parallel_loop3A_2018 = arith.addi %parallel_loop3A_2011, %parallel_loop3A_2017 : vector<16xi32>
      %parallel_loop3A_2019 = arith.constant 48 : i32
      %parallel_loop3A_2020 = arith.index_cast %parallel_loop3A_2019 : i32 to index
      %parallel_loop3A_2021 = arith.index_cast %parallel_loop3A_7 : i32 to index
      %parallel_loop3A_2022 = tpu.vector_load %arg7[%parallel_loop3A_2020, %parallel_loop3A_2021] {strides = array<i32>} : memref<64x256xi32, #tpu.memory_space<vmem>>, vector<16xi32>,
      tpu.vector_store %arg7[%parallel_loop3A_2020, %parallel_loop3A_2021], %parallel_loop3A_2018 {strides = array<i32>} : memref<64x256xi32, #tpu.memory_space<vmem>>, vector<16xi32>,
      %parallel_loop3A_2023 = arith.constant 49 : i32
      %parallel_loop3A_2024 = arith.index_cast %parallel_loop3A_2023 : i32 to index
      %parallel_loop3A_2025 = arith.index_cast %parallel_loop3A_7 : i32 to index
      %parallel_loop3A_2026 = tpu.vector_load %arg6[%parallel_loop3A_2024, %parallel_loop3A_2025] {strides = array<i32>} : memref<64x256xi32, #tpu.memory_space<vmem>>, vector<16xi32>,
      %parallel_loop3A_2027 = tpu.vector_load_idx %arg5[%parallel_loop3A_2026] : memref<8192xi32, #tpu.memory_space<vmem>>[vector<16xi32>], vector<16xi32>,
      %parallel_loop3A_2028 = arith.subi %parallel_loop3A_13, %parallel_loop3A_2026 : vector<16xi32>
      %parallel_loop3A_2029 = arith.constant 1 : i32
      %parallel_loop3A_2030 = vector.broadcast %parallel_loop3A_2029 : i32 to vector<16xi32>
      %parallel_loop3A_2031 = arith.maxsi %parallel_loop3A_2028, %parallel_loop3A_2030 : vector<16xi32>
      %parallel_loop3A_2032 = arith.sitofp %parallel_loop3A_2031 : vector<16xi32> to vector<16xf32>
      %parallel_loop3A_2033 = vector.bitcast %parallel_loop3A_2032 : vector<16xf32> to vector<16xi32>
      %parallel_loop3A_2034 = arith.constant 23 : i32
      %parallel_loop3A_2035 = vector.broadcast %parallel_loop3A_2034 : i32 to vector<16xi32>
      %parallel_loop3A_2036 = arith.shrsi %parallel_loop3A_2033, %parallel_loop3A_2035 : vector<16xi32>
      %parallel_loop3A_2037 = arith.constant 127 : i32
      %parallel_loop3A_2038 = vector.broadcast %parallel_loop3A_2037 : i32 to vector<16xi32>
      %parallel_loop3A_2039 = arith.subi %parallel_loop3A_2036, %parallel_loop3A_2038 : vector<16xi32>
      %parallel_loop3A_2040 = arith.constant 5 : i32
      %parallel_loop3A_2041 = vector.broadcast %parallel_loop3A_2040 : i32 to vector<16xi32>
      %parallel_loop3A_2042 = arith.cmpi slt, %parallel_loop3A_2031, %parallel_loop3A_2041 : vector<16xi32>
      %parallel_loop3A_2043 = arith.constant 1 : i32
      %parallel_loop3A_2044 = vector.broadcast %parallel_loop3A_2043 : i32 to vector<16xi32>
      %parallel_loop3A_2045 = arith.subi %parallel_loop3A_2031, %parallel_loop3A_2044 : vector<16xi32>
      %parallel_loop3A_2046 = arith.constant 6 : i32
      %parallel_loop3A_2047 = vector.broadcast %parallel_loop3A_2046 : i32 to vector<16xi32>
      %parallel_loop3A_2048 = arith.minsi %parallel_loop3A_2039, %parallel_loop3A_2047 : vector<16xi32>
      %parallel_loop3A_2049 = arith.constant 2 : i32
      %parallel_loop3A_2050 = vector.broadcast %parallel_loop3A_2049 : i32 to vector<16xi32>
      %parallel_loop3A_2051 = arith.addi %parallel_loop3A_2048, %parallel_loop3A_2050 : vector<16xi32>
      %parallel_loop3A_2052 = arith.select %parallel_loop3A_2042, %parallel_loop3A_2045, %parallel_loop3A_2051 : vector<16xi1>, vector<16xi32>
      %parallel_loop3A_2053 = arith.cmpi eq, %parallel_loop3A_2027, %parallel_loop3A_10 : vector<16xi32>
      %parallel_loop3A_2054 = arith.constant 9 : i32
      %parallel_loop3A_2055 = arith.constant 0 : i32
      %parallel_loop3A_2056 = vector.broadcast %parallel_loop3A_2054 : i32 to vector<16xi32>
      %parallel_loop3A_2057 = vector.broadcast %parallel_loop3A_2055 : i32 to vector<16xi32>
      %parallel_loop3A_2058 = arith.select %parallel_loop3A_2053, %parallel_loop3A_2056, %parallel_loop3A_2057 : vector<16xi1>, vector<16xi32>
      %parallel_loop3A_2059 = arith.addi %parallel_loop3A_2052, %parallel_loop3A_2058 : vector<16xi32>
      %parallel_loop3A_2060 = arith.constant 49 : i32
      %parallel_loop3A_2061 = arith.index_cast %parallel_loop3A_2060 : i32 to index
      %parallel_loop3A_2062 = arith.index_cast %parallel_loop3A_7 : i32 to index
      %parallel_loop3A_2063 = tpu.vector_load %arg7[%parallel_loop3A_2061, %parallel_loop3A_2062] {strides = array<i32>} : memref<64x256xi32, #tpu.memory_space<vmem>>, vector<16xi32>,
      tpu.vector_store %arg7[%parallel_loop3A_2061, %parallel_loop3A_2062], %parallel_loop3A_2059 {strides = array<i32>} : memref<64x256xi32, #tpu.memory_space<vmem>>, vector<16xi32>,
      %parallel_loop3A_2064 = arith.constant 50 : i32
      %parallel_loop3A_2065 = arith.index_cast %parallel_loop3A_2064 : i32 to index
      %parallel_loop3A_2066 = arith.index_cast %parallel_loop3A_7 : i32 to index
      %parallel_loop3A_2067 = tpu.vector_load %arg6[%parallel_loop3A_2065, %parallel_loop3A_2066] {strides = array<i32>} : memref<64x256xi32, #tpu.memory_space<vmem>>, vector<16xi32>,
      %parallel_loop3A_2068 = tpu.vector_load_idx %arg5[%parallel_loop3A_2067] : memref<8192xi32, #tpu.memory_space<vmem>>[vector<16xi32>], vector<16xi32>,
      %parallel_loop3A_2069 = arith.subi %parallel_loop3A_13, %parallel_loop3A_2067 : vector<16xi32>
      %parallel_loop3A_2070 = arith.constant 1 : i32
      %parallel_loop3A_2071 = vector.broadcast %parallel_loop3A_2070 : i32 to vector<16xi32>
      %parallel_loop3A_2072 = arith.maxsi %parallel_loop3A_2069, %parallel_loop3A_2071 : vector<16xi32>
      %parallel_loop3A_2073 = arith.sitofp %parallel_loop3A_2072 : vector<16xi32> to vector<16xf32>
      %parallel_loop3A_2074 = vector.bitcast %parallel_loop3A_2073 : vector<16xf32> to vector<16xi32>
      %parallel_loop3A_2075 = arith.constant 23 : i32
      %parallel_loop3A_2076 = vector.broadcast %parallel_loop3A_2075 : i32 to vector<16xi32>
      %parallel_loop3A_2077 = arith.shrsi %parallel_loop3A_2074, %parallel_loop3A_2076 : vector<16xi32>
      %parallel_loop3A_2078 = arith.constant 127 : i32
      %parallel_loop3A_2079 = vector.broadcast %parallel_loop3A_2078 : i32 to vector<16xi32>
      %parallel_loop3A_2080 = arith.subi %parallel_loop3A_2077, %parallel_loop3A_2079 : vector<16xi32>
      %parallel_loop3A_2081 = arith.constant 5 : i32
      %parallel_loop3A_2082 = vector.broadcast %parallel_loop3A_2081 : i32 to vector<16xi32>
      %parallel_loop3A_2083 = arith.cmpi slt, %parallel_loop3A_2072, %parallel_loop3A_2082 : vector<16xi32>
      %parallel_loop3A_2084 = arith.constant 1 : i32
      %parallel_loop3A_2085 = vector.broadcast %parallel_loop3A_2084 : i32 to vector<16xi32>
      %parallel_loop3A_2086 = arith.subi %parallel_loop3A_2072, %parallel_loop3A_2085 : vector<16xi32>
      %parallel_loop3A_2087 = arith.constant 6 : i32
      %parallel_loop3A_2088 = vector.broadcast %parallel_loop3A_2087 : i32 to vector<16xi32>
      %parallel_loop3A_2089 = arith.minsi %parallel_loop3A_2080, %parallel_loop3A_2088 : vector<16xi32>
      %parallel_loop3A_2090 = arith.constant 2 : i32
      %parallel_loop3A_2091 = vector.broadcast %parallel_loop3A_2090 : i32 to vector<16xi32>
      %parallel_loop3A_2092 = arith.addi %parallel_loop3A_2089, %parallel_loop3A_2091 : vector<16xi32>
      %parallel_loop3A_2093 = arith.select %parallel_loop3A_2083, %parallel_loop3A_2086, %parallel_loop3A_2092 : vector<16xi1>, vector<16xi32>
      %parallel_loop3A_2094 = arith.cmpi eq, %parallel_loop3A_2068, %parallel_loop3A_10 : vector<16xi32>
      %parallel_loop3A_2095 = arith.constant 9 : i32
      %parallel_loop3A_2096 = arith.constant 0 : i32
      %parallel_loop3A_2097 = vector.broadcast %parallel_loop3A_2095 : i32 to vector<16xi32>
      %parallel_loop3A_2098 = vector.broadcast %parallel_loop3A_2096 : i32 to vector<16xi32>
      %parallel_loop3A_2099 = arith.select %parallel_loop3A_2094, %parallel_loop3A_2097, %parallel_loop3A_2098 : vector<16xi1>, vector<16xi32>
      %parallel_loop3A_2100 = arith.addi %parallel_loop3A_2093, %parallel_loop3A_2099 : vector<16xi32>
      %parallel_loop3A_2101 = arith.constant 50 : i32
      %parallel_loop3A_2102 = arith.index_cast %parallel_loop3A_2101 : i32 to index
      %parallel_loop3A_2103 = arith.index_cast %parallel_loop3A_7 : i32 to index
      %parallel_loop3A_2104 = tpu.vector_load %arg7[%parallel_loop3A_2102, %parallel_loop3A_2103] {strides = array<i32>} : memref<64x256xi32, #tpu.memory_space<vmem>>, vector<16xi32>,
      tpu.vector_store %arg7[%parallel_loop3A_2102, %parallel_loop3A_2103], %parallel_loop3A_2100 {strides = array<i32>} : memref<64x256xi32, #tpu.memory_space<vmem>>, vector<16xi32>,
      %parallel_loop3A_2105 = arith.constant 51 : i32
      %parallel_loop3A_2106 = arith.index_cast %parallel_loop3A_2105 : i32 to index
      %parallel_loop3A_2107 = arith.index_cast %parallel_loop3A_7 : i32 to index
      %parallel_loop3A_2108 = tpu.vector_load %arg6[%parallel_loop3A_2106, %parallel_loop3A_2107] {strides = array<i32>} : memref<64x256xi32, #tpu.memory_space<vmem>>, vector<16xi32>,
      %parallel_loop3A_2109 = tpu.vector_load_idx %arg5[%parallel_loop3A_2108] : memref<8192xi32, #tpu.memory_space<vmem>>[vector<16xi32>], vector<16xi32>,
      %parallel_loop3A_2110 = arith.subi %parallel_loop3A_13, %parallel_loop3A_2108 : vector<16xi32>
      %parallel_loop3A_2111 = arith.constant 1 : i32
      %parallel_loop3A_2112 = vector.broadcast %parallel_loop3A_2111 : i32 to vector<16xi32>
      %parallel_loop3A_2113 = arith.maxsi %parallel_loop3A_2110, %parallel_loop3A_2112 : vector<16xi32>
      %parallel_loop3A_2114 = arith.sitofp %parallel_loop3A_2113 : vector<16xi32> to vector<16xf32>
      %parallel_loop3A_2115 = vector.bitcast %parallel_loop3A_2114 : vector<16xf32> to vector<16xi32>
      %parallel_loop3A_2116 = arith.constant 23 : i32
      %parallel_loop3A_2117 = vector.broadcast %parallel_loop3A_2116 : i32 to vector<16xi32>
      %parallel_loop3A_2118 = arith.shrsi %parallel_loop3A_2115, %parallel_loop3A_2117 : vector<16xi32>
      %parallel_loop3A_2119 = arith.constant 127 : i32
      %parallel_loop3A_2120 = vector.broadcast %parallel_loop3A_2119 : i32 to vector<16xi32>
      %parallel_loop3A_2121 = arith.subi %parallel_loop3A_2118, %parallel_loop3A_2120 : vector<16xi32>
      %parallel_loop3A_2122 = arith.constant 5 : i32
      %parallel_loop3A_2123 = vector.broadcast %parallel_loop3A_2122 : i32 to vector<16xi32>
      %parallel_loop3A_2124 = arith.cmpi slt, %parallel_loop3A_2113, %parallel_loop3A_2123 : vector<16xi32>
      %parallel_loop3A_2125 = arith.constant 1 : i32
      %parallel_loop3A_2126 = vector.broadcast %parallel_loop3A_2125 : i32 to vector<16xi32>
      %parallel_loop3A_2127 = arith.subi %parallel_loop3A_2113, %parallel_loop3A_2126 : vector<16xi32>
      %parallel_loop3A_2128 = arith.constant 6 : i32
      %parallel_loop3A_2129 = vector.broadcast %parallel_loop3A_2128 : i32 to vector<16xi32>
      %parallel_loop3A_2130 = arith.minsi %parallel_loop3A_2121, %parallel_loop3A_2129 : vector<16xi32>
      %parallel_loop3A_2131 = arith.constant 2 : i32
      %parallel_loop3A_2132 = vector.broadcast %parallel_loop3A_2131 : i32 to vector<16xi32>
      %parallel_loop3A_2133 = arith.addi %parallel_loop3A_2130, %parallel_loop3A_2132 : vector<16xi32>
      %parallel_loop3A_2134 = arith.select %parallel_loop3A_2124, %parallel_loop3A_2127, %parallel_loop3A_2133 : vector<16xi1>, vector<16xi32>
      %parallel_loop3A_2135 = arith.cmpi eq, %parallel_loop3A_2109, %parallel_loop3A_10 : vector<16xi32>
      %parallel_loop3A_2136 = arith.constant 9 : i32
      %parallel_loop3A_2137 = arith.constant 0 : i32
      %parallel_loop3A_2138 = vector.broadcast %parallel_loop3A_2136 : i32 to vector<16xi32>
      %parallel_loop3A_2139 = vector.broadcast %parallel_loop3A_2137 : i32 to vector<16xi32>
      %parallel_loop3A_2140 = arith.select %parallel_loop3A_2135, %parallel_loop3A_2138, %parallel_loop3A_2139 : vector<16xi1>, vector<16xi32>
      %parallel_loop3A_2141 = arith.addi %parallel_loop3A_2134, %parallel_loop3A_2140 : vector<16xi32>
      %parallel_loop3A_2142 = arith.constant 51 : i32
      %parallel_loop3A_2143 = arith.index_cast %parallel_loop3A_2142 : i32 to index
      %parallel_loop3A_2144 = arith.index_cast %parallel_loop3A_7 : i32 to index
      %parallel_loop3A_2145 = tpu.vector_load %arg7[%parallel_loop3A_2143, %parallel_loop3A_2144] {strides = array<i32>} : memref<64x256xi32, #tpu.memory_space<vmem>>, vector<16xi32>,
      tpu.vector_store %arg7[%parallel_loop3A_2143, %parallel_loop3A_2144], %parallel_loop3A_2141 {strides = array<i32>} : memref<64x256xi32, #tpu.memory_space<vmem>>, vector<16xi32>,
      %parallel_loop3A_2146 = arith.constant 52 : i32
      %parallel_loop3A_2147 = arith.index_cast %parallel_loop3A_2146 : i32 to index
      %parallel_loop3A_2148 = arith.index_cast %parallel_loop3A_7 : i32 to index
      %parallel_loop3A_2149 = tpu.vector_load %arg6[%parallel_loop3A_2147, %parallel_loop3A_2148] {strides = array<i32>} : memref<64x256xi32, #tpu.memory_space<vmem>>, vector<16xi32>,
      %parallel_loop3A_2150 = tpu.vector_load_idx %arg5[%parallel_loop3A_2149] : memref<8192xi32, #tpu.memory_space<vmem>>[vector<16xi32>], vector<16xi32>,
      %parallel_loop3A_2151 = arith.subi %parallel_loop3A_13, %parallel_loop3A_2149 : vector<16xi32>
      %parallel_loop3A_2152 = arith.constant 1 : i32
      %parallel_loop3A_2153 = vector.broadcast %parallel_loop3A_2152 : i32 to vector<16xi32>
      %parallel_loop3A_2154 = arith.maxsi %parallel_loop3A_2151, %parallel_loop3A_2153 : vector<16xi32>
      %parallel_loop3A_2155 = arith.sitofp %parallel_loop3A_2154 : vector<16xi32> to vector<16xf32>
      %parallel_loop3A_2156 = vector.bitcast %parallel_loop3A_2155 : vector<16xf32> to vector<16xi32>
      %parallel_loop3A_2157 = arith.constant 23 : i32
      %parallel_loop3A_2158 = vector.broadcast %parallel_loop3A_2157 : i32 to vector<16xi32>
      %parallel_loop3A_2159 = arith.shrsi %parallel_loop3A_2156, %parallel_loop3A_2158 : vector<16xi32>
      %parallel_loop3A_2160 = arith.constant 127 : i32
      %parallel_loop3A_2161 = vector.broadcast %parallel_loop3A_2160 : i32 to vector<16xi32>
      %parallel_loop3A_2162 = arith.subi %parallel_loop3A_2159, %parallel_loop3A_2161 : vector<16xi32>
      %parallel_loop3A_2163 = arith.constant 5 : i32
      %parallel_loop3A_2164 = vector.broadcast %parallel_loop3A_2163 : i32 to vector<16xi32>
      %parallel_loop3A_2165 = arith.cmpi slt, %parallel_loop3A_2154, %parallel_loop3A_2164 : vector<16xi32>
      %parallel_loop3A_2166 = arith.constant 1 : i32
      %parallel_loop3A_2167 = vector.broadcast %parallel_loop3A_2166 : i32 to vector<16xi32>
      %parallel_loop3A_2168 = arith.subi %parallel_loop3A_2154, %parallel_loop3A_2167 : vector<16xi32>
      %parallel_loop3A_2169 = arith.constant 6 : i32
      %parallel_loop3A_2170 = vector.broadcast %parallel_loop3A_2169 : i32 to vector<16xi32>
      %parallel_loop3A_2171 = arith.minsi %parallel_loop3A_2162, %parallel_loop3A_2170 : vector<16xi32>
      %parallel_loop3A_2172 = arith.constant 2 : i32
      %parallel_loop3A_2173 = vector.broadcast %parallel_loop3A_2172 : i32 to vector<16xi32>
      %parallel_loop3A_2174 = arith.addi %parallel_loop3A_2171, %parallel_loop3A_2173 : vector<16xi32>
      %parallel_loop3A_2175 = arith.select %parallel_loop3A_2165, %parallel_loop3A_2168, %parallel_loop3A_2174 : vector<16xi1>, vector<16xi32>
      %parallel_loop3A_2176 = arith.cmpi eq, %parallel_loop3A_2150, %parallel_loop3A_10 : vector<16xi32>
      %parallel_loop3A_2177 = arith.constant 9 : i32
      %parallel_loop3A_2178 = arith.constant 0 : i32
      %parallel_loop3A_2179 = vector.broadcast %parallel_loop3A_2177 : i32 to vector<16xi32>
      %parallel_loop3A_2180 = vector.broadcast %parallel_loop3A_2178 : i32 to vector<16xi32>
      %parallel_loop3A_2181 = arith.select %parallel_loop3A_2176, %parallel_loop3A_2179, %parallel_loop3A_2180 : vector<16xi1>, vector<16xi32>
      %parallel_loop3A_2182 = arith.addi %parallel_loop3A_2175, %parallel_loop3A_2181 : vector<16xi32>
      %parallel_loop3A_2183 = arith.constant 52 : i32
      %parallel_loop3A_2184 = arith.index_cast %parallel_loop3A_2183 : i32 to index
      %parallel_loop3A_2185 = arith.index_cast %parallel_loop3A_7 : i32 to index
      %parallel_loop3A_2186 = tpu.vector_load %arg7[%parallel_loop3A_2184, %parallel_loop3A_2185] {strides = array<i32>} : memref<64x256xi32, #tpu.memory_space<vmem>>, vector<16xi32>,
      tpu.vector_store %arg7[%parallel_loop3A_2184, %parallel_loop3A_2185], %parallel_loop3A_2182 {strides = array<i32>} : memref<64x256xi32, #tpu.memory_space<vmem>>, vector<16xi32>,
      %parallel_loop3A_2187 = arith.constant 53 : i32
      %parallel_loop3A_2188 = arith.index_cast %parallel_loop3A_2187 : i32 to index
      %parallel_loop3A_2189 = arith.index_cast %parallel_loop3A_7 : i32 to index
      %parallel_loop3A_2190 = tpu.vector_load %arg6[%parallel_loop3A_2188, %parallel_loop3A_2189] {strides = array<i32>} : memref<64x256xi32, #tpu.memory_space<vmem>>, vector<16xi32>,
      %parallel_loop3A_2191 = tpu.vector_load_idx %arg5[%parallel_loop3A_2190] : memref<8192xi32, #tpu.memory_space<vmem>>[vector<16xi32>], vector<16xi32>,
      %parallel_loop3A_2192 = arith.subi %parallel_loop3A_13, %parallel_loop3A_2190 : vector<16xi32>
      %parallel_loop3A_2193 = arith.constant 1 : i32
      %parallel_loop3A_2194 = vector.broadcast %parallel_loop3A_2193 : i32 to vector<16xi32>
      %parallel_loop3A_2195 = arith.maxsi %parallel_loop3A_2192, %parallel_loop3A_2194 : vector<16xi32>
      %parallel_loop3A_2196 = arith.sitofp %parallel_loop3A_2195 : vector<16xi32> to vector<16xf32>
      %parallel_loop3A_2197 = vector.bitcast %parallel_loop3A_2196 : vector<16xf32> to vector<16xi32>
      %parallel_loop3A_2198 = arith.constant 23 : i32
      %parallel_loop3A_2199 = vector.broadcast %parallel_loop3A_2198 : i32 to vector<16xi32>
      %parallel_loop3A_2200 = arith.shrsi %parallel_loop3A_2197, %parallel_loop3A_2199 : vector<16xi32>
      %parallel_loop3A_2201 = arith.constant 127 : i32
      %parallel_loop3A_2202 = vector.broadcast %parallel_loop3A_2201 : i32 to vector<16xi32>
      %parallel_loop3A_2203 = arith.subi %parallel_loop3A_2200, %parallel_loop3A_2202 : vector<16xi32>
      %parallel_loop3A_2204 = arith.constant 5 : i32
      %parallel_loop3A_2205 = vector.broadcast %parallel_loop3A_2204 : i32 to vector<16xi32>
      %parallel_loop3A_2206 = arith.cmpi slt, %parallel_loop3A_2195, %parallel_loop3A_2205 : vector<16xi32>
      %parallel_loop3A_2207 = arith.constant 1 : i32
      %parallel_loop3A_2208 = vector.broadcast %parallel_loop3A_2207 : i32 to vector<16xi32>
      %parallel_loop3A_2209 = arith.subi %parallel_loop3A_2195, %parallel_loop3A_2208 : vector<16xi32>
      %parallel_loop3A_2210 = arith.constant 6 : i32
      %parallel_loop3A_2211 = vector.broadcast %parallel_loop3A_2210 : i32 to vector<16xi32>
      %parallel_loop3A_2212 = arith.minsi %parallel_loop3A_2203, %parallel_loop3A_2211 : vector<16xi32>
      %parallel_loop3A_2213 = arith.constant 2 : i32
      %parallel_loop3A_2214 = vector.broadcast %parallel_loop3A_2213 : i32 to vector<16xi32>
      %parallel_loop3A_2215 = arith.addi %parallel_loop3A_2212, %parallel_loop3A_2214 : vector<16xi32>
      %parallel_loop3A_2216 = arith.select %parallel_loop3A_2206, %parallel_loop3A_2209, %parallel_loop3A_2215 : vector<16xi1>, vector<16xi32>
      %parallel_loop3A_2217 = arith.cmpi eq, %parallel_loop3A_2191, %parallel_loop3A_10 : vector<16xi32>
      %parallel_loop3A_2218 = arith.constant 9 : i32
      %parallel_loop3A_2219 = arith.constant 0 : i32
      %parallel_loop3A_2220 = vector.broadcast %parallel_loop3A_2218 : i32 to vector<16xi32>
      %parallel_loop3A_2221 = vector.broadcast %parallel_loop3A_2219 : i32 to vector<16xi32>
      %parallel_loop3A_2222 = arith.select %parallel_loop3A_2217, %parallel_loop3A_2220, %parallel_loop3A_2221 : vector<16xi1>, vector<16xi32>
      %parallel_loop3A_2223 = arith.addi %parallel_loop3A_2216, %parallel_loop3A_2222 : vector<16xi32>
      %parallel_loop3A_2224 = arith.constant 53 : i32
      %parallel_loop3A_2225 = arith.index_cast %parallel_loop3A_2224 : i32 to index
      %parallel_loop3A_2226 = arith.index_cast %parallel_loop3A_7 : i32 to index
      %parallel_loop3A_2227 = tpu.vector_load %arg7[%parallel_loop3A_2225, %parallel_loop3A_2226] {strides = array<i32>} : memref<64x256xi32, #tpu.memory_space<vmem>>, vector<16xi32>,
      tpu.vector_store %arg7[%parallel_loop3A_2225, %parallel_loop3A_2226], %parallel_loop3A_2223 {strides = array<i32>} : memref<64x256xi32, #tpu.memory_space<vmem>>, vector<16xi32>,
      %parallel_loop3A_2228 = arith.constant 54 : i32
      %parallel_loop3A_2229 = arith.index_cast %parallel_loop3A_2228 : i32 to index
      %parallel_loop3A_2230 = arith.index_cast %parallel_loop3A_7 : i32 to index
      %parallel_loop3A_2231 = tpu.vector_load %arg6[%parallel_loop3A_2229, %parallel_loop3A_2230] {strides = array<i32>} : memref<64x256xi32, #tpu.memory_space<vmem>>, vector<16xi32>,
      %parallel_loop3A_2232 = tpu.vector_load_idx %arg5[%parallel_loop3A_2231] : memref<8192xi32, #tpu.memory_space<vmem>>[vector<16xi32>], vector<16xi32>,
      %parallel_loop3A_2233 = arith.subi %parallel_loop3A_13, %parallel_loop3A_2231 : vector<16xi32>
      %parallel_loop3A_2234 = arith.constant 1 : i32
      %parallel_loop3A_2235 = vector.broadcast %parallel_loop3A_2234 : i32 to vector<16xi32>
      %parallel_loop3A_2236 = arith.maxsi %parallel_loop3A_2233, %parallel_loop3A_2235 : vector<16xi32>
      %parallel_loop3A_2237 = arith.sitofp %parallel_loop3A_2236 : vector<16xi32> to vector<16xf32>
      %parallel_loop3A_2238 = vector.bitcast %parallel_loop3A_2237 : vector<16xf32> to vector<16xi32>
      %parallel_loop3A_2239 = arith.constant 23 : i32
      %parallel_loop3A_2240 = vector.broadcast %parallel_loop3A_2239 : i32 to vector<16xi32>
      %parallel_loop3A_2241 = arith.shrsi %parallel_loop3A_2238, %parallel_loop3A_2240 : vector<16xi32>
      %parallel_loop3A_2242 = arith.constant 127 : i32
      %parallel_loop3A_2243 = vector.broadcast %parallel_loop3A_2242 : i32 to vector<16xi32>
      %parallel_loop3A_2244 = arith.subi %parallel_loop3A_2241, %parallel_loop3A_2243 : vector<16xi32>
      %parallel_loop3A_2245 = arith.constant 5 : i32
      %parallel_loop3A_2246 = vector.broadcast %parallel_loop3A_2245 : i32 to vector<16xi32>
      %parallel_loop3A_2247 = arith.cmpi slt, %parallel_loop3A_2236, %parallel_loop3A_2246 : vector<16xi32>
      %parallel_loop3A_2248 = arith.constant 1 : i32
      %parallel_loop3A_2249 = vector.broadcast %parallel_loop3A_2248 : i32 to vector<16xi32>
      %parallel_loop3A_2250 = arith.subi %parallel_loop3A_2236, %parallel_loop3A_2249 : vector<16xi32>
      %parallel_loop3A_2251 = arith.constant 6 : i32
      %parallel_loop3A_2252 = vector.broadcast %parallel_loop3A_2251 : i32 to vector<16xi32>
      %parallel_loop3A_2253 = arith.minsi %parallel_loop3A_2244, %parallel_loop3A_2252 : vector<16xi32>
      %parallel_loop3A_2254 = arith.constant 2 : i32
      %parallel_loop3A_2255 = vector.broadcast %parallel_loop3A_2254 : i32 to vector<16xi32>
      %parallel_loop3A_2256 = arith.addi %parallel_loop3A_2253, %parallel_loop3A_2255 : vector<16xi32>
      %parallel_loop3A_2257 = arith.select %parallel_loop3A_2247, %parallel_loop3A_2250, %parallel_loop3A_2256 : vector<16xi1>, vector<16xi32>
      %parallel_loop3A_2258 = arith.cmpi eq, %parallel_loop3A_2232, %parallel_loop3A_10 : vector<16xi32>
      %parallel_loop3A_2259 = arith.constant 9 : i32
      %parallel_loop3A_2260 = arith.constant 0 : i32
      %parallel_loop3A_2261 = vector.broadcast %parallel_loop3A_2259 : i32 to vector<16xi32>
      %parallel_loop3A_2262 = vector.broadcast %parallel_loop3A_2260 : i32 to vector<16xi32>
      %parallel_loop3A_2263 = arith.select %parallel_loop3A_2258, %parallel_loop3A_2261, %parallel_loop3A_2262 : vector<16xi1>, vector<16xi32>
      %parallel_loop3A_2264 = arith.addi %parallel_loop3A_2257, %parallel_loop3A_2263 : vector<16xi32>
      %parallel_loop3A_2265 = arith.constant 54 : i32
      %parallel_loop3A_2266 = arith.index_cast %parallel_loop3A_2265 : i32 to index
      %parallel_loop3A_2267 = arith.index_cast %parallel_loop3A_7 : i32 to index
      %parallel_loop3A_2268 = tpu.vector_load %arg7[%parallel_loop3A_2266, %parallel_loop3A_2267] {strides = array<i32>} : memref<64x256xi32, #tpu.memory_space<vmem>>, vector<16xi32>,
      tpu.vector_store %arg7[%parallel_loop3A_2266, %parallel_loop3A_2267], %parallel_loop3A_2264 {strides = array<i32>} : memref<64x256xi32, #tpu.memory_space<vmem>>, vector<16xi32>,
      %parallel_loop3A_2269 = arith.constant 55 : i32
      %parallel_loop3A_2270 = arith.index_cast %parallel_loop3A_2269 : i32 to index
      %parallel_loop3A_2271 = arith.index_cast %parallel_loop3A_7 : i32 to index
      %parallel_loop3A_2272 = tpu.vector_load %arg6[%parallel_loop3A_2270, %parallel_loop3A_2271] {strides = array<i32>} : memref<64x256xi32, #tpu.memory_space<vmem>>, vector<16xi32>,
      %parallel_loop3A_2273 = tpu.vector_load_idx %arg5[%parallel_loop3A_2272] : memref<8192xi32, #tpu.memory_space<vmem>>[vector<16xi32>], vector<16xi32>,
      %parallel_loop3A_2274 = arith.subi %parallel_loop3A_13, %parallel_loop3A_2272 : vector<16xi32>
      %parallel_loop3A_2275 = arith.constant 1 : i32
      %parallel_loop3A_2276 = vector.broadcast %parallel_loop3A_2275 : i32 to vector<16xi32>
      %parallel_loop3A_2277 = arith.maxsi %parallel_loop3A_2274, %parallel_loop3A_2276 : vector<16xi32>
      %parallel_loop3A_2278 = arith.sitofp %parallel_loop3A_2277 : vector<16xi32> to vector<16xf32>
      %parallel_loop3A_2279 = vector.bitcast %parallel_loop3A_2278 : vector<16xf32> to vector<16xi32>
      %parallel_loop3A_2280 = arith.constant 23 : i32
      %parallel_loop3A_2281 = vector.broadcast %parallel_loop3A_2280 : i32 to vector<16xi32>
      %parallel_loop3A_2282 = arith.shrsi %parallel_loop3A_2279, %parallel_loop3A_2281 : vector<16xi32>
      %parallel_loop3A_2283 = arith.constant 127 : i32
      %parallel_loop3A_2284 = vector.broadcast %parallel_loop3A_2283 : i32 to vector<16xi32>
      %parallel_loop3A_2285 = arith.subi %parallel_loop3A_2282, %parallel_loop3A_2284 : vector<16xi32>
      %parallel_loop3A_2286 = arith.constant 5 : i32
      %parallel_loop3A_2287 = vector.broadcast %parallel_loop3A_2286 : i32 to vector<16xi32>
      %parallel_loop3A_2288 = arith.cmpi slt, %parallel_loop3A_2277, %parallel_loop3A_2287 : vector<16xi32>
      %parallel_loop3A_2289 = arith.constant 1 : i32
      %parallel_loop3A_2290 = vector.broadcast %parallel_loop3A_2289 : i32 to vector<16xi32>
      %parallel_loop3A_2291 = arith.subi %parallel_loop3A_2277, %parallel_loop3A_2290 : vector<16xi32>
      %parallel_loop3A_2292 = arith.constant 6 : i32
      %parallel_loop3A_2293 = vector.broadcast %parallel_loop3A_2292 : i32 to vector<16xi32>
      %parallel_loop3A_2294 = arith.minsi %parallel_loop3A_2285, %parallel_loop3A_2293 : vector<16xi32>
      %parallel_loop3A_2295 = arith.constant 2 : i32
      %parallel_loop3A_2296 = vector.broadcast %parallel_loop3A_2295 : i32 to vector<16xi32>
      %parallel_loop3A_2297 = arith.addi %parallel_loop3A_2294, %parallel_loop3A_2296 : vector<16xi32>
      %parallel_loop3A_2298 = arith.select %parallel_loop3A_2288, %parallel_loop3A_2291, %parallel_loop3A_2297 : vector<16xi1>, vector<16xi32>
      %parallel_loop3A_2299 = arith.cmpi eq, %parallel_loop3A_2273, %parallel_loop3A_10 : vector<16xi32>
      %parallel_loop3A_2300 = arith.constant 9 : i32
      %parallel_loop3A_2301 = arith.constant 0 : i32
      %parallel_loop3A_2302 = vector.broadcast %parallel_loop3A_2300 : i32 to vector<16xi32>
      %parallel_loop3A_2303 = vector.broadcast %parallel_loop3A_2301 : i32 to vector<16xi32>
      %parallel_loop3A_2304 = arith.select %parallel_loop3A_2299, %parallel_loop3A_2302, %parallel_loop3A_2303 : vector<16xi1>, vector<16xi32>
      %parallel_loop3A_2305 = arith.addi %parallel_loop3A_2298, %parallel_loop3A_2304 : vector<16xi32>
      %parallel_loop3A_2306 = arith.constant 55 : i32
      %parallel_loop3A_2307 = arith.index_cast %parallel_loop3A_2306 : i32 to index
      %parallel_loop3A_2308 = arith.index_cast %parallel_loop3A_7 : i32 to index
      %parallel_loop3A_2309 = tpu.vector_load %arg7[%parallel_loop3A_2307, %parallel_loop3A_2308] {strides = array<i32>} : memref<64x256xi32, #tpu.memory_space<vmem>>, vector<16xi32>,
      tpu.vector_store %arg7[%parallel_loop3A_2307, %parallel_loop3A_2308], %parallel_loop3A_2305 {strides = array<i32>} : memref<64x256xi32, #tpu.memory_space<vmem>>, vector<16xi32>,
      %parallel_loop3A_2310 = arith.constant 56 : i32
      %parallel_loop3A_2311 = arith.index_cast %parallel_loop3A_2310 : i32 to index
      %parallel_loop3A_2312 = arith.index_cast %parallel_loop3A_7 : i32 to index
      %parallel_loop3A_2313 = tpu.vector_load %arg6[%parallel_loop3A_2311, %parallel_loop3A_2312] {strides = array<i32>} : memref<64x256xi32, #tpu.memory_space<vmem>>, vector<16xi32>,
      %parallel_loop3A_2314 = tpu.vector_load_idx %arg5[%parallel_loop3A_2313] : memref<8192xi32, #tpu.memory_space<vmem>>[vector<16xi32>], vector<16xi32>,
      %parallel_loop3A_2315 = arith.subi %parallel_loop3A_13, %parallel_loop3A_2313 : vector<16xi32>
      %parallel_loop3A_2316 = arith.constant 1 : i32
      %parallel_loop3A_2317 = vector.broadcast %parallel_loop3A_2316 : i32 to vector<16xi32>
      %parallel_loop3A_2318 = arith.maxsi %parallel_loop3A_2315, %parallel_loop3A_2317 : vector<16xi32>
      %parallel_loop3A_2319 = arith.sitofp %parallel_loop3A_2318 : vector<16xi32> to vector<16xf32>
      %parallel_loop3A_2320 = vector.bitcast %parallel_loop3A_2319 : vector<16xf32> to vector<16xi32>
      %parallel_loop3A_2321 = arith.constant 23 : i32
      %parallel_loop3A_2322 = vector.broadcast %parallel_loop3A_2321 : i32 to vector<16xi32>
      %parallel_loop3A_2323 = arith.shrsi %parallel_loop3A_2320, %parallel_loop3A_2322 : vector<16xi32>
      %parallel_loop3A_2324 = arith.constant 127 : i32
      %parallel_loop3A_2325 = vector.broadcast %parallel_loop3A_2324 : i32 to vector<16xi32>
      %parallel_loop3A_2326 = arith.subi %parallel_loop3A_2323, %parallel_loop3A_2325 : vector<16xi32>
      %parallel_loop3A_2327 = arith.constant 5 : i32
      %parallel_loop3A_2328 = vector.broadcast %parallel_loop3A_2327 : i32 to vector<16xi32>
      %parallel_loop3A_2329 = arith.cmpi slt, %parallel_loop3A_2318, %parallel_loop3A_2328 : vector<16xi32>
      %parallel_loop3A_2330 = arith.constant 1 : i32
      %parallel_loop3A_2331 = vector.broadcast %parallel_loop3A_2330 : i32 to vector<16xi32>
      %parallel_loop3A_2332 = arith.subi %parallel_loop3A_2318, %parallel_loop3A_2331 : vector<16xi32>
      %parallel_loop3A_2333 = arith.constant 6 : i32
      %parallel_loop3A_2334 = vector.broadcast %parallel_loop3A_2333 : i32 to vector<16xi32>
      %parallel_loop3A_2335 = arith.minsi %parallel_loop3A_2326, %parallel_loop3A_2334 : vector<16xi32>
      %parallel_loop3A_2336 = arith.constant 2 : i32
      %parallel_loop3A_2337 = vector.broadcast %parallel_loop3A_2336 : i32 to vector<16xi32>
      %parallel_loop3A_2338 = arith.addi %parallel_loop3A_2335, %parallel_loop3A_2337 : vector<16xi32>
      %parallel_loop3A_2339 = arith.select %parallel_loop3A_2329, %parallel_loop3A_2332, %parallel_loop3A_2338 : vector<16xi1>, vector<16xi32>
      %parallel_loop3A_2340 = arith.cmpi eq, %parallel_loop3A_2314, %parallel_loop3A_10 : vector<16xi32>
      %parallel_loop3A_2341 = arith.constant 9 : i32
      %parallel_loop3A_2342 = arith.constant 0 : i32
      %parallel_loop3A_2343 = vector.broadcast %parallel_loop3A_2341 : i32 to vector<16xi32>
      %parallel_loop3A_2344 = vector.broadcast %parallel_loop3A_2342 : i32 to vector<16xi32>
      %parallel_loop3A_2345 = arith.select %parallel_loop3A_2340, %parallel_loop3A_2343, %parallel_loop3A_2344 : vector<16xi1>, vector<16xi32>
      %parallel_loop3A_2346 = arith.addi %parallel_loop3A_2339, %parallel_loop3A_2345 : vector<16xi32>
      %parallel_loop3A_2347 = arith.constant 56 : i32
      %parallel_loop3A_2348 = arith.index_cast %parallel_loop3A_2347 : i32 to index
      %parallel_loop3A_2349 = arith.index_cast %parallel_loop3A_7 : i32 to index
      %parallel_loop3A_2350 = tpu.vector_load %arg7[%parallel_loop3A_2348, %parallel_loop3A_2349] {strides = array<i32>} : memref<64x256xi32, #tpu.memory_space<vmem>>, vector<16xi32>,
      tpu.vector_store %arg7[%parallel_loop3A_2348, %parallel_loop3A_2349], %parallel_loop3A_2346 {strides = array<i32>} : memref<64x256xi32, #tpu.memory_space<vmem>>, vector<16xi32>,
      %parallel_loop3A_2351 = arith.constant 57 : i32
      %parallel_loop3A_2352 = arith.index_cast %parallel_loop3A_2351 : i32 to index
      %parallel_loop3A_2353 = arith.index_cast %parallel_loop3A_7 : i32 to index
      %parallel_loop3A_2354 = tpu.vector_load %arg6[%parallel_loop3A_2352, %parallel_loop3A_2353] {strides = array<i32>} : memref<64x256xi32, #tpu.memory_space<vmem>>, vector<16xi32>,
      %parallel_loop3A_2355 = tpu.vector_load_idx %arg5[%parallel_loop3A_2354] : memref<8192xi32, #tpu.memory_space<vmem>>[vector<16xi32>], vector<16xi32>,
      %parallel_loop3A_2356 = arith.subi %parallel_loop3A_13, %parallel_loop3A_2354 : vector<16xi32>
      %parallel_loop3A_2357 = arith.constant 1 : i32
      %parallel_loop3A_2358 = vector.broadcast %parallel_loop3A_2357 : i32 to vector<16xi32>
      %parallel_loop3A_2359 = arith.maxsi %parallel_loop3A_2356, %parallel_loop3A_2358 : vector<16xi32>
      %parallel_loop3A_2360 = arith.sitofp %parallel_loop3A_2359 : vector<16xi32> to vector<16xf32>
      %parallel_loop3A_2361 = vector.bitcast %parallel_loop3A_2360 : vector<16xf32> to vector<16xi32>
      %parallel_loop3A_2362 = arith.constant 23 : i32
      %parallel_loop3A_2363 = vector.broadcast %parallel_loop3A_2362 : i32 to vector<16xi32>
      %parallel_loop3A_2364 = arith.shrsi %parallel_loop3A_2361, %parallel_loop3A_2363 : vector<16xi32>
      %parallel_loop3A_2365 = arith.constant 127 : i32
      %parallel_loop3A_2366 = vector.broadcast %parallel_loop3A_2365 : i32 to vector<16xi32>
      %parallel_loop3A_2367 = arith.subi %parallel_loop3A_2364, %parallel_loop3A_2366 : vector<16xi32>
      %parallel_loop3A_2368 = arith.constant 5 : i32
      %parallel_loop3A_2369 = vector.broadcast %parallel_loop3A_2368 : i32 to vector<16xi32>
      %parallel_loop3A_2370 = arith.cmpi slt, %parallel_loop3A_2359, %parallel_loop3A_2369 : vector<16xi32>
      %parallel_loop3A_2371 = arith.constant 1 : i32
      %parallel_loop3A_2372 = vector.broadcast %parallel_loop3A_2371 : i32 to vector<16xi32>
      %parallel_loop3A_2373 = arith.subi %parallel_loop3A_2359, %parallel_loop3A_2372 : vector<16xi32>
      %parallel_loop3A_2374 = arith.constant 6 : i32
      %parallel_loop3A_2375 = vector.broadcast %parallel_loop3A_2374 : i32 to vector<16xi32>
      %parallel_loop3A_2376 = arith.minsi %parallel_loop3A_2367, %parallel_loop3A_2375 : vector<16xi32>
      %parallel_loop3A_2377 = arith.constant 2 : i32
      %parallel_loop3A_2378 = vector.broadcast %parallel_loop3A_2377 : i32 to vector<16xi32>
      %parallel_loop3A_2379 = arith.addi %parallel_loop3A_2376, %parallel_loop3A_2378 : vector<16xi32>
      %parallel_loop3A_2380 = arith.select %parallel_loop3A_2370, %parallel_loop3A_2373, %parallel_loop3A_2379 : vector<16xi1>, vector<16xi32>
      %parallel_loop3A_2381 = arith.cmpi eq, %parallel_loop3A_2355, %parallel_loop3A_10 : vector<16xi32>
      %parallel_loop3A_2382 = arith.constant 9 : i32
      %parallel_loop3A_2383 = arith.constant 0 : i32
      %parallel_loop3A_2384 = vector.broadcast %parallel_loop3A_2382 : i32 to vector<16xi32>
      %parallel_loop3A_2385 = vector.broadcast %parallel_loop3A_2383 : i32 to vector<16xi32>
      %parallel_loop3A_2386 = arith.select %parallel_loop3A_2381, %parallel_loop3A_2384, %parallel_loop3A_2385 : vector<16xi1>, vector<16xi32>
      %parallel_loop3A_2387 = arith.addi %parallel_loop3A_2380, %parallel_loop3A_2386 : vector<16xi32>
      %parallel_loop3A_2388 = arith.constant 57 : i32
      %parallel_loop3A_2389 = arith.index_cast %parallel_loop3A_2388 : i32 to index
      %parallel_loop3A_2390 = arith.index_cast %parallel_loop3A_7 : i32 to index
      %parallel_loop3A_2391 = tpu.vector_load %arg7[%parallel_loop3A_2389, %parallel_loop3A_2390] {strides = array<i32>} : memref<64x256xi32, #tpu.memory_space<vmem>>, vector<16xi32>,
      tpu.vector_store %arg7[%parallel_loop3A_2389, %parallel_loop3A_2390], %parallel_loop3A_2387 {strides = array<i32>} : memref<64x256xi32, #tpu.memory_space<vmem>>, vector<16xi32>,
      %parallel_loop3A_2392 = arith.constant 58 : i32
      %parallel_loop3A_2393 = arith.index_cast %parallel_loop3A_2392 : i32 to index
      %parallel_loop3A_2394 = arith.index_cast %parallel_loop3A_7 : i32 to index
      %parallel_loop3A_2395 = tpu.vector_load %arg6[%parallel_loop3A_2393, %parallel_loop3A_2394] {strides = array<i32>} : memref<64x256xi32, #tpu.memory_space<vmem>>, vector<16xi32>,
      %parallel_loop3A_2396 = tpu.vector_load_idx %arg5[%parallel_loop3A_2395] : memref<8192xi32, #tpu.memory_space<vmem>>[vector<16xi32>], vector<16xi32>,
      %parallel_loop3A_2397 = arith.subi %parallel_loop3A_13, %parallel_loop3A_2395 : vector<16xi32>
      %parallel_loop3A_2398 = arith.constant 1 : i32
      %parallel_loop3A_2399 = vector.broadcast %parallel_loop3A_2398 : i32 to vector<16xi32>
      %parallel_loop3A_2400 = arith.maxsi %parallel_loop3A_2397, %parallel_loop3A_2399 : vector<16xi32>
      %parallel_loop3A_2401 = arith.sitofp %parallel_loop3A_2400 : vector<16xi32> to vector<16xf32>
      %parallel_loop3A_2402 = vector.bitcast %parallel_loop3A_2401 : vector<16xf32> to vector<16xi32>
      %parallel_loop3A_2403 = arith.constant 23 : i32
      %parallel_loop3A_2404 = vector.broadcast %parallel_loop3A_2403 : i32 to vector<16xi32>
      %parallel_loop3A_2405 = arith.shrsi %parallel_loop3A_2402, %parallel_loop3A_2404 : vector<16xi32>
      %parallel_loop3A_2406 = arith.constant 127 : i32
      %parallel_loop3A_2407 = vector.broadcast %parallel_loop3A_2406 : i32 to vector<16xi32>
      %parallel_loop3A_2408 = arith.subi %parallel_loop3A_2405, %parallel_loop3A_2407 : vector<16xi32>
      %parallel_loop3A_2409 = arith.constant 5 : i32
      %parallel_loop3A_2410 = vector.broadcast %parallel_loop3A_2409 : i32 to vector<16xi32>
      %parallel_loop3A_2411 = arith.cmpi slt, %parallel_loop3A_2400, %parallel_loop3A_2410 : vector<16xi32>
      %parallel_loop3A_2412 = arith.constant 1 : i32
      %parallel_loop3A_2413 = vector.broadcast %parallel_loop3A_2412 : i32 to vector<16xi32>
      %parallel_loop3A_2414 = arith.subi %parallel_loop3A_2400, %parallel_loop3A_2413 : vector<16xi32>
      %parallel_loop3A_2415 = arith.constant 6 : i32
      %parallel_loop3A_2416 = vector.broadcast %parallel_loop3A_2415 : i32 to vector<16xi32>
      %parallel_loop3A_2417 = arith.minsi %parallel_loop3A_2408, %parallel_loop3A_2416 : vector<16xi32>
      %parallel_loop3A_2418 = arith.constant 2 : i32
      %parallel_loop3A_2419 = vector.broadcast %parallel_loop3A_2418 : i32 to vector<16xi32>
      %parallel_loop3A_2420 = arith.addi %parallel_loop3A_2417, %parallel_loop3A_2419 : vector<16xi32>
      %parallel_loop3A_2421 = arith.select %parallel_loop3A_2411, %parallel_loop3A_2414, %parallel_loop3A_2420 : vector<16xi1>, vector<16xi32>
      %parallel_loop3A_2422 = arith.cmpi eq, %parallel_loop3A_2396, %parallel_loop3A_10 : vector<16xi32>
      %parallel_loop3A_2423 = arith.constant 9 : i32
      %parallel_loop3A_2424 = arith.constant 0 : i32
      %parallel_loop3A_2425 = vector.broadcast %parallel_loop3A_2423 : i32 to vector<16xi32>
      %parallel_loop3A_2426 = vector.broadcast %parallel_loop3A_2424 : i32 to vector<16xi32>
      %parallel_loop3A_2427 = arith.select %parallel_loop3A_2422, %parallel_loop3A_2425, %parallel_loop3A_2426 : vector<16xi1>, vector<16xi32>
      %parallel_loop3A_2428 = arith.addi %parallel_loop3A_2421, %parallel_loop3A_2427 : vector<16xi32>
      %parallel_loop3A_2429 = arith.constant 58 : i32
      %parallel_loop3A_2430 = arith.index_cast %parallel_loop3A_2429 : i32 to index
      %parallel_loop3A_2431 = arith.index_cast %parallel_loop3A_7 : i32 to index
      %parallel_loop3A_2432 = tpu.vector_load %arg7[%parallel_loop3A_2430, %parallel_loop3A_2431] {strides = array<i32>} : memref<64x256xi32, #tpu.memory_space<vmem>>, vector<16xi32>,
      tpu.vector_store %arg7[%parallel_loop3A_2430, %parallel_loop3A_2431], %parallel_loop3A_2428 {strides = array<i32>} : memref<64x256xi32, #tpu.memory_space<vmem>>, vector<16xi32>,
      %parallel_loop3A_2433 = arith.constant 59 : i32
      %parallel_loop3A_2434 = arith.index_cast %parallel_loop3A_2433 : i32 to index
      %parallel_loop3A_2435 = arith.index_cast %parallel_loop3A_7 : i32 to index
      %parallel_loop3A_2436 = tpu.vector_load %arg6[%parallel_loop3A_2434, %parallel_loop3A_2435] {strides = array<i32>} : memref<64x256xi32, #tpu.memory_space<vmem>>, vector<16xi32>,
      %parallel_loop3A_2437 = tpu.vector_load_idx %arg5[%parallel_loop3A_2436] : memref<8192xi32, #tpu.memory_space<vmem>>[vector<16xi32>], vector<16xi32>,
      %parallel_loop3A_2438 = arith.subi %parallel_loop3A_13, %parallel_loop3A_2436 : vector<16xi32>
      %parallel_loop3A_2439 = arith.constant 1 : i32
      %parallel_loop3A_2440 = vector.broadcast %parallel_loop3A_2439 : i32 to vector<16xi32>
      %parallel_loop3A_2441 = arith.maxsi %parallel_loop3A_2438, %parallel_loop3A_2440 : vector<16xi32>
      %parallel_loop3A_2442 = arith.sitofp %parallel_loop3A_2441 : vector<16xi32> to vector<16xf32>
      %parallel_loop3A_2443 = vector.bitcast %parallel_loop3A_2442 : vector<16xf32> to vector<16xi32>
      %parallel_loop3A_2444 = arith.constant 23 : i32
      %parallel_loop3A_2445 = vector.broadcast %parallel_loop3A_2444 : i32 to vector<16xi32>
      %parallel_loop3A_2446 = arith.shrsi %parallel_loop3A_2443, %parallel_loop3A_2445 : vector<16xi32>
      %parallel_loop3A_2447 = arith.constant 127 : i32
      %parallel_loop3A_2448 = vector.broadcast %parallel_loop3A_2447 : i32 to vector<16xi32>
      %parallel_loop3A_2449 = arith.subi %parallel_loop3A_2446, %parallel_loop3A_2448 : vector<16xi32>
      %parallel_loop3A_2450 = arith.constant 5 : i32
      %parallel_loop3A_2451 = vector.broadcast %parallel_loop3A_2450 : i32 to vector<16xi32>
      %parallel_loop3A_2452 = arith.cmpi slt, %parallel_loop3A_2441, %parallel_loop3A_2451 : vector<16xi32>
      %parallel_loop3A_2453 = arith.constant 1 : i32
      %parallel_loop3A_2454 = vector.broadcast %parallel_loop3A_2453 : i32 to vector<16xi32>
      %parallel_loop3A_2455 = arith.subi %parallel_loop3A_2441, %parallel_loop3A_2454 : vector<16xi32>
      %parallel_loop3A_2456 = arith.constant 6 : i32
      %parallel_loop3A_2457 = vector.broadcast %parallel_loop3A_2456 : i32 to vector<16xi32>
      %parallel_loop3A_2458 = arith.minsi %parallel_loop3A_2449, %parallel_loop3A_2457 : vector<16xi32>
      %parallel_loop3A_2459 = arith.constant 2 : i32
      %parallel_loop3A_2460 = vector.broadcast %parallel_loop3A_2459 : i32 to vector<16xi32>
      %parallel_loop3A_2461 = arith.addi %parallel_loop3A_2458, %parallel_loop3A_2460 : vector<16xi32>
      %parallel_loop3A_2462 = arith.select %parallel_loop3A_2452, %parallel_loop3A_2455, %parallel_loop3A_2461 : vector<16xi1>, vector<16xi32>
      %parallel_loop3A_2463 = arith.cmpi eq, %parallel_loop3A_2437, %parallel_loop3A_10 : vector<16xi32>
      %parallel_loop3A_2464 = arith.constant 9 : i32
      %parallel_loop3A_2465 = arith.constant 0 : i32
      %parallel_loop3A_2466 = vector.broadcast %parallel_loop3A_2464 : i32 to vector<16xi32>
      %parallel_loop3A_2467 = vector.broadcast %parallel_loop3A_2465 : i32 to vector<16xi32>
      %parallel_loop3A_2468 = arith.select %parallel_loop3A_2463, %parallel_loop3A_2466, %parallel_loop3A_2467 : vector<16xi1>, vector<16xi32>
      %parallel_loop3A_2469 = arith.addi %parallel_loop3A_2462, %parallel_loop3A_2468 : vector<16xi32>
      %parallel_loop3A_2470 = arith.constant 59 : i32
      %parallel_loop3A_2471 = arith.index_cast %parallel_loop3A_2470 : i32 to index
      %parallel_loop3A_2472 = arith.index_cast %parallel_loop3A_7 : i32 to index
      %parallel_loop3A_2473 = tpu.vector_load %arg7[%parallel_loop3A_2471, %parallel_loop3A_2472] {strides = array<i32>} : memref<64x256xi32, #tpu.memory_space<vmem>>, vector<16xi32>,
      tpu.vector_store %arg7[%parallel_loop3A_2471, %parallel_loop3A_2472], %parallel_loop3A_2469 {strides = array<i32>} : memref<64x256xi32, #tpu.memory_space<vmem>>, vector<16xi32>,
      %parallel_loop3A_2474 = arith.constant 60 : i32
      %parallel_loop3A_2475 = arith.index_cast %parallel_loop3A_2474 : i32 to index
      %parallel_loop3A_2476 = arith.index_cast %parallel_loop3A_7 : i32 to index
      %parallel_loop3A_2477 = tpu.vector_load %arg6[%parallel_loop3A_2475, %parallel_loop3A_2476] {strides = array<i32>} : memref<64x256xi32, #tpu.memory_space<vmem>>, vector<16xi32>,
      %parallel_loop3A_2478 = tpu.vector_load_idx %arg5[%parallel_loop3A_2477] : memref<8192xi32, #tpu.memory_space<vmem>>[vector<16xi32>], vector<16xi32>,
      %parallel_loop3A_2479 = arith.subi %parallel_loop3A_13, %parallel_loop3A_2477 : vector<16xi32>
      %parallel_loop3A_2480 = arith.constant 1 : i32
      %parallel_loop3A_2481 = vector.broadcast %parallel_loop3A_2480 : i32 to vector<16xi32>
      %parallel_loop3A_2482 = arith.maxsi %parallel_loop3A_2479, %parallel_loop3A_2481 : vector<16xi32>
      %parallel_loop3A_2483 = arith.sitofp %parallel_loop3A_2482 : vector<16xi32> to vector<16xf32>
      %parallel_loop3A_2484 = vector.bitcast %parallel_loop3A_2483 : vector<16xf32> to vector<16xi32>
      %parallel_loop3A_2485 = arith.constant 23 : i32
      %parallel_loop3A_2486 = vector.broadcast %parallel_loop3A_2485 : i32 to vector<16xi32>
      %parallel_loop3A_2487 = arith.shrsi %parallel_loop3A_2484, %parallel_loop3A_2486 : vector<16xi32>
      %parallel_loop3A_2488 = arith.constant 127 : i32
      %parallel_loop3A_2489 = vector.broadcast %parallel_loop3A_2488 : i32 to vector<16xi32>
      %parallel_loop3A_2490 = arith.subi %parallel_loop3A_2487, %parallel_loop3A_2489 : vector<16xi32>
      %parallel_loop3A_2491 = arith.constant 5 : i32
      %parallel_loop3A_2492 = vector.broadcast %parallel_loop3A_2491 : i32 to vector<16xi32>
      %parallel_loop3A_2493 = arith.cmpi slt, %parallel_loop3A_2482, %parallel_loop3A_2492 : vector<16xi32>
      %parallel_loop3A_2494 = arith.constant 1 : i32
      %parallel_loop3A_2495 = vector.broadcast %parallel_loop3A_2494 : i32 to vector<16xi32>
      %parallel_loop3A_2496 = arith.subi %parallel_loop3A_2482, %parallel_loop3A_2495 : vector<16xi32>
      %parallel_loop3A_2497 = arith.constant 6 : i32
      %parallel_loop3A_2498 = vector.broadcast %parallel_loop3A_2497 : i32 to vector<16xi32>
      %parallel_loop3A_2499 = arith.minsi %parallel_loop3A_2490, %parallel_loop3A_2498 : vector<16xi32>
      %parallel_loop3A_2500 = arith.constant 2 : i32
      %parallel_loop3A_2501 = vector.broadcast %parallel_loop3A_2500 : i32 to vector<16xi32>
      %parallel_loop3A_2502 = arith.addi %parallel_loop3A_2499, %parallel_loop3A_2501 : vector<16xi32>
      %parallel_loop3A_2503 = arith.select %parallel_loop3A_2493, %parallel_loop3A_2496, %parallel_loop3A_2502 : vector<16xi1>, vector<16xi32>
      %parallel_loop3A_2504 = arith.cmpi eq, %parallel_loop3A_2478, %parallel_loop3A_10 : vector<16xi32>
      %parallel_loop3A_2505 = arith.constant 9 : i32
      %parallel_loop3A_2506 = arith.constant 0 : i32
      %parallel_loop3A_2507 = vector.broadcast %parallel_loop3A_2505 : i32 to vector<16xi32>
      %parallel_loop3A_2508 = vector.broadcast %parallel_loop3A_2506 : i32 to vector<16xi32>
      %parallel_loop3A_2509 = arith.select %parallel_loop3A_2504, %parallel_loop3A_2507, %parallel_loop3A_2508 : vector<16xi1>, vector<16xi32>
      %parallel_loop3A_2510 = arith.addi %parallel_loop3A_2503, %parallel_loop3A_2509 : vector<16xi32>
      %parallel_loop3A_2511 = arith.constant 60 : i32
      %parallel_loop3A_2512 = arith.index_cast %parallel_loop3A_2511 : i32 to index
      %parallel_loop3A_2513 = arith.index_cast %parallel_loop3A_7 : i32 to index
      %parallel_loop3A_2514 = tpu.vector_load %arg7[%parallel_loop3A_2512, %parallel_loop3A_2513] {strides = array<i32>} : memref<64x256xi32, #tpu.memory_space<vmem>>, vector<16xi32>,
      tpu.vector_store %arg7[%parallel_loop3A_2512, %parallel_loop3A_2513], %parallel_loop3A_2510 {strides = array<i32>} : memref<64x256xi32, #tpu.memory_space<vmem>>, vector<16xi32>,
      %parallel_loop3A_2515 = arith.constant 61 : i32
      %parallel_loop3A_2516 = arith.index_cast %parallel_loop3A_2515 : i32 to index
      %parallel_loop3A_2517 = arith.index_cast %parallel_loop3A_7 : i32 to index
      %parallel_loop3A_2518 = tpu.vector_load %arg6[%parallel_loop3A_2516, %parallel_loop3A_2517] {strides = array<i32>} : memref<64x256xi32, #tpu.memory_space<vmem>>, vector<16xi32>,
      %parallel_loop3A_2519 = tpu.vector_load_idx %arg5[%parallel_loop3A_2518] : memref<8192xi32, #tpu.memory_space<vmem>>[vector<16xi32>], vector<16xi32>,
      %parallel_loop3A_2520 = arith.subi %parallel_loop3A_13, %parallel_loop3A_2518 : vector<16xi32>
      %parallel_loop3A_2521 = arith.constant 1 : i32
      %parallel_loop3A_2522 = vector.broadcast %parallel_loop3A_2521 : i32 to vector<16xi32>
      %parallel_loop3A_2523 = arith.maxsi %parallel_loop3A_2520, %parallel_loop3A_2522 : vector<16xi32>
      %parallel_loop3A_2524 = arith.sitofp %parallel_loop3A_2523 : vector<16xi32> to vector<16xf32>
      %parallel_loop3A_2525 = vector.bitcast %parallel_loop3A_2524 : vector<16xf32> to vector<16xi32>
      %parallel_loop3A_2526 = arith.constant 23 : i32
      %parallel_loop3A_2527 = vector.broadcast %parallel_loop3A_2526 : i32 to vector<16xi32>
      %parallel_loop3A_2528 = arith.shrsi %parallel_loop3A_2525, %parallel_loop3A_2527 : vector<16xi32>
      %parallel_loop3A_2529 = arith.constant 127 : i32
      %parallel_loop3A_2530 = vector.broadcast %parallel_loop3A_2529 : i32 to vector<16xi32>
      %parallel_loop3A_2531 = arith.subi %parallel_loop3A_2528, %parallel_loop3A_2530 : vector<16xi32>
      %parallel_loop3A_2532 = arith.constant 5 : i32
      %parallel_loop3A_2533 = vector.broadcast %parallel_loop3A_2532 : i32 to vector<16xi32>
      %parallel_loop3A_2534 = arith.cmpi slt, %parallel_loop3A_2523, %parallel_loop3A_2533 : vector<16xi32>
      %parallel_loop3A_2535 = arith.constant 1 : i32
      %parallel_loop3A_2536 = vector.broadcast %parallel_loop3A_2535 : i32 to vector<16xi32>
      %parallel_loop3A_2537 = arith.subi %parallel_loop3A_2523, %parallel_loop3A_2536 : vector<16xi32>
      %parallel_loop3A_2538 = arith.constant 6 : i32
      %parallel_loop3A_2539 = vector.broadcast %parallel_loop3A_2538 : i32 to vector<16xi32>
      %parallel_loop3A_2540 = arith.minsi %parallel_loop3A_2531, %parallel_loop3A_2539 : vector<16xi32>
      %parallel_loop3A_2541 = arith.constant 2 : i32
      %parallel_loop3A_2542 = vector.broadcast %parallel_loop3A_2541 : i32 to vector<16xi32>
      %parallel_loop3A_2543 = arith.addi %parallel_loop3A_2540, %parallel_loop3A_2542 : vector<16xi32>
      %parallel_loop3A_2544 = arith.select %parallel_loop3A_2534, %parallel_loop3A_2537, %parallel_loop3A_2543 : vector<16xi1>, vector<16xi32>
      %parallel_loop3A_2545 = arith.cmpi eq, %parallel_loop3A_2519, %parallel_loop3A_10 : vector<16xi32>
      %parallel_loop3A_2546 = arith.constant 9 : i32
      %parallel_loop3A_2547 = arith.constant 0 : i32
      %parallel_loop3A_2548 = vector.broadcast %parallel_loop3A_2546 : i32 to vector<16xi32>
      %parallel_loop3A_2549 = vector.broadcast %parallel_loop3A_2547 : i32 to vector<16xi32>
      %parallel_loop3A_2550 = arith.select %parallel_loop3A_2545, %parallel_loop3A_2548, %parallel_loop3A_2549 : vector<16xi1>, vector<16xi32>
      %parallel_loop3A_2551 = arith.addi %parallel_loop3A_2544, %parallel_loop3A_2550 : vector<16xi32>
      %parallel_loop3A_2552 = arith.constant 61 : i32
      %parallel_loop3A_2553 = arith.index_cast %parallel_loop3A_2552 : i32 to index
      %parallel_loop3A_2554 = arith.index_cast %parallel_loop3A_7 : i32 to index
      %parallel_loop3A_2555 = tpu.vector_load %arg7[%parallel_loop3A_2553, %parallel_loop3A_2554] {strides = array<i32>} : memref<64x256xi32, #tpu.memory_space<vmem>>, vector<16xi32>,
      tpu.vector_store %arg7[%parallel_loop3A_2553, %parallel_loop3A_2554], %parallel_loop3A_2551 {strides = array<i32>} : memref<64x256xi32, #tpu.memory_space<vmem>>, vector<16xi32>,
      %parallel_loop3A_2556 = arith.constant 62 : i32
      %parallel_loop3A_2557 = arith.index_cast %parallel_loop3A_2556 : i32 to index
      %parallel_loop3A_2558 = arith.index_cast %parallel_loop3A_7 : i32 to index
      %parallel_loop3A_2559 = tpu.vector_load %arg6[%parallel_loop3A_2557, %parallel_loop3A_2558] {strides = array<i32>} : memref<64x256xi32, #tpu.memory_space<vmem>>, vector<16xi32>,
      %parallel_loop3A_2560 = tpu.vector_load_idx %arg5[%parallel_loop3A_2559] : memref<8192xi32, #tpu.memory_space<vmem>>[vector<16xi32>], vector<16xi32>,
      %parallel_loop3A_2561 = arith.subi %parallel_loop3A_13, %parallel_loop3A_2559 : vector<16xi32>
      %parallel_loop3A_2562 = arith.constant 1 : i32
      %parallel_loop3A_2563 = vector.broadcast %parallel_loop3A_2562 : i32 to vector<16xi32>
      %parallel_loop3A_2564 = arith.maxsi %parallel_loop3A_2561, %parallel_loop3A_2563 : vector<16xi32>
      %parallel_loop3A_2565 = arith.sitofp %parallel_loop3A_2564 : vector<16xi32> to vector<16xf32>
      %parallel_loop3A_2566 = vector.bitcast %parallel_loop3A_2565 : vector<16xf32> to vector<16xi32>
      %parallel_loop3A_2567 = arith.constant 23 : i32
      %parallel_loop3A_2568 = vector.broadcast %parallel_loop3A_2567 : i32 to vector<16xi32>
      %parallel_loop3A_2569 = arith.shrsi %parallel_loop3A_2566, %parallel_loop3A_2568 : vector<16xi32>
      %parallel_loop3A_2570 = arith.constant 127 : i32
      %parallel_loop3A_2571 = vector.broadcast %parallel_loop3A_2570 : i32 to vector<16xi32>
      %parallel_loop3A_2572 = arith.subi %parallel_loop3A_2569, %parallel_loop3A_2571 : vector<16xi32>
      %parallel_loop3A_2573 = arith.constant 5 : i32
      %parallel_loop3A_2574 = vector.broadcast %parallel_loop3A_2573 : i32 to vector<16xi32>
      %parallel_loop3A_2575 = arith.cmpi slt, %parallel_loop3A_2564, %parallel_loop3A_2574 : vector<16xi32>
      %parallel_loop3A_2576 = arith.constant 1 : i32
      %parallel_loop3A_2577 = vector.broadcast %parallel_loop3A_2576 : i32 to vector<16xi32>
      %parallel_loop3A_2578 = arith.subi %parallel_loop3A_2564, %parallel_loop3A_2577 : vector<16xi32>
      %parallel_loop3A_2579 = arith.constant 6 : i32
      %parallel_loop3A_2580 = vector.broadcast %parallel_loop3A_2579 : i32 to vector<16xi32>
      %parallel_loop3A_2581 = arith.minsi %parallel_loop3A_2572, %parallel_loop3A_2580 : vector<16xi32>
      %parallel_loop3A_2582 = arith.constant 2 : i32
      %parallel_loop3A_2583 = vector.broadcast %parallel_loop3A_2582 : i32 to vector<16xi32>
      %parallel_loop3A_2584 = arith.addi %parallel_loop3A_2581, %parallel_loop3A_2583 : vector<16xi32>
      %parallel_loop3A_2585 = arith.select %parallel_loop3A_2575, %parallel_loop3A_2578, %parallel_loop3A_2584 : vector<16xi1>, vector<16xi32>
      %parallel_loop3A_2586 = arith.cmpi eq, %parallel_loop3A_2560, %parallel_loop3A_10 : vector<16xi32>
      %parallel_loop3A_2587 = arith.constant 9 : i32
      %parallel_loop3A_2588 = arith.constant 0 : i32
      %parallel_loop3A_2589 = vector.broadcast %parallel_loop3A_2587 : i32 to vector<16xi32>
      %parallel_loop3A_2590 = vector.broadcast %parallel_loop3A_2588 : i32 to vector<16xi32>
      %parallel_loop3A_2591 = arith.select %parallel_loop3A_2586, %parallel_loop3A_2589, %parallel_loop3A_2590 : vector<16xi1>, vector<16xi32>
      %parallel_loop3A_2592 = arith.addi %parallel_loop3A_2585, %parallel_loop3A_2591 : vector<16xi32>
      %parallel_loop3A_2593 = arith.constant 62 : i32
      %parallel_loop3A_2594 = arith.index_cast %parallel_loop3A_2593 : i32 to index
      %parallel_loop3A_2595 = arith.index_cast %parallel_loop3A_7 : i32 to index
      %parallel_loop3A_2596 = tpu.vector_load %arg7[%parallel_loop3A_2594, %parallel_loop3A_2595] {strides = array<i32>} : memref<64x256xi32, #tpu.memory_space<vmem>>, vector<16xi32>,
      tpu.vector_store %arg7[%parallel_loop3A_2594, %parallel_loop3A_2595], %parallel_loop3A_2592 {strides = array<i32>} : memref<64x256xi32, #tpu.memory_space<vmem>>, vector<16xi32>,
      %parallel_loop3A_2597 = arith.constant 63 : i32
      %parallel_loop3A_2598 = arith.index_cast %parallel_loop3A_2597 : i32 to index
      %parallel_loop3A_2599 = arith.index_cast %parallel_loop3A_7 : i32 to index
      %parallel_loop3A_2600 = tpu.vector_load %arg6[%parallel_loop3A_2598, %parallel_loop3A_2599] {strides = array<i32>} : memref<64x256xi32, #tpu.memory_space<vmem>>, vector<16xi32>,
      %parallel_loop3A_2601 = tpu.vector_load_idx %arg5[%parallel_loop3A_2600] : memref<8192xi32, #tpu.memory_space<vmem>>[vector<16xi32>], vector<16xi32>,
      %parallel_loop3A_2602 = arith.subi %parallel_loop3A_13, %parallel_loop3A_2600 : vector<16xi32>
      %parallel_loop3A_2603 = arith.constant 1 : i32
      %parallel_loop3A_2604 = vector.broadcast %parallel_loop3A_2603 : i32 to vector<16xi32>
      %parallel_loop3A_2605 = arith.maxsi %parallel_loop3A_2602, %parallel_loop3A_2604 : vector<16xi32>
      %parallel_loop3A_2606 = arith.sitofp %parallel_loop3A_2605 : vector<16xi32> to vector<16xf32>
      %parallel_loop3A_2607 = vector.bitcast %parallel_loop3A_2606 : vector<16xf32> to vector<16xi32>
      %parallel_loop3A_2608 = arith.constant 23 : i32
      %parallel_loop3A_2609 = vector.broadcast %parallel_loop3A_2608 : i32 to vector<16xi32>
      %parallel_loop3A_2610 = arith.shrsi %parallel_loop3A_2607, %parallel_loop3A_2609 : vector<16xi32>
      %parallel_loop3A_2611 = arith.constant 127 : i32
      %parallel_loop3A_2612 = vector.broadcast %parallel_loop3A_2611 : i32 to vector<16xi32>
      %parallel_loop3A_2613 = arith.subi %parallel_loop3A_2610, %parallel_loop3A_2612 : vector<16xi32>
      %parallel_loop3A_2614 = arith.constant 5 : i32
      %parallel_loop3A_2615 = vector.broadcast %parallel_loop3A_2614 : i32 to vector<16xi32>
      %parallel_loop3A_2616 = arith.cmpi slt, %parallel_loop3A_2605, %parallel_loop3A_2615 : vector<16xi32>
      %parallel_loop3A_2617 = arith.constant 1 : i32
      %parallel_loop3A_2618 = vector.broadcast %parallel_loop3A_2617 : i32 to vector<16xi32>
      %parallel_loop3A_2619 = arith.subi %parallel_loop3A_2605, %parallel_loop3A_2618 : vector<16xi32>
      %parallel_loop3A_2620 = arith.constant 6 : i32
      %parallel_loop3A_2621 = vector.broadcast %parallel_loop3A_2620 : i32 to vector<16xi32>
      %parallel_loop3A_2622 = arith.minsi %parallel_loop3A_2613, %parallel_loop3A_2621 : vector<16xi32>
      %parallel_loop3A_2623 = arith.constant 2 : i32
      %parallel_loop3A_2624 = vector.broadcast %parallel_loop3A_2623 : i32 to vector<16xi32>
      %parallel_loop3A_2625 = arith.addi %parallel_loop3A_2622, %parallel_loop3A_2624 : vector<16xi32>
      %parallel_loop3A_2626 = arith.select %parallel_loop3A_2616, %parallel_loop3A_2619, %parallel_loop3A_2625 : vector<16xi1>, vector<16xi32>
      %parallel_loop3A_2627 = arith.cmpi eq, %parallel_loop3A_2601, %parallel_loop3A_10 : vector<16xi32>
      %parallel_loop3A_2628 = arith.constant 9 : i32
      %parallel_loop3A_2629 = arith.constant 0 : i32
      %parallel_loop3A_2630 = vector.broadcast %parallel_loop3A_2628 : i32 to vector<16xi32>
      %parallel_loop3A_2631 = vector.broadcast %parallel_loop3A_2629 : i32 to vector<16xi32>
      %parallel_loop3A_2632 = arith.select %parallel_loop3A_2627, %parallel_loop3A_2630, %parallel_loop3A_2631 : vector<16xi1>, vector<16xi32>
      %parallel_loop3A_2633 = arith.addi %parallel_loop3A_2626, %parallel_loop3A_2632 : vector<16xi32>
      %parallel_loop3A_2634 = arith.constant 63 : i32
      %parallel_loop3A_2635 = arith.index_cast %parallel_loop3A_2634 : i32 to index
      %parallel_loop3A_2636 = arith.index_cast %parallel_loop3A_7 : i32 to index
      %parallel_loop3A_2637 = tpu.vector_load %arg7[%parallel_loop3A_2635, %parallel_loop3A_2636] {strides = array<i32>} : memref<64x256xi32, #tpu.memory_space<vmem>>, vector<16xi32>,
      tpu.vector_store %arg7[%parallel_loop3A_2635, %parallel_loop3A_2636], %parallel_loop3A_2633 {strides = array<i32>} : memref<64x256xi32, #tpu.memory_space<vmem>>, vector<16xi32>,
    } {sc.loop_unroll_factor = 2 : i64, sc.parallel_access}
    "tpu.region"() ({
      %run_scoped3A = tpu.sem_alloc : memref<!tpu.dma_semaphore, #tpu.memory_space<semaphore_mem>>
      %dma_start3A = arith.constant 0 : i32
      %dma_start3A_5 = tpu.memref_slice %arg4[%dma_start3A, %mul3A_2] : memref<64x8192xi32, #tpu.memory_space<hbm>> -> memref<64x256xi32, #tpu.memory_space<hbm>>
      %dma_start3A_6 = arith.constant 0 : i32
      %dma_start3A_7 = tpu.memref_slice %arg4[%dma_start3A_6, %mul3A_2] : memref<64x8192xi32, #tpu.memory_space<hbm>> -> memref<64x256xi32, #tpu.memory_space<hbm>>
      tpu.enqueue_dma source(%arg7 : memref<64x256xi32, #tpu.memory_space<vmem>>) target(%dma_start3A_7 : memref<64x256xi32, #tpu.memory_space<hbm>>) target_semaphore(%run_scoped3A : memref<!tpu.dma_semaphore, #tpu.memory_space<semaphore_mem>>)
      %dma_wait3A = arith.constant 0 : i32
      %dma_wait3A_8 = tpu.memref_slice %arg4[%dma_wait3A, %mul3A_2] : memref<64x8192xi32, #tpu.memory_space<hbm>> -> memref<64x256xi32, #tpu.memory_space<hbm>>
      %dma_wait3A_9 = arith.constant 0 : i32
      %dma_wait3A_10 = tpu.memref_slice %arg4[%dma_wait3A_9, %mul3A_2] : memref<64x8192xi32, #tpu.memory_space<hbm>> -> memref<64x256xi32, #tpu.memory_space<hbm>>
      tpu.wait_dma2 semaphore(%run_scoped3A : memref<!tpu.dma_semaphore, #tpu.memory_space<semaphore_mem>>) src(%arg7 : memref<64x256xi32, #tpu.memory_space<vmem>>) dst(%dma_wait3A_10 : memref<64x256xi32, #tpu.memory_space<hbm>>)
      tpu.yield
    }) : () -> ()
    return
  }
}

module attributes {stable_mosaic.version = 14 : i64} {
  func.func @_tc_expand_body(%arg0: i32, %arg1: memref<64x512xi32, #tpu.memory_space<vmem>>, %arg2: memref<96x18xbf16, #tpu.memory_space<vmem>>, %arg3: memref<6144x512xf32, #tpu.memory_space<vmem>>) attributes {dimension_semantics = [#tpu.dimension_semantics<arbitrary>], iteration_bounds = array<i64: 16>, scalar_prefetch = 0 : i64, scratch_operands = 0 : i64, tpu.core_type = #tpu.core_type<tc>, window_params = [{transform_indices = @transform_0, window_bounds = array<i64: 64, 512>}, {pipeline_mode = #tpu.pipeline_mode<synchronous>, transform_indices = @transform_1, window_bounds = array<i64: 96, 18>}, {transform_indices = @transform_2, window_bounds = array<i64: 6144, 512>}]} {
    %get3A = arith.constant 0 : index
    %get3A_0 = arith.constant 0 : index
    %get3A_1 = vector.load %arg1[%get3A, %get3A_0] : memref<64x512xi32, #tpu.memory_space<vmem>>, vector<64x512xi32>
    %convert_element_type3A = arith.trunci %get3A_1 : vector<64x512xi32> to vector<64x512xi16>
    %iota3A = tpu.iota {dimensions = array<i32: 0>} : vector<18x512xi16>
    %get3A_2 = arith.constant 0 : index
    %get3A_3 = arith.constant 0 : index
    %get3A_4 = vector.load %arg2[%get3A_2, %get3A_3] : memref<96x18xbf16, #tpu.memory_space<vmem>>, vector<96x18xbf16>
    %slice3A = vector.extract_strided_slice %convert_element_type3A {offsets = [0, 0], sizes = [1, 512], strides = [1, 1]} : vector<64x512xi16> to vector<1x512xi16>
    %squeeze3A = vector.shape_cast %slice3A : vector<1x512xi16> to vector<512xi16>
    %broadcast_in_dim3A = vector.shape_cast %squeeze3A : vector<512xi16> to vector<1x512xi16>
    %broadcast_in_dim3A_5 = vector.broadcast %broadcast_in_dim3A : vector<1x512xi16> to vector<18x512xi16>
    %eq3A = arith.cmpi eq, %broadcast_in_dim3A_5, %iota3A : vector<18x512xi16>
    %jit3A = arith.constant 1.000000e+00 : bf16
    %jit3A_6 = arith.constant 0.000000e+00 : bf16
    %broadcast_in_dim3A_7 = vector.broadcast %jit3A : bf16 to vector<18x512xbf16>
    %broadcast_in_dim3A_8 = vector.broadcast %jit3A_6 : bf16 to vector<18x512xbf16>
    %select_n3A = arith.select %eq3A, %broadcast_in_dim3A_7, %broadcast_in_dim3A_8 : vector<18x512xi1>, vector<18x512xbf16>
    %dot_general3A = arith.constant dense<0.000000e+00> : vector<96x512xf32>
    %dot_general3A_9 = tpu.matmul %get3A_4, %select_n3A, %dot_general3A {dimension_numbers = #tpu.dot_dimension_numbers<[1], [0], [0], [1], [0, 0, 1, 1], [], []>, transpose_lhs_hint = false} : vector<96x18xbf16>, vector<18x512xbf16>, vector<96x512xf32> -> vector<96x512xf32>
    %swap3A = arith.constant 0 : index
    %swap3A_10 = arith.constant 0 : index
    %swap3A_11 = vector.load %arg3[%swap3A, %swap3A_10] : memref<6144x512xf32, #tpu.memory_space<vmem>>, vector<96x512xf32>
    tpu.vector_store %arg3[%swap3A, %swap3A_10], %dot_general3A_9 {strides = array<i32>} : memref<6144x512xf32, #tpu.memory_space<vmem>>, vector<96x512xf32>,
    %slice3A_12 = vector.extract_strided_slice %convert_element_type3A {offsets = [1, 0], sizes = [1, 512], strides = [1, 1]} : vector<64x512xi16> to vector<1x512xi16>
    %squeeze3A_13 = vector.shape_cast %slice3A_12 : vector<1x512xi16> to vector<512xi16>
    %broadcast_in_dim3A_14 = vector.shape_cast %squeeze3A_13 : vector<512xi16> to vector<1x512xi16>
    %broadcast_in_dim3A_15 = vector.broadcast %broadcast_in_dim3A_14 : vector<1x512xi16> to vector<18x512xi16>
    %eq3A_16 = arith.cmpi eq, %broadcast_in_dim3A_15, %iota3A : vector<18x512xi16>
    %jit3A_17 = arith.constant 1.000000e+00 : bf16
    %jit3A_18 = arith.constant 0.000000e+00 : bf16
    %broadcast_in_dim3A_19 = vector.broadcast %jit3A_17 : bf16 to vector<18x512xbf16>
    %broadcast_in_dim3A_20 = vector.broadcast %jit3A_18 : bf16 to vector<18x512xbf16>
    %select_n3A_21 = arith.select %eq3A_16, %broadcast_in_dim3A_19, %broadcast_in_dim3A_20 : vector<18x512xi1>, vector<18x512xbf16>
    %dot_general3A_22 = arith.constant dense<0.000000e+00> : vector<96x512xf32>
    %dot_general3A_23 = tpu.matmul %get3A_4, %select_n3A_21, %dot_general3A_22 {dimension_numbers = #tpu.dot_dimension_numbers<[1], [0], [0], [1], [0, 0, 1, 1], [], []>, transpose_lhs_hint = false} : vector<96x18xbf16>, vector<18x512xbf16>, vector<96x512xf32> -> vector<96x512xf32>
    %swap3A_24 = arith.constant 96 : index
    %swap3A_25 = arith.constant 0 : index
    %swap3A_26 = vector.load %arg3[%swap3A_24, %swap3A_25] : memref<6144x512xf32, #tpu.memory_space<vmem>>, vector<96x512xf32>
    tpu.vector_store %arg3[%swap3A_24, %swap3A_25], %dot_general3A_23 {strides = array<i32>} : memref<6144x512xf32, #tpu.memory_space<vmem>>, vector<96x512xf32>,
    %slice3A_27 = vector.extract_strided_slice %convert_element_type3A {offsets = [2, 0], sizes = [1, 512], strides = [1, 1]} : vector<64x512xi16> to vector<1x512xi16>
    %squeeze3A_28 = vector.shape_cast %slice3A_27 : vector<1x512xi16> to vector<512xi16>
    %broadcast_in_dim3A_29 = vector.shape_cast %squeeze3A_28 : vector<512xi16> to vector<1x512xi16>
    %broadcast_in_dim3A_30 = vector.broadcast %broadcast_in_dim3A_29 : vector<1x512xi16> to vector<18x512xi16>
    %eq3A_31 = arith.cmpi eq, %broadcast_in_dim3A_30, %iota3A : vector<18x512xi16>
    %jit3A_32 = arith.constant 1.000000e+00 : bf16
    %jit3A_33 = arith.constant 0.000000e+00 : bf16
    %broadcast_in_dim3A_34 = vector.broadcast %jit3A_32 : bf16 to vector<18x512xbf16>
    %broadcast_in_dim3A_35 = vector.broadcast %jit3A_33 : bf16 to vector<18x512xbf16>
    %select_n3A_36 = arith.select %eq3A_31, %broadcast_in_dim3A_34, %broadcast_in_dim3A_35 : vector<18x512xi1>, vector<18x512xbf16>
    %dot_general3A_37 = arith.constant dense<0.000000e+00> : vector<96x512xf32>
    %dot_general3A_38 = tpu.matmul %get3A_4, %select_n3A_36, %dot_general3A_37 {dimension_numbers = #tpu.dot_dimension_numbers<[1], [0], [0], [1], [0, 0, 1, 1], [], []>, transpose_lhs_hint = false} : vector<96x18xbf16>, vector<18x512xbf16>, vector<96x512xf32> -> vector<96x512xf32>
    %swap3A_39 = arith.constant 192 : index
    %swap3A_40 = arith.constant 0 : index
    %swap3A_41 = vector.load %arg3[%swap3A_39, %swap3A_40] : memref<6144x512xf32, #tpu.memory_space<vmem>>, vector<96x512xf32>
    tpu.vector_store %arg3[%swap3A_39, %swap3A_40], %dot_general3A_38 {strides = array<i32>} : memref<6144x512xf32, #tpu.memory_space<vmem>>, vector<96x512xf32>,
    %slice3A_42 = vector.extract_strided_slice %convert_element_type3A {offsets = [3, 0], sizes = [1, 512], strides = [1, 1]} : vector<64x512xi16> to vector<1x512xi16>
    %squeeze3A_43 = vector.shape_cast %slice3A_42 : vector<1x512xi16> to vector<512xi16>
    %broadcast_in_dim3A_44 = vector.shape_cast %squeeze3A_43 : vector<512xi16> to vector<1x512xi16>
    %broadcast_in_dim3A_45 = vector.broadcast %broadcast_in_dim3A_44 : vector<1x512xi16> to vector<18x512xi16>
    %eq3A_46 = arith.cmpi eq, %broadcast_in_dim3A_45, %iota3A : vector<18x512xi16>
    %jit3A_47 = arith.constant 1.000000e+00 : bf16
    %jit3A_48 = arith.constant 0.000000e+00 : bf16
    %broadcast_in_dim3A_49 = vector.broadcast %jit3A_47 : bf16 to vector<18x512xbf16>
    %broadcast_in_dim3A_50 = vector.broadcast %jit3A_48 : bf16 to vector<18x512xbf16>
    %select_n3A_51 = arith.select %eq3A_46, %broadcast_in_dim3A_49, %broadcast_in_dim3A_50 : vector<18x512xi1>, vector<18x512xbf16>
    %dot_general3A_52 = arith.constant dense<0.000000e+00> : vector<96x512xf32>
    %dot_general3A_53 = tpu.matmul %get3A_4, %select_n3A_51, %dot_general3A_52 {dimension_numbers = #tpu.dot_dimension_numbers<[1], [0], [0], [1], [0, 0, 1, 1], [], []>, transpose_lhs_hint = false} : vector<96x18xbf16>, vector<18x512xbf16>, vector<96x512xf32> -> vector<96x512xf32>
    %swap3A_54 = arith.constant 288 : index
    %swap3A_55 = arith.constant 0 : index
    %swap3A_56 = vector.load %arg3[%swap3A_54, %swap3A_55] : memref<6144x512xf32, #tpu.memory_space<vmem>>, vector<96x512xf32>
    tpu.vector_store %arg3[%swap3A_54, %swap3A_55], %dot_general3A_53 {strides = array<i32>} : memref<6144x512xf32, #tpu.memory_space<vmem>>, vector<96x512xf32>,
    %slice3A_57 = vector.extract_strided_slice %convert_element_type3A {offsets = [4, 0], sizes = [1, 512], strides = [1, 1]} : vector<64x512xi16> to vector<1x512xi16>
    %squeeze3A_58 = vector.shape_cast %slice3A_57 : vector<1x512xi16> to vector<512xi16>
    %broadcast_in_dim3A_59 = vector.shape_cast %squeeze3A_58 : vector<512xi16> to vector<1x512xi16>
    %broadcast_in_dim3A_60 = vector.broadcast %broadcast_in_dim3A_59 : vector<1x512xi16> to vector<18x512xi16>
    %eq3A_61 = arith.cmpi eq, %broadcast_in_dim3A_60, %iota3A : vector<18x512xi16>
    %jit3A_62 = arith.constant 1.000000e+00 : bf16
    %jit3A_63 = arith.constant 0.000000e+00 : bf16
    %broadcast_in_dim3A_64 = vector.broadcast %jit3A_62 : bf16 to vector<18x512xbf16>
    %broadcast_in_dim3A_65 = vector.broadcast %jit3A_63 : bf16 to vector<18x512xbf16>
    %select_n3A_66 = arith.select %eq3A_61, %broadcast_in_dim3A_64, %broadcast_in_dim3A_65 : vector<18x512xi1>, vector<18x512xbf16>
    %dot_general3A_67 = arith.constant dense<0.000000e+00> : vector<96x512xf32>
    %dot_general3A_68 = tpu.matmul %get3A_4, %select_n3A_66, %dot_general3A_67 {dimension_numbers = #tpu.dot_dimension_numbers<[1], [0], [0], [1], [0, 0, 1, 1], [], []>, transpose_lhs_hint = false} : vector<96x18xbf16>, vector<18x512xbf16>, vector<96x512xf32> -> vector<96x512xf32>
    %swap3A_69 = arith.constant 384 : index
    %swap3A_70 = arith.constant 0 : index
    %swap3A_71 = vector.load %arg3[%swap3A_69, %swap3A_70] : memref<6144x512xf32, #tpu.memory_space<vmem>>, vector<96x512xf32>
    tpu.vector_store %arg3[%swap3A_69, %swap3A_70], %dot_general3A_68 {strides = array<i32>} : memref<6144x512xf32, #tpu.memory_space<vmem>>, vector<96x512xf32>,
    %slice3A_72 = vector.extract_strided_slice %convert_element_type3A {offsets = [5, 0], sizes = [1, 512], strides = [1, 1]} : vector<64x512xi16> to vector<1x512xi16>
    %squeeze3A_73 = vector.shape_cast %slice3A_72 : vector<1x512xi16> to vector<512xi16>
    %broadcast_in_dim3A_74 = vector.shape_cast %squeeze3A_73 : vector<512xi16> to vector<1x512xi16>
    %broadcast_in_dim3A_75 = vector.broadcast %broadcast_in_dim3A_74 : vector<1x512xi16> to vector<18x512xi16>
    %eq3A_76 = arith.cmpi eq, %broadcast_in_dim3A_75, %iota3A : vector<18x512xi16>
    %jit3A_77 = arith.constant 1.000000e+00 : bf16
    %jit3A_78 = arith.constant 0.000000e+00 : bf16
    %broadcast_in_dim3A_79 = vector.broadcast %jit3A_77 : bf16 to vector<18x512xbf16>
    %broadcast_in_dim3A_80 = vector.broadcast %jit3A_78 : bf16 to vector<18x512xbf16>
    %select_n3A_81 = arith.select %eq3A_76, %broadcast_in_dim3A_79, %broadcast_in_dim3A_80 : vector<18x512xi1>, vector<18x512xbf16>
    %dot_general3A_82 = arith.constant dense<0.000000e+00> : vector<96x512xf32>
    %dot_general3A_83 = tpu.matmul %get3A_4, %select_n3A_81, %dot_general3A_82 {dimension_numbers = #tpu.dot_dimension_numbers<[1], [0], [0], [1], [0, 0, 1, 1], [], []>, transpose_lhs_hint = false} : vector<96x18xbf16>, vector<18x512xbf16>, vector<96x512xf32> -> vector<96x512xf32>
    %swap3A_84 = arith.constant 480 : index
    %swap3A_85 = arith.constant 0 : index
    %swap3A_86 = vector.load %arg3[%swap3A_84, %swap3A_85] : memref<6144x512xf32, #tpu.memory_space<vmem>>, vector<96x512xf32>
    tpu.vector_store %arg3[%swap3A_84, %swap3A_85], %dot_general3A_83 {strides = array<i32>} : memref<6144x512xf32, #tpu.memory_space<vmem>>, vector<96x512xf32>,
    %slice3A_87 = vector.extract_strided_slice %convert_element_type3A {offsets = [6, 0], sizes = [1, 512], strides = [1, 1]} : vector<64x512xi16> to vector<1x512xi16>
    %squeeze3A_88 = vector.shape_cast %slice3A_87 : vector<1x512xi16> to vector<512xi16>
    %broadcast_in_dim3A_89 = vector.shape_cast %squeeze3A_88 : vector<512xi16> to vector<1x512xi16>
    %broadcast_in_dim3A_90 = vector.broadcast %broadcast_in_dim3A_89 : vector<1x512xi16> to vector<18x512xi16>
    %eq3A_91 = arith.cmpi eq, %broadcast_in_dim3A_90, %iota3A : vector<18x512xi16>
    %jit3A_92 = arith.constant 1.000000e+00 : bf16
    %jit3A_93 = arith.constant 0.000000e+00 : bf16
    %broadcast_in_dim3A_94 = vector.broadcast %jit3A_92 : bf16 to vector<18x512xbf16>
    %broadcast_in_dim3A_95 = vector.broadcast %jit3A_93 : bf16 to vector<18x512xbf16>
    %select_n3A_96 = arith.select %eq3A_91, %broadcast_in_dim3A_94, %broadcast_in_dim3A_95 : vector<18x512xi1>, vector<18x512xbf16>
    %dot_general3A_97 = arith.constant dense<0.000000e+00> : vector<96x512xf32>
    %dot_general3A_98 = tpu.matmul %get3A_4, %select_n3A_96, %dot_general3A_97 {dimension_numbers = #tpu.dot_dimension_numbers<[1], [0], [0], [1], [0, 0, 1, 1], [], []>, transpose_lhs_hint = false} : vector<96x18xbf16>, vector<18x512xbf16>, vector<96x512xf32> -> vector<96x512xf32>
    %swap3A_99 = arith.constant 576 : index
    %swap3A_100 = arith.constant 0 : index
    %swap3A_101 = vector.load %arg3[%swap3A_99, %swap3A_100] : memref<6144x512xf32, #tpu.memory_space<vmem>>, vector<96x512xf32>
    tpu.vector_store %arg3[%swap3A_99, %swap3A_100], %dot_general3A_98 {strides = array<i32>} : memref<6144x512xf32, #tpu.memory_space<vmem>>, vector<96x512xf32>,
    %slice3A_102 = vector.extract_strided_slice %convert_element_type3A {offsets = [7, 0], sizes = [1, 512], strides = [1, 1]} : vector<64x512xi16> to vector<1x512xi16>
    %squeeze3A_103 = vector.shape_cast %slice3A_102 : vector<1x512xi16> to vector<512xi16>
    %broadcast_in_dim3A_104 = vector.shape_cast %squeeze3A_103 : vector<512xi16> to vector<1x512xi16>
    %broadcast_in_dim3A_105 = vector.broadcast %broadcast_in_dim3A_104 : vector<1x512xi16> to vector<18x512xi16>
    %eq3A_106 = arith.cmpi eq, %broadcast_in_dim3A_105, %iota3A : vector<18x512xi16>
    %jit3A_107 = arith.constant 1.000000e+00 : bf16
    %jit3A_108 = arith.constant 0.000000e+00 : bf16
    %broadcast_in_dim3A_109 = vector.broadcast %jit3A_107 : bf16 to vector<18x512xbf16>
    %broadcast_in_dim3A_110 = vector.broadcast %jit3A_108 : bf16 to vector<18x512xbf16>
    %select_n3A_111 = arith.select %eq3A_106, %broadcast_in_dim3A_109, %broadcast_in_dim3A_110 : vector<18x512xi1>, vector<18x512xbf16>
    %dot_general3A_112 = arith.constant dense<0.000000e+00> : vector<96x512xf32>
    %dot_general3A_113 = tpu.matmul %get3A_4, %select_n3A_111, %dot_general3A_112 {dimension_numbers = #tpu.dot_dimension_numbers<[1], [0], [0], [1], [0, 0, 1, 1], [], []>, transpose_lhs_hint = false} : vector<96x18xbf16>, vector<18x512xbf16>, vector<96x512xf32> -> vector<96x512xf32>
    %swap3A_114 = arith.constant 672 : index
    %swap3A_115 = arith.constant 0 : index
    %swap3A_116 = vector.load %arg3[%swap3A_114, %swap3A_115] : memref<6144x512xf32, #tpu.memory_space<vmem>>, vector<96x512xf32>
    tpu.vector_store %arg3[%swap3A_114, %swap3A_115], %dot_general3A_113 {strides = array<i32>} : memref<6144x512xf32, #tpu.memory_space<vmem>>, vector<96x512xf32>,
    %slice3A_117 = vector.extract_strided_slice %convert_element_type3A {offsets = [8, 0], sizes = [1, 512], strides = [1, 1]} : vector<64x512xi16> to vector<1x512xi16>
    %squeeze3A_118 = vector.shape_cast %slice3A_117 : vector<1x512xi16> to vector<512xi16>
    %broadcast_in_dim3A_119 = vector.shape_cast %squeeze3A_118 : vector<512xi16> to vector<1x512xi16>
    %broadcast_in_dim3A_120 = vector.broadcast %broadcast_in_dim3A_119 : vector<1x512xi16> to vector<18x512xi16>
    %eq3A_121 = arith.cmpi eq, %broadcast_in_dim3A_120, %iota3A : vector<18x512xi16>
    %jit3A_122 = arith.constant 1.000000e+00 : bf16
    %jit3A_123 = arith.constant 0.000000e+00 : bf16
    %broadcast_in_dim3A_124 = vector.broadcast %jit3A_122 : bf16 to vector<18x512xbf16>
    %broadcast_in_dim3A_125 = vector.broadcast %jit3A_123 : bf16 to vector<18x512xbf16>
    %select_n3A_126 = arith.select %eq3A_121, %broadcast_in_dim3A_124, %broadcast_in_dim3A_125 : vector<18x512xi1>, vector<18x512xbf16>
    %dot_general3A_127 = arith.constant dense<0.000000e+00> : vector<96x512xf32>
    %dot_general3A_128 = tpu.matmul %get3A_4, %select_n3A_126, %dot_general3A_127 {dimension_numbers = #tpu.dot_dimension_numbers<[1], [0], [0], [1], [0, 0, 1, 1], [], []>, transpose_lhs_hint = false} : vector<96x18xbf16>, vector<18x512xbf16>, vector<96x512xf32> -> vector<96x512xf32>
    %swap3A_129 = arith.constant 768 : index
    %swap3A_130 = arith.constant 0 : index
    %swap3A_131 = vector.load %arg3[%swap3A_129, %swap3A_130] : memref<6144x512xf32, #tpu.memory_space<vmem>>, vector<96x512xf32>
    tpu.vector_store %arg3[%swap3A_129, %swap3A_130], %dot_general3A_128 {strides = array<i32>} : memref<6144x512xf32, #tpu.memory_space<vmem>>, vector<96x512xf32>,
    %slice3A_132 = vector.extract_strided_slice %convert_element_type3A {offsets = [9, 0], sizes = [1, 512], strides = [1, 1]} : vector<64x512xi16> to vector<1x512xi16>
    %squeeze3A_133 = vector.shape_cast %slice3A_132 : vector<1x512xi16> to vector<512xi16>
    %broadcast_in_dim3A_134 = vector.shape_cast %squeeze3A_133 : vector<512xi16> to vector<1x512xi16>
    %broadcast_in_dim3A_135 = vector.broadcast %broadcast_in_dim3A_134 : vector<1x512xi16> to vector<18x512xi16>
    %eq3A_136 = arith.cmpi eq, %broadcast_in_dim3A_135, %iota3A : vector<18x512xi16>
    %jit3A_137 = arith.constant 1.000000e+00 : bf16
    %jit3A_138 = arith.constant 0.000000e+00 : bf16
    %broadcast_in_dim3A_139 = vector.broadcast %jit3A_137 : bf16 to vector<18x512xbf16>
    %broadcast_in_dim3A_140 = vector.broadcast %jit3A_138 : bf16 to vector<18x512xbf16>
    %select_n3A_141 = arith.select %eq3A_136, %broadcast_in_dim3A_139, %broadcast_in_dim3A_140 : vector<18x512xi1>, vector<18x512xbf16>
    %dot_general3A_142 = arith.constant dense<0.000000e+00> : vector<96x512xf32>
    %dot_general3A_143 = tpu.matmul %get3A_4, %select_n3A_141, %dot_general3A_142 {dimension_numbers = #tpu.dot_dimension_numbers<[1], [0], [0], [1], [0, 0, 1, 1], [], []>, transpose_lhs_hint = false} : vector<96x18xbf16>, vector<18x512xbf16>, vector<96x512xf32> -> vector<96x512xf32>
    %swap3A_144 = arith.constant 864 : index
    %swap3A_145 = arith.constant 0 : index
    %swap3A_146 = vector.load %arg3[%swap3A_144, %swap3A_145] : memref<6144x512xf32, #tpu.memory_space<vmem>>, vector<96x512xf32>
    tpu.vector_store %arg3[%swap3A_144, %swap3A_145], %dot_general3A_143 {strides = array<i32>} : memref<6144x512xf32, #tpu.memory_space<vmem>>, vector<96x512xf32>,
    %slice3A_147 = vector.extract_strided_slice %convert_element_type3A {offsets = [10, 0], sizes = [1, 512], strides = [1, 1]} : vector<64x512xi16> to vector<1x512xi16>
    %squeeze3A_148 = vector.shape_cast %slice3A_147 : vector<1x512xi16> to vector<512xi16>
    %broadcast_in_dim3A_149 = vector.shape_cast %squeeze3A_148 : vector<512xi16> to vector<1x512xi16>
    %broadcast_in_dim3A_150 = vector.broadcast %broadcast_in_dim3A_149 : vector<1x512xi16> to vector<18x512xi16>
    %eq3A_151 = arith.cmpi eq, %broadcast_in_dim3A_150, %iota3A : vector<18x512xi16>
    %jit3A_152 = arith.constant 1.000000e+00 : bf16
    %jit3A_153 = arith.constant 0.000000e+00 : bf16
    %broadcast_in_dim3A_154 = vector.broadcast %jit3A_152 : bf16 to vector<18x512xbf16>
    %broadcast_in_dim3A_155 = vector.broadcast %jit3A_153 : bf16 to vector<18x512xbf16>
    %select_n3A_156 = arith.select %eq3A_151, %broadcast_in_dim3A_154, %broadcast_in_dim3A_155 : vector<18x512xi1>, vector<18x512xbf16>
    %dot_general3A_157 = arith.constant dense<0.000000e+00> : vector<96x512xf32>
    %dot_general3A_158 = tpu.matmul %get3A_4, %select_n3A_156, %dot_general3A_157 {dimension_numbers = #tpu.dot_dimension_numbers<[1], [0], [0], [1], [0, 0, 1, 1], [], []>, transpose_lhs_hint = false} : vector<96x18xbf16>, vector<18x512xbf16>, vector<96x512xf32> -> vector<96x512xf32>
    %swap3A_159 = arith.constant 960 : index
    %swap3A_160 = arith.constant 0 : index
    %swap3A_161 = vector.load %arg3[%swap3A_159, %swap3A_160] : memref<6144x512xf32, #tpu.memory_space<vmem>>, vector<96x512xf32>
    tpu.vector_store %arg3[%swap3A_159, %swap3A_160], %dot_general3A_158 {strides = array<i32>} : memref<6144x512xf32, #tpu.memory_space<vmem>>, vector<96x512xf32>,
    %slice3A_162 = vector.extract_strided_slice %convert_element_type3A {offsets = [11, 0], sizes = [1, 512], strides = [1, 1]} : vector<64x512xi16> to vector<1x512xi16>
    %squeeze3A_163 = vector.shape_cast %slice3A_162 : vector<1x512xi16> to vector<512xi16>
    %broadcast_in_dim3A_164 = vector.shape_cast %squeeze3A_163 : vector<512xi16> to vector<1x512xi16>
    %broadcast_in_dim3A_165 = vector.broadcast %broadcast_in_dim3A_164 : vector<1x512xi16> to vector<18x512xi16>
    %eq3A_166 = arith.cmpi eq, %broadcast_in_dim3A_165, %iota3A : vector<18x512xi16>
    %jit3A_167 = arith.constant 1.000000e+00 : bf16
    %jit3A_168 = arith.constant 0.000000e+00 : bf16
    %broadcast_in_dim3A_169 = vector.broadcast %jit3A_167 : bf16 to vector<18x512xbf16>
    %broadcast_in_dim3A_170 = vector.broadcast %jit3A_168 : bf16 to vector<18x512xbf16>
    %select_n3A_171 = arith.select %eq3A_166, %broadcast_in_dim3A_169, %broadcast_in_dim3A_170 : vector<18x512xi1>, vector<18x512xbf16>
    %dot_general3A_172 = arith.constant dense<0.000000e+00> : vector<96x512xf32>
    %dot_general3A_173 = tpu.matmul %get3A_4, %select_n3A_171, %dot_general3A_172 {dimension_numbers = #tpu.dot_dimension_numbers<[1], [0], [0], [1], [0, 0, 1, 1], [], []>, transpose_lhs_hint = false} : vector<96x18xbf16>, vector<18x512xbf16>, vector<96x512xf32> -> vector<96x512xf32>
    %swap3A_174 = arith.constant 1056 : index
    %swap3A_175 = arith.constant 0 : index
    %swap3A_176 = vector.load %arg3[%swap3A_174, %swap3A_175] : memref<6144x512xf32, #tpu.memory_space<vmem>>, vector<96x512xf32>
    tpu.vector_store %arg3[%swap3A_174, %swap3A_175], %dot_general3A_173 {strides = array<i32>} : memref<6144x512xf32, #tpu.memory_space<vmem>>, vector<96x512xf32>,
    %slice3A_177 = vector.extract_strided_slice %convert_element_type3A {offsets = [12, 0], sizes = [1, 512], strides = [1, 1]} : vector<64x512xi16> to vector<1x512xi16>
    %squeeze3A_178 = vector.shape_cast %slice3A_177 : vector<1x512xi16> to vector<512xi16>
    %broadcast_in_dim3A_179 = vector.shape_cast %squeeze3A_178 : vector<512xi16> to vector<1x512xi16>
    %broadcast_in_dim3A_180 = vector.broadcast %broadcast_in_dim3A_179 : vector<1x512xi16> to vector<18x512xi16>
    %eq3A_181 = arith.cmpi eq, %broadcast_in_dim3A_180, %iota3A : vector<18x512xi16>
    %jit3A_182 = arith.constant 1.000000e+00 : bf16
    %jit3A_183 = arith.constant 0.000000e+00 : bf16
    %broadcast_in_dim3A_184 = vector.broadcast %jit3A_182 : bf16 to vector<18x512xbf16>
    %broadcast_in_dim3A_185 = vector.broadcast %jit3A_183 : bf16 to vector<18x512xbf16>
    %select_n3A_186 = arith.select %eq3A_181, %broadcast_in_dim3A_184, %broadcast_in_dim3A_185 : vector<18x512xi1>, vector<18x512xbf16>
    %dot_general3A_187 = arith.constant dense<0.000000e+00> : vector<96x512xf32>
    %dot_general3A_188 = tpu.matmul %get3A_4, %select_n3A_186, %dot_general3A_187 {dimension_numbers = #tpu.dot_dimension_numbers<[1], [0], [0], [1], [0, 0, 1, 1], [], []>, transpose_lhs_hint = false} : vector<96x18xbf16>, vector<18x512xbf16>, vector<96x512xf32> -> vector<96x512xf32>
    %swap3A_189 = arith.constant 1152 : index
    %swap3A_190 = arith.constant 0 : index
    %swap3A_191 = vector.load %arg3[%swap3A_189, %swap3A_190] : memref<6144x512xf32, #tpu.memory_space<vmem>>, vector<96x512xf32>
    tpu.vector_store %arg3[%swap3A_189, %swap3A_190], %dot_general3A_188 {strides = array<i32>} : memref<6144x512xf32, #tpu.memory_space<vmem>>, vector<96x512xf32>,
    %slice3A_192 = vector.extract_strided_slice %convert_element_type3A {offsets = [13, 0], sizes = [1, 512], strides = [1, 1]} : vector<64x512xi16> to vector<1x512xi16>
    %squeeze3A_193 = vector.shape_cast %slice3A_192 : vector<1x512xi16> to vector<512xi16>
    %broadcast_in_dim3A_194 = vector.shape_cast %squeeze3A_193 : vector<512xi16> to vector<1x512xi16>
    %broadcast_in_dim3A_195 = vector.broadcast %broadcast_in_dim3A_194 : vector<1x512xi16> to vector<18x512xi16>
    %eq3A_196 = arith.cmpi eq, %broadcast_in_dim3A_195, %iota3A : vector<18x512xi16>
    %jit3A_197 = arith.constant 1.000000e+00 : bf16
    %jit3A_198 = arith.constant 0.000000e+00 : bf16
    %broadcast_in_dim3A_199 = vector.broadcast %jit3A_197 : bf16 to vector<18x512xbf16>
    %broadcast_in_dim3A_200 = vector.broadcast %jit3A_198 : bf16 to vector<18x512xbf16>
    %select_n3A_201 = arith.select %eq3A_196, %broadcast_in_dim3A_199, %broadcast_in_dim3A_200 : vector<18x512xi1>, vector<18x512xbf16>
    %dot_general3A_202 = arith.constant dense<0.000000e+00> : vector<96x512xf32>
    %dot_general3A_203 = tpu.matmul %get3A_4, %select_n3A_201, %dot_general3A_202 {dimension_numbers = #tpu.dot_dimension_numbers<[1], [0], [0], [1], [0, 0, 1, 1], [], []>, transpose_lhs_hint = false} : vector<96x18xbf16>, vector<18x512xbf16>, vector<96x512xf32> -> vector<96x512xf32>
    %swap3A_204 = arith.constant 1248 : index
    %swap3A_205 = arith.constant 0 : index
    %swap3A_206 = vector.load %arg3[%swap3A_204, %swap3A_205] : memref<6144x512xf32, #tpu.memory_space<vmem>>, vector<96x512xf32>
    tpu.vector_store %arg3[%swap3A_204, %swap3A_205], %dot_general3A_203 {strides = array<i32>} : memref<6144x512xf32, #tpu.memory_space<vmem>>, vector<96x512xf32>,
    %slice3A_207 = vector.extract_strided_slice %convert_element_type3A {offsets = [14, 0], sizes = [1, 512], strides = [1, 1]} : vector<64x512xi16> to vector<1x512xi16>
    %squeeze3A_208 = vector.shape_cast %slice3A_207 : vector<1x512xi16> to vector<512xi16>
    %broadcast_in_dim3A_209 = vector.shape_cast %squeeze3A_208 : vector<512xi16> to vector<1x512xi16>
    %broadcast_in_dim3A_210 = vector.broadcast %broadcast_in_dim3A_209 : vector<1x512xi16> to vector<18x512xi16>
    %eq3A_211 = arith.cmpi eq, %broadcast_in_dim3A_210, %iota3A : vector<18x512xi16>
    %jit3A_212 = arith.constant 1.000000e+00 : bf16
    %jit3A_213 = arith.constant 0.000000e+00 : bf16
    %broadcast_in_dim3A_214 = vector.broadcast %jit3A_212 : bf16 to vector<18x512xbf16>
    %broadcast_in_dim3A_215 = vector.broadcast %jit3A_213 : bf16 to vector<18x512xbf16>
    %select_n3A_216 = arith.select %eq3A_211, %broadcast_in_dim3A_214, %broadcast_in_dim3A_215 : vector<18x512xi1>, vector<18x512xbf16>
    %dot_general3A_217 = arith.constant dense<0.000000e+00> : vector<96x512xf32>
    %dot_general3A_218 = tpu.matmul %get3A_4, %select_n3A_216, %dot_general3A_217 {dimension_numbers = #tpu.dot_dimension_numbers<[1], [0], [0], [1], [0, 0, 1, 1], [], []>, transpose_lhs_hint = false} : vector<96x18xbf16>, vector<18x512xbf16>, vector<96x512xf32> -> vector<96x512xf32>
    %swap3A_219 = arith.constant 1344 : index
    %swap3A_220 = arith.constant 0 : index
    %swap3A_221 = vector.load %arg3[%swap3A_219, %swap3A_220] : memref<6144x512xf32, #tpu.memory_space<vmem>>, vector<96x512xf32>
    tpu.vector_store %arg3[%swap3A_219, %swap3A_220], %dot_general3A_218 {strides = array<i32>} : memref<6144x512xf32, #tpu.memory_space<vmem>>, vector<96x512xf32>,
    %slice3A_222 = vector.extract_strided_slice %convert_element_type3A {offsets = [15, 0], sizes = [1, 512], strides = [1, 1]} : vector<64x512xi16> to vector<1x512xi16>
    %squeeze3A_223 = vector.shape_cast %slice3A_222 : vector<1x512xi16> to vector<512xi16>
    %broadcast_in_dim3A_224 = vector.shape_cast %squeeze3A_223 : vector<512xi16> to vector<1x512xi16>
    %broadcast_in_dim3A_225 = vector.broadcast %broadcast_in_dim3A_224 : vector<1x512xi16> to vector<18x512xi16>
    %eq3A_226 = arith.cmpi eq, %broadcast_in_dim3A_225, %iota3A : vector<18x512xi16>
    %jit3A_227 = arith.constant 1.000000e+00 : bf16
    %jit3A_228 = arith.constant 0.000000e+00 : bf16
    %broadcast_in_dim3A_229 = vector.broadcast %jit3A_227 : bf16 to vector<18x512xbf16>
    %broadcast_in_dim3A_230 = vector.broadcast %jit3A_228 : bf16 to vector<18x512xbf16>
    %select_n3A_231 = arith.select %eq3A_226, %broadcast_in_dim3A_229, %broadcast_in_dim3A_230 : vector<18x512xi1>, vector<18x512xbf16>
    %dot_general3A_232 = arith.constant dense<0.000000e+00> : vector<96x512xf32>
    %dot_general3A_233 = tpu.matmul %get3A_4, %select_n3A_231, %dot_general3A_232 {dimension_numbers = #tpu.dot_dimension_numbers<[1], [0], [0], [1], [0, 0, 1, 1], [], []>, transpose_lhs_hint = false} : vector<96x18xbf16>, vector<18x512xbf16>, vector<96x512xf32> -> vector<96x512xf32>
    %swap3A_234 = arith.constant 1440 : index
    %swap3A_235 = arith.constant 0 : index
    %swap3A_236 = vector.load %arg3[%swap3A_234, %swap3A_235] : memref<6144x512xf32, #tpu.memory_space<vmem>>, vector<96x512xf32>
    tpu.vector_store %arg3[%swap3A_234, %swap3A_235], %dot_general3A_233 {strides = array<i32>} : memref<6144x512xf32, #tpu.memory_space<vmem>>, vector<96x512xf32>,
    %slice3A_237 = vector.extract_strided_slice %convert_element_type3A {offsets = [16, 0], sizes = [1, 512], strides = [1, 1]} : vector<64x512xi16> to vector<1x512xi16>
    %squeeze3A_238 = vector.shape_cast %slice3A_237 : vector<1x512xi16> to vector<512xi16>
    %broadcast_in_dim3A_239 = vector.shape_cast %squeeze3A_238 : vector<512xi16> to vector<1x512xi16>
    %broadcast_in_dim3A_240 = vector.broadcast %broadcast_in_dim3A_239 : vector<1x512xi16> to vector<18x512xi16>
    %eq3A_241 = arith.cmpi eq, %broadcast_in_dim3A_240, %iota3A : vector<18x512xi16>
    %jit3A_242 = arith.constant 1.000000e+00 : bf16
    %jit3A_243 = arith.constant 0.000000e+00 : bf16
    %broadcast_in_dim3A_244 = vector.broadcast %jit3A_242 : bf16 to vector<18x512xbf16>
    %broadcast_in_dim3A_245 = vector.broadcast %jit3A_243 : bf16 to vector<18x512xbf16>
    %select_n3A_246 = arith.select %eq3A_241, %broadcast_in_dim3A_244, %broadcast_in_dim3A_245 : vector<18x512xi1>, vector<18x512xbf16>
    %dot_general3A_247 = arith.constant dense<0.000000e+00> : vector<96x512xf32>
    %dot_general3A_248 = tpu.matmul %get3A_4, %select_n3A_246, %dot_general3A_247 {dimension_numbers = #tpu.dot_dimension_numbers<[1], [0], [0], [1], [0, 0, 1, 1], [], []>, transpose_lhs_hint = false} : vector<96x18xbf16>, vector<18x512xbf16>, vector<96x512xf32> -> vector<96x512xf32>
    %swap3A_249 = arith.constant 1536 : index
    %swap3A_250 = arith.constant 0 : index
    %swap3A_251 = vector.load %arg3[%swap3A_249, %swap3A_250] : memref<6144x512xf32, #tpu.memory_space<vmem>>, vector<96x512xf32>
    tpu.vector_store %arg3[%swap3A_249, %swap3A_250], %dot_general3A_248 {strides = array<i32>} : memref<6144x512xf32, #tpu.memory_space<vmem>>, vector<96x512xf32>,
    %slice3A_252 = vector.extract_strided_slice %convert_element_type3A {offsets = [17, 0], sizes = [1, 512], strides = [1, 1]} : vector<64x512xi16> to vector<1x512xi16>
    %squeeze3A_253 = vector.shape_cast %slice3A_252 : vector<1x512xi16> to vector<512xi16>
    %broadcast_in_dim3A_254 = vector.shape_cast %squeeze3A_253 : vector<512xi16> to vector<1x512xi16>
    %broadcast_in_dim3A_255 = vector.broadcast %broadcast_in_dim3A_254 : vector<1x512xi16> to vector<18x512xi16>
    %eq3A_256 = arith.cmpi eq, %broadcast_in_dim3A_255, %iota3A : vector<18x512xi16>
    %jit3A_257 = arith.constant 1.000000e+00 : bf16
    %jit3A_258 = arith.constant 0.000000e+00 : bf16
    %broadcast_in_dim3A_259 = vector.broadcast %jit3A_257 : bf16 to vector<18x512xbf16>
    %broadcast_in_dim3A_260 = vector.broadcast %jit3A_258 : bf16 to vector<18x512xbf16>
    %select_n3A_261 = arith.select %eq3A_256, %broadcast_in_dim3A_259, %broadcast_in_dim3A_260 : vector<18x512xi1>, vector<18x512xbf16>
    %dot_general3A_262 = arith.constant dense<0.000000e+00> : vector<96x512xf32>
    %dot_general3A_263 = tpu.matmul %get3A_4, %select_n3A_261, %dot_general3A_262 {dimension_numbers = #tpu.dot_dimension_numbers<[1], [0], [0], [1], [0, 0, 1, 1], [], []>, transpose_lhs_hint = false} : vector<96x18xbf16>, vector<18x512xbf16>, vector<96x512xf32> -> vector<96x512xf32>
    %swap3A_264 = arith.constant 1632 : index
    %swap3A_265 = arith.constant 0 : index
    %swap3A_266 = vector.load %arg3[%swap3A_264, %swap3A_265] : memref<6144x512xf32, #tpu.memory_space<vmem>>, vector<96x512xf32>
    tpu.vector_store %arg3[%swap3A_264, %swap3A_265], %dot_general3A_263 {strides = array<i32>} : memref<6144x512xf32, #tpu.memory_space<vmem>>, vector<96x512xf32>,
    %slice3A_267 = vector.extract_strided_slice %convert_element_type3A {offsets = [18, 0], sizes = [1, 512], strides = [1, 1]} : vector<64x512xi16> to vector<1x512xi16>
    %squeeze3A_268 = vector.shape_cast %slice3A_267 : vector<1x512xi16> to vector<512xi16>
    %broadcast_in_dim3A_269 = vector.shape_cast %squeeze3A_268 : vector<512xi16> to vector<1x512xi16>
    %broadcast_in_dim3A_270 = vector.broadcast %broadcast_in_dim3A_269 : vector<1x512xi16> to vector<18x512xi16>
    %eq3A_271 = arith.cmpi eq, %broadcast_in_dim3A_270, %iota3A : vector<18x512xi16>
    %jit3A_272 = arith.constant 1.000000e+00 : bf16
    %jit3A_273 = arith.constant 0.000000e+00 : bf16
    %broadcast_in_dim3A_274 = vector.broadcast %jit3A_272 : bf16 to vector<18x512xbf16>
    %broadcast_in_dim3A_275 = vector.broadcast %jit3A_273 : bf16 to vector<18x512xbf16>
    %select_n3A_276 = arith.select %eq3A_271, %broadcast_in_dim3A_274, %broadcast_in_dim3A_275 : vector<18x512xi1>, vector<18x512xbf16>
    %dot_general3A_277 = arith.constant dense<0.000000e+00> : vector<96x512xf32>
    %dot_general3A_278 = tpu.matmul %get3A_4, %select_n3A_276, %dot_general3A_277 {dimension_numbers = #tpu.dot_dimension_numbers<[1], [0], [0], [1], [0, 0, 1, 1], [], []>, transpose_lhs_hint = false} : vector<96x18xbf16>, vector<18x512xbf16>, vector<96x512xf32> -> vector<96x512xf32>
    %swap3A_279 = arith.constant 1728 : index
    %swap3A_280 = arith.constant 0 : index
    %swap3A_281 = vector.load %arg3[%swap3A_279, %swap3A_280] : memref<6144x512xf32, #tpu.memory_space<vmem>>, vector<96x512xf32>
    tpu.vector_store %arg3[%swap3A_279, %swap3A_280], %dot_general3A_278 {strides = array<i32>} : memref<6144x512xf32, #tpu.memory_space<vmem>>, vector<96x512xf32>,
    %slice3A_282 = vector.extract_strided_slice %convert_element_type3A {offsets = [19, 0], sizes = [1, 512], strides = [1, 1]} : vector<64x512xi16> to vector<1x512xi16>
    %squeeze3A_283 = vector.shape_cast %slice3A_282 : vector<1x512xi16> to vector<512xi16>
    %broadcast_in_dim3A_284 = vector.shape_cast %squeeze3A_283 : vector<512xi16> to vector<1x512xi16>
    %broadcast_in_dim3A_285 = vector.broadcast %broadcast_in_dim3A_284 : vector<1x512xi16> to vector<18x512xi16>
    %eq3A_286 = arith.cmpi eq, %broadcast_in_dim3A_285, %iota3A : vector<18x512xi16>
    %jit3A_287 = arith.constant 1.000000e+00 : bf16
    %jit3A_288 = arith.constant 0.000000e+00 : bf16
    %broadcast_in_dim3A_289 = vector.broadcast %jit3A_287 : bf16 to vector<18x512xbf16>
    %broadcast_in_dim3A_290 = vector.broadcast %jit3A_288 : bf16 to vector<18x512xbf16>
    %select_n3A_291 = arith.select %eq3A_286, %broadcast_in_dim3A_289, %broadcast_in_dim3A_290 : vector<18x512xi1>, vector<18x512xbf16>
    %dot_general3A_292 = arith.constant dense<0.000000e+00> : vector<96x512xf32>
    %dot_general3A_293 = tpu.matmul %get3A_4, %select_n3A_291, %dot_general3A_292 {dimension_numbers = #tpu.dot_dimension_numbers<[1], [0], [0], [1], [0, 0, 1, 1], [], []>, transpose_lhs_hint = false} : vector<96x18xbf16>, vector<18x512xbf16>, vector<96x512xf32> -> vector<96x512xf32>
    %swap3A_294 = arith.constant 1824 : index
    %swap3A_295 = arith.constant 0 : index
    %swap3A_296 = vector.load %arg3[%swap3A_294, %swap3A_295] : memref<6144x512xf32, #tpu.memory_space<vmem>>, vector<96x512xf32>
    tpu.vector_store %arg3[%swap3A_294, %swap3A_295], %dot_general3A_293 {strides = array<i32>} : memref<6144x512xf32, #tpu.memory_space<vmem>>, vector<96x512xf32>,
    %slice3A_297 = vector.extract_strided_slice %convert_element_type3A {offsets = [20, 0], sizes = [1, 512], strides = [1, 1]} : vector<64x512xi16> to vector<1x512xi16>
    %squeeze3A_298 = vector.shape_cast %slice3A_297 : vector<1x512xi16> to vector<512xi16>
    %broadcast_in_dim3A_299 = vector.shape_cast %squeeze3A_298 : vector<512xi16> to vector<1x512xi16>
    %broadcast_in_dim3A_300 = vector.broadcast %broadcast_in_dim3A_299 : vector<1x512xi16> to vector<18x512xi16>
    %eq3A_301 = arith.cmpi eq, %broadcast_in_dim3A_300, %iota3A : vector<18x512xi16>
    %jit3A_302 = arith.constant 1.000000e+00 : bf16
    %jit3A_303 = arith.constant 0.000000e+00 : bf16
    %broadcast_in_dim3A_304 = vector.broadcast %jit3A_302 : bf16 to vector<18x512xbf16>
    %broadcast_in_dim3A_305 = vector.broadcast %jit3A_303 : bf16 to vector<18x512xbf16>
    %select_n3A_306 = arith.select %eq3A_301, %broadcast_in_dim3A_304, %broadcast_in_dim3A_305 : vector<18x512xi1>, vector<18x512xbf16>
    %dot_general3A_307 = arith.constant dense<0.000000e+00> : vector<96x512xf32>
    %dot_general3A_308 = tpu.matmul %get3A_4, %select_n3A_306, %dot_general3A_307 {dimension_numbers = #tpu.dot_dimension_numbers<[1], [0], [0], [1], [0, 0, 1, 1], [], []>, transpose_lhs_hint = false} : vector<96x18xbf16>, vector<18x512xbf16>, vector<96x512xf32> -> vector<96x512xf32>
    %swap3A_309 = arith.constant 1920 : index
    %swap3A_310 = arith.constant 0 : index
    %swap3A_311 = vector.load %arg3[%swap3A_309, %swap3A_310] : memref<6144x512xf32, #tpu.memory_space<vmem>>, vector<96x512xf32>
    tpu.vector_store %arg3[%swap3A_309, %swap3A_310], %dot_general3A_308 {strides = array<i32>} : memref<6144x512xf32, #tpu.memory_space<vmem>>, vector<96x512xf32>,
    %slice3A_312 = vector.extract_strided_slice %convert_element_type3A {offsets = [21, 0], sizes = [1, 512], strides = [1, 1]} : vector<64x512xi16> to vector<1x512xi16>
    %squeeze3A_313 = vector.shape_cast %slice3A_312 : vector<1x512xi16> to vector<512xi16>
    %broadcast_in_dim3A_314 = vector.shape_cast %squeeze3A_313 : vector<512xi16> to vector<1x512xi16>
    %broadcast_in_dim3A_315 = vector.broadcast %broadcast_in_dim3A_314 : vector<1x512xi16> to vector<18x512xi16>
    %eq3A_316 = arith.cmpi eq, %broadcast_in_dim3A_315, %iota3A : vector<18x512xi16>
    %jit3A_317 = arith.constant 1.000000e+00 : bf16
    %jit3A_318 = arith.constant 0.000000e+00 : bf16
    %broadcast_in_dim3A_319 = vector.broadcast %jit3A_317 : bf16 to vector<18x512xbf16>
    %broadcast_in_dim3A_320 = vector.broadcast %jit3A_318 : bf16 to vector<18x512xbf16>
    %select_n3A_321 = arith.select %eq3A_316, %broadcast_in_dim3A_319, %broadcast_in_dim3A_320 : vector<18x512xi1>, vector<18x512xbf16>
    %dot_general3A_322 = arith.constant dense<0.000000e+00> : vector<96x512xf32>
    %dot_general3A_323 = tpu.matmul %get3A_4, %select_n3A_321, %dot_general3A_322 {dimension_numbers = #tpu.dot_dimension_numbers<[1], [0], [0], [1], [0, 0, 1, 1], [], []>, transpose_lhs_hint = false} : vector<96x18xbf16>, vector<18x512xbf16>, vector<96x512xf32> -> vector<96x512xf32>
    %swap3A_324 = arith.constant 2016 : index
    %swap3A_325 = arith.constant 0 : index
    %swap3A_326 = vector.load %arg3[%swap3A_324, %swap3A_325] : memref<6144x512xf32, #tpu.memory_space<vmem>>, vector<96x512xf32>
    tpu.vector_store %arg3[%swap3A_324, %swap3A_325], %dot_general3A_323 {strides = array<i32>} : memref<6144x512xf32, #tpu.memory_space<vmem>>, vector<96x512xf32>,
    %slice3A_327 = vector.extract_strided_slice %convert_element_type3A {offsets = [22, 0], sizes = [1, 512], strides = [1, 1]} : vector<64x512xi16> to vector<1x512xi16>
    %squeeze3A_328 = vector.shape_cast %slice3A_327 : vector<1x512xi16> to vector<512xi16>
    %broadcast_in_dim3A_329 = vector.shape_cast %squeeze3A_328 : vector<512xi16> to vector<1x512xi16>
    %broadcast_in_dim3A_330 = vector.broadcast %broadcast_in_dim3A_329 : vector<1x512xi16> to vector<18x512xi16>
    %eq3A_331 = arith.cmpi eq, %broadcast_in_dim3A_330, %iota3A : vector<18x512xi16>
    %jit3A_332 = arith.constant 1.000000e+00 : bf16
    %jit3A_333 = arith.constant 0.000000e+00 : bf16
    %broadcast_in_dim3A_334 = vector.broadcast %jit3A_332 : bf16 to vector<18x512xbf16>
    %broadcast_in_dim3A_335 = vector.broadcast %jit3A_333 : bf16 to vector<18x512xbf16>
    %select_n3A_336 = arith.select %eq3A_331, %broadcast_in_dim3A_334, %broadcast_in_dim3A_335 : vector<18x512xi1>, vector<18x512xbf16>
    %dot_general3A_337 = arith.constant dense<0.000000e+00> : vector<96x512xf32>
    %dot_general3A_338 = tpu.matmul %get3A_4, %select_n3A_336, %dot_general3A_337 {dimension_numbers = #tpu.dot_dimension_numbers<[1], [0], [0], [1], [0, 0, 1, 1], [], []>, transpose_lhs_hint = false} : vector<96x18xbf16>, vector<18x512xbf16>, vector<96x512xf32> -> vector<96x512xf32>
    %swap3A_339 = arith.constant 2112 : index
    %swap3A_340 = arith.constant 0 : index
    %swap3A_341 = vector.load %arg3[%swap3A_339, %swap3A_340] : memref<6144x512xf32, #tpu.memory_space<vmem>>, vector<96x512xf32>
    tpu.vector_store %arg3[%swap3A_339, %swap3A_340], %dot_general3A_338 {strides = array<i32>} : memref<6144x512xf32, #tpu.memory_space<vmem>>, vector<96x512xf32>,
    %slice3A_342 = vector.extract_strided_slice %convert_element_type3A {offsets = [23, 0], sizes = [1, 512], strides = [1, 1]} : vector<64x512xi16> to vector<1x512xi16>
    %squeeze3A_343 = vector.shape_cast %slice3A_342 : vector<1x512xi16> to vector<512xi16>
    %broadcast_in_dim3A_344 = vector.shape_cast %squeeze3A_343 : vector<512xi16> to vector<1x512xi16>
    %broadcast_in_dim3A_345 = vector.broadcast %broadcast_in_dim3A_344 : vector<1x512xi16> to vector<18x512xi16>
    %eq3A_346 = arith.cmpi eq, %broadcast_in_dim3A_345, %iota3A : vector<18x512xi16>
    %jit3A_347 = arith.constant 1.000000e+00 : bf16
    %jit3A_348 = arith.constant 0.000000e+00 : bf16
    %broadcast_in_dim3A_349 = vector.broadcast %jit3A_347 : bf16 to vector<18x512xbf16>
    %broadcast_in_dim3A_350 = vector.broadcast %jit3A_348 : bf16 to vector<18x512xbf16>
    %select_n3A_351 = arith.select %eq3A_346, %broadcast_in_dim3A_349, %broadcast_in_dim3A_350 : vector<18x512xi1>, vector<18x512xbf16>
    %dot_general3A_352 = arith.constant dense<0.000000e+00> : vector<96x512xf32>
    %dot_general3A_353 = tpu.matmul %get3A_4, %select_n3A_351, %dot_general3A_352 {dimension_numbers = #tpu.dot_dimension_numbers<[1], [0], [0], [1], [0, 0, 1, 1], [], []>, transpose_lhs_hint = false} : vector<96x18xbf16>, vector<18x512xbf16>, vector<96x512xf32> -> vector<96x512xf32>
    %swap3A_354 = arith.constant 2208 : index
    %swap3A_355 = arith.constant 0 : index
    %swap3A_356 = vector.load %arg3[%swap3A_354, %swap3A_355] : memref<6144x512xf32, #tpu.memory_space<vmem>>, vector<96x512xf32>
    tpu.vector_store %arg3[%swap3A_354, %swap3A_355], %dot_general3A_353 {strides = array<i32>} : memref<6144x512xf32, #tpu.memory_space<vmem>>, vector<96x512xf32>,
    %slice3A_357 = vector.extract_strided_slice %convert_element_type3A {offsets = [24, 0], sizes = [1, 512], strides = [1, 1]} : vector<64x512xi16> to vector<1x512xi16>
    %squeeze3A_358 = vector.shape_cast %slice3A_357 : vector<1x512xi16> to vector<512xi16>
    %broadcast_in_dim3A_359 = vector.shape_cast %squeeze3A_358 : vector<512xi16> to vector<1x512xi16>
    %broadcast_in_dim3A_360 = vector.broadcast %broadcast_in_dim3A_359 : vector<1x512xi16> to vector<18x512xi16>
    %eq3A_361 = arith.cmpi eq, %broadcast_in_dim3A_360, %iota3A : vector<18x512xi16>
    %jit3A_362 = arith.constant 1.000000e+00 : bf16
    %jit3A_363 = arith.constant 0.000000e+00 : bf16
    %broadcast_in_dim3A_364 = vector.broadcast %jit3A_362 : bf16 to vector<18x512xbf16>
    %broadcast_in_dim3A_365 = vector.broadcast %jit3A_363 : bf16 to vector<18x512xbf16>
    %select_n3A_366 = arith.select %eq3A_361, %broadcast_in_dim3A_364, %broadcast_in_dim3A_365 : vector<18x512xi1>, vector<18x512xbf16>
    %dot_general3A_367 = arith.constant dense<0.000000e+00> : vector<96x512xf32>
    %dot_general3A_368 = tpu.matmul %get3A_4, %select_n3A_366, %dot_general3A_367 {dimension_numbers = #tpu.dot_dimension_numbers<[1], [0], [0], [1], [0, 0, 1, 1], [], []>, transpose_lhs_hint = false} : vector<96x18xbf16>, vector<18x512xbf16>, vector<96x512xf32> -> vector<96x512xf32>
    %swap3A_369 = arith.constant 2304 : index
    %swap3A_370 = arith.constant 0 : index
    %swap3A_371 = vector.load %arg3[%swap3A_369, %swap3A_370] : memref<6144x512xf32, #tpu.memory_space<vmem>>, vector<96x512xf32>
    tpu.vector_store %arg3[%swap3A_369, %swap3A_370], %dot_general3A_368 {strides = array<i32>} : memref<6144x512xf32, #tpu.memory_space<vmem>>, vector<96x512xf32>,
    %slice3A_372 = vector.extract_strided_slice %convert_element_type3A {offsets = [25, 0], sizes = [1, 512], strides = [1, 1]} : vector<64x512xi16> to vector<1x512xi16>
    %squeeze3A_373 = vector.shape_cast %slice3A_372 : vector<1x512xi16> to vector<512xi16>
    %broadcast_in_dim3A_374 = vector.shape_cast %squeeze3A_373 : vector<512xi16> to vector<1x512xi16>
    %broadcast_in_dim3A_375 = vector.broadcast %broadcast_in_dim3A_374 : vector<1x512xi16> to vector<18x512xi16>
    %eq3A_376 = arith.cmpi eq, %broadcast_in_dim3A_375, %iota3A : vector<18x512xi16>
    %jit3A_377 = arith.constant 1.000000e+00 : bf16
    %jit3A_378 = arith.constant 0.000000e+00 : bf16
    %broadcast_in_dim3A_379 = vector.broadcast %jit3A_377 : bf16 to vector<18x512xbf16>
    %broadcast_in_dim3A_380 = vector.broadcast %jit3A_378 : bf16 to vector<18x512xbf16>
    %select_n3A_381 = arith.select %eq3A_376, %broadcast_in_dim3A_379, %broadcast_in_dim3A_380 : vector<18x512xi1>, vector<18x512xbf16>
    %dot_general3A_382 = arith.constant dense<0.000000e+00> : vector<96x512xf32>
    %dot_general3A_383 = tpu.matmul %get3A_4, %select_n3A_381, %dot_general3A_382 {dimension_numbers = #tpu.dot_dimension_numbers<[1], [0], [0], [1], [0, 0, 1, 1], [], []>, transpose_lhs_hint = false} : vector<96x18xbf16>, vector<18x512xbf16>, vector<96x512xf32> -> vector<96x512xf32>
    %swap3A_384 = arith.constant 2400 : index
    %swap3A_385 = arith.constant 0 : index
    %swap3A_386 = vector.load %arg3[%swap3A_384, %swap3A_385] : memref<6144x512xf32, #tpu.memory_space<vmem>>, vector<96x512xf32>
    tpu.vector_store %arg3[%swap3A_384, %swap3A_385], %dot_general3A_383 {strides = array<i32>} : memref<6144x512xf32, #tpu.memory_space<vmem>>, vector<96x512xf32>,
    %slice3A_387 = vector.extract_strided_slice %convert_element_type3A {offsets = [26, 0], sizes = [1, 512], strides = [1, 1]} : vector<64x512xi16> to vector<1x512xi16>
    %squeeze3A_388 = vector.shape_cast %slice3A_387 : vector<1x512xi16> to vector<512xi16>
    %broadcast_in_dim3A_389 = vector.shape_cast %squeeze3A_388 : vector<512xi16> to vector<1x512xi16>
    %broadcast_in_dim3A_390 = vector.broadcast %broadcast_in_dim3A_389 : vector<1x512xi16> to vector<18x512xi16>
    %eq3A_391 = arith.cmpi eq, %broadcast_in_dim3A_390, %iota3A : vector<18x512xi16>
    %jit3A_392 = arith.constant 1.000000e+00 : bf16
    %jit3A_393 = arith.constant 0.000000e+00 : bf16
    %broadcast_in_dim3A_394 = vector.broadcast %jit3A_392 : bf16 to vector<18x512xbf16>
    %broadcast_in_dim3A_395 = vector.broadcast %jit3A_393 : bf16 to vector<18x512xbf16>
    %select_n3A_396 = arith.select %eq3A_391, %broadcast_in_dim3A_394, %broadcast_in_dim3A_395 : vector<18x512xi1>, vector<18x512xbf16>
    %dot_general3A_397 = arith.constant dense<0.000000e+00> : vector<96x512xf32>
    %dot_general3A_398 = tpu.matmul %get3A_4, %select_n3A_396, %dot_general3A_397 {dimension_numbers = #tpu.dot_dimension_numbers<[1], [0], [0], [1], [0, 0, 1, 1], [], []>, transpose_lhs_hint = false} : vector<96x18xbf16>, vector<18x512xbf16>, vector<96x512xf32> -> vector<96x512xf32>
    %swap3A_399 = arith.constant 2496 : index
    %swap3A_400 = arith.constant 0 : index
    %swap3A_401 = vector.load %arg3[%swap3A_399, %swap3A_400] : memref<6144x512xf32, #tpu.memory_space<vmem>>, vector<96x512xf32>
    tpu.vector_store %arg3[%swap3A_399, %swap3A_400], %dot_general3A_398 {strides = array<i32>} : memref<6144x512xf32, #tpu.memory_space<vmem>>, vector<96x512xf32>,
    %slice3A_402 = vector.extract_strided_slice %convert_element_type3A {offsets = [27, 0], sizes = [1, 512], strides = [1, 1]} : vector<64x512xi16> to vector<1x512xi16>
    %squeeze3A_403 = vector.shape_cast %slice3A_402 : vector<1x512xi16> to vector<512xi16>
    %broadcast_in_dim3A_404 = vector.shape_cast %squeeze3A_403 : vector<512xi16> to vector<1x512xi16>
    %broadcast_in_dim3A_405 = vector.broadcast %broadcast_in_dim3A_404 : vector<1x512xi16> to vector<18x512xi16>
    %eq3A_406 = arith.cmpi eq, %broadcast_in_dim3A_405, %iota3A : vector<18x512xi16>
    %jit3A_407 = arith.constant 1.000000e+00 : bf16
    %jit3A_408 = arith.constant 0.000000e+00 : bf16
    %broadcast_in_dim3A_409 = vector.broadcast %jit3A_407 : bf16 to vector<18x512xbf16>
    %broadcast_in_dim3A_410 = vector.broadcast %jit3A_408 : bf16 to vector<18x512xbf16>
    %select_n3A_411 = arith.select %eq3A_406, %broadcast_in_dim3A_409, %broadcast_in_dim3A_410 : vector<18x512xi1>, vector<18x512xbf16>
    %dot_general3A_412 = arith.constant dense<0.000000e+00> : vector<96x512xf32>
    %dot_general3A_413 = tpu.matmul %get3A_4, %select_n3A_411, %dot_general3A_412 {dimension_numbers = #tpu.dot_dimension_numbers<[1], [0], [0], [1], [0, 0, 1, 1], [], []>, transpose_lhs_hint = false} : vector<96x18xbf16>, vector<18x512xbf16>, vector<96x512xf32> -> vector<96x512xf32>
    %swap3A_414 = arith.constant 2592 : index
    %swap3A_415 = arith.constant 0 : index
    %swap3A_416 = vector.load %arg3[%swap3A_414, %swap3A_415] : memref<6144x512xf32, #tpu.memory_space<vmem>>, vector<96x512xf32>
    tpu.vector_store %arg3[%swap3A_414, %swap3A_415], %dot_general3A_413 {strides = array<i32>} : memref<6144x512xf32, #tpu.memory_space<vmem>>, vector<96x512xf32>,
    %slice3A_417 = vector.extract_strided_slice %convert_element_type3A {offsets = [28, 0], sizes = [1, 512], strides = [1, 1]} : vector<64x512xi16> to vector<1x512xi16>
    %squeeze3A_418 = vector.shape_cast %slice3A_417 : vector<1x512xi16> to vector<512xi16>
    %broadcast_in_dim3A_419 = vector.shape_cast %squeeze3A_418 : vector<512xi16> to vector<1x512xi16>
    %broadcast_in_dim3A_420 = vector.broadcast %broadcast_in_dim3A_419 : vector<1x512xi16> to vector<18x512xi16>
    %eq3A_421 = arith.cmpi eq, %broadcast_in_dim3A_420, %iota3A : vector<18x512xi16>
    %jit3A_422 = arith.constant 1.000000e+00 : bf16
    %jit3A_423 = arith.constant 0.000000e+00 : bf16
    %broadcast_in_dim3A_424 = vector.broadcast %jit3A_422 : bf16 to vector<18x512xbf16>
    %broadcast_in_dim3A_425 = vector.broadcast %jit3A_423 : bf16 to vector<18x512xbf16>
    %select_n3A_426 = arith.select %eq3A_421, %broadcast_in_dim3A_424, %broadcast_in_dim3A_425 : vector<18x512xi1>, vector<18x512xbf16>
    %dot_general3A_427 = arith.constant dense<0.000000e+00> : vector<96x512xf32>
    %dot_general3A_428 = tpu.matmul %get3A_4, %select_n3A_426, %dot_general3A_427 {dimension_numbers = #tpu.dot_dimension_numbers<[1], [0], [0], [1], [0, 0, 1, 1], [], []>, transpose_lhs_hint = false} : vector<96x18xbf16>, vector<18x512xbf16>, vector<96x512xf32> -> vector<96x512xf32>
    %swap3A_429 = arith.constant 2688 : index
    %swap3A_430 = arith.constant 0 : index
    %swap3A_431 = vector.load %arg3[%swap3A_429, %swap3A_430] : memref<6144x512xf32, #tpu.memory_space<vmem>>, vector<96x512xf32>
    tpu.vector_store %arg3[%swap3A_429, %swap3A_430], %dot_general3A_428 {strides = array<i32>} : memref<6144x512xf32, #tpu.memory_space<vmem>>, vector<96x512xf32>,
    %slice3A_432 = vector.extract_strided_slice %convert_element_type3A {offsets = [29, 0], sizes = [1, 512], strides = [1, 1]} : vector<64x512xi16> to vector<1x512xi16>
    %squeeze3A_433 = vector.shape_cast %slice3A_432 : vector<1x512xi16> to vector<512xi16>
    %broadcast_in_dim3A_434 = vector.shape_cast %squeeze3A_433 : vector<512xi16> to vector<1x512xi16>
    %broadcast_in_dim3A_435 = vector.broadcast %broadcast_in_dim3A_434 : vector<1x512xi16> to vector<18x512xi16>
    %eq3A_436 = arith.cmpi eq, %broadcast_in_dim3A_435, %iota3A : vector<18x512xi16>
    %jit3A_437 = arith.constant 1.000000e+00 : bf16
    %jit3A_438 = arith.constant 0.000000e+00 : bf16
    %broadcast_in_dim3A_439 = vector.broadcast %jit3A_437 : bf16 to vector<18x512xbf16>
    %broadcast_in_dim3A_440 = vector.broadcast %jit3A_438 : bf16 to vector<18x512xbf16>
    %select_n3A_441 = arith.select %eq3A_436, %broadcast_in_dim3A_439, %broadcast_in_dim3A_440 : vector<18x512xi1>, vector<18x512xbf16>
    %dot_general3A_442 = arith.constant dense<0.000000e+00> : vector<96x512xf32>
    %dot_general3A_443 = tpu.matmul %get3A_4, %select_n3A_441, %dot_general3A_442 {dimension_numbers = #tpu.dot_dimension_numbers<[1], [0], [0], [1], [0, 0, 1, 1], [], []>, transpose_lhs_hint = false} : vector<96x18xbf16>, vector<18x512xbf16>, vector<96x512xf32> -> vector<96x512xf32>
    %swap3A_444 = arith.constant 2784 : index
    %swap3A_445 = arith.constant 0 : index
    %swap3A_446 = vector.load %arg3[%swap3A_444, %swap3A_445] : memref<6144x512xf32, #tpu.memory_space<vmem>>, vector<96x512xf32>
    tpu.vector_store %arg3[%swap3A_444, %swap3A_445], %dot_general3A_443 {strides = array<i32>} : memref<6144x512xf32, #tpu.memory_space<vmem>>, vector<96x512xf32>,
    %slice3A_447 = vector.extract_strided_slice %convert_element_type3A {offsets = [30, 0], sizes = [1, 512], strides = [1, 1]} : vector<64x512xi16> to vector<1x512xi16>
    %squeeze3A_448 = vector.shape_cast %slice3A_447 : vector<1x512xi16> to vector<512xi16>
    %broadcast_in_dim3A_449 = vector.shape_cast %squeeze3A_448 : vector<512xi16> to vector<1x512xi16>
    %broadcast_in_dim3A_450 = vector.broadcast %broadcast_in_dim3A_449 : vector<1x512xi16> to vector<18x512xi16>
    %eq3A_451 = arith.cmpi eq, %broadcast_in_dim3A_450, %iota3A : vector<18x512xi16>
    %jit3A_452 = arith.constant 1.000000e+00 : bf16
    %jit3A_453 = arith.constant 0.000000e+00 : bf16
    %broadcast_in_dim3A_454 = vector.broadcast %jit3A_452 : bf16 to vector<18x512xbf16>
    %broadcast_in_dim3A_455 = vector.broadcast %jit3A_453 : bf16 to vector<18x512xbf16>
    %select_n3A_456 = arith.select %eq3A_451, %broadcast_in_dim3A_454, %broadcast_in_dim3A_455 : vector<18x512xi1>, vector<18x512xbf16>
    %dot_general3A_457 = arith.constant dense<0.000000e+00> : vector<96x512xf32>
    %dot_general3A_458 = tpu.matmul %get3A_4, %select_n3A_456, %dot_general3A_457 {dimension_numbers = #tpu.dot_dimension_numbers<[1], [0], [0], [1], [0, 0, 1, 1], [], []>, transpose_lhs_hint = false} : vector<96x18xbf16>, vector<18x512xbf16>, vector<96x512xf32> -> vector<96x512xf32>
    %swap3A_459 = arith.constant 2880 : index
    %swap3A_460 = arith.constant 0 : index
    %swap3A_461 = vector.load %arg3[%swap3A_459, %swap3A_460] : memref<6144x512xf32, #tpu.memory_space<vmem>>, vector<96x512xf32>
    tpu.vector_store %arg3[%swap3A_459, %swap3A_460], %dot_general3A_458 {strides = array<i32>} : memref<6144x512xf32, #tpu.memory_space<vmem>>, vector<96x512xf32>,
    %slice3A_462 = vector.extract_strided_slice %convert_element_type3A {offsets = [31, 0], sizes = [1, 512], strides = [1, 1]} : vector<64x512xi16> to vector<1x512xi16>
    %squeeze3A_463 = vector.shape_cast %slice3A_462 : vector<1x512xi16> to vector<512xi16>
    %broadcast_in_dim3A_464 = vector.shape_cast %squeeze3A_463 : vector<512xi16> to vector<1x512xi16>
    %broadcast_in_dim3A_465 = vector.broadcast %broadcast_in_dim3A_464 : vector<1x512xi16> to vector<18x512xi16>
    %eq3A_466 = arith.cmpi eq, %broadcast_in_dim3A_465, %iota3A : vector<18x512xi16>
    %jit3A_467 = arith.constant 1.000000e+00 : bf16
    %jit3A_468 = arith.constant 0.000000e+00 : bf16
    %broadcast_in_dim3A_469 = vector.broadcast %jit3A_467 : bf16 to vector<18x512xbf16>
    %broadcast_in_dim3A_470 = vector.broadcast %jit3A_468 : bf16 to vector<18x512xbf16>
    %select_n3A_471 = arith.select %eq3A_466, %broadcast_in_dim3A_469, %broadcast_in_dim3A_470 : vector<18x512xi1>, vector<18x512xbf16>
    %dot_general3A_472 = arith.constant dense<0.000000e+00> : vector<96x512xf32>
    %dot_general3A_473 = tpu.matmul %get3A_4, %select_n3A_471, %dot_general3A_472 {dimension_numbers = #tpu.dot_dimension_numbers<[1], [0], [0], [1], [0, 0, 1, 1], [], []>, transpose_lhs_hint = false} : vector<96x18xbf16>, vector<18x512xbf16>, vector<96x512xf32> -> vector<96x512xf32>
    %swap3A_474 = arith.constant 2976 : index
    %swap3A_475 = arith.constant 0 : index
    %swap3A_476 = vector.load %arg3[%swap3A_474, %swap3A_475] : memref<6144x512xf32, #tpu.memory_space<vmem>>, vector<96x512xf32>
    tpu.vector_store %arg3[%swap3A_474, %swap3A_475], %dot_general3A_473 {strides = array<i32>} : memref<6144x512xf32, #tpu.memory_space<vmem>>, vector<96x512xf32>,
    %slice3A_477 = vector.extract_strided_slice %convert_element_type3A {offsets = [32, 0], sizes = [1, 512], strides = [1, 1]} : vector<64x512xi16> to vector<1x512xi16>
    %squeeze3A_478 = vector.shape_cast %slice3A_477 : vector<1x512xi16> to vector<512xi16>
    %broadcast_in_dim3A_479 = vector.shape_cast %squeeze3A_478 : vector<512xi16> to vector<1x512xi16>
    %broadcast_in_dim3A_480 = vector.broadcast %broadcast_in_dim3A_479 : vector<1x512xi16> to vector<18x512xi16>
    %eq3A_481 = arith.cmpi eq, %broadcast_in_dim3A_480, %iota3A : vector<18x512xi16>
    %jit3A_482 = arith.constant 1.000000e+00 : bf16
    %jit3A_483 = arith.constant 0.000000e+00 : bf16
    %broadcast_in_dim3A_484 = vector.broadcast %jit3A_482 : bf16 to vector<18x512xbf16>
    %broadcast_in_dim3A_485 = vector.broadcast %jit3A_483 : bf16 to vector<18x512xbf16>
    %select_n3A_486 = arith.select %eq3A_481, %broadcast_in_dim3A_484, %broadcast_in_dim3A_485 : vector<18x512xi1>, vector<18x512xbf16>
    %dot_general3A_487 = arith.constant dense<0.000000e+00> : vector<96x512xf32>
    %dot_general3A_488 = tpu.matmul %get3A_4, %select_n3A_486, %dot_general3A_487 {dimension_numbers = #tpu.dot_dimension_numbers<[1], [0], [0], [1], [0, 0, 1, 1], [], []>, transpose_lhs_hint = false} : vector<96x18xbf16>, vector<18x512xbf16>, vector<96x512xf32> -> vector<96x512xf32>
    %swap3A_489 = arith.constant 3072 : index
    %swap3A_490 = arith.constant 0 : index
    %swap3A_491 = vector.load %arg3[%swap3A_489, %swap3A_490] : memref<6144x512xf32, #tpu.memory_space<vmem>>, vector<96x512xf32>
    tpu.vector_store %arg3[%swap3A_489, %swap3A_490], %dot_general3A_488 {strides = array<i32>} : memref<6144x512xf32, #tpu.memory_space<vmem>>, vector<96x512xf32>,
    %slice3A_492 = vector.extract_strided_slice %convert_element_type3A {offsets = [33, 0], sizes = [1, 512], strides = [1, 1]} : vector<64x512xi16> to vector<1x512xi16>
    %squeeze3A_493 = vector.shape_cast %slice3A_492 : vector<1x512xi16> to vector<512xi16>
    %broadcast_in_dim3A_494 = vector.shape_cast %squeeze3A_493 : vector<512xi16> to vector<1x512xi16>
    %broadcast_in_dim3A_495 = vector.broadcast %broadcast_in_dim3A_494 : vector<1x512xi16> to vector<18x512xi16>
    %eq3A_496 = arith.cmpi eq, %broadcast_in_dim3A_495, %iota3A : vector<18x512xi16>
    %jit3A_497 = arith.constant 1.000000e+00 : bf16
    %jit3A_498 = arith.constant 0.000000e+00 : bf16
    %broadcast_in_dim3A_499 = vector.broadcast %jit3A_497 : bf16 to vector<18x512xbf16>
    %broadcast_in_dim3A_500 = vector.broadcast %jit3A_498 : bf16 to vector<18x512xbf16>
    %select_n3A_501 = arith.select %eq3A_496, %broadcast_in_dim3A_499, %broadcast_in_dim3A_500 : vector<18x512xi1>, vector<18x512xbf16>
    %dot_general3A_502 = arith.constant dense<0.000000e+00> : vector<96x512xf32>
    %dot_general3A_503 = tpu.matmul %get3A_4, %select_n3A_501, %dot_general3A_502 {dimension_numbers = #tpu.dot_dimension_numbers<[1], [0], [0], [1], [0, 0, 1, 1], [], []>, transpose_lhs_hint = false} : vector<96x18xbf16>, vector<18x512xbf16>, vector<96x512xf32> -> vector<96x512xf32>
    %swap3A_504 = arith.constant 3168 : index
    %swap3A_505 = arith.constant 0 : index
    %swap3A_506 = vector.load %arg3[%swap3A_504, %swap3A_505] : memref<6144x512xf32, #tpu.memory_space<vmem>>, vector<96x512xf32>
    tpu.vector_store %arg3[%swap3A_504, %swap3A_505], %dot_general3A_503 {strides = array<i32>} : memref<6144x512xf32, #tpu.memory_space<vmem>>, vector<96x512xf32>,
    %slice3A_507 = vector.extract_strided_slice %convert_element_type3A {offsets = [34, 0], sizes = [1, 512], strides = [1, 1]} : vector<64x512xi16> to vector<1x512xi16>
    %squeeze3A_508 = vector.shape_cast %slice3A_507 : vector<1x512xi16> to vector<512xi16>
    %broadcast_in_dim3A_509 = vector.shape_cast %squeeze3A_508 : vector<512xi16> to vector<1x512xi16>
    %broadcast_in_dim3A_510 = vector.broadcast %broadcast_in_dim3A_509 : vector<1x512xi16> to vector<18x512xi16>
    %eq3A_511 = arith.cmpi eq, %broadcast_in_dim3A_510, %iota3A : vector<18x512xi16>
    %jit3A_512 = arith.constant 1.000000e+00 : bf16
    %jit3A_513 = arith.constant 0.000000e+00 : bf16
    %broadcast_in_dim3A_514 = vector.broadcast %jit3A_512 : bf16 to vector<18x512xbf16>
    %broadcast_in_dim3A_515 = vector.broadcast %jit3A_513 : bf16 to vector<18x512xbf16>
    %select_n3A_516 = arith.select %eq3A_511, %broadcast_in_dim3A_514, %broadcast_in_dim3A_515 : vector<18x512xi1>, vector<18x512xbf16>
    %dot_general3A_517 = arith.constant dense<0.000000e+00> : vector<96x512xf32>
    %dot_general3A_518 = tpu.matmul %get3A_4, %select_n3A_516, %dot_general3A_517 {dimension_numbers = #tpu.dot_dimension_numbers<[1], [0], [0], [1], [0, 0, 1, 1], [], []>, transpose_lhs_hint = false} : vector<96x18xbf16>, vector<18x512xbf16>, vector<96x512xf32> -> vector<96x512xf32>
    %swap3A_519 = arith.constant 3264 : index
    %swap3A_520 = arith.constant 0 : index
    %swap3A_521 = vector.load %arg3[%swap3A_519, %swap3A_520] : memref<6144x512xf32, #tpu.memory_space<vmem>>, vector<96x512xf32>
    tpu.vector_store %arg3[%swap3A_519, %swap3A_520], %dot_general3A_518 {strides = array<i32>} : memref<6144x512xf32, #tpu.memory_space<vmem>>, vector<96x512xf32>,
    %slice3A_522 = vector.extract_strided_slice %convert_element_type3A {offsets = [35, 0], sizes = [1, 512], strides = [1, 1]} : vector<64x512xi16> to vector<1x512xi16>
    %squeeze3A_523 = vector.shape_cast %slice3A_522 : vector<1x512xi16> to vector<512xi16>
    %broadcast_in_dim3A_524 = vector.shape_cast %squeeze3A_523 : vector<512xi16> to vector<1x512xi16>
    %broadcast_in_dim3A_525 = vector.broadcast %broadcast_in_dim3A_524 : vector<1x512xi16> to vector<18x512xi16>
    %eq3A_526 = arith.cmpi eq, %broadcast_in_dim3A_525, %iota3A : vector<18x512xi16>
    %jit3A_527 = arith.constant 1.000000e+00 : bf16
    %jit3A_528 = arith.constant 0.000000e+00 : bf16
    %broadcast_in_dim3A_529 = vector.broadcast %jit3A_527 : bf16 to vector<18x512xbf16>
    %broadcast_in_dim3A_530 = vector.broadcast %jit3A_528 : bf16 to vector<18x512xbf16>
    %select_n3A_531 = arith.select %eq3A_526, %broadcast_in_dim3A_529, %broadcast_in_dim3A_530 : vector<18x512xi1>, vector<18x512xbf16>
    %dot_general3A_532 = arith.constant dense<0.000000e+00> : vector<96x512xf32>
    %dot_general3A_533 = tpu.matmul %get3A_4, %select_n3A_531, %dot_general3A_532 {dimension_numbers = #tpu.dot_dimension_numbers<[1], [0], [0], [1], [0, 0, 1, 1], [], []>, transpose_lhs_hint = false} : vector<96x18xbf16>, vector<18x512xbf16>, vector<96x512xf32> -> vector<96x512xf32>
    %swap3A_534 = arith.constant 3360 : index
    %swap3A_535 = arith.constant 0 : index
    %swap3A_536 = vector.load %arg3[%swap3A_534, %swap3A_535] : memref<6144x512xf32, #tpu.memory_space<vmem>>, vector<96x512xf32>
    tpu.vector_store %arg3[%swap3A_534, %swap3A_535], %dot_general3A_533 {strides = array<i32>} : memref<6144x512xf32, #tpu.memory_space<vmem>>, vector<96x512xf32>,
    %slice3A_537 = vector.extract_strided_slice %convert_element_type3A {offsets = [36, 0], sizes = [1, 512], strides = [1, 1]} : vector<64x512xi16> to vector<1x512xi16>
    %squeeze3A_538 = vector.shape_cast %slice3A_537 : vector<1x512xi16> to vector<512xi16>
    %broadcast_in_dim3A_539 = vector.shape_cast %squeeze3A_538 : vector<512xi16> to vector<1x512xi16>
    %broadcast_in_dim3A_540 = vector.broadcast %broadcast_in_dim3A_539 : vector<1x512xi16> to vector<18x512xi16>
    %eq3A_541 = arith.cmpi eq, %broadcast_in_dim3A_540, %iota3A : vector<18x512xi16>
    %jit3A_542 = arith.constant 1.000000e+00 : bf16
    %jit3A_543 = arith.constant 0.000000e+00 : bf16
    %broadcast_in_dim3A_544 = vector.broadcast %jit3A_542 : bf16 to vector<18x512xbf16>
    %broadcast_in_dim3A_545 = vector.broadcast %jit3A_543 : bf16 to vector<18x512xbf16>
    %select_n3A_546 = arith.select %eq3A_541, %broadcast_in_dim3A_544, %broadcast_in_dim3A_545 : vector<18x512xi1>, vector<18x512xbf16>
    %dot_general3A_547 = arith.constant dense<0.000000e+00> : vector<96x512xf32>
    %dot_general3A_548 = tpu.matmul %get3A_4, %select_n3A_546, %dot_general3A_547 {dimension_numbers = #tpu.dot_dimension_numbers<[1], [0], [0], [1], [0, 0, 1, 1], [], []>, transpose_lhs_hint = false} : vector<96x18xbf16>, vector<18x512xbf16>, vector<96x512xf32> -> vector<96x512xf32>
    %swap3A_549 = arith.constant 3456 : index
    %swap3A_550 = arith.constant 0 : index
    %swap3A_551 = vector.load %arg3[%swap3A_549, %swap3A_550] : memref<6144x512xf32, #tpu.memory_space<vmem>>, vector<96x512xf32>
    tpu.vector_store %arg3[%swap3A_549, %swap3A_550], %dot_general3A_548 {strides = array<i32>} : memref<6144x512xf32, #tpu.memory_space<vmem>>, vector<96x512xf32>,
    %slice3A_552 = vector.extract_strided_slice %convert_element_type3A {offsets = [37, 0], sizes = [1, 512], strides = [1, 1]} : vector<64x512xi16> to vector<1x512xi16>
    %squeeze3A_553 = vector.shape_cast %slice3A_552 : vector<1x512xi16> to vector<512xi16>
    %broadcast_in_dim3A_554 = vector.shape_cast %squeeze3A_553 : vector<512xi16> to vector<1x512xi16>
    %broadcast_in_dim3A_555 = vector.broadcast %broadcast_in_dim3A_554 : vector<1x512xi16> to vector<18x512xi16>
    %eq3A_556 = arith.cmpi eq, %broadcast_in_dim3A_555, %iota3A : vector<18x512xi16>
    %jit3A_557 = arith.constant 1.000000e+00 : bf16
    %jit3A_558 = arith.constant 0.000000e+00 : bf16
    %broadcast_in_dim3A_559 = vector.broadcast %jit3A_557 : bf16 to vector<18x512xbf16>
    %broadcast_in_dim3A_560 = vector.broadcast %jit3A_558 : bf16 to vector<18x512xbf16>
    %select_n3A_561 = arith.select %eq3A_556, %broadcast_in_dim3A_559, %broadcast_in_dim3A_560 : vector<18x512xi1>, vector<18x512xbf16>
    %dot_general3A_562 = arith.constant dense<0.000000e+00> : vector<96x512xf32>
    %dot_general3A_563 = tpu.matmul %get3A_4, %select_n3A_561, %dot_general3A_562 {dimension_numbers = #tpu.dot_dimension_numbers<[1], [0], [0], [1], [0, 0, 1, 1], [], []>, transpose_lhs_hint = false} : vector<96x18xbf16>, vector<18x512xbf16>, vector<96x512xf32> -> vector<96x512xf32>
    %swap3A_564 = arith.constant 3552 : index
    %swap3A_565 = arith.constant 0 : index
    %swap3A_566 = vector.load %arg3[%swap3A_564, %swap3A_565] : memref<6144x512xf32, #tpu.memory_space<vmem>>, vector<96x512xf32>
    tpu.vector_store %arg3[%swap3A_564, %swap3A_565], %dot_general3A_563 {strides = array<i32>} : memref<6144x512xf32, #tpu.memory_space<vmem>>, vector<96x512xf32>,
    %slice3A_567 = vector.extract_strided_slice %convert_element_type3A {offsets = [38, 0], sizes = [1, 512], strides = [1, 1]} : vector<64x512xi16> to vector<1x512xi16>
    %squeeze3A_568 = vector.shape_cast %slice3A_567 : vector<1x512xi16> to vector<512xi16>
    %broadcast_in_dim3A_569 = vector.shape_cast %squeeze3A_568 : vector<512xi16> to vector<1x512xi16>
    %broadcast_in_dim3A_570 = vector.broadcast %broadcast_in_dim3A_569 : vector<1x512xi16> to vector<18x512xi16>
    %eq3A_571 = arith.cmpi eq, %broadcast_in_dim3A_570, %iota3A : vector<18x512xi16>
    %jit3A_572 = arith.constant 1.000000e+00 : bf16
    %jit3A_573 = arith.constant 0.000000e+00 : bf16
    %broadcast_in_dim3A_574 = vector.broadcast %jit3A_572 : bf16 to vector<18x512xbf16>
    %broadcast_in_dim3A_575 = vector.broadcast %jit3A_573 : bf16 to vector<18x512xbf16>
    %select_n3A_576 = arith.select %eq3A_571, %broadcast_in_dim3A_574, %broadcast_in_dim3A_575 : vector<18x512xi1>, vector<18x512xbf16>
    %dot_general3A_577 = arith.constant dense<0.000000e+00> : vector<96x512xf32>
    %dot_general3A_578 = tpu.matmul %get3A_4, %select_n3A_576, %dot_general3A_577 {dimension_numbers = #tpu.dot_dimension_numbers<[1], [0], [0], [1], [0, 0, 1, 1], [], []>, transpose_lhs_hint = false} : vector<96x18xbf16>, vector<18x512xbf16>, vector<96x512xf32> -> vector<96x512xf32>
    %swap3A_579 = arith.constant 3648 : index
    %swap3A_580 = arith.constant 0 : index
    %swap3A_581 = vector.load %arg3[%swap3A_579, %swap3A_580] : memref<6144x512xf32, #tpu.memory_space<vmem>>, vector<96x512xf32>
    tpu.vector_store %arg3[%swap3A_579, %swap3A_580], %dot_general3A_578 {strides = array<i32>} : memref<6144x512xf32, #tpu.memory_space<vmem>>, vector<96x512xf32>,
    %slice3A_582 = vector.extract_strided_slice %convert_element_type3A {offsets = [39, 0], sizes = [1, 512], strides = [1, 1]} : vector<64x512xi16> to vector<1x512xi16>
    %squeeze3A_583 = vector.shape_cast %slice3A_582 : vector<1x512xi16> to vector<512xi16>
    %broadcast_in_dim3A_584 = vector.shape_cast %squeeze3A_583 : vector<512xi16> to vector<1x512xi16>
    %broadcast_in_dim3A_585 = vector.broadcast %broadcast_in_dim3A_584 : vector<1x512xi16> to vector<18x512xi16>
    %eq3A_586 = arith.cmpi eq, %broadcast_in_dim3A_585, %iota3A : vector<18x512xi16>
    %jit3A_587 = arith.constant 1.000000e+00 : bf16
    %jit3A_588 = arith.constant 0.000000e+00 : bf16
    %broadcast_in_dim3A_589 = vector.broadcast %jit3A_587 : bf16 to vector<18x512xbf16>
    %broadcast_in_dim3A_590 = vector.broadcast %jit3A_588 : bf16 to vector<18x512xbf16>
    %select_n3A_591 = arith.select %eq3A_586, %broadcast_in_dim3A_589, %broadcast_in_dim3A_590 : vector<18x512xi1>, vector<18x512xbf16>
    %dot_general3A_592 = arith.constant dense<0.000000e+00> : vector<96x512xf32>
    %dot_general3A_593 = tpu.matmul %get3A_4, %select_n3A_591, %dot_general3A_592 {dimension_numbers = #tpu.dot_dimension_numbers<[1], [0], [0], [1], [0, 0, 1, 1], [], []>, transpose_lhs_hint = false} : vector<96x18xbf16>, vector<18x512xbf16>, vector<96x512xf32> -> vector<96x512xf32>
    %swap3A_594 = arith.constant 3744 : index
    %swap3A_595 = arith.constant 0 : index
    %swap3A_596 = vector.load %arg3[%swap3A_594, %swap3A_595] : memref<6144x512xf32, #tpu.memory_space<vmem>>, vector<96x512xf32>
    tpu.vector_store %arg3[%swap3A_594, %swap3A_595], %dot_general3A_593 {strides = array<i32>} : memref<6144x512xf32, #tpu.memory_space<vmem>>, vector<96x512xf32>,
    %slice3A_597 = vector.extract_strided_slice %convert_element_type3A {offsets = [40, 0], sizes = [1, 512], strides = [1, 1]} : vector<64x512xi16> to vector<1x512xi16>
    %squeeze3A_598 = vector.shape_cast %slice3A_597 : vector<1x512xi16> to vector<512xi16>
    %broadcast_in_dim3A_599 = vector.shape_cast %squeeze3A_598 : vector<512xi16> to vector<1x512xi16>
    %broadcast_in_dim3A_600 = vector.broadcast %broadcast_in_dim3A_599 : vector<1x512xi16> to vector<18x512xi16>
    %eq3A_601 = arith.cmpi eq, %broadcast_in_dim3A_600, %iota3A : vector<18x512xi16>
    %jit3A_602 = arith.constant 1.000000e+00 : bf16
    %jit3A_603 = arith.constant 0.000000e+00 : bf16
    %broadcast_in_dim3A_604 = vector.broadcast %jit3A_602 : bf16 to vector<18x512xbf16>
    %broadcast_in_dim3A_605 = vector.broadcast %jit3A_603 : bf16 to vector<18x512xbf16>
    %select_n3A_606 = arith.select %eq3A_601, %broadcast_in_dim3A_604, %broadcast_in_dim3A_605 : vector<18x512xi1>, vector<18x512xbf16>
    %dot_general3A_607 = arith.constant dense<0.000000e+00> : vector<96x512xf32>
    %dot_general3A_608 = tpu.matmul %get3A_4, %select_n3A_606, %dot_general3A_607 {dimension_numbers = #tpu.dot_dimension_numbers<[1], [0], [0], [1], [0, 0, 1, 1], [], []>, transpose_lhs_hint = false} : vector<96x18xbf16>, vector<18x512xbf16>, vector<96x512xf32> -> vector<96x512xf32>
    %swap3A_609 = arith.constant 3840 : index
    %swap3A_610 = arith.constant 0 : index
    %swap3A_611 = vector.load %arg3[%swap3A_609, %swap3A_610] : memref<6144x512xf32, #tpu.memory_space<vmem>>, vector<96x512xf32>
    tpu.vector_store %arg3[%swap3A_609, %swap3A_610], %dot_general3A_608 {strides = array<i32>} : memref<6144x512xf32, #tpu.memory_space<vmem>>, vector<96x512xf32>,
    %slice3A_612 = vector.extract_strided_slice %convert_element_type3A {offsets = [41, 0], sizes = [1, 512], strides = [1, 1]} : vector<64x512xi16> to vector<1x512xi16>
    %squeeze3A_613 = vector.shape_cast %slice3A_612 : vector<1x512xi16> to vector<512xi16>
    %broadcast_in_dim3A_614 = vector.shape_cast %squeeze3A_613 : vector<512xi16> to vector<1x512xi16>
    %broadcast_in_dim3A_615 = vector.broadcast %broadcast_in_dim3A_614 : vector<1x512xi16> to vector<18x512xi16>
    %eq3A_616 = arith.cmpi eq, %broadcast_in_dim3A_615, %iota3A : vector<18x512xi16>
    %jit3A_617 = arith.constant 1.000000e+00 : bf16
    %jit3A_618 = arith.constant 0.000000e+00 : bf16
    %broadcast_in_dim3A_619 = vector.broadcast %jit3A_617 : bf16 to vector<18x512xbf16>
    %broadcast_in_dim3A_620 = vector.broadcast %jit3A_618 : bf16 to vector<18x512xbf16>
    %select_n3A_621 = arith.select %eq3A_616, %broadcast_in_dim3A_619, %broadcast_in_dim3A_620 : vector<18x512xi1>, vector<18x512xbf16>
    %dot_general3A_622 = arith.constant dense<0.000000e+00> : vector<96x512xf32>
    %dot_general3A_623 = tpu.matmul %get3A_4, %select_n3A_621, %dot_general3A_622 {dimension_numbers = #tpu.dot_dimension_numbers<[1], [0], [0], [1], [0, 0, 1, 1], [], []>, transpose_lhs_hint = false} : vector<96x18xbf16>, vector<18x512xbf16>, vector<96x512xf32> -> vector<96x512xf32>
    %swap3A_624 = arith.constant 3936 : index
    %swap3A_625 = arith.constant 0 : index
    %swap3A_626 = vector.load %arg3[%swap3A_624, %swap3A_625] : memref<6144x512xf32, #tpu.memory_space<vmem>>, vector<96x512xf32>
    tpu.vector_store %arg3[%swap3A_624, %swap3A_625], %dot_general3A_623 {strides = array<i32>} : memref<6144x512xf32, #tpu.memory_space<vmem>>, vector<96x512xf32>,
    %slice3A_627 = vector.extract_strided_slice %convert_element_type3A {offsets = [42, 0], sizes = [1, 512], strides = [1, 1]} : vector<64x512xi16> to vector<1x512xi16>
    %squeeze3A_628 = vector.shape_cast %slice3A_627 : vector<1x512xi16> to vector<512xi16>
    %broadcast_in_dim3A_629 = vector.shape_cast %squeeze3A_628 : vector<512xi16> to vector<1x512xi16>
    %broadcast_in_dim3A_630 = vector.broadcast %broadcast_in_dim3A_629 : vector<1x512xi16> to vector<18x512xi16>
    %eq3A_631 = arith.cmpi eq, %broadcast_in_dim3A_630, %iota3A : vector<18x512xi16>
    %jit3A_632 = arith.constant 1.000000e+00 : bf16
    %jit3A_633 = arith.constant 0.000000e+00 : bf16
    %broadcast_in_dim3A_634 = vector.broadcast %jit3A_632 : bf16 to vector<18x512xbf16>
    %broadcast_in_dim3A_635 = vector.broadcast %jit3A_633 : bf16 to vector<18x512xbf16>
    %select_n3A_636 = arith.select %eq3A_631, %broadcast_in_dim3A_634, %broadcast_in_dim3A_635 : vector<18x512xi1>, vector<18x512xbf16>
    %dot_general3A_637 = arith.constant dense<0.000000e+00> : vector<96x512xf32>
    %dot_general3A_638 = tpu.matmul %get3A_4, %select_n3A_636, %dot_general3A_637 {dimension_numbers = #tpu.dot_dimension_numbers<[1], [0], [0], [1], [0, 0, 1, 1], [], []>, transpose_lhs_hint = false} : vector<96x18xbf16>, vector<18x512xbf16>, vector<96x512xf32> -> vector<96x512xf32>
    %swap3A_639 = arith.constant 4032 : index
    %swap3A_640 = arith.constant 0 : index
    %swap3A_641 = vector.load %arg3[%swap3A_639, %swap3A_640] : memref<6144x512xf32, #tpu.memory_space<vmem>>, vector<96x512xf32>
    tpu.vector_store %arg3[%swap3A_639, %swap3A_640], %dot_general3A_638 {strides = array<i32>} : memref<6144x512xf32, #tpu.memory_space<vmem>>, vector<96x512xf32>,
    %slice3A_642 = vector.extract_strided_slice %convert_element_type3A {offsets = [43, 0], sizes = [1, 512], strides = [1, 1]} : vector<64x512xi16> to vector<1x512xi16>
    %squeeze3A_643 = vector.shape_cast %slice3A_642 : vector<1x512xi16> to vector<512xi16>
    %broadcast_in_dim3A_644 = vector.shape_cast %squeeze3A_643 : vector<512xi16> to vector<1x512xi16>
    %broadcast_in_dim3A_645 = vector.broadcast %broadcast_in_dim3A_644 : vector<1x512xi16> to vector<18x512xi16>
    %eq3A_646 = arith.cmpi eq, %broadcast_in_dim3A_645, %iota3A : vector<18x512xi16>
    %jit3A_647 = arith.constant 1.000000e+00 : bf16
    %jit3A_648 = arith.constant 0.000000e+00 : bf16
    %broadcast_in_dim3A_649 = vector.broadcast %jit3A_647 : bf16 to vector<18x512xbf16>
    %broadcast_in_dim3A_650 = vector.broadcast %jit3A_648 : bf16 to vector<18x512xbf16>
    %select_n3A_651 = arith.select %eq3A_646, %broadcast_in_dim3A_649, %broadcast_in_dim3A_650 : vector<18x512xi1>, vector<18x512xbf16>
    %dot_general3A_652 = arith.constant dense<0.000000e+00> : vector<96x512xf32>
    %dot_general3A_653 = tpu.matmul %get3A_4, %select_n3A_651, %dot_general3A_652 {dimension_numbers = #tpu.dot_dimension_numbers<[1], [0], [0], [1], [0, 0, 1, 1], [], []>, transpose_lhs_hint = false} : vector<96x18xbf16>, vector<18x512xbf16>, vector<96x512xf32> -> vector<96x512xf32>
    %swap3A_654 = arith.constant 4128 : index
    %swap3A_655 = arith.constant 0 : index
    %swap3A_656 = vector.load %arg3[%swap3A_654, %swap3A_655] : memref<6144x512xf32, #tpu.memory_space<vmem>>, vector<96x512xf32>
    tpu.vector_store %arg3[%swap3A_654, %swap3A_655], %dot_general3A_653 {strides = array<i32>} : memref<6144x512xf32, #tpu.memory_space<vmem>>, vector<96x512xf32>,
    %slice3A_657 = vector.extract_strided_slice %convert_element_type3A {offsets = [44, 0], sizes = [1, 512], strides = [1, 1]} : vector<64x512xi16> to vector<1x512xi16>
    %squeeze3A_658 = vector.shape_cast %slice3A_657 : vector<1x512xi16> to vector<512xi16>
    %broadcast_in_dim3A_659 = vector.shape_cast %squeeze3A_658 : vector<512xi16> to vector<1x512xi16>
    %broadcast_in_dim3A_660 = vector.broadcast %broadcast_in_dim3A_659 : vector<1x512xi16> to vector<18x512xi16>
    %eq3A_661 = arith.cmpi eq, %broadcast_in_dim3A_660, %iota3A : vector<18x512xi16>
    %jit3A_662 = arith.constant 1.000000e+00 : bf16
    %jit3A_663 = arith.constant 0.000000e+00 : bf16
    %broadcast_in_dim3A_664 = vector.broadcast %jit3A_662 : bf16 to vector<18x512xbf16>
    %broadcast_in_dim3A_665 = vector.broadcast %jit3A_663 : bf16 to vector<18x512xbf16>
    %select_n3A_666 = arith.select %eq3A_661, %broadcast_in_dim3A_664, %broadcast_in_dim3A_665 : vector<18x512xi1>, vector<18x512xbf16>
    %dot_general3A_667 = arith.constant dense<0.000000e+00> : vector<96x512xf32>
    %dot_general3A_668 = tpu.matmul %get3A_4, %select_n3A_666, %dot_general3A_667 {dimension_numbers = #tpu.dot_dimension_numbers<[1], [0], [0], [1], [0, 0, 1, 1], [], []>, transpose_lhs_hint = false} : vector<96x18xbf16>, vector<18x512xbf16>, vector<96x512xf32> -> vector<96x512xf32>
    %swap3A_669 = arith.constant 4224 : index
    %swap3A_670 = arith.constant 0 : index
    %swap3A_671 = vector.load %arg3[%swap3A_669, %swap3A_670] : memref<6144x512xf32, #tpu.memory_space<vmem>>, vector<96x512xf32>
    tpu.vector_store %arg3[%swap3A_669, %swap3A_670], %dot_general3A_668 {strides = array<i32>} : memref<6144x512xf32, #tpu.memory_space<vmem>>, vector<96x512xf32>,
    %slice3A_672 = vector.extract_strided_slice %convert_element_type3A {offsets = [45, 0], sizes = [1, 512], strides = [1, 1]} : vector<64x512xi16> to vector<1x512xi16>
    %squeeze3A_673 = vector.shape_cast %slice3A_672 : vector<1x512xi16> to vector<512xi16>
    %broadcast_in_dim3A_674 = vector.shape_cast %squeeze3A_673 : vector<512xi16> to vector<1x512xi16>
    %broadcast_in_dim3A_675 = vector.broadcast %broadcast_in_dim3A_674 : vector<1x512xi16> to vector<18x512xi16>
    %eq3A_676 = arith.cmpi eq, %broadcast_in_dim3A_675, %iota3A : vector<18x512xi16>
    %jit3A_677 = arith.constant 1.000000e+00 : bf16
    %jit3A_678 = arith.constant 0.000000e+00 : bf16
    %broadcast_in_dim3A_679 = vector.broadcast %jit3A_677 : bf16 to vector<18x512xbf16>
    %broadcast_in_dim3A_680 = vector.broadcast %jit3A_678 : bf16 to vector<18x512xbf16>
    %select_n3A_681 = arith.select %eq3A_676, %broadcast_in_dim3A_679, %broadcast_in_dim3A_680 : vector<18x512xi1>, vector<18x512xbf16>
    %dot_general3A_682 = arith.constant dense<0.000000e+00> : vector<96x512xf32>
    %dot_general3A_683 = tpu.matmul %get3A_4, %select_n3A_681, %dot_general3A_682 {dimension_numbers = #tpu.dot_dimension_numbers<[1], [0], [0], [1], [0, 0, 1, 1], [], []>, transpose_lhs_hint = false} : vector<96x18xbf16>, vector<18x512xbf16>, vector<96x512xf32> -> vector<96x512xf32>
    %swap3A_684 = arith.constant 4320 : index
    %swap3A_685 = arith.constant 0 : index
    %swap3A_686 = vector.load %arg3[%swap3A_684, %swap3A_685] : memref<6144x512xf32, #tpu.memory_space<vmem>>, vector<96x512xf32>
    tpu.vector_store %arg3[%swap3A_684, %swap3A_685], %dot_general3A_683 {strides = array<i32>} : memref<6144x512xf32, #tpu.memory_space<vmem>>, vector<96x512xf32>,
    %slice3A_687 = vector.extract_strided_slice %convert_element_type3A {offsets = [46, 0], sizes = [1, 512], strides = [1, 1]} : vector<64x512xi16> to vector<1x512xi16>
    %squeeze3A_688 = vector.shape_cast %slice3A_687 : vector<1x512xi16> to vector<512xi16>
    %broadcast_in_dim3A_689 = vector.shape_cast %squeeze3A_688 : vector<512xi16> to vector<1x512xi16>
    %broadcast_in_dim3A_690 = vector.broadcast %broadcast_in_dim3A_689 : vector<1x512xi16> to vector<18x512xi16>
    %eq3A_691 = arith.cmpi eq, %broadcast_in_dim3A_690, %iota3A : vector<18x512xi16>
    %jit3A_692 = arith.constant 1.000000e+00 : bf16
    %jit3A_693 = arith.constant 0.000000e+00 : bf16
    %broadcast_in_dim3A_694 = vector.broadcast %jit3A_692 : bf16 to vector<18x512xbf16>
    %broadcast_in_dim3A_695 = vector.broadcast %jit3A_693 : bf16 to vector<18x512xbf16>
    %select_n3A_696 = arith.select %eq3A_691, %broadcast_in_dim3A_694, %broadcast_in_dim3A_695 : vector<18x512xi1>, vector<18x512xbf16>
    %dot_general3A_697 = arith.constant dense<0.000000e+00> : vector<96x512xf32>
    %dot_general3A_698 = tpu.matmul %get3A_4, %select_n3A_696, %dot_general3A_697 {dimension_numbers = #tpu.dot_dimension_numbers<[1], [0], [0], [1], [0, 0, 1, 1], [], []>, transpose_lhs_hint = false} : vector<96x18xbf16>, vector<18x512xbf16>, vector<96x512xf32> -> vector<96x512xf32>
    %swap3A_699 = arith.constant 4416 : index
    %swap3A_700 = arith.constant 0 : index
    %swap3A_701 = vector.load %arg3[%swap3A_699, %swap3A_700] : memref<6144x512xf32, #tpu.memory_space<vmem>>, vector<96x512xf32>
    tpu.vector_store %arg3[%swap3A_699, %swap3A_700], %dot_general3A_698 {strides = array<i32>} : memref<6144x512xf32, #tpu.memory_space<vmem>>, vector<96x512xf32>,
    %slice3A_702 = vector.extract_strided_slice %convert_element_type3A {offsets = [47, 0], sizes = [1, 512], strides = [1, 1]} : vector<64x512xi16> to vector<1x512xi16>
    %squeeze3A_703 = vector.shape_cast %slice3A_702 : vector<1x512xi16> to vector<512xi16>
    %broadcast_in_dim3A_704 = vector.shape_cast %squeeze3A_703 : vector<512xi16> to vector<1x512xi16>
    %broadcast_in_dim3A_705 = vector.broadcast %broadcast_in_dim3A_704 : vector<1x512xi16> to vector<18x512xi16>
    %eq3A_706 = arith.cmpi eq, %broadcast_in_dim3A_705, %iota3A : vector<18x512xi16>
    %jit3A_707 = arith.constant 1.000000e+00 : bf16
    %jit3A_708 = arith.constant 0.000000e+00 : bf16
    %broadcast_in_dim3A_709 = vector.broadcast %jit3A_707 : bf16 to vector<18x512xbf16>
    %broadcast_in_dim3A_710 = vector.broadcast %jit3A_708 : bf16 to vector<18x512xbf16>
    %select_n3A_711 = arith.select %eq3A_706, %broadcast_in_dim3A_709, %broadcast_in_dim3A_710 : vector<18x512xi1>, vector<18x512xbf16>
    %dot_general3A_712 = arith.constant dense<0.000000e+00> : vector<96x512xf32>
    %dot_general3A_713 = tpu.matmul %get3A_4, %select_n3A_711, %dot_general3A_712 {dimension_numbers = #tpu.dot_dimension_numbers<[1], [0], [0], [1], [0, 0, 1, 1], [], []>, transpose_lhs_hint = false} : vector<96x18xbf16>, vector<18x512xbf16>, vector<96x512xf32> -> vector<96x512xf32>
    %swap3A_714 = arith.constant 4512 : index
    %swap3A_715 = arith.constant 0 : index
    %swap3A_716 = vector.load %arg3[%swap3A_714, %swap3A_715] : memref<6144x512xf32, #tpu.memory_space<vmem>>, vector<96x512xf32>
    tpu.vector_store %arg3[%swap3A_714, %swap3A_715], %dot_general3A_713 {strides = array<i32>} : memref<6144x512xf32, #tpu.memory_space<vmem>>, vector<96x512xf32>,
    %slice3A_717 = vector.extract_strided_slice %convert_element_type3A {offsets = [48, 0], sizes = [1, 512], strides = [1, 1]} : vector<64x512xi16> to vector<1x512xi16>
    %squeeze3A_718 = vector.shape_cast %slice3A_717 : vector<1x512xi16> to vector<512xi16>
    %broadcast_in_dim3A_719 = vector.shape_cast %squeeze3A_718 : vector<512xi16> to vector<1x512xi16>
    %broadcast_in_dim3A_720 = vector.broadcast %broadcast_in_dim3A_719 : vector<1x512xi16> to vector<18x512xi16>
    %eq3A_721 = arith.cmpi eq, %broadcast_in_dim3A_720, %iota3A : vector<18x512xi16>
    %jit3A_722 = arith.constant 1.000000e+00 : bf16
    %jit3A_723 = arith.constant 0.000000e+00 : bf16
    %broadcast_in_dim3A_724 = vector.broadcast %jit3A_722 : bf16 to vector<18x512xbf16>
    %broadcast_in_dim3A_725 = vector.broadcast %jit3A_723 : bf16 to vector<18x512xbf16>
    %select_n3A_726 = arith.select %eq3A_721, %broadcast_in_dim3A_724, %broadcast_in_dim3A_725 : vector<18x512xi1>, vector<18x512xbf16>
    %dot_general3A_727 = arith.constant dense<0.000000e+00> : vector<96x512xf32>
    %dot_general3A_728 = tpu.matmul %get3A_4, %select_n3A_726, %dot_general3A_727 {dimension_numbers = #tpu.dot_dimension_numbers<[1], [0], [0], [1], [0, 0, 1, 1], [], []>, transpose_lhs_hint = false} : vector<96x18xbf16>, vector<18x512xbf16>, vector<96x512xf32> -> vector<96x512xf32>
    %swap3A_729 = arith.constant 4608 : index
    %swap3A_730 = arith.constant 0 : index
    %swap3A_731 = vector.load %arg3[%swap3A_729, %swap3A_730] : memref<6144x512xf32, #tpu.memory_space<vmem>>, vector<96x512xf32>
    tpu.vector_store %arg3[%swap3A_729, %swap3A_730], %dot_general3A_728 {strides = array<i32>} : memref<6144x512xf32, #tpu.memory_space<vmem>>, vector<96x512xf32>,
    %slice3A_732 = vector.extract_strided_slice %convert_element_type3A {offsets = [49, 0], sizes = [1, 512], strides = [1, 1]} : vector<64x512xi16> to vector<1x512xi16>
    %squeeze3A_733 = vector.shape_cast %slice3A_732 : vector<1x512xi16> to vector<512xi16>
    %broadcast_in_dim3A_734 = vector.shape_cast %squeeze3A_733 : vector<512xi16> to vector<1x512xi16>
    %broadcast_in_dim3A_735 = vector.broadcast %broadcast_in_dim3A_734 : vector<1x512xi16> to vector<18x512xi16>
    %eq3A_736 = arith.cmpi eq, %broadcast_in_dim3A_735, %iota3A : vector<18x512xi16>
    %jit3A_737 = arith.constant 1.000000e+00 : bf16
    %jit3A_738 = arith.constant 0.000000e+00 : bf16
    %broadcast_in_dim3A_739 = vector.broadcast %jit3A_737 : bf16 to vector<18x512xbf16>
    %broadcast_in_dim3A_740 = vector.broadcast %jit3A_738 : bf16 to vector<18x512xbf16>
    %select_n3A_741 = arith.select %eq3A_736, %broadcast_in_dim3A_739, %broadcast_in_dim3A_740 : vector<18x512xi1>, vector<18x512xbf16>
    %dot_general3A_742 = arith.constant dense<0.000000e+00> : vector<96x512xf32>
    %dot_general3A_743 = tpu.matmul %get3A_4, %select_n3A_741, %dot_general3A_742 {dimension_numbers = #tpu.dot_dimension_numbers<[1], [0], [0], [1], [0, 0, 1, 1], [], []>, transpose_lhs_hint = false} : vector<96x18xbf16>, vector<18x512xbf16>, vector<96x512xf32> -> vector<96x512xf32>
    %swap3A_744 = arith.constant 4704 : index
    %swap3A_745 = arith.constant 0 : index
    %swap3A_746 = vector.load %arg3[%swap3A_744, %swap3A_745] : memref<6144x512xf32, #tpu.memory_space<vmem>>, vector<96x512xf32>
    tpu.vector_store %arg3[%swap3A_744, %swap3A_745], %dot_general3A_743 {strides = array<i32>} : memref<6144x512xf32, #tpu.memory_space<vmem>>, vector<96x512xf32>,
    %slice3A_747 = vector.extract_strided_slice %convert_element_type3A {offsets = [50, 0], sizes = [1, 512], strides = [1, 1]} : vector<64x512xi16> to vector<1x512xi16>
    %squeeze3A_748 = vector.shape_cast %slice3A_747 : vector<1x512xi16> to vector<512xi16>
    %broadcast_in_dim3A_749 = vector.shape_cast %squeeze3A_748 : vector<512xi16> to vector<1x512xi16>
    %broadcast_in_dim3A_750 = vector.broadcast %broadcast_in_dim3A_749 : vector<1x512xi16> to vector<18x512xi16>
    %eq3A_751 = arith.cmpi eq, %broadcast_in_dim3A_750, %iota3A : vector<18x512xi16>
    %jit3A_752 = arith.constant 1.000000e+00 : bf16
    %jit3A_753 = arith.constant 0.000000e+00 : bf16
    %broadcast_in_dim3A_754 = vector.broadcast %jit3A_752 : bf16 to vector<18x512xbf16>
    %broadcast_in_dim3A_755 = vector.broadcast %jit3A_753 : bf16 to vector<18x512xbf16>
    %select_n3A_756 = arith.select %eq3A_751, %broadcast_in_dim3A_754, %broadcast_in_dim3A_755 : vector<18x512xi1>, vector<18x512xbf16>
    %dot_general3A_757 = arith.constant dense<0.000000e+00> : vector<96x512xf32>
    %dot_general3A_758 = tpu.matmul %get3A_4, %select_n3A_756, %dot_general3A_757 {dimension_numbers = #tpu.dot_dimension_numbers<[1], [0], [0], [1], [0, 0, 1, 1], [], []>, transpose_lhs_hint = false} : vector<96x18xbf16>, vector<18x512xbf16>, vector<96x512xf32> -> vector<96x512xf32>
    %swap3A_759 = arith.constant 4800 : index
    %swap3A_760 = arith.constant 0 : index
    %swap3A_761 = vector.load %arg3[%swap3A_759, %swap3A_760] : memref<6144x512xf32, #tpu.memory_space<vmem>>, vector<96x512xf32>
    tpu.vector_store %arg3[%swap3A_759, %swap3A_760], %dot_general3A_758 {strides = array<i32>} : memref<6144x512xf32, #tpu.memory_space<vmem>>, vector<96x512xf32>,
    %slice3A_762 = vector.extract_strided_slice %convert_element_type3A {offsets = [51, 0], sizes = [1, 512], strides = [1, 1]} : vector<64x512xi16> to vector<1x512xi16>
    %squeeze3A_763 = vector.shape_cast %slice3A_762 : vector<1x512xi16> to vector<512xi16>
    %broadcast_in_dim3A_764 = vector.shape_cast %squeeze3A_763 : vector<512xi16> to vector<1x512xi16>
    %broadcast_in_dim3A_765 = vector.broadcast %broadcast_in_dim3A_764 : vector<1x512xi16> to vector<18x512xi16>
    %eq3A_766 = arith.cmpi eq, %broadcast_in_dim3A_765, %iota3A : vector<18x512xi16>
    %jit3A_767 = arith.constant 1.000000e+00 : bf16
    %jit3A_768 = arith.constant 0.000000e+00 : bf16
    %broadcast_in_dim3A_769 = vector.broadcast %jit3A_767 : bf16 to vector<18x512xbf16>
    %broadcast_in_dim3A_770 = vector.broadcast %jit3A_768 : bf16 to vector<18x512xbf16>
    %select_n3A_771 = arith.select %eq3A_766, %broadcast_in_dim3A_769, %broadcast_in_dim3A_770 : vector<18x512xi1>, vector<18x512xbf16>
    %dot_general3A_772 = arith.constant dense<0.000000e+00> : vector<96x512xf32>
    %dot_general3A_773 = tpu.matmul %get3A_4, %select_n3A_771, %dot_general3A_772 {dimension_numbers = #tpu.dot_dimension_numbers<[1], [0], [0], [1], [0, 0, 1, 1], [], []>, transpose_lhs_hint = false} : vector<96x18xbf16>, vector<18x512xbf16>, vector<96x512xf32> -> vector<96x512xf32>
    %swap3A_774 = arith.constant 4896 : index
    %swap3A_775 = arith.constant 0 : index
    %swap3A_776 = vector.load %arg3[%swap3A_774, %swap3A_775] : memref<6144x512xf32, #tpu.memory_space<vmem>>, vector<96x512xf32>
    tpu.vector_store %arg3[%swap3A_774, %swap3A_775], %dot_general3A_773 {strides = array<i32>} : memref<6144x512xf32, #tpu.memory_space<vmem>>, vector<96x512xf32>,
    %slice3A_777 = vector.extract_strided_slice %convert_element_type3A {offsets = [52, 0], sizes = [1, 512], strides = [1, 1]} : vector<64x512xi16> to vector<1x512xi16>
    %squeeze3A_778 = vector.shape_cast %slice3A_777 : vector<1x512xi16> to vector<512xi16>
    %broadcast_in_dim3A_779 = vector.shape_cast %squeeze3A_778 : vector<512xi16> to vector<1x512xi16>
    %broadcast_in_dim3A_780 = vector.broadcast %broadcast_in_dim3A_779 : vector<1x512xi16> to vector<18x512xi16>
    %eq3A_781 = arith.cmpi eq, %broadcast_in_dim3A_780, %iota3A : vector<18x512xi16>
    %jit3A_782 = arith.constant 1.000000e+00 : bf16
    %jit3A_783 = arith.constant 0.000000e+00 : bf16
    %broadcast_in_dim3A_784 = vector.broadcast %jit3A_782 : bf16 to vector<18x512xbf16>
    %broadcast_in_dim3A_785 = vector.broadcast %jit3A_783 : bf16 to vector<18x512xbf16>
    %select_n3A_786 = arith.select %eq3A_781, %broadcast_in_dim3A_784, %broadcast_in_dim3A_785 : vector<18x512xi1>, vector<18x512xbf16>
    %dot_general3A_787 = arith.constant dense<0.000000e+00> : vector<96x512xf32>
    %dot_general3A_788 = tpu.matmul %get3A_4, %select_n3A_786, %dot_general3A_787 {dimension_numbers = #tpu.dot_dimension_numbers<[1], [0], [0], [1], [0, 0, 1, 1], [], []>, transpose_lhs_hint = false} : vector<96x18xbf16>, vector<18x512xbf16>, vector<96x512xf32> -> vector<96x512xf32>
    %swap3A_789 = arith.constant 4992 : index
    %swap3A_790 = arith.constant 0 : index
    %swap3A_791 = vector.load %arg3[%swap3A_789, %swap3A_790] : memref<6144x512xf32, #tpu.memory_space<vmem>>, vector<96x512xf32>
    tpu.vector_store %arg3[%swap3A_789, %swap3A_790], %dot_general3A_788 {strides = array<i32>} : memref<6144x512xf32, #tpu.memory_space<vmem>>, vector<96x512xf32>,
    %slice3A_792 = vector.extract_strided_slice %convert_element_type3A {offsets = [53, 0], sizes = [1, 512], strides = [1, 1]} : vector<64x512xi16> to vector<1x512xi16>
    %squeeze3A_793 = vector.shape_cast %slice3A_792 : vector<1x512xi16> to vector<512xi16>
    %broadcast_in_dim3A_794 = vector.shape_cast %squeeze3A_793 : vector<512xi16> to vector<1x512xi16>
    %broadcast_in_dim3A_795 = vector.broadcast %broadcast_in_dim3A_794 : vector<1x512xi16> to vector<18x512xi16>
    %eq3A_796 = arith.cmpi eq, %broadcast_in_dim3A_795, %iota3A : vector<18x512xi16>
    %jit3A_797 = arith.constant 1.000000e+00 : bf16
    %jit3A_798 = arith.constant 0.000000e+00 : bf16
    %broadcast_in_dim3A_799 = vector.broadcast %jit3A_797 : bf16 to vector<18x512xbf16>
    %broadcast_in_dim3A_800 = vector.broadcast %jit3A_798 : bf16 to vector<18x512xbf16>
    %select_n3A_801 = arith.select %eq3A_796, %broadcast_in_dim3A_799, %broadcast_in_dim3A_800 : vector<18x512xi1>, vector<18x512xbf16>
    %dot_general3A_802 = arith.constant dense<0.000000e+00> : vector<96x512xf32>
    %dot_general3A_803 = tpu.matmul %get3A_4, %select_n3A_801, %dot_general3A_802 {dimension_numbers = #tpu.dot_dimension_numbers<[1], [0], [0], [1], [0, 0, 1, 1], [], []>, transpose_lhs_hint = false} : vector<96x18xbf16>, vector<18x512xbf16>, vector<96x512xf32> -> vector<96x512xf32>
    %swap3A_804 = arith.constant 5088 : index
    %swap3A_805 = arith.constant 0 : index
    %swap3A_806 = vector.load %arg3[%swap3A_804, %swap3A_805] : memref<6144x512xf32, #tpu.memory_space<vmem>>, vector<96x512xf32>
    tpu.vector_store %arg3[%swap3A_804, %swap3A_805], %dot_general3A_803 {strides = array<i32>} : memref<6144x512xf32, #tpu.memory_space<vmem>>, vector<96x512xf32>,
    %slice3A_807 = vector.extract_strided_slice %convert_element_type3A {offsets = [54, 0], sizes = [1, 512], strides = [1, 1]} : vector<64x512xi16> to vector<1x512xi16>
    %squeeze3A_808 = vector.shape_cast %slice3A_807 : vector<1x512xi16> to vector<512xi16>
    %broadcast_in_dim3A_809 = vector.shape_cast %squeeze3A_808 : vector<512xi16> to vector<1x512xi16>
    %broadcast_in_dim3A_810 = vector.broadcast %broadcast_in_dim3A_809 : vector<1x512xi16> to vector<18x512xi16>
    %eq3A_811 = arith.cmpi eq, %broadcast_in_dim3A_810, %iota3A : vector<18x512xi16>
    %jit3A_812 = arith.constant 1.000000e+00 : bf16
    %jit3A_813 = arith.constant 0.000000e+00 : bf16
    %broadcast_in_dim3A_814 = vector.broadcast %jit3A_812 : bf16 to vector<18x512xbf16>
    %broadcast_in_dim3A_815 = vector.broadcast %jit3A_813 : bf16 to vector<18x512xbf16>
    %select_n3A_816 = arith.select %eq3A_811, %broadcast_in_dim3A_814, %broadcast_in_dim3A_815 : vector<18x512xi1>, vector<18x512xbf16>
    %dot_general3A_817 = arith.constant dense<0.000000e+00> : vector<96x512xf32>
    %dot_general3A_818 = tpu.matmul %get3A_4, %select_n3A_816, %dot_general3A_817 {dimension_numbers = #tpu.dot_dimension_numbers<[1], [0], [0], [1], [0, 0, 1, 1], [], []>, transpose_lhs_hint = false} : vector<96x18xbf16>, vector<18x512xbf16>, vector<96x512xf32> -> vector<96x512xf32>
    %swap3A_819 = arith.constant 5184 : index
    %swap3A_820 = arith.constant 0 : index
    %swap3A_821 = vector.load %arg3[%swap3A_819, %swap3A_820] : memref<6144x512xf32, #tpu.memory_space<vmem>>, vector<96x512xf32>
    tpu.vector_store %arg3[%swap3A_819, %swap3A_820], %dot_general3A_818 {strides = array<i32>} : memref<6144x512xf32, #tpu.memory_space<vmem>>, vector<96x512xf32>,
    %slice3A_822 = vector.extract_strided_slice %convert_element_type3A {offsets = [55, 0], sizes = [1, 512], strides = [1, 1]} : vector<64x512xi16> to vector<1x512xi16>
    %squeeze3A_823 = vector.shape_cast %slice3A_822 : vector<1x512xi16> to vector<512xi16>
    %broadcast_in_dim3A_824 = vector.shape_cast %squeeze3A_823 : vector<512xi16> to vector<1x512xi16>
    %broadcast_in_dim3A_825 = vector.broadcast %broadcast_in_dim3A_824 : vector<1x512xi16> to vector<18x512xi16>
    %eq3A_826 = arith.cmpi eq, %broadcast_in_dim3A_825, %iota3A : vector<18x512xi16>
    %jit3A_827 = arith.constant 1.000000e+00 : bf16
    %jit3A_828 = arith.constant 0.000000e+00 : bf16
    %broadcast_in_dim3A_829 = vector.broadcast %jit3A_827 : bf16 to vector<18x512xbf16>
    %broadcast_in_dim3A_830 = vector.broadcast %jit3A_828 : bf16 to vector<18x512xbf16>
    %select_n3A_831 = arith.select %eq3A_826, %broadcast_in_dim3A_829, %broadcast_in_dim3A_830 : vector<18x512xi1>, vector<18x512xbf16>
    %dot_general3A_832 = arith.constant dense<0.000000e+00> : vector<96x512xf32>
    %dot_general3A_833 = tpu.matmul %get3A_4, %select_n3A_831, %dot_general3A_832 {dimension_numbers = #tpu.dot_dimension_numbers<[1], [0], [0], [1], [0, 0, 1, 1], [], []>, transpose_lhs_hint = false} : vector<96x18xbf16>, vector<18x512xbf16>, vector<96x512xf32> -> vector<96x512xf32>
    %swap3A_834 = arith.constant 5280 : index
    %swap3A_835 = arith.constant 0 : index
    %swap3A_836 = vector.load %arg3[%swap3A_834, %swap3A_835] : memref<6144x512xf32, #tpu.memory_space<vmem>>, vector<96x512xf32>
    tpu.vector_store %arg3[%swap3A_834, %swap3A_835], %dot_general3A_833 {strides = array<i32>} : memref<6144x512xf32, #tpu.memory_space<vmem>>, vector<96x512xf32>,
    %slice3A_837 = vector.extract_strided_slice %convert_element_type3A {offsets = [56, 0], sizes = [1, 512], strides = [1, 1]} : vector<64x512xi16> to vector<1x512xi16>
    %squeeze3A_838 = vector.shape_cast %slice3A_837 : vector<1x512xi16> to vector<512xi16>
    %broadcast_in_dim3A_839 = vector.shape_cast %squeeze3A_838 : vector<512xi16> to vector<1x512xi16>
    %broadcast_in_dim3A_840 = vector.broadcast %broadcast_in_dim3A_839 : vector<1x512xi16> to vector<18x512xi16>
    %eq3A_841 = arith.cmpi eq, %broadcast_in_dim3A_840, %iota3A : vector<18x512xi16>
    %jit3A_842 = arith.constant 1.000000e+00 : bf16
    %jit3A_843 = arith.constant 0.000000e+00 : bf16
    %broadcast_in_dim3A_844 = vector.broadcast %jit3A_842 : bf16 to vector<18x512xbf16>
    %broadcast_in_dim3A_845 = vector.broadcast %jit3A_843 : bf16 to vector<18x512xbf16>
    %select_n3A_846 = arith.select %eq3A_841, %broadcast_in_dim3A_844, %broadcast_in_dim3A_845 : vector<18x512xi1>, vector<18x512xbf16>
    %dot_general3A_847 = arith.constant dense<0.000000e+00> : vector<96x512xf32>
    %dot_general3A_848 = tpu.matmul %get3A_4, %select_n3A_846, %dot_general3A_847 {dimension_numbers = #tpu.dot_dimension_numbers<[1], [0], [0], [1], [0, 0, 1, 1], [], []>, transpose_lhs_hint = false} : vector<96x18xbf16>, vector<18x512xbf16>, vector<96x512xf32> -> vector<96x512xf32>
    %swap3A_849 = arith.constant 5376 : index
    %swap3A_850 = arith.constant 0 : index
    %swap3A_851 = vector.load %arg3[%swap3A_849, %swap3A_850] : memref<6144x512xf32, #tpu.memory_space<vmem>>, vector<96x512xf32>
    tpu.vector_store %arg3[%swap3A_849, %swap3A_850], %dot_general3A_848 {strides = array<i32>} : memref<6144x512xf32, #tpu.memory_space<vmem>>, vector<96x512xf32>,
    %slice3A_852 = vector.extract_strided_slice %convert_element_type3A {offsets = [57, 0], sizes = [1, 512], strides = [1, 1]} : vector<64x512xi16> to vector<1x512xi16>
    %squeeze3A_853 = vector.shape_cast %slice3A_852 : vector<1x512xi16> to vector<512xi16>
    %broadcast_in_dim3A_854 = vector.shape_cast %squeeze3A_853 : vector<512xi16> to vector<1x512xi16>
    %broadcast_in_dim3A_855 = vector.broadcast %broadcast_in_dim3A_854 : vector<1x512xi16> to vector<18x512xi16>
    %eq3A_856 = arith.cmpi eq, %broadcast_in_dim3A_855, %iota3A : vector<18x512xi16>
    %jit3A_857 = arith.constant 1.000000e+00 : bf16
    %jit3A_858 = arith.constant 0.000000e+00 : bf16
    %broadcast_in_dim3A_859 = vector.broadcast %jit3A_857 : bf16 to vector<18x512xbf16>
    %broadcast_in_dim3A_860 = vector.broadcast %jit3A_858 : bf16 to vector<18x512xbf16>
    %select_n3A_861 = arith.select %eq3A_856, %broadcast_in_dim3A_859, %broadcast_in_dim3A_860 : vector<18x512xi1>, vector<18x512xbf16>
    %dot_general3A_862 = arith.constant dense<0.000000e+00> : vector<96x512xf32>
    %dot_general3A_863 = tpu.matmul %get3A_4, %select_n3A_861, %dot_general3A_862 {dimension_numbers = #tpu.dot_dimension_numbers<[1], [0], [0], [1], [0, 0, 1, 1], [], []>, transpose_lhs_hint = false} : vector<96x18xbf16>, vector<18x512xbf16>, vector<96x512xf32> -> vector<96x512xf32>
    %swap3A_864 = arith.constant 5472 : index
    %swap3A_865 = arith.constant 0 : index
    %swap3A_866 = vector.load %arg3[%swap3A_864, %swap3A_865] : memref<6144x512xf32, #tpu.memory_space<vmem>>, vector<96x512xf32>
    tpu.vector_store %arg3[%swap3A_864, %swap3A_865], %dot_general3A_863 {strides = array<i32>} : memref<6144x512xf32, #tpu.memory_space<vmem>>, vector<96x512xf32>,
    %slice3A_867 = vector.extract_strided_slice %convert_element_type3A {offsets = [58, 0], sizes = [1, 512], strides = [1, 1]} : vector<64x512xi16> to vector<1x512xi16>
    %squeeze3A_868 = vector.shape_cast %slice3A_867 : vector<1x512xi16> to vector<512xi16>
    %broadcast_in_dim3A_869 = vector.shape_cast %squeeze3A_868 : vector<512xi16> to vector<1x512xi16>
    %broadcast_in_dim3A_870 = vector.broadcast %broadcast_in_dim3A_869 : vector<1x512xi16> to vector<18x512xi16>
    %eq3A_871 = arith.cmpi eq, %broadcast_in_dim3A_870, %iota3A : vector<18x512xi16>
    %jit3A_872 = arith.constant 1.000000e+00 : bf16
    %jit3A_873 = arith.constant 0.000000e+00 : bf16
    %broadcast_in_dim3A_874 = vector.broadcast %jit3A_872 : bf16 to vector<18x512xbf16>
    %broadcast_in_dim3A_875 = vector.broadcast %jit3A_873 : bf16 to vector<18x512xbf16>
    %select_n3A_876 = arith.select %eq3A_871, %broadcast_in_dim3A_874, %broadcast_in_dim3A_875 : vector<18x512xi1>, vector<18x512xbf16>
    %dot_general3A_877 = arith.constant dense<0.000000e+00> : vector<96x512xf32>
    %dot_general3A_878 = tpu.matmul %get3A_4, %select_n3A_876, %dot_general3A_877 {dimension_numbers = #tpu.dot_dimension_numbers<[1], [0], [0], [1], [0, 0, 1, 1], [], []>, transpose_lhs_hint = false} : vector<96x18xbf16>, vector<18x512xbf16>, vector<96x512xf32> -> vector<96x512xf32>
    %swap3A_879 = arith.constant 5568 : index
    %swap3A_880 = arith.constant 0 : index
    %swap3A_881 = vector.load %arg3[%swap3A_879, %swap3A_880] : memref<6144x512xf32, #tpu.memory_space<vmem>>, vector<96x512xf32>
    tpu.vector_store %arg3[%swap3A_879, %swap3A_880], %dot_general3A_878 {strides = array<i32>} : memref<6144x512xf32, #tpu.memory_space<vmem>>, vector<96x512xf32>,
    %slice3A_882 = vector.extract_strided_slice %convert_element_type3A {offsets = [59, 0], sizes = [1, 512], strides = [1, 1]} : vector<64x512xi16> to vector<1x512xi16>
    %squeeze3A_883 = vector.shape_cast %slice3A_882 : vector<1x512xi16> to vector<512xi16>
    %broadcast_in_dim3A_884 = vector.shape_cast %squeeze3A_883 : vector<512xi16> to vector<1x512xi16>
    %broadcast_in_dim3A_885 = vector.broadcast %broadcast_in_dim3A_884 : vector<1x512xi16> to vector<18x512xi16>
    %eq3A_886 = arith.cmpi eq, %broadcast_in_dim3A_885, %iota3A : vector<18x512xi16>
    %jit3A_887 = arith.constant 1.000000e+00 : bf16
    %jit3A_888 = arith.constant 0.000000e+00 : bf16
    %broadcast_in_dim3A_889 = vector.broadcast %jit3A_887 : bf16 to vector<18x512xbf16>
    %broadcast_in_dim3A_890 = vector.broadcast %jit3A_888 : bf16 to vector<18x512xbf16>
    %select_n3A_891 = arith.select %eq3A_886, %broadcast_in_dim3A_889, %broadcast_in_dim3A_890 : vector<18x512xi1>, vector<18x512xbf16>
    %dot_general3A_892 = arith.constant dense<0.000000e+00> : vector<96x512xf32>
    %dot_general3A_893 = tpu.matmul %get3A_4, %select_n3A_891, %dot_general3A_892 {dimension_numbers = #tpu.dot_dimension_numbers<[1], [0], [0], [1], [0, 0, 1, 1], [], []>, transpose_lhs_hint = false} : vector<96x18xbf16>, vector<18x512xbf16>, vector<96x512xf32> -> vector<96x512xf32>
    %swap3A_894 = arith.constant 5664 : index
    %swap3A_895 = arith.constant 0 : index
    %swap3A_896 = vector.load %arg3[%swap3A_894, %swap3A_895] : memref<6144x512xf32, #tpu.memory_space<vmem>>, vector<96x512xf32>
    tpu.vector_store %arg3[%swap3A_894, %swap3A_895], %dot_general3A_893 {strides = array<i32>} : memref<6144x512xf32, #tpu.memory_space<vmem>>, vector<96x512xf32>,
    %slice3A_897 = vector.extract_strided_slice %convert_element_type3A {offsets = [60, 0], sizes = [1, 512], strides = [1, 1]} : vector<64x512xi16> to vector<1x512xi16>
    %squeeze3A_898 = vector.shape_cast %slice3A_897 : vector<1x512xi16> to vector<512xi16>
    %broadcast_in_dim3A_899 = vector.shape_cast %squeeze3A_898 : vector<512xi16> to vector<1x512xi16>
    %broadcast_in_dim3A_900 = vector.broadcast %broadcast_in_dim3A_899 : vector<1x512xi16> to vector<18x512xi16>
    %eq3A_901 = arith.cmpi eq, %broadcast_in_dim3A_900, %iota3A : vector<18x512xi16>
    %jit3A_902 = arith.constant 1.000000e+00 : bf16
    %jit3A_903 = arith.constant 0.000000e+00 : bf16
    %broadcast_in_dim3A_904 = vector.broadcast %jit3A_902 : bf16 to vector<18x512xbf16>
    %broadcast_in_dim3A_905 = vector.broadcast %jit3A_903 : bf16 to vector<18x512xbf16>
    %select_n3A_906 = arith.select %eq3A_901, %broadcast_in_dim3A_904, %broadcast_in_dim3A_905 : vector<18x512xi1>, vector<18x512xbf16>
    %dot_general3A_907 = arith.constant dense<0.000000e+00> : vector<96x512xf32>
    %dot_general3A_908 = tpu.matmul %get3A_4, %select_n3A_906, %dot_general3A_907 {dimension_numbers = #tpu.dot_dimension_numbers<[1], [0], [0], [1], [0, 0, 1, 1], [], []>, transpose_lhs_hint = false} : vector<96x18xbf16>, vector<18x512xbf16>, vector<96x512xf32> -> vector<96x512xf32>
    %swap3A_909 = arith.constant 5760 : index
    %swap3A_910 = arith.constant 0 : index
    %swap3A_911 = vector.load %arg3[%swap3A_909, %swap3A_910] : memref<6144x512xf32, #tpu.memory_space<vmem>>, vector<96x512xf32>
    tpu.vector_store %arg3[%swap3A_909, %swap3A_910], %dot_general3A_908 {strides = array<i32>} : memref<6144x512xf32, #tpu.memory_space<vmem>>, vector<96x512xf32>,
    %slice3A_912 = vector.extract_strided_slice %convert_element_type3A {offsets = [61, 0], sizes = [1, 512], strides = [1, 1]} : vector<64x512xi16> to vector<1x512xi16>
    %squeeze3A_913 = vector.shape_cast %slice3A_912 : vector<1x512xi16> to vector<512xi16>
    %broadcast_in_dim3A_914 = vector.shape_cast %squeeze3A_913 : vector<512xi16> to vector<1x512xi16>
    %broadcast_in_dim3A_915 = vector.broadcast %broadcast_in_dim3A_914 : vector<1x512xi16> to vector<18x512xi16>
    %eq3A_916 = arith.cmpi eq, %broadcast_in_dim3A_915, %iota3A : vector<18x512xi16>
    %jit3A_917 = arith.constant 1.000000e+00 : bf16
    %jit3A_918 = arith.constant 0.000000e+00 : bf16
    %broadcast_in_dim3A_919 = vector.broadcast %jit3A_917 : bf16 to vector<18x512xbf16>
    %broadcast_in_dim3A_920 = vector.broadcast %jit3A_918 : bf16 to vector<18x512xbf16>
    %select_n3A_921 = arith.select %eq3A_916, %broadcast_in_dim3A_919, %broadcast_in_dim3A_920 : vector<18x512xi1>, vector<18x512xbf16>
    %dot_general3A_922 = arith.constant dense<0.000000e+00> : vector<96x512xf32>
    %dot_general3A_923 = tpu.matmul %get3A_4, %select_n3A_921, %dot_general3A_922 {dimension_numbers = #tpu.dot_dimension_numbers<[1], [0], [0], [1], [0, 0, 1, 1], [], []>, transpose_lhs_hint = false} : vector<96x18xbf16>, vector<18x512xbf16>, vector<96x512xf32> -> vector<96x512xf32>
    %swap3A_924 = arith.constant 5856 : index
    %swap3A_925 = arith.constant 0 : index
    %swap3A_926 = vector.load %arg3[%swap3A_924, %swap3A_925] : memref<6144x512xf32, #tpu.memory_space<vmem>>, vector<96x512xf32>
    tpu.vector_store %arg3[%swap3A_924, %swap3A_925], %dot_general3A_923 {strides = array<i32>} : memref<6144x512xf32, #tpu.memory_space<vmem>>, vector<96x512xf32>,
    %slice3A_927 = vector.extract_strided_slice %convert_element_type3A {offsets = [62, 0], sizes = [1, 512], strides = [1, 1]} : vector<64x512xi16> to vector<1x512xi16>
    %squeeze3A_928 = vector.shape_cast %slice3A_927 : vector<1x512xi16> to vector<512xi16>
    %broadcast_in_dim3A_929 = vector.shape_cast %squeeze3A_928 : vector<512xi16> to vector<1x512xi16>
    %broadcast_in_dim3A_930 = vector.broadcast %broadcast_in_dim3A_929 : vector<1x512xi16> to vector<18x512xi16>
    %eq3A_931 = arith.cmpi eq, %broadcast_in_dim3A_930, %iota3A : vector<18x512xi16>
    %jit3A_932 = arith.constant 1.000000e+00 : bf16
    %jit3A_933 = arith.constant 0.000000e+00 : bf16
    %broadcast_in_dim3A_934 = vector.broadcast %jit3A_932 : bf16 to vector<18x512xbf16>
    %broadcast_in_dim3A_935 = vector.broadcast %jit3A_933 : bf16 to vector<18x512xbf16>
    %select_n3A_936 = arith.select %eq3A_931, %broadcast_in_dim3A_934, %broadcast_in_dim3A_935 : vector<18x512xi1>, vector<18x512xbf16>
    %dot_general3A_937 = arith.constant dense<0.000000e+00> : vector<96x512xf32>
    %dot_general3A_938 = tpu.matmul %get3A_4, %select_n3A_936, %dot_general3A_937 {dimension_numbers = #tpu.dot_dimension_numbers<[1], [0], [0], [1], [0, 0, 1, 1], [], []>, transpose_lhs_hint = false} : vector<96x18xbf16>, vector<18x512xbf16>, vector<96x512xf32> -> vector<96x512xf32>
    %swap3A_939 = arith.constant 5952 : index
    %swap3A_940 = arith.constant 0 : index
    %swap3A_941 = vector.load %arg3[%swap3A_939, %swap3A_940] : memref<6144x512xf32, #tpu.memory_space<vmem>>, vector<96x512xf32>
    tpu.vector_store %arg3[%swap3A_939, %swap3A_940], %dot_general3A_938 {strides = array<i32>} : memref<6144x512xf32, #tpu.memory_space<vmem>>, vector<96x512xf32>,
    %slice3A_942 = vector.extract_strided_slice %convert_element_type3A {offsets = [63, 0], sizes = [1, 512], strides = [1, 1]} : vector<64x512xi16> to vector<1x512xi16>
    %squeeze3A_943 = vector.shape_cast %slice3A_942 : vector<1x512xi16> to vector<512xi16>
    %broadcast_in_dim3A_944 = vector.shape_cast %squeeze3A_943 : vector<512xi16> to vector<1x512xi16>
    %broadcast_in_dim3A_945 = vector.broadcast %broadcast_in_dim3A_944 : vector<1x512xi16> to vector<18x512xi16>
    %eq3A_946 = arith.cmpi eq, %broadcast_in_dim3A_945, %iota3A : vector<18x512xi16>
    %jit3A_947 = arith.constant 1.000000e+00 : bf16
    %jit3A_948 = arith.constant 0.000000e+00 : bf16
    %broadcast_in_dim3A_949 = vector.broadcast %jit3A_947 : bf16 to vector<18x512xbf16>
    %broadcast_in_dim3A_950 = vector.broadcast %jit3A_948 : bf16 to vector<18x512xbf16>
    %select_n3A_951 = arith.select %eq3A_946, %broadcast_in_dim3A_949, %broadcast_in_dim3A_950 : vector<18x512xi1>, vector<18x512xbf16>
    %dot_general3A_952 = arith.constant dense<0.000000e+00> : vector<96x512xf32>
    %dot_general3A_953 = tpu.matmul %get3A_4, %select_n3A_951, %dot_general3A_952 {dimension_numbers = #tpu.dot_dimension_numbers<[1], [0], [0], [1], [0, 0, 1, 1], [], []>, transpose_lhs_hint = false} : vector<96x18xbf16>, vector<18x512xbf16>, vector<96x512xf32> -> vector<96x512xf32>
    %swap3A_954 = arith.constant 6048 : index
    %swap3A_955 = arith.constant 0 : index
    %swap3A_956 = vector.load %arg3[%swap3A_954, %swap3A_955] : memref<6144x512xf32, #tpu.memory_space<vmem>>, vector<96x512xf32>
    tpu.vector_store %arg3[%swap3A_954, %swap3A_955], %dot_general3A_953 {strides = array<i32>} : memref<6144x512xf32, #tpu.memory_space<vmem>>, vector<96x512xf32>,
    return
  }
  func.func @transform_0(%arg0: i32) -> (i32, i32) {
    %c0_i32 = arith.constant 0 : i32
    %c0_i32_0 = arith.constant 0 : i32
    return %c0_i32, %arg0 : i32, i32
  }
  func.func @transform_1(%arg0: i32) -> (i32, i32) {
    %c0_i32 = arith.constant 0 : i32
    %c0_i32_0 = arith.constant 0 : i32
    %c0_i32_1 = arith.constant 0 : i32
    return %c0_i32, %c0_i32_0 : i32, i32
  }
  func.func @transform_2(%arg0: i32) -> (i32, i32) {
    %c0_i32 = arith.constant 0 : i32
    %c0_i32_0 = arith.constant 0 : i32
    return %c0_i32, %arg0 : i32, i32
  }
}

</mosaic_0001>

<sc_bundles>
// kernel: kernel.4.cloned.1.call-start
scs
__scs_entry_jumppad:
0x0: {  	(pc) =	sbr.rel $0x88, $3  }
0x1: {  	(tag) =	ssettag $0x0;
	lr =	simm.s32 $0x1  }
0x2: {  	[smem:$0x3F9B] =	sst lr;
	_ =	strace $0xD0000000  }
0x3: {  	_ = 	snop  }
0x4: {  	_ = 	snop  }
0x5: {  	_ = 	snop  }
0x6: {  	_ = 	snop  }
0x7: {  	_ = 	snop  }
__scs_overlays_trampoline_lowered:
0x8: {  	[smem:$0x3FAA] =	sst s0  }
0x9: {  	[smem:$0x3FAB] =	sst s1  }
0xa: {  	[smem:$0x3FAC] =	sst s2  }
0xb: {  	[smem:$0x3FAD] =	sst s3  }
0xc: {  	[smem:$0x3FAE] =	sst s4  }
0xd: {  	[smem:$0x3FAF] =	sst s5  }
0xe: {  	[smem:$0x3FB0] =	sst s6  }
0xf: {  	[smem:$0x3FB1] =	sst s7  }
0x10: {  	[smem:$0x3FB2] =	sst s8  }
0x11: {  	[smem:$0x3FB3] =	sst s9;
	s0 =	simm.s32 @!p0 $0x0  }
0x12: {  	s1 =	sld [smem:$0x3F99];
	s0 =	simm.s32 @p0 $0x1  }
0x13: {  	[smem:$0x3FB4] =	sst s0;
	s0 =	simm.s32 @!p1 $0x0  }
0x14: {  	s2 =	sld [smem:$0x3F98];
	s0 =	simm.s32 @p1 $0x1  }
0x15: {  	[smem:$0x3FB5] =	sst s0;
	s0 =	simm.s32 @!p2 $0x0  }
0x16: {  	s3 =	sld [smem:$0x3FDB];
	s0 =	simm.s32 @p2 $0x1  }
0x17: {  	s4 =	simm.s32 $0x1BF5;
	[smem:$0x3FB7] =	sst s0  }
0x18: {  	s0 =	sld [smem:$0x3F9A];
	_ =	swait.ge [sflag:s4], $0x0  }
0x19: {  	s7 =	sld [smem:$0x3F9B]  }
0x1a: {  	s8 =	sadd.s32 $0xFFFFE003, lr  }
0x1b: {  	s9 =	sadd.s32 $0xFFFFFEF7, lr;
	s5 =	simm.s32 $0xFFFFFFFF;
	p2 =	slt.u32 s8, $0xFFFFF086  }
0x1c: {  	p1 =	slt.u32 s9, $0xF7A;
	s5 =	simm.s32 @!p2 $0x0  }
0x1d: {  	s5 =	simm.s32 @p1 $0x1;
	p0 =	seq.s32 s7, s2  }
0x1e: {  	s7 =	smul.u32 @!p0 $0xF7A, s2;
	p2 =	seq.s32 @!p0 s5, $0x0  }
0x1f: {  	s9 =	smul.u32 $0xF7A, s1;
	s8 =	simm.s32 @!p0 $0x1BF5;
	p2 =	por !p2, p0  }
0x20: {  	[sflag:s8] =	ssyncset.s32 @!p0 $0xFFFFF086;
	s6 =	sadd.s32 @!p0 s3, s7;
	s7 =	simm.s32 @!p0 $0x108  }
0x21: {  	s3 =	sadd.s32 s3, s9;
	s6 =	sadd.s32 @!p0 $0x88, s6;
	s7 =	simm.s32 @p2 $0x1082  }
0x22: {  	[simem:s7], [sflag:s8] =	dma.local @!p0 [hbm:s6], $0xF7A  }
0x23: {  	s9 =	sor.u32 $0xD0000000, s2;
	s6 =	simm.s32 $0x108;
	_ =	swait.ge @!p0 [sflag:s8], $0x0  }
0x24: {  	s3 =	sadd.s32 $0x88, s3;
	s6 =	simm.s32 @!p1 $0x1082;
	[sflag:s4] =	ssyncset.s32 $0xFFFFF086  }
0x25: {  	[simem:s6], [sflag:s4] =	dma.local [hbm:s3], $0xF7A  }
0x26: {  	[smem:$0x3F9B] =	sst s1;
	(tag) =	ssettag s2;
	_ =	strace s9  }
0x27: {  	s1 =	sld [smem:$0x3FAB]  }
0x28: {  	s2 =	sld [smem:$0x3FAC]  }
0x29: {  	s4 =	sld [smem:$0x3FAE]  }
0x2a: {  	p0 =	seq.s32 s5, $0x0;
	s5 =	sld [smem:$0x3FAF]  }
0x2b: {  	s6 =	sld [smem:$0x3FB0]  }
0x2c: {  	s7 =	sld [smem:$0x3FB1]  }
0x2d: {  	s3 =	simm.s32 $0x108;
	s8 =	sld [smem:$0x3FB2]  }
0x2e: {  	s3 =	simm.s32 @!p0 $0x1082;
	s9 =	sld [smem:$0x3FB3]  }
0x2f: {  	lr =	sadd.s32 s0, s3;
	s0 =	sld [smem:$0x3FAA]  }
0x30: {  	s3 =	sld [smem:$0x3FAD]  }
0x31: {  	[smem:$0x3FB6] =	sst s10  }
0x32: {  	s10 =	sld [smem:$0x3FB4];
	_ =	sdelay $0x3  }
0x33: {  	p0 =	seq.s32 s10, $0x1;
	s10 =	sld [smem:$0x3FB6];
	_ =	sdelay $0x3  }
0x34: {  	[smem:$0x3FB6] =	sst s10  }
0x35: {  	s10 =	sld [smem:$0x3FB5];
	_ =	sdelay $0x3  }
0x36: {  	p1 =	seq.s32 s10, $0x1;
	s10 =	sld [smem:$0x3FB6];
	_ =	sdelay $0x3  }
0x37: {  	[smem:$0x3FB6] =	sst s10  }
0x38: {  	s10 =	sld [smem:$0x3FB7]  }
0x39: {  	_ = 	snop;
	(pc) =	sbr.ind lr, $3  }
0x3a: {  	_ = 	snop  }
0x3b: {  	_ = 	snop  }
0x3c: {  	p2 =	seq.s32 s10, $0x1;
	s10 =	sld [smem:$0x3FB6]  }
0x3d: {  	_ =	shalt  }
0x3e: {  	_ =	shalt  }
0x3f: {  	_ =	shalt  }
0x40: {  	_ =	shalt  }
0x41: {  	_ =	shalt  }
0x42: {  	_ =	shalt  }
0x43: {  	_ =	shalt  }
0x44: {  	_ =	shalt  }
0x45: {  	_ =	shalt  }
0x46: {  	_ =	shalt  }
0x47: {  	_ =	shalt  }
0x48: {  	_ =	shalt  }
0x49: {  	_ =	shalt  }
0x4a: {  	_ =	shalt  }
0x4b: {  	_ =	shalt  }
0x4c: {  	_ =	shalt  }
0x4d: {  	_ =	shalt  }
0x4e: {  	_ =	shalt  }
0x4f: {  	_ =	shalt  }
0x50: {  	_ =	shalt  }
0x51: {  	_ =	shalt  }
0x52: {  	_ =	shalt  }
0x53: {  	_ =	shalt  }
0x54: {  	_ =	shalt  }
0x55: {  	_ =	shalt  }
0x56: {  	_ =	shalt  }
0x57: {  	_ =	shalt  }
0x58: {  	_ =	shalt  }
0x59: {  	_ =	shalt  }
0x5a: {  	_ =	shalt  }
0x5b: {  	_ =	shalt  }
0x5c: {  	_ =	shalt  }
0x5d: {  	_ =	shalt  }
0x5e: {  	_ =	shalt  }
0x5f: {  	_ =	shalt  }
0x60: {  	_ =	shalt  }
0x61: {  	_ =	shalt  }
0x62: {  	_ =	shalt  }
0x63: {  	_ =	shalt  }
0x64: {  	_ =	shalt  }
0x65: {  	_ =	shalt  }
0x66: {  	_ =	shalt  }
0x67: {  	_ =	shalt  }
0x68: {  	_ =	shalt  }
0x69: {  	_ =	shalt  }
0x6a: {  	_ =	shalt  }
0x6b: {  	_ =	shalt  }
0x6c: {  	_ =	shalt  }
0x6d: {  	_ =	shalt  }
0x6e: {  	_ =	shalt  }
0x6f: {  	_ =	shalt  }
0x70: {  	_ =	shalt  }
0x71: {  	_ =	shalt  }
0x72: {  	_ =	shalt  }
0x73: {  	_ =	shalt  }
0x74: {  	_ =	shalt  }
0x75: {  	_ =	shalt  }
0x76: {  	_ =	shalt  }
0x77: {  	_ =	shalt  }
0x78: {  	_ =	shalt  }
0x79: {  	_ =	shalt  }
0x7a: {  	_ =	shalt  }
0x7b: {  	_ =	shalt  }
0x7c: {  	_ =	shalt  }
0x7d: {  	_ =	shalt  }
0x7e: {  	_ =	shalt  }
0x7f: {  	_ =	shalt  }
0x80: {  	_ =	shalt  }
0x81: {  	_ =	shalt  }
0x82: {  	_ =	shalt  }
0x83: {  	_ =	shalt  }
0x84: {  	_ =	shalt  }
0x85: {  	_ =	shalt  }
0x86: {  	_ =	shalt  }
0x87: {  	_ =	shalt  }
.Lfunc_end0:
.L_simem_size_0:
called_computation_lowered:
.L_overlay_start_0:
0x88: {  	s2 =	sld [smem:$0x3FD9]  }
0x89: {  	s3 =	sld [smem:$0x3FFE];
	_ =	sdelay $0x1  }
0x8a: {  	s1 =	srdreg.scid  }
0x8b: {  	s0 =	sand.u32 $0x1, s1  }
0x8c: {  	s18 =	sshll.u32 s0, $0xA;
	s2 =	sadd.s32 s3, s2  }
0x8d: {  	s2 =	sadd.s32 s2, s18  }
0x8e: {  	[smem:$0x3FC2] =	sst s2  }
0x8f: {  	_ = 	snop  }
0x90: {  	s2 =	sld [smem:$0x3FC9]  }
0x91: {  	s19 =	sld [smem:$0x3FC8]  }
0x92: {  	s4 =	sld [smem:$0x3FD0];
	(tm) =	ssettm $0x1  }
0x93: {  	s5 =	sld [smem:$0x3FFB];
	_ =	sdelay $0x3  }
0x94: {  	_ =	strace s5  }
0x95: {  	s5 =	sld [smem:$0x3FFC];
	_ =	sdelay $0x3  }
0x96: {  	_ =	strace s5  }
0x97: {  	s5 =	sld [smem:$0x3FFD];
	_ =	sdelay $0x3  }
0x98: {  	_ =	strace s5  }
0x99: {  	_ =	strace $0x8FFFFFFF  }
0x9a: {  	s20 =	sld [smem:$0x3FDB];
	_ =	sdelay $0x1  }
0x9b: {  	s6 =	simm.s32 $_scs_section_size  }
0x9c: {  	s7 =	simm.s32 $_size__tile_overlayer_lowered;
	s8 =	simm.s32 $_tile_overlayer_lowered  }
0x9d: {  	s23 =	simm.s32 $0x1BFF;
	s22 =	sshll.u32 s8, $0x1;
	s5 =	sadd.s32 s6, s20  }
0x9e: {  	s9 =	simm.s32 $0x0;
	s21 =	sshll.u32 s7, $0x1;
	s7 =	sadd.s32 s22, s5  }
0x9f: {  	[timem:s9], [sflag:s23] =	dma.local [hbm:s7], s21  }
0xa0: {  	_ =	swait.ge [sflag:s23], s21  }
0xa1: {  	s6 =	ssub.s32 $0x0, s21;
	[sflag:s23] =	ssyncset.done $0x0  }
0xa2: {  	[sflag:s23] =	ssyncadd.s32 s6;
	_ =	sdelay $0x1  }
0xa3: {  	s24 =	simm.s32 $0x1B8B  }
0xa4: {  	_ =	swait.ge [sflag:s24], $0x1  }
0xa5: {  	[sflag:s24] =	ssyncset.done $0x0  }
0xa6: {  	s25 =	simm.s32 $0x1B8E;
	[sflag:s24] =	ssyncadd.s32 $0xFFFFFFFF  }
0xa7: {  	s26 =	simm.s32 $execute0_lowered;
	[smem:$0x3FD2] =	sst s25  }
0xa8: {  	s6 =	sshll.u32 s26, $0x1;
	_ =	strace $0x80000046;
	[dreg:$0x1] =	wrdreg $0xFFFFFFFF  }
0xa9: {  	s28 =	simm.s32 $_size_execute0_lowered;
	s5 =	sadd.s32 s5, s6;
	[dreg:$0x0] =	wrdreg $0x0  }
0xaa: {  	s6 =	sshll.u32 s28, $0x1;
	[dreg:$0x2] =	wrdreg s5  }
0xab: {  	[dreg:$0x3] =	wrdreg s6  }
0xac: {  	[dreg:$0x4] =	wrdreg $0xC0  }
0xad: {  	_ =	task [dreg:s9], $0x5FFFF  }
0xae: {  	[dreg:$0x1] =	wrdreg $0xFFFFFFFF  }
0xaf: {  	[dreg:$0x0] =	wrdreg $0x60  }
0xb0: {  	[dreg:$0x2] =	wrdreg s2  }
0xb1: {  	[dreg:$0x3] =	wrdreg s19  }
0xb2: {  	[dreg:$0x4] =	wrdreg s4  }
0xb3: {  	[dreg:$0x5] =	wrdreg $0x9  }
0xb4: {  	_ =	task.clear_ibuf [dreg:s9], $0x6FFFF;
	_ =	strace $0x90000046  }
0xb5: {  	s29 =	simm.s32 $0x9;
	_ =	strace $0x80000048  }
0xb6: {  	_ =	swait.ge [sflag:s29], $0x1  }
0xb7: {  	[sflag:s29] =	ssyncadd.s32 $0xFFFFFFFF  }
0xb8: {  	_ =	strace $0x90000048  }
0xb9: {  	_ =	sfence  }
0xba: {  	s30 =	sld [smem:$0x0];
	_ =	sdelay $0x2  }
0xbb: {  	s31 =	sshll.u32 s1, $0xD;
	s1 =	sshrl.u32 s1, $0x2  }
0xbc: {  	s3 =	sand.u32 $0x4000, s31;
	s1 =	sadd.s32 s1, s30  }
0xbd: {  	s0 =	sor.u32 s3, s0;
	s1 =	sshll.u32 s1, $0x11  }
0xbe: {  	s0 =	sor.u32 s1, s0  }
0xbf: {  	s0 =	sadd.s32 $0x8F2B, s0  }
0xc0: {  	[sflag:s0] =	ssyncadd.remote.s32 $0x1  }
0xc1: {  	_ =	sfence.sel $0xFFFF  }
0xc2: {  	[dreg:$0x0] =	wrdreg $0xFFFFFFFF;
	(pc) =	sbr.abs _section_cstart, $3  }
0xc3: {  	[dreg:$0x1] =	wrdreg $0xFFFFFFFF  }
0xc4: {  	_ =	task.clear_ibuf [dreg:s9], $0x2FFFF;
	_ =	strace $0x9FFFFFFF  }
0xc5: {  	(tm) =	ssettm $0x7FFFFFFF  }
tec
execute0_lowered:
.L_overlay_start_1:
0x0: {  	(tag) =	ssettag $0x1  }
0x1: {  	s5 =	rddreg [dreg:$0x0]  }
0x2: {  	s1 =	rddreg [dreg:$0x1]  }
0x3: {  	s6 =	rddreg [dreg:$0x2];
	s2 =	srdreg.scid  }
0x4: {  	s0 =	rddreg [dreg:$0x3];
	s3 =	simm.s32 $0x0;
	s10 =	simm.s32 $0x10000  }
0x5: {  	s11 =	simm.s32 $0x2000;
	s12 =	simm.s32 $0x6000;
	s13 =	simm.s32 $0x0  }
0x6: {  	s4 =	sand.u32 $0x1, s2;
	[smem:$0x7FF] =	sst s3;
	s2 =	stileid.u32  }
0x7: {  	s7 =	ssub.s32 $0x2, s4;
	s9 =	sshll.u32 s2, $0x9;
	s4 =	sshll.u32 s4, $0x8  }
0x8: {  	_ =	strace $0x80000047;
	s8 =	sshrl.u32 s7, $0x1;
	s4 =	sor.u32 s4, s9  }
0x9: {  	s9 =	simm.s32 $0x800;
	s7 =	ssub.s32 s7, s8;
	s5 =	sadd.s32 s5, s4  }
0xa: {  	v0 =	vlaneseq.u32;
	v1 =	vimm.s32 $0x0;
	s6 =	sadd.s32 s6, s4;
	s8 =	simm.s32 $0x1;
	s7 =	smax.u32 s7, $0x1  }
.LBB2_1:
0xb: {  	[tilespmem:s3], [sflag:$0x1] =	stream.linear.gather [hbm4b:s1+s3], $0x2000, $0x38;
	[tilespmem:$0xA000] =	vst v63  }
0xc: {  	_ =	swait.ge [sflag:s8], $0x2000  }
0xd: {  	[sflag:s8] =	ssyncset.done $0x0  }
0xe: {  	s14 =	simm.s32 $0xFFFFFFFE;
	[sflag:s8] =	ssyncadd.s32 $0xFFFFE000  }
0xf: {  	[tilespmem:s11], [sflag:$0x1] =	stream.strided.gather [hbm4b:s5+s9], $0x4000, s10, s9, $0x38;
	[tilespmem:$0xA000] =	vst v63  }
0x10: {  	s15 =	simm.s32 $0x10;
	s16 =	simm.s32 $0x0;
	_ =	swait.ge [sflag:s8], $0x4000  }
0x11: {  	s17 =	simm.s32 $0x0;
	s18 =	simm.s32 $0x0;
	[sflag:s8] =	ssyncset.done $0x0  }
0x12: {  	s19 =	simm.s32 $0x0;
	s20 =	simm.s32 $0x10;
	[sflag:s8] =	ssyncadd.s32 $0xFFFFC000  }
.LBB2_2:
0x13: {  	s23 =	sand.u32 $0x60, s16;
	s21 =	sand.u32 $0x400, s18  }
0x14: {  	s24 =	sadd.s32 $0x10, s16;
	s22 =	sor.u32 s23, s21  }
0x15: {  	s25 =	sand.u32 $0x70, s24;
	v3 =	vld [tilespmem:s22+$0x2000]  }
0x16: {  	s21 =	sor.u32 s21, s25  }
0x17: {  	v6 =	vld [tilespmem:s21+$0x2000];
	_ =	sdelay $0x1  }
0x18: {  	s26 =	sadd.s32 s16, s4  }
0x19: {  	s28 =	sand.u32 $0x1F80, s26;
	v4 =	vor.u32 s26, v0  }
0x1a: {  	s23 =	sor.u32 s23, s28;
	s28 =	sadd.s32 $0x10, s26;
	v7 =	vsub.s32 v4, v3  }
0x1b: {  	v2 =	vld [tilespmem:s23+$0x0];
	s26 =	sand.u32 $0x1F80, s28;
	v5 =	vor.u32 s28, v0;
	vm0 =	vgt.s32 v7, $0x1  }
0x1c: {  	s29 =	sor.u32 s25, s26;
	v11 =	vsub.s32 v5, v6;
	v9 =	vnsel vm0, $0x1, v7;
	v8 =	vld.idx.msk [tilespmem:v3+s3+$0x0], $0xffff  }
0x1d: {  	vm6 =	vgt.s32 v11, $0x1;
	v10 =	vcvt.s32.f32 v9;
	v3 =	vld [tilespmem:s29+$0x0]  }
0x1e: {  	vm7 =	vlt.s32 v7, $0x5;
	v12 =	vnsel vm6, $0x1, v11;
	v6 =	vld.idx.msk [tilespmem:v6+s3+$0x0], $0xffff  }
0x1f: {  	vm8 =	vlt.s32 v11, $0x5;
	v26 =	vcvt.s32.f32 v12;
	v10 =	vshrl.u32 v10, $0x17  }
0x20: {  	v9 =	vadd.s32 $0xFFFFFFFF, v9;
	v29 =	vadd.s32 $0xFFFFFFFF, v12;
	v25 =	vmin.u32 v10, $0x85  }
0x21: {  	v27 =	vshrl.u32 v26, $0x17;
	v7 =	vadd.s32 $0xFFFFFF83, v25;
	vm1 =	veq.s32 v8, v2  }
0x22: {  	s30 =	sand.u32 $0xFFFFFC00, s18;
	v28 =	vmin.u32 v27, $0x85;
	v7 =	vsel vm7, v9, v7;
	v8 =	vsel vm1, $0x9, v1  }
0x23: {  	s23 =	sadd.s32 s30, s16;
	vm9 =	veq.s32 v6, v3;
	v7 =	vadd.s32 v8, v7;
	v8 =	vadd.s32 $0xFFFFFF83, v28  }
0x24: {  	s31 =	sor.u32 $0x80, s23;
	v31 =	vsel vm9, $0x9, v1;
	[tilespmem:s22+$0x6000] =	vst v7;
	v7 =	vsel vm8, v29, v8  }
0x25: {  	s24 =	sadd.s32 s30, s24;
	v30 =	vld [tilespmem:s31+$0x2000];
	v7 =	vadd.s32 v31, v7  }
0x26: {  	s25 =	sor.u32 $0x80, s24;
	[tilespmem:s21+$0x6000] =	vst v7  }
0x27: {  	v7 =	vld [tilespmem:s25+$0x2000];
	_ =	sdelay $0x3  }
0x28: {  	v32 =	vsub.s32 v4, v30  }
0x29: {  	vm10 =	vgt.s32 v32, $0x1  }
0x2a: {  	v33 =	vnsel vm10, $0x1, v32;
	v35 =	vsub.s32 v5, v7;
	v6 =	vld.idx.msk [tilespmem:v30+s3+$0x0], $0xffff  }
0x2b: {  	v34 =	vcvt.s32.f32 v33;
	vm11 =	vgt.s32 v35, $0x1  }
0x2c: {  	vm12 =	vlt.s32 v32, $0x5;
	v36 =	vnsel vm11, $0x1, v35;
	v7 =	vld.idx.msk [tilespmem:v7+s3+$0x0], $0xffff  }
0x2d: {  	v9 =	vadd.s32 $0xFFFFFFFF, v33;
	v10 =	vshrl.u32 v34, $0x17;
	v38 =	vcvt.s32.f32 v36  }
0x2e: {  	vm14 =	vlt.s32 v35, $0x5;
	v43 =	vadd.s32 $0xFFFFFFFF, v36;
	v37 =	vmin.u32 v10, $0x85  }
0x2f: {  	v8 =	vadd.s32 $0xFFFFFF83, v37;
	v41 =	vshrl.u32 v38, $0x17;
	vm13 =	veq.s32 v6, v2  }
0x30: {  	v39 =	vsel vm12, v9, v8;
	v42 =	vmin.u32 v41, $0x85;
	v40 =	vsel vm13, $0x9, v1  }
0x31: {  	v8 =	vadd.s32 $0xFFFFFF83, v42;
	v6 =	vadd.s32 v40, v39;
	vm15 =	veq.s32 v7, v3  }
0x32: {  	[tilespmem:s31+$0x6000] =	vst v6;
	v6 =	vsel vm14, v43, v8;
	v45 =	vsel vm15, $0x9, v1  }
0x33: {  	v44 =	vld [tilespmem:s22+$0x2100];
	v6 =	vadd.s32 v45, v6  }
0x34: {  	[tilespmem:s25+$0x6000] =	vst v6  }
0x35: {  	v6 =	vld [tilespmem:s21+$0x2100];
	_ =	sdelay $0x3  }
0x36: {  	v46 =	vsub.s32 v4, v44  }
0x37: {  	vm4 =	vgt.s32 v46, $0x1  }
0x38: {  	v47 =	vnsel vm4, $0x1, v46;
	v49 =	vsub.s32 v5, v6;
	v7 =	vld.idx.msk [tilespmem:v44+s3+$0x0], $0xffff  }
0x39: {  	v48 =	vcvt.s32.f32 v47;
	vm5 =	vgt.s32 v49, $0x1  }
0x3a: {  	vm6 =	vlt.s32 v46, $0x5;
	v50 =	vnsel vm5, $0x1, v49;
	v6 =	vld.idx.msk [tilespmem:v6+s3+$0x0], $0xffff  }
0x3b: {  	v9 =	vadd.s32 $0xFFFFFFFF, v47;
	v10 =	vshrl.u32 v48, $0x17;
	v52 =	vcvt.s32.f32 v50  }
0x3c: {  	vm8 =	vlt.s32 v49, $0x5;
	v57 =	vadd.s32 $0xFFFFFFFF, v50;
	v51 =	vmin.u32 v10, $0x85  }
0x3d: {  	v8 =	vadd.s32 $0xFFFFFF83, v51;
	v55 =	vshrl.u32 v52, $0x17;
	vm7 =	veq.s32 v7, v2  }
0x3e: {  	v53 =	vsel vm6, v9, v8;
	v56 =	vmin.u32 v55, $0x85;
	v54 =	vsel vm7, $0x9, v1  }
0x3f: {  	v8 =	vadd.s32 $0xFFFFFF83, v56;
	v7 =	vadd.s32 v54, v53;
	vm9 =	veq.s32 v6, v3  }
0x40: {  	s28 =	sor.u32 $0x180, s23;
	[tilespmem:s22+$0x6100] =	vst v7;
	v7 =	vsel vm8, v57, v8;
	v59 =	vsel vm9, $0x9, v1  }
0x41: {  	v58 =	vld [tilespmem:s28+$0x2000];
	v7 =	vadd.s32 v59, v7  }
0x42: {  	s29 =	sor.u32 $0x180, s24;
	[tilespmem:s21+$0x6100] =	vst v7  }
0x43: {  	v7 =	vld [tilespmem:s29+$0x2000];
	_ =	sdelay $0x3  }
0x44: {  	v60 =	vsub.s32 v4, v58  }
0x45: {  	vm10 =	vgt.s32 v60, $0x1  }
0x46: {  	v61 =	vnsel vm10, $0x1, v60;
	v63 =	vsub.s32 v5, v7;
	v6 =	vld.idx.msk [tilespmem:v58+s3+$0x0], $0xffff  }
0x47: {  	v62 =	vcvt.s32.f32 v61;
	vm11 =	vgt.s32 v63, $0x1  }
0x48: {  	vm12 =	vlt.s32 v60, $0x5;
	v16 =	vnsel vm11, $0x1, v63;
	v7 =	vld.idx.msk [tilespmem:v7+s3+$0x0], $0xffff  }
0x49: {  	v9 =	vadd.s32 $0xFFFFFFFF, v61;
	v10 =	vshrl.u32 v62, $0x17;
	v18 =	vcvt.s32.f32 v16  }
0x4a: {  	vm14 =	vlt.s32 v63, $0x5;
	v23 =	vadd.s32 $0xFFFFFFFF, v16;
	v17 =	vmin.u32 v10, $0x85  }
0x4b: {  	v8 =	vadd.s32 $0xFFFFFF83, v17;
	v21 =	vshrl.u32 v18, $0x17;
	vm13 =	veq.s32 v6, v2  }
0x4c: {  	v19 =	vsel vm12, v9, v8;
	v22 =	vmin.u32 v21, $0x85;
	v20 =	vsel vm13, $0x9, v1  }
0x4d: {  	v8 =	vadd.s32 $0xFFFFFF83, v22;
	v6 =	vadd.s32 v20, v19;
	vm15 =	veq.s32 v7, v3  }
0x4e: {  	[tilespmem:s28+$0x6000] =	vst v6;
	v6 =	vsel vm14, v23, v8;
	v25 =	vsel vm15, $0x9, v1  }
0x4f: {  	v24 =	vld [tilespmem:s22+$0x2200];
	v6 =	vadd.s32 v25, v6  }
0x50: {  	[tilespmem:s29+$0x6000] =	vst v6  }
0x51: {  	v6 =	vld [tilespmem:s21+$0x2200];
	_ =	sdelay $0x3  }
0x52: {  	v26 =	vsub.s32 v4, v24  }
0x53: {  	vm4 =	vgt.s32 v26, $0x1  }
0x54: {  	v27 =	vnsel vm4, $0x1, v26;
	v29 =	vsub.s32 v5, v6;
	v7 =	vld.idx.msk [tilespmem:v24+s3+$0x0], $0xffff  }
0x55: {  	v28 =	vcvt.s32.f32 v27;
	vm5 =	vgt.s32 v29, $0x1  }
0x56: {  	vm6 =	vlt.s32 v26, $0x5;
	v30 =	vnsel vm5, $0x1, v29;
	v6 =	vld.idx.msk [tilespmem:v6+s3+$0x0], $0xffff  }
0x57: {  	v9 =	vadd.s32 $0xFFFFFFFF, v27;
	v10 =	vshrl.u32 v28, $0x17;
	v32 =	vcvt.s32.f32 v30  }
0x58: {  	vm8 =	vlt.s32 v29, $0x5;
	v37 =	vadd.s32 $0xFFFFFFFF, v30;
	v31 =	vmin.u32 v10, $0x85  }
0x59: {  	v8 =	vadd.s32 $0xFFFFFF83, v31;
	v35 =	vshrl.u32 v32, $0x17;
	vm7 =	veq.s32 v7, v2  }
0x5a: {  	v33 =	vsel vm6, v9, v8;
	v36 =	vmin.u32 v35, $0x85;
	v34 =	vsel vm7, $0x9, v1  }
0x5b: {  	v8 =	vadd.s32 $0xFFFFFF83, v36;
	v7 =	vadd.s32 v34, v33;
	vm9 =	veq.s32 v6, v3  }
0x5c: {  	s26 =	sor.u32 $0x280, s23;
	[tilespmem:s22+$0x6200] =	vst v7;
	v7 =	vsel vm8, v37, v8;
	v39 =	vsel vm9, $0x9, v1  }
0x5d: {  	v38 =	vld [tilespmem:s26+$0x2000];
	v7 =	vadd.s32 v39, v7  }
0x5e: {  	s29 =	sor.u32 $0x280, s24;
	[tilespmem:s21+$0x6200] =	vst v7  }
0x5f: {  	v7 =	vld [tilespmem:s29+$0x2000];
	_ =	sdelay $0x3  }
0x60: {  	v40 =	vsub.s32 v4, v38  }
0x61: {  	vm10 =	vgt.s32 v40, $0x1  }
0x62: {  	v41 =	vnsel vm10, $0x1, v40;
	v43 =	vsub.s32 v5, v7;
	v6 =	vld.idx.msk [tilespmem:v38+s3+$0x0], $0xffff  }
0x63: {  	v42 =	vcvt.s32.f32 v41;
	vm11 =	vgt.s32 v43, $0x1  }
0x64: {  	vm12 =	vlt.s32 v40, $0x5;
	v44 =	vnsel vm11, $0x1, v43;
	v7 =	vld.idx.msk [tilespmem:v7+s3+$0x0], $0xffff  }
0x65: {  	v9 =	vadd.s32 $0xFFFFFFFF, v41;
	v10 =	vshrl.u32 v42, $0x17;
	v46 =	vcvt.s32.f32 v44  }
0x66: {  	vm14 =	vlt.s32 v43, $0x5;
	v51 =	vadd.s32 $0xFFFFFFFF, v44;
	v45 =	vmin.u32 v10, $0x85  }
0x67: {  	s30 =	sand.u32 $0x3, s17;
	v8 =	vadd.s32 $0xFFFFFF83, v45;
	v49 =	vshrl.u32 v46, $0x17;
	vm13 =	veq.s32 v6, v2  }
0x68: {  	s25 =	sshll.u32 s30, $0x5;
	v47 =	vsel vm12, v9, v8;
	v50 =	vmin.u32 v49, $0x85;
	v48 =	vsel vm13, $0x9, v1  }
0x69: {  	s31 =	sand.u32 $0x7, s19;
	s25 =	sadd.s32 s25, s18;
	v8 =	vadd.s32 $0xFFFFFF83, v50;
	v6 =	vadd.s32 v48, v47;
	vm15 =	veq.s32 v7, v3  }
0x6a: {  	s30 =	sor.u32 $0x300, s25;
	s28 =	sshll.u32 s31, $0x4;
	[tilespmem:s26+$0x6000] =	vst v6;
	v6 =	vsel vm14, v51, v8;
	v53 =	vsel vm15, $0x9, v1  }
0x6b: {  	s28 =	sadd.s32 s28, s20;
	v52 =	vld [tilespmem:s30+$0x2000];
	v6 =	vadd.s32 v53, v6  }
0x6c: {  	s31 =	sor.u32 $0x300, s28;
	[tilespmem:s29+$0x6000] =	vst v6  }
0x6d: {  	v6 =	vld [tilespmem:s31+$0x2000];
	_ =	sdelay $0x3  }
0x6e: {  	v54 =	vsub.s32 v4, v52  }
0x6f: {  	vm4 =	vgt.s32 v54, $0x1  }
0x70: {  	v55 =	vnsel vm4, $0x1, v54;
	v57 =	vsub.s32 v5, v6;
	v7 =	vld.idx.msk [tilespmem:v52+s3+$0x0], $0xffff  }
0x71: {  	v56 =	vcvt.s32.f32 v55;
	vm5 =	vgt.s32 v57, $0x1  }
0x72: {  	vm6 =	vlt.s32 v54, $0x5;
	v58 =	vnsel vm5, $0x1, v57;
	v6 =	vld.idx.msk [tilespmem:v6+s3+$0x0], $0xffff  }
0x73: {  	v9 =	vadd.s32 $0xFFFFFFFF, v55;
	v10 =	vshrl.u32 v56, $0x17;
	v60 =	vcvt.s32.f32 v58  }
0x74: {  	vm8 =	vlt.s32 v57, $0x5;
	v14 =	vadd.s32 $0xFFFFFFFF, v58;
	v59 =	vmin.u32 v10, $0x85  }
0x75: {  	v8 =	vadd.s32 $0xFFFFFF83, v59;
	v63 =	vshrl.u32 v60, $0x17;
	vm7 =	veq.s32 v7, v2  }
0x76: {  	v61 =	vsel vm6, v9, v8;
	v13 =	vmin.u32 v63, $0x85;
	v62 =	vsel vm7, $0x9, v1  }
0x77: {  	s26 =	sadd.s32 $0xFFFFFFF0, s15;
	v8 =	vadd.s32 $0xFFFFFF83, v13;
	v7 =	vadd.s32 v62, v61;
	vm9 =	veq.s32 v6, v3  }
0x78: {  	[tilespmem:s30+$0x6000] =	vst v7;
	s30 =	sor.u32 $0x380, s26;
	v7 =	vsel vm8, v14, v8;
	v16 =	vsel vm9, $0x9, v1  }
0x79: {  	v15 =	vld [tilespmem:s30+$0x2000];
	v7 =	vadd.s32 v16, v7  }
0x7a: {  	[tilespmem:s31+$0x6000] =	vst v7;
	s31 =	sor.u32 $0x380, s15  }
0x7b: {  	v7 =	vld [tilespmem:s31+$0x2000];
	_ =	sdelay $0x3  }
0x7c: {  	v17 =	vsub.s32 v4, v15  }
0x7d: {  	vm10 =	vgt.s32 v17, $0x1  }
0x7e: {  	v18 =	vnsel vm10, $0x1, v17;
	v20 =	vsub.s32 v5, v7;
	v6 =	vld.idx.msk [tilespmem:v15+s3+$0x0], $0xffff  }
0x7f: {  	v19 =	vcvt.s32.f32 v18;
	vm11 =	vgt.s32 v20, $0x1  }
0x80: {  	vm12 =	vlt.s32 v17, $0x5;
	v21 =	vnsel vm11, $0x1, v20;
	v7 =	vld.idx.msk [tilespmem:v7+s3+$0x0], $0xffff  }
0x81: {  	v9 =	vadd.s32 $0xFFFFFFFF, v18;
	v10 =	vshrl.u32 v19, $0x17;
	v23 =	vcvt.s32.f32 v21  }
0x82: {  	vm14 =	vlt.s32 v20, $0x5;
	v28 =	vadd.s32 $0xFFFFFFFF, v21;
	v22 =	vmin.u32 v10, $0x85  }
0x83: {  	v8 =	vadd.s32 $0xFFFFFF83, v22;
	v26 =	vshrl.u32 v23, $0x17;
	vm13 =	veq.s32 v6, v2  }
0x84: {  	v24 =	vsel vm12, v9, v8;
	v27 =	vmin.u32 v26, $0x85;
	v25 =	vsel vm13, $0x9, v1  }
0x85: {  	v8 =	vadd.s32 $0xFFFFFF83, v27;
	v6 =	vadd.s32 v25, v24;
	vm15 =	veq.s32 v7, v3  }
0x86: {  	[tilespmem:s30+$0x6000] =	vst v6;
	v6 =	vsel vm14, v28, v8;
	v30 =	vsel vm15, $0x9, v1  }
0x87: {  	v29 =	vld [tilespmem:s22+$0x2800];
	v6 =	vadd.s32 v30, v6  }
0x88: {  	[tilespmem:s31+$0x6000] =	vst v6  }
0x89: {  	v6 =	vld [tilespmem:s21+$0x2800];
	_ =	sdelay $0x3  }
0x8a: {  	v31 =	vsub.s32 v4, v29  }
0x8b: {  	vm4 =	vgt.s32 v31, $0x1  }
0x8c: {  	v32 =	vnsel vm4, $0x1, v31;
	v34 =	vsub.s32 v5, v6;
	v7 =	vld.idx.msk [tilespmem:v29+s3+$0x0], $0xffff  }
0x8d: {  	v33 =	vcvt.s32.f32 v32;
	vm5 =	vgt.s32 v34, $0x1  }
0x8e: {  	vm6 =	vlt.s32 v31, $0x5;
	v35 =	vnsel vm5, $0x1, v34;
	v6 =	vld.idx.msk [tilespmem:v6+s3+$0x0], $0xffff  }
0x8f: {  	v9 =	vadd.s32 $0xFFFFFFFF, v32;
	v10 =	vshrl.u32 v33, $0x17;
	v37 =	vcvt.s32.f32 v35  }
0x90: {  	vm8 =	vlt.s32 v34, $0x5;
	v42 =	vadd.s32 $0xFFFFFFFF, v35;
	v36 =	vmin.u32 v10, $0x85  }
0x91: {  	v8 =	vadd.s32 $0xFFFFFF83, v36;
	v40 =	vshrl.u32 v37, $0x17;
	vm7 =	veq.s32 v7, v2  }
0x92: {  	v38 =	vsel vm6, v9, v8;
	v41 =	vmin.u32 v40, $0x85;
	v39 =	vsel vm7, $0x9, v1  }
0x93: {  	v8 =	vadd.s32 $0xFFFFFF83, v41;
	v7 =	vadd.s32 v39, v38;
	vm9 =	veq.s32 v6, v3  }
0x94: {  	s29 =	sor.u32 $0x880, s23;
	[tilespmem:s22+$0x6800] =	vst v7;
	v7 =	vsel vm8, v42, v8;
	v44 =	vsel vm9, $0x9, v1  }
0x95: {  	v43 =	vld [tilespmem:s29+$0x2000];
	v7 =	vadd.s32 v44, v7  }
0x96: {  	s31 =	sor.u32 $0x880, s24;
	[tilespmem:s21+$0x6800] =	vst v7  }
0x97: {  	v7 =	vld [tilespmem:s31+$0x2000];
	_ =	sdelay $0x3  }
0x98: {  	v45 =	vsub.s32 v4, v43  }
0x99: {  	vm10 =	vgt.s32 v45, $0x1  }
0x9a: {  	v46 =	vnsel vm10, $0x1, v45;
	v48 =	vsub.s32 v5, v7;
	v6 =	vld.idx.msk [tilespmem:v43+s3+$0x0], $0xffff  }
0x9b: {  	v47 =	vcvt.s32.f32 v46;
	vm11 =	vgt.s32 v48, $0x1  }
0x9c: {  	vm12 =	vlt.s32 v45, $0x5;
	v49 =	vnsel vm11, $0x1, v48;
	v7 =	vld.idx.msk [tilespmem:v7+s3+$0x0], $0xffff  }
0x9d: {  	v9 =	vadd.s32 $0xFFFFFFFF, v46;
	v10 =	vshrl.u32 v47, $0x17;
	v51 =	vcvt.s32.f32 v49  }
0x9e: {  	vm14 =	vlt.s32 v48, $0x5;
	v56 =	vadd.s32 $0xFFFFFFFF, v49;
	v50 =	vmin.u32 v10, $0x85  }
0x9f: {  	v8 =	vadd.s32 $0xFFFFFF83, v50;
	v54 =	vshrl.u32 v51, $0x17;
	vm13 =	veq.s32 v6, v2  }
0xa0: {  	v52 =	vsel vm12, v9, v8;
	v55 =	vmin.u32 v54, $0x85;
	v53 =	vsel vm13, $0x9, v1  }
0xa1: {  	v8 =	vadd.s32 $0xFFFFFF83, v55;
	v6 =	vadd.s32 v53, v52;
	vm15 =	veq.s32 v7, v3  }
0xa2: {  	[tilespmem:s29+$0x6000] =	vst v6;
	v6 =	vsel vm14, v56, v8;
	v58 =	vsel vm15, $0x9, v1  }
0xa3: {  	v57 =	vld [tilespmem:s22+$0x2900];
	v6 =	vadd.s32 v58, v6  }
0xa4: {  	[tilespmem:s31+$0x6000] =	vst v6  }
0xa5: {  	v6 =	vld [tilespmem:s21+$0x2900];
	_ =	sdelay $0x3  }
0xa6: {  	v59 =	vsub.s32 v4, v57  }
0xa7: {  	vm4 =	vgt.s32 v59, $0x1  }
0xa8: {  	v60 =	vnsel vm4, $0x1, v59;
	v62 =	vsub.s32 v5, v6;
	v7 =	vld.idx.msk [tilespmem:v57+s3+$0x0], $0xffff  }
0xa9: {  	v61 =	vcvt.s32.f32 v60;
	vm5 =	vgt.s32 v62, $0x1  }
0xaa: {  	vm6 =	vlt.s32 v59, $0x5;
	v63 =	vnsel vm5, $0x1, v62;
	v6 =	vld.idx.msk [tilespmem:v6+s3+$0x0], $0xffff  }
0xab: {  	v9 =	vadd.s32 $0xFFFFFFFF, v60;
	v10 =	vshrl.u32 v61, $0x17;
	v17 =	vcvt.s32.f32 v63  }
0xac: {  	vm8 =	vlt.s32 v62, $0x5;
	v22 =	vadd.s32 $0xFFFFFFFF, v63;
	v16 =	vmin.u32 v10, $0x85  }
0xad: {  	v8 =	vadd.s32 $0xFFFFFF83, v16;
	v20 =	vshrl.u32 v17, $0x17;
	vm7 =	veq.s32 v7, v2  }
0xae: {  	v18 =	vsel vm6, v9, v8;
	v21 =	vmin.u32 v20, $0x85;
	v19 =	vsel vm7, $0x9, v1  }
0xaf: {  	v8 =	vadd.s32 $0xFFFFFF83, v21;
	v7 =	vadd.s32 v19, v18;
	vm9 =	veq.s32 v6, v3  }
0xb0: {  	s29 =	sor.u32 $0x980, s23;
	[tilespmem:s22+$0x6900] =	vst v7;
	v7 =	vsel vm8, v22, v8;
	v24 =	vsel vm9, $0x9, v1  }
0xb1: {  	v23 =	vld [tilespmem:s29+$0x2000];
	v7 =	vadd.s32 v24, v7  }
0xb2: {  	s31 =	sor.u32 $0x980, s24;
	[tilespmem:s21+$0x6900] =	vst v7  }
0xb3: {  	v7 =	vld [tilespmem:s31+$0x2000];
	_ =	sdelay $0x3  }
0xb4: {  	v25 =	vsub.s32 v4, v23  }
0xb5: {  	vm10 =	vgt.s32 v25, $0x1  }
0xb6: {  	v26 =	vnsel vm10, $0x1, v25;
	v28 =	vsub.s32 v5, v7;
	v6 =	vld.idx.msk [tilespmem:v23+s3+$0x0], $0xffff  }
0xb7: {  	v27 =	vcvt.s32.f32 v26;
	vm11 =	vgt.s32 v28, $0x1  }
0xb8: {  	vm12 =	vlt.s32 v25, $0x5;
	v29 =	vnsel vm11, $0x1, v28;
	v7 =	vld.idx.msk [tilespmem:v7+s3+$0x0], $0xffff  }
0xb9: {  	v9 =	vadd.s32 $0xFFFFFFFF, v26;
	v10 =	vshrl.u32 v27, $0x17;
	v31 =	vcvt.s32.f32 v29  }
0xba: {  	vm14 =	vlt.s32 v28, $0x5;
	v36 =	vadd.s32 $0xFFFFFFFF, v29;
	v30 =	vmin.u32 v10, $0x85  }
0xbb: {  	v8 =	vadd.s32 $0xFFFFFF83, v30;
	v34 =	vshrl.u32 v31, $0x17;
	vm13 =	veq.s32 v6, v2  }
0xbc: {  	v32 =	vsel vm12, v9, v8;
	v35 =	vmin.u32 v34, $0x85;
	v33 =	vsel vm13, $0x9, v1  }
0xbd: {  	v8 =	vadd.s32 $0xFFFFFF83, v35;
	v6 =	vadd.s32 v33, v32;
	vm15 =	veq.s32 v7, v3  }
0xbe: {  	[tilespmem:s29+$0x6000] =	vst v6;
	v6 =	vsel vm14, v36, v8;
	v38 =	vsel vm15, $0x9, v1  }
0xbf: {  	v37 =	vld [tilespmem:s22+$0x2A00];
	v6 =	vadd.s32 v38, v6  }
0xc0: {  	[tilespmem:s31+$0x6000] =	vst v6  }
0xc1: {  	v6 =	vld [tilespmem:s21+$0x2A00];
	_ =	sdelay $0x3  }
0xc2: {  	v39 =	vsub.s32 v4, v37  }
0xc3: {  	vm4 =	vgt.s32 v39, $0x1  }
0xc4: {  	v40 =	vnsel vm4, $0x1, v39;
	v42 =	vsub.s32 v5, v6;
	v7 =	vld.idx.msk [tilespmem:v37+s3+$0x0], $0xffff  }
0xc5: {  	v41 =	vcvt.s32.f32 v40;
	vm5 =	vgt.s32 v42, $0x1  }
0xc6: {  	vm6 =	vlt.s32 v39, $0x5;
	v43 =	vnsel vm5, $0x1, v42;
	v6 =	vld.idx.msk [tilespmem:v6+s3+$0x0], $0xffff  }
0xc7: {  	v9 =	vadd.s32 $0xFFFFFFFF, v40;
	v10 =	vshrl.u32 v41, $0x17;
	v45 =	vcvt.s32.f32 v43  }
0xc8: {  	vm8 =	vlt.s32 v42, $0x5;
	v50 =	vadd.s32 $0xFFFFFFFF, v43;
	v44 =	vmin.u32 v10, $0x85  }
0xc9: {  	v8 =	vadd.s32 $0xFFFFFF83, v44;
	v48 =	vshrl.u32 v45, $0x17;
	vm7 =	veq.s32 v7, v2  }
0xca: {  	v46 =	vsel vm6, v9, v8;
	v49 =	vmin.u32 v48, $0x85;
	v47 =	vsel vm7, $0x9, v1  }
0xcb: {  	v8 =	vadd.s32 $0xFFFFFF83, v49;
	v7 =	vadd.s32 v47, v46;
	vm9 =	veq.s32 v6, v3  }
0xcc: {  	s29 =	sor.u32 $0xA80, s23;
	[tilespmem:s22+$0x6A00] =	vst v7;
	v7 =	vsel vm8, v50, v8;
	v52 =	vsel vm9, $0x9, v1  }
0xcd: {  	v51 =	vld [tilespmem:s29+$0x2000];
	v7 =	vadd.s32 v52, v7  }
0xce: {  	s31 =	sor.u32 $0xA80, s24;
	[tilespmem:s21+$0x6A00] =	vst v7  }
0xcf: {  	v7 =	vld [tilespmem:s31+$0x2000];
	_ =	sdelay $0x3  }
0xd0: {  	v53 =	vsub.s32 v4, v51  }
0xd1: {  	vm10 =	vgt.s32 v53, $0x1  }
0xd2: {  	v54 =	vnsel vm10, $0x1, v53;
	v56 =	vsub.s32 v5, v7;
	v6 =	vld.idx.msk [tilespmem:v51+s3+$0x0], $0xffff  }
0xd3: {  	v55 =	vcvt.s32.f32 v54;
	vm11 =	vgt.s32 v56, $0x1  }
0xd4: {  	vm12 =	vlt.s32 v53, $0x5;
	v57 =	vnsel vm11, $0x1, v56;
	v7 =	vld.idx.msk [tilespmem:v7+s3+$0x0], $0xffff  }
0xd5: {  	v9 =	vadd.s32 $0xFFFFFFFF, v54;
	v10 =	vshrl.u32 v55, $0x17;
	v59 =	vcvt.s32.f32 v57  }
0xd6: {  	vm14 =	vlt.s32 v56, $0x5;
	v13 =	vadd.s32 $0xFFFFFFFF, v57;
	v58 =	vmin.u32 v10, $0x85  }
0xd7: {  	v8 =	vadd.s32 $0xFFFFFF83, v58;
	v62 =	vshrl.u32 v59, $0x17;
	vm13 =	veq.s32 v6, v2  }
0xd8: {  	v60 =	vsel vm12, v9, v8;
	v63 =	vmin.u32 v62, $0x85;
	v61 =	vsel vm13, $0x9, v1  }
0xd9: {  	v8 =	vadd.s32 $0xFFFFFF83, v63;
	v6 =	vadd.s32 v61, v60;
	vm15 =	veq.s32 v7, v3  }
0xda: {  	[tilespmem:s29+$0x6000] =	vst v6;
	s29 =	sor.u32 $0xB00, s25;
	v6 =	vsel vm14, v13, v8;
	v15 =	vsel vm15, $0x9, v1  }
0xdb: {  	v14 =	vld [tilespmem:s29+$0x2000];
	v6 =	vadd.s32 v15, v6  }
0xdc: {  	[tilespmem:s31+$0x6000] =	vst v6;
	s31 =	sor.u32 $0xB00, s28  }
0xdd: {  	v6 =	vld [tilespmem:s31+$0x2000];
	_ =	sdelay $0x3  }
0xde: {  	v16 =	vsub.s32 v4, v14  }
0xdf: {  	vm4 =	vgt.s32 v16, $0x1  }
0xe0: {  	v17 =	vnsel vm4, $0x1, v16;
	v19 =	vsub.s32 v5, v6;
	v7 =	vld.idx.msk [tilespmem:v14+s3+$0x0], $0xffff  }
0xe1: {  	v18 =	vcvt.s32.f32 v17;
	vm5 =	vgt.s32 v19, $0x1  }
0xe2: {  	vm6 =	vlt.s32 v16, $0x5;
	v20 =	vnsel vm5, $0x1, v19;
	v6 =	vld.idx.msk [tilespmem:v6+s3+$0x0], $0xffff  }
0xe3: {  	v9 =	vadd.s32 $0xFFFFFFFF, v17;
	v10 =	vshrl.u32 v18, $0x17;
	v22 =	vcvt.s32.f32 v20  }
0xe4: {  	vm8 =	vlt.s32 v19, $0x5;
	v27 =	vadd.s32 $0xFFFFFFFF, v20;
	v21 =	vmin.u32 v10, $0x85  }
0xe5: {  	v8 =	vadd.s32 $0xFFFFFF83, v21;
	v25 =	vshrl.u32 v22, $0x17;
	vm7 =	veq.s32 v7, v2  }
0xe6: {  	v23 =	vsel vm6, v9, v8;
	v26 =	vmin.u32 v25, $0x85;
	v24 =	vsel vm7, $0x9, v1  }
0xe7: {  	v8 =	vadd.s32 $0xFFFFFF83, v26;
	v7 =	vadd.s32 v24, v23;
	vm9 =	veq.s32 v6, v3  }
0xe8: {  	[tilespmem:s29+$0x6000] =	vst v7;
	s29 =	sor.u32 $0xB80, s26;
	v7 =	vsel vm8, v27, v8;
	v29 =	vsel vm9, $0x9, v1  }
0xe9: {  	v28 =	vld [tilespmem:s29+$0x2000];
	v7 =	vadd.s32 v29, v7  }
0xea: {  	[tilespmem:s31+$0x6000] =	vst v7;
	s31 =	sor.u32 $0xB80, s15  }
0xeb: {  	v7 =	vld [tilespmem:s31+$0x2000];
	_ =	sdelay $0x3  }
0xec: {  	v30 =	vsub.s32 v4, v28  }
0xed: {  	vm10 =	vgt.s32 v30, $0x1  }
0xee: {  	v31 =	vnsel vm10, $0x1, v30;
	v33 =	vsub.s32 v5, v7;
	v6 =	vld.idx.msk [tilespmem:v28+s3+$0x0], $0xffff  }
0xef: {  	v32 =	vcvt.s32.f32 v31;
	vm11 =	vgt.s32 v33, $0x1  }
0xf0: {  	vm12 =	vlt.s32 v30, $0x5;
	v34 =	vnsel vm11, $0x1, v33;
	v7 =	vld.idx.msk [tilespmem:v7+s3+$0x0], $0xffff  }
0xf1: {  	v9 =	vadd.s32 $0xFFFFFFFF, v31;
	v10 =	vshrl.u32 v32, $0x17;
	v36 =	vcvt.s32.f32 v34  }
0xf2: {  	vm14 =	vlt.s32 v33, $0x5;
	v41 =	vadd.s32 $0xFFFFFFFF, v34;
	v35 =	vmin.u32 v10, $0x85  }
0xf3: {  	v8 =	vadd.s32 $0xFFFFFF83, v35;
	v39 =	vshrl.u32 v36, $0x17;
	vm13 =	veq.s32 v6, v2  }
0xf4: {  	v37 =	vsel vm12, v9, v8;
	v40 =	vmin.u32 v39, $0x85;
	v38 =	vsel vm13, $0x9, v1  }
0xf5: {  	v8 =	vadd.s32 $0xFFFFFF83, v40;
	v6 =	vadd.s32 v38, v37;
	vm15 =	veq.s32 v7, v3  }
0xf6: {  	[tilespmem:s29+$0x6000] =	vst v6;
	v6 =	vsel vm14, v41, v8;
	v43 =	vsel vm15, $0x9, v1  }
0xf7: {  	v42 =	vld [tilespmem:s22+$0x3000];
	v6 =	vadd.s32 v43, v6  }
0xf8: {  	[tilespmem:s31+$0x6000] =	vst v6  }
0xf9: {  	v6 =	vld [tilespmem:s21+$0x3000];
	_ =	sdelay $0x3  }
0xfa: {  	v44 =	vsub.s32 v4, v42  }
0xfb: {  	vm4 =	vgt.s32 v44, $0x1  }
0xfc: {  	v45 =	vnsel vm4, $0x1, v44;
	v47 =	vsub.s32 v5, v6;
	v7 =	vld.idx.msk [tilespmem:v42+s3+$0x0], $0xffff  }
0xfd: {  	v46 =	vcvt.s32.f32 v45;
	vm5 =	vgt.s32 v47, $0x1  }
0xfe: {  	vm6 =	vlt.s32 v44, $0x5;
	v48 =	vnsel vm5, $0x1, v47;
	v6 =	vld.idx.msk [tilespmem:v6+s3+$0x0], $0xffff  }
0xff: {  	v9 =	vadd.s32 $0xFFFFFFFF, v45;
	v10 =	vshrl.u32 v46, $0x17;
	v50 =	vcvt.s32.f32 v48  }
0x100: {  	vm8 =	vlt.s32 v47, $0x5;
	v55 =	vadd.s32 $0xFFFFFFFF, v48;
	v49 =	vmin.u32 v10, $0x85  }
0x101: {  	v8 =	vadd.s32 $0xFFFFFF83, v49;
	v53 =	vshrl.u32 v50, $0x17;
	vm7 =	veq.s32 v7, v2  }
0x102: {  	v51 =	vsel vm6, v9, v8;
	v54 =	vmin.u32 v53, $0x85;
	v52 =	vsel vm7, $0x9, v1  }
0x103: {  	v8 =	vadd.s32 $0xFFFFFF83, v54;
	v7 =	vadd.s32 v52, v51;
	vm9 =	veq.s32 v6, v3  }
0x104: {  	s29 =	sor.u32 $0x1080, s23;
	[tilespmem:s22+$0x7000] =	vst v7;
	v7 =	vsel vm8, v55, v8;
	v57 =	vsel vm9, $0x9, v1  }
0x105: {  	v56 =	vld [tilespmem:s29+$0x2000];
	v7 =	vadd.s32 v57, v7  }
0x106: {  	s31 =	sor.u32 $0x1080, s24;
	[tilespmem:s21+$0x7000] =	vst v7  }
0x107: {  	v7 =	vld [tilespmem:s31+$0x2000];
	_ =	sdelay $0x3  }
0x108: {  	v58 =	vsub.s32 v4, v56  }
0x109: {  	vm10 =	vgt.s32 v58, $0x1  }
0x10a: {  	v59 =	vnsel vm10, $0x1, v58;
	v61 =	vsub.s32 v5, v7;
	v6 =	vld.idx.msk [tilespmem:v56+s3+$0x0], $0xffff  }
0x10b: {  	v60 =	vcvt.s32.f32 v59;
	vm11 =	vgt.s32 v61, $0x1  }
0x10c: {  	vm12 =	vlt.s32 v58, $0x5;
	v62 =	vnsel vm11, $0x1, v61;
	v7 =	vld.idx.msk [tilespmem:v7+s3+$0x0], $0xffff  }
0x10d: {  	v9 =	vadd.s32 $0xFFFFFFFF, v59;
	v10 =	vshrl.u32 v60, $0x17;
	v13 =	vcvt.s32.f32 v62  }
0x10e: {  	vm14 =	vlt.s32 v61, $0x5;
	v18 =	vadd.s32 $0xFFFFFFFF, v62;
	v63 =	vmin.u32 v10, $0x85  }
0x10f: {  	v8 =	vadd.s32 $0xFFFFFF83, v63;
	v16 =	vshrl.u32 v13, $0x17;
	vm13 =	veq.s32 v6, v2  }
0x110: {  	v14 =	vsel vm12, v9, v8;
	v17 =	vmin.u32 v16, $0x85;
	v15 =	vsel vm13, $0x9, v1  }
0x111: {  	v8 =	vadd.s32 $0xFFFFFF83, v17;
	v6 =	vadd.s32 v15, v14;
	vm15 =	veq.s32 v7, v3  }
0x112: {  	[tilespmem:s29+$0x6000] =	vst v6;
	v6 =	vsel vm14, v18, v8;
	v20 =	vsel vm15, $0x9, v1  }
0x113: {  	v19 =	vld [tilespmem:s22+$0x3100];
	v6 =	vadd.s32 v20, v6  }
0x114: {  	[tilespmem:s31+$0x6000] =	vst v6  }
0x115: {  	v6 =	vld [tilespmem:s21+$0x3100];
	_ =	sdelay $0x3  }
0x116: {  	v21 =	vsub.s32 v4, v19  }
0x117: {  	vm4 =	vgt.s32 v21, $0x1  }
0x118: {  	v22 =	vnsel vm4, $0x1, v21;
	v24 =	vsub.s32 v5, v6;
	v7 =	vld.idx.msk [tilespmem:v19+s3+$0x0], $0xffff  }
0x119: {  	v23 =	vcvt.s32.f32 v22;
	vm5 =	vgt.s32 v24, $0x1  }
0x11a: {  	vm6 =	vlt.s32 v21, $0x5;
	v25 =	vnsel vm5, $0x1, v24;
	v6 =	vld.idx.msk [tilespmem:v6+s3+$0x0], $0xffff  }
0x11b: {  	v9 =	vadd.s32 $0xFFFFFFFF, v22;
	v10 =	vshrl.u32 v23, $0x17;
	v27 =	vcvt.s32.f32 v25  }
0x11c: {  	vm8 =	vlt.s32 v24, $0x5;
	v32 =	vadd.s32 $0xFFFFFFFF, v25;
	v26 =	vmin.u32 v10, $0x85  }
0x11d: {  	v8 =	vadd.s32 $0xFFFFFF83, v26;
	v30 =	vshrl.u32 v27, $0x17;
	vm7 =	veq.s32 v7, v2  }
0x11e: {  	v28 =	vsel vm6, v9, v8;
	v31 =	vmin.u32 v30, $0x85;
	v29 =	vsel vm7, $0x9, v1  }
0x11f: {  	v8 =	vadd.s32 $0xFFFFFF83, v31;
	v7 =	vadd.s32 v29, v28;
	vm9 =	veq.s32 v6, v3  }
0x120: {  	s29 =	sor.u32 $0x1180, s23;
	[tilespmem:s22+$0x7100] =	vst v7;
	v7 =	vsel vm8, v32, v8;
	v34 =	vsel vm9, $0x9, v1  }
0x121: {  	v33 =	vld [tilespmem:s29+$0x2000];
	v7 =	vadd.s32 v34, v7  }
0x122: {  	s31 =	sor.u32 $0x1180, s24;
	[tilespmem:s21+$0x7100] =	vst v7  }
0x123: {  	v7 =	vld [tilespmem:s31+$0x2000];
	_ =	sdelay $0x3  }
0x124: {  	v35 =	vsub.s32 v4, v33  }
0x125: {  	vm10 =	vgt.s32 v35, $0x1  }
0x126: {  	v36 =	vnsel vm10, $0x1, v35;
	v38 =	vsub.s32 v5, v7;
	v6 =	vld.idx.msk [tilespmem:v33+s3+$0x0], $0xffff  }
0x127: {  	v37 =	vcvt.s32.f32 v36;
	vm11 =	vgt.s32 v38, $0x1  }
0x128: {  	vm12 =	vlt.s32 v35, $0x5;
	v39 =	vnsel vm11, $0x1, v38;
	v7 =	vld.idx.msk [tilespmem:v7+s3+$0x0], $0xffff  }
0x129: {  	v9 =	vadd.s32 $0xFFFFFFFF, v36;
	v10 =	vshrl.u32 v37, $0x17;
	v41 =	vcvt.s32.f32 v39  }
0x12a: {  	vm14 =	vlt.s32 v38, $0x5;
	v46 =	vadd.s32 $0xFFFFFFFF, v39;
	v40 =	vmin.u32 v10, $0x85  }
0x12b: {  	v8 =	vadd.s32 $0xFFFFFF83, v40;
	v44 =	vshrl.u32 v41, $0x17;
	vm13 =	veq.s32 v6, v2  }
0x12c: {  	v42 =	vsel vm12, v9, v8;
	v45 =	vmin.u32 v44, $0x85;
	v43 =	vsel vm13, $0x9, v1  }
0x12d: {  	v8 =	vadd.s32 $0xFFFFFF83, v45;
	v6 =	vadd.s32 v43, v42;
	vm15 =	veq.s32 v7, v3  }
0x12e: {  	[tilespmem:s29+$0x6000] =	vst v6;
	v6 =	vsel vm14, v46, v8;
	v48 =	vsel vm15, $0x9, v1  }
0x12f: {  	v47 =	vld [tilespmem:s22+$0x3200];
	v6 =	vadd.s32 v48, v6  }
0x130: {  	[tilespmem:s31+$0x6000] =	vst v6  }
0x131: {  	v6 =	vld [tilespmem:s21+$0x3200];
	_ =	sdelay $0x3  }
0x132: {  	v49 =	vsub.s32 v4, v47  }
0x133: {  	vm4 =	vgt.s32 v49, $0x1  }
0x134: {  	v50 =	vnsel vm4, $0x1, v49;
	v52 =	vsub.s32 v5, v6;
	v7 =	vld.idx.msk [tilespmem:v47+s3+$0x0], $0xffff  }
0x135: {  	v51 =	vcvt.s32.f32 v50;
	vm5 =	vgt.s32 v52, $0x1  }
0x136: {  	vm6 =	vlt.s32 v49, $0x5;
	v53 =	vnsel vm5, $0x1, v52;
	v6 =	vld.idx.msk [tilespmem:v6+s3+$0x0], $0xffff  }
0x137: {  	v9 =	vadd.s32 $0xFFFFFFFF, v50;
	v10 =	vshrl.u32 v51, $0x17;
	v55 =	vcvt.s32.f32 v53  }
0x138: {  	vm8 =	vlt.s32 v52, $0x5;
	v60 =	vadd.s32 $0xFFFFFFFF, v53;
	v54 =	vmin.u32 v10, $0x85  }
0x139: {  	v8 =	vadd.s32 $0xFFFFFF83, v54;
	v58 =	vshrl.u32 v55, $0x17;
	vm7 =	veq.s32 v7, v2  }
0x13a: {  	v56 =	vsel vm6, v9, v8;
	v59 =	vmin.u32 v58, $0x85;
	v57 =	vsel vm7, $0x9, v1  }
0x13b: {  	v8 =	vadd.s32 $0xFFFFFF83, v59;
	v7 =	vadd.s32 v57, v56;
	vm9 =	veq.s32 v6, v3  }
0x13c: {  	s29 =	sor.u32 $0x1280, s23;
	[tilespmem:s22+$0x7200] =	vst v7;
	v7 =	vsel vm8, v60, v8;
	v62 =	vsel vm9, $0x9, v1  }
0x13d: {  	v61 =	vld [tilespmem:s29+$0x2000];
	v7 =	vadd.s32 v62, v7  }
0x13e: {  	s31 =	sor.u32 $0x1280, s24;
	[tilespmem:s21+$0x7200] =	vst v7  }
0x13f: {  	v7 =	vld [tilespmem:s31+$0x2000];
	_ =	sdelay $0x3  }
0x140: {  	v63 =	vsub.s32 v4, v61  }
0x141: {  	vm10 =	vgt.s32 v63, $0x1  }
0x142: {  	v16 =	vnsel vm10, $0x1, v63;
	v18 =	vsub.s32 v5, v7;
	v6 =	vld.idx.msk [tilespmem:v61+s3+$0x0], $0xffff  }
0x143: {  	v17 =	vcvt.s32.f32 v16;
	vm11 =	vgt.s32 v18, $0x1  }
0x144: {  	vm12 =	vlt.s32 v63, $0x5;
	v19 =	vnsel vm11, $0x1, v18;
	v7 =	vld.idx.msk [tilespmem:v7+s3+$0x0], $0xffff  }
0x145: {  	v9 =	vadd.s32 $0xFFFFFFFF, v16;
	v10 =	vshrl.u32 v17, $0x17;
	v21 =	vcvt.s32.f32 v19  }
0x146: {  	vm14 =	vlt.s32 v18, $0x5;
	v26 =	vadd.s32 $0xFFFFFFFF, v19;
	v20 =	vmin.u32 v10, $0x85  }
0x147: {  	v8 =	vadd.s32 $0xFFFFFF83, v20;
	v24 =	vshrl.u32 v21, $0x17;
	vm13 =	veq.s32 v6, v2  }
0x148: {  	v22 =	vsel vm12, v9, v8;
	v25 =	vmin.u32 v24, $0x85;
	v23 =	vsel vm13, $0x9, v1  }
0x149: {  	v8 =	vadd.s32 $0xFFFFFF83, v25;
	v6 =	vadd.s32 v23, v22;
	vm15 =	veq.s32 v7, v3  }
0x14a: {  	[tilespmem:s29+$0x6000] =	vst v6;
	s29 =	sor.u32 $0x1300, s25;
	v6 =	vsel vm14, v26, v8;
	v28 =	vsel vm15, $0x9, v1  }
0x14b: {  	v27 =	vld [tilespmem:s29+$0x2000];
	v6 =	vadd.s32 v28, v6  }
0x14c: {  	[tilespmem:s31+$0x6000] =	vst v6;
	s31 =	sor.u32 $0x1300, s28  }
0x14d: {  	v6 =	vld [tilespmem:s31+$0x2000];
	_ =	sdelay $0x3  }
0x14e: {  	v29 =	vsub.s32 v4, v27  }
0x14f: {  	vm4 =	vgt.s32 v29, $0x1  }
0x150: {  	v30 =	vnsel vm4, $0x1, v29;
	v32 =	vsub.s32 v5, v6;
	v7 =	vld.idx.msk [tilespmem:v27+s3+$0x0], $0xffff  }
0x151: {  	v31 =	vcvt.s32.f32 v30;
	vm5 =	vgt.s32 v32, $0x1  }
0x152: {  	vm6 =	vlt.s32 v29, $0x5;
	v33 =	vnsel vm5, $0x1, v32;
	v6 =	vld.idx.msk [tilespmem:v6+s3+$0x0], $0xffff  }
0x153: {  	v9 =	vadd.s32 $0xFFFFFFFF, v30;
	v10 =	vshrl.u32 v31, $0x17;
	v35 =	vcvt.s32.f32 v33  }
0x154: {  	vm8 =	vlt.s32 v32, $0x5;
	v40 =	vadd.s32 $0xFFFFFFFF, v33;
	v34 =	vmin.u32 v10, $0x85  }
0x155: {  	v8 =	vadd.s32 $0xFFFFFF83, v34;
	v38 =	vshrl.u32 v35, $0x17;
	vm7 =	veq.s32 v7, v2  }
0x156: {  	v36 =	vsel vm6, v9, v8;
	v39 =	vmin.u32 v38, $0x85;
	v37 =	vsel vm7, $0x9, v1  }
0x157: {  	v8 =	vadd.s32 $0xFFFFFF83, v39;
	v7 =	vadd.s32 v37, v36;
	vm9 =	veq.s32 v6, v3  }
0x158: {  	[tilespmem:s29+$0x6000] =	vst v7;
	s29 =	sor.u32 $0x1380, s26;
	v7 =	vsel vm8, v40, v8;
	v42 =	vsel vm9, $0x9, v1  }
0x159: {  	v41 =	vld [tilespmem:s29+$0x2000];
	v7 =	vadd.s32 v42, v7  }
0x15a: {  	[tilespmem:s31+$0x6000] =	vst v7;
	s31 =	sor.u32 $0x1380, s15  }
0x15b: {  	v7 =	vld [tilespmem:s31+$0x2000];
	_ =	sdelay $0x3  }
0x15c: {  	v43 =	vsub.s32 v4, v41  }
0x15d: {  	vm10 =	vgt.s32 v43, $0x1  }
0x15e: {  	v44 =	vnsel vm10, $0x1, v43;
	v46 =	vsub.s32 v5, v7;
	v6 =	vld.idx.msk [tilespmem:v41+s3+$0x0], $0xffff  }
0x15f: {  	v45 =	vcvt.s32.f32 v44;
	vm11 =	vgt.s32 v46, $0x1  }
0x160: {  	vm12 =	vlt.s32 v43, $0x5;
	v47 =	vnsel vm11, $0x1, v46;
	v7 =	vld.idx.msk [tilespmem:v7+s3+$0x0], $0xffff  }
0x161: {  	v9 =	vadd.s32 $0xFFFFFFFF, v44;
	v10 =	vshrl.u32 v45, $0x17;
	v49 =	vcvt.s32.f32 v47  }
0x162: {  	vm14 =	vlt.s32 v46, $0x5;
	v54 =	vadd.s32 $0xFFFFFFFF, v47;
	v48 =	vmin.u32 v10, $0x85  }
0x163: {  	v8 =	vadd.s32 $0xFFFFFF83, v48;
	v52 =	vshrl.u32 v49, $0x17;
	vm13 =	veq.s32 v6, v2  }
0x164: {  	v50 =	vsel vm12, v9, v8;
	v53 =	vmin.u32 v52, $0x85;
	v51 =	vsel vm13, $0x9, v1  }
0x165: {  	v8 =	vadd.s32 $0xFFFFFF83, v53;
	v6 =	vadd.s32 v51, v50;
	vm15 =	veq.s32 v7, v3  }
0x166: {  	[tilespmem:s29+$0x6000] =	vst v6;
	v6 =	vsel vm14, v54, v8;
	v56 =	vsel vm15, $0x9, v1  }
0x167: {  	v55 =	vld [tilespmem:s22+$0x3800];
	v6 =	vadd.s32 v56, v6  }
0x168: {  	[tilespmem:s31+$0x6000] =	vst v6  }
0x169: {  	v6 =	vld [tilespmem:s21+$0x3800];
	_ =	sdelay $0x3  }
0x16a: {  	v57 =	vsub.s32 v4, v55  }
0x16b: {  	vm4 =	vgt.s32 v57, $0x1  }
0x16c: {  	v58 =	vnsel vm4, $0x1, v57;
	v60 =	vsub.s32 v5, v6;
	v7 =	vld.idx.msk [tilespmem:v55+s3+$0x0], $0xffff  }
0x16d: {  	v59 =	vcvt.s32.f32 v58;
	vm5 =	vgt.s32 v60, $0x1  }
0x16e: {  	vm6 =	vlt.s32 v57, $0x5;
	v61 =	vnsel vm5, $0x1, v60;
	v6 =	vld.idx.msk [tilespmem:v6+s3+$0x0], $0xffff  }
0x16f: {  	v9 =	vadd.s32 $0xFFFFFFFF, v58;
	v10 =	vshrl.u32 v59, $0x17;
	v63 =	vcvt.s32.f32 v61  }
0x170: {  	vm8 =	vlt.s32 v60, $0x5;
	v17 =	vadd.s32 $0xFFFFFFFF, v61;
	v62 =	vmin.u32 v10, $0x85  }
0x171: {  	v8 =	vadd.s32 $0xFFFFFF83, v62;
	v15 =	vshrl.u32 v63, $0x17;
	vm7 =	veq.s32 v7, v2  }
0x172: {  	v13 =	vsel vm6, v9, v8;
	v16 =	vmin.u32 v15, $0x85;
	v14 =	vsel vm7, $0x9, v1  }
0x173: {  	v8 =	vadd.s32 $0xFFFFFF83, v16;
	v7 =	vadd.s32 v14, v13;
	vm9 =	veq.s32 v6, v3  }
0x174: {  	s29 =	sor.u32 $0x1880, s23;
	[tilespmem:s22+$0x7800] =	vst v7;
	v7 =	vsel vm8, v17, v8;
	v19 =	vsel vm9, $0x9, v1  }
0x175: {  	v18 =	vld [tilespmem:s29+$0x2000];
	v7 =	vadd.s32 v19, v7  }
0x176: {  	s31 =	sor.u32 $0x1880, s24;
	[tilespmem:s21+$0x7800] =	vst v7  }
0x177: {  	v7 =	vld [tilespmem:s31+$0x2000];
	_ =	sdelay $0x3  }
0x178: {  	v20 =	vsub.s32 v4, v18  }
0x179: {  	vm10 =	vgt.s32 v20, $0x1  }
0x17a: {  	v21 =	vnsel vm10, $0x1, v20;
	v23 =	vsub.s32 v5, v7;
	v6 =	vld.idx.msk [tilespmem:v18+s3+$0x0], $0xffff  }
0x17b: {  	v22 =	vcvt.s32.f32 v21;
	vm11 =	vgt.s32 v23, $0x1  }
0x17c: {  	vm12 =	vlt.s32 v20, $0x5;
	v24 =	vnsel vm11, $0x1, v23;
	v7 =	vld.idx.msk [tilespmem:v7+s3+$0x0], $0xffff  }
0x17d: {  	v9 =	vadd.s32 $0xFFFFFFFF, v21;
	v10 =	vshrl.u32 v22, $0x17;
	v26 =	vcvt.s32.f32 v24  }
0x17e: {  	vm14 =	vlt.s32 v23, $0x5;
	v31 =	vadd.s32 $0xFFFFFFFF, v24;
	v25 =	vmin.u32 v10, $0x85  }
0x17f: {  	v8 =	vadd.s32 $0xFFFFFF83, v25;
	v29 =	vshrl.u32 v26, $0x17;
	vm13 =	veq.s32 v6, v2  }
0x180: {  	v27 =	vsel vm12, v9, v8;
	v30 =	vmin.u32 v29, $0x85;
	v28 =	vsel vm13, $0x9, v1  }
0x181: {  	v8 =	vadd.s32 $0xFFFFFF83, v30;
	v6 =	vadd.s32 v28, v27;
	vm15 =	veq.s32 v7, v3  }
0x182: {  	[tilespmem:s29+$0x6000] =	vst v6;
	v6 =	vsel vm14, v31, v8;
	v33 =	vsel vm15, $0x9, v1  }
0x183: {  	v32 =	vld [tilespmem:s22+$0x3900];
	v6 =	vadd.s32 v33, v6  }
0x184: {  	[tilespmem:s31+$0x6000] =	vst v6  }
0x185: {  	v6 =	vld [tilespmem:s21+$0x3900];
	_ =	sdelay $0x3  }
0x186: {  	v34 =	vsub.s32 v4, v32  }
0x187: {  	vm4 =	vgt.s32 v34, $0x1  }
0x188: {  	v35 =	vnsel vm4, $0x1, v34;
	v37 =	vsub.s32 v5, v6;
	v7 =	vld.idx.msk [tilespmem:v32+s3+$0x0], $0xffff  }
0x189: {  	v36 =	vcvt.s32.f32 v35;
	vm5 =	vgt.s32 v37, $0x1  }
0x18a: {  	vm6 =	vlt.s32 v34, $0x5;
	v38 =	vnsel vm5, $0x1, v37;
	v6 =	vld.idx.msk [tilespmem:v6+s3+$0x0], $0xffff  }
0x18b: {  	v9 =	vadd.s32 $0xFFFFFFFF, v35;
	v10 =	vshrl.u32 v36, $0x17;
	v40 =	vcvt.s32.f32 v38  }
0x18c: {  	vm8 =	vlt.s32 v37, $0x5;
	v45 =	vadd.s32 $0xFFFFFFFF, v38;
	v39 =	vmin.u32 v10, $0x85  }
0x18d: {  	v8 =	vadd.s32 $0xFFFFFF83, v39;
	v43 =	vshrl.u32 v40, $0x17;
	vm7 =	veq.s32 v7, v2  }
0x18e: {  	v41 =	vsel vm6, v9, v8;
	v44 =	vmin.u32 v43, $0x85;
	v42 =	vsel vm7, $0x9, v1  }
0x18f: {  	v8 =	vadd.s32 $0xFFFFFF83, v44;
	v7 =	vadd.s32 v42, v41;
	vm9 =	veq.s32 v6, v3  }
0x190: {  	s29 =	sor.u32 $0x1980, s23;
	[tilespmem:s22+$0x7900] =	vst v7;
	v7 =	vsel vm8, v45, v8;
	v47 =	vsel vm9, $0x9, v1  }
0x191: {  	v46 =	vld [tilespmem:s29+$0x2000];
	v7 =	vadd.s32 v47, v7  }
0x192: {  	s31 =	sor.u32 $0x1980, s24;
	[tilespmem:s21+$0x7900] =	vst v7  }
0x193: {  	v7 =	vld [tilespmem:s31+$0x2000];
	_ =	sdelay $0x3  }
0x194: {  	v48 =	vsub.s32 v4, v46  }
0x195: {  	vm10 =	vgt.s32 v48, $0x1  }
0x196: {  	v49 =	vnsel vm10, $0x1, v48;
	v51 =	vsub.s32 v5, v7;
	v6 =	vld.idx.msk [tilespmem:v46+s3+$0x0], $0xffff  }
0x197: {  	v50 =	vcvt.s32.f32 v49;
	vm11 =	vgt.s32 v51, $0x1  }
0x198: {  	vm12 =	vlt.s32 v48, $0x5;
	v52 =	vnsel vm11, $0x1, v51;
	v7 =	vld.idx.msk [tilespmem:v7+s3+$0x0], $0xffff  }
0x199: {  	v9 =	vadd.s32 $0xFFFFFFFF, v49;
	v10 =	vshrl.u32 v50, $0x17;
	v54 =	vcvt.s32.f32 v52  }
0x19a: {  	vm14 =	vlt.s32 v51, $0x5;
	v59 =	vadd.s32 $0xFFFFFFFF, v52;
	v53 =	vmin.u32 v10, $0x85  }
0x19b: {  	v8 =	vadd.s32 $0xFFFFFF83, v53;
	v57 =	vshrl.u32 v54, $0x17;
	vm13 =	veq.s32 v6, v2  }
0x19c: {  	v55 =	vsel vm12, v9, v8;
	v58 =	vmin.u32 v57, $0x85;
	v56 =	vsel vm13, $0x9, v1  }
0x19d: {  	v8 =	vadd.s32 $0xFFFFFF83, v58;
	v6 =	vadd.s32 v56, v55;
	vm15 =	veq.s32 v7, v3  }
0x19e: {  	[tilespmem:s29+$0x6000] =	vst v6;
	v6 =	vsel vm14, v59, v8;
	v61 =	vsel vm15, $0x9, v1  }
0x19f: {  	v60 =	vld [tilespmem:s22+$0x3A00];
	v6 =	vadd.s32 v61, v6  }
0x1a0: {  	[tilespmem:s31+$0x6000] =	vst v6  }
0x1a1: {  	v6 =	vld [tilespmem:s21+$0x3A00];
	_ =	sdelay $0x3  }
0x1a2: {  	v62 =	vsub.s32 v4, v60  }
0x1a3: {  	vm4 =	vgt.s32 v62, $0x1  }
0x1a4: {  	v63 =	vnsel vm4, $0x1, v62;
	v16 =	vsub.s32 v5, v6;
	v7 =	vld.idx.msk [tilespmem:v60+s3+$0x0], $0xffff  }
0x1a5: {  	v15 =	vcvt.s32.f32 v63;
	vm5 =	vgt.s32 v16, $0x1  }
0x1a6: {  	vm6 =	vlt.s32 v62, $0x5;
	v17 =	vnsel vm5, $0x1, v16;
	v6 =	vld.idx.msk [tilespmem:v6+s3+$0x0], $0xffff  }
0x1a7: {  	v9 =	vadd.s32 $0xFFFFFFFF, v63;
	v10 =	vshrl.u32 v15, $0x17;
	v19 =	vcvt.s32.f32 v17  }
0x1a8: {  	vm8 =	vlt.s32 v16, $0x5;
	v24 =	vadd.s32 $0xFFFFFFFF, v17;
	v18 =	vmin.u32 v10, $0x85  }
0x1a9: {  	v8 =	vadd.s32 $0xFFFFFF83, v18;
	v22 =	vshrl.u32 v19, $0x17;
	vm7 =	veq.s32 v7, v2  }
0x1aa: {  	v20 =	vsel vm6, v9, v8;
	v23 =	vmin.u32 v22, $0x85;
	v21 =	vsel vm7, $0x9, v1  }
0x1ab: {  	v8 =	vadd.s32 $0xFFFFFF83, v23;
	v7 =	vadd.s32 v21, v20;
	vm9 =	veq.s32 v6, v3  }
0x1ac: {  	s29 =	sor.u32 $0x1A80, s23;
	[tilespmem:s22+$0x7A00] =	vst v7;
	v7 =	vsel vm8, v24, v8;
	v26 =	vsel vm9, $0x9, v1  }
0x1ad: {  	v25 =	vld [tilespmem:s29+$0x2000];
	v7 =	vadd.s32 v26, v7  }
0x1ae: {  	s31 =	sor.u32 $0x1A80, s24;
	[tilespmem:s21+$0x7A00] =	vst v7  }
0x1af: {  	v7 =	vld [tilespmem:s31+$0x2000];
	_ =	sdelay $0x3  }
0x1b0: {  	v27 =	vsub.s32 v4, v25  }
0x1b1: {  	vm10 =	vgt.s32 v27, $0x1  }
0x1b2: {  	v28 =	vnsel vm10, $0x1, v27;
	v30 =	vsub.s32 v5, v7;
	v6 =	vld.idx.msk [tilespmem:v25+s3+$0x0], $0xffff  }
0x1b3: {  	v29 =	vcvt.s32.f32 v28;
	vm11 =	vgt.s32 v30, $0x1  }
0x1b4: {  	vm12 =	vlt.s32 v27, $0x5;
	v31 =	vnsel vm11, $0x1, v30;
	v7 =	vld.idx.msk [tilespmem:v7+s3+$0x0], $0xffff  }
0x1b5: {  	v9 =	vadd.s32 $0xFFFFFFFF, v28;
	v10 =	vshrl.u32 v29, $0x17;
	v33 =	vcvt.s32.f32 v31  }
0x1b6: {  	vm14 =	vlt.s32 v30, $0x5;
	v38 =	vadd.s32 $0xFFFFFFFF, v31;
	v32 =	vmin.u32 v10, $0x85  }
0x1b7: {  	v8 =	vadd.s32 $0xFFFFFF83, v32;
	v36 =	vshrl.u32 v33, $0x17;
	vm13 =	veq.s32 v6, v2  }
0x1b8: {  	v34 =	vsel vm12, v9, v8;
	v37 =	vmin.u32 v36, $0x85;
	v35 =	vsel vm13, $0x9, v1  }
0x1b9: {  	v8 =	vadd.s32 $0xFFFFFF83, v37;
	v6 =	vadd.s32 v35, v34;
	vm15 =	veq.s32 v7, v3  }
0x1ba: {  	[tilespmem:s29+$0x6000] =	vst v6;
	s29 =	sor.u32 $0x1B00, s25;
	v6 =	vsel vm14, v38, v8;
	v40 =	vsel vm15, $0x9, v1  }
0x1bb: {  	v39 =	vld [tilespmem:s29+$0x2000];
	v6 =	vadd.s32 v40, v6  }
0x1bc: {  	[tilespmem:s31+$0x6000] =	vst v6;
	s31 =	sor.u32 $0x1B00, s28  }
0x1bd: {  	v6 =	vld [tilespmem:s31+$0x2000];
	_ =	sdelay $0x3  }
0x1be: {  	v41 =	vsub.s32 v4, v39  }
0x1bf: {  	vm4 =	vgt.s32 v41, $0x1  }
0x1c0: {  	v42 =	vnsel vm4, $0x1, v41;
	v44 =	vsub.s32 v5, v6;
	v7 =	vld.idx.msk [tilespmem:v39+s3+$0x0], $0xffff  }
0x1c1: {  	v43 =	vcvt.s32.f32 v42;
	vm5 =	vgt.s32 v44, $0x1  }
0x1c2: {  	vm6 =	vlt.s32 v41, $0x5;
	v45 =	vnsel vm5, $0x1, v44;
	v6 =	vld.idx.msk [tilespmem:v6+s3+$0x0], $0xffff  }
0x1c3: {  	v9 =	vadd.s32 $0xFFFFFFFF, v42;
	v10 =	vshrl.u32 v43, $0x17;
	v47 =	vcvt.s32.f32 v45  }
0x1c4: {  	vm8 =	vlt.s32 v44, $0x5;
	v52 =	vadd.s32 $0xFFFFFFFF, v45;
	v46 =	vmin.u32 v10, $0x85  }
0x1c5: {  	v8 =	vadd.s32 $0xFFFFFF83, v46;
	v50 =	vshrl.u32 v47, $0x17;
	vm7 =	veq.s32 v7, v2  }
0x1c6: {  	v48 =	vsel vm6, v9, v8;
	v51 =	vmin.u32 v50, $0x85;
	v49 =	vsel vm7, $0x9, v1  }
0x1c7: {  	v8 =	vadd.s32 $0xFFFFFF83, v51;
	v7 =	vadd.s32 v49, v48;
	vm9 =	veq.s32 v6, v3  }
0x1c8: {  	[tilespmem:s29+$0x6000] =	vst v7;
	s29 =	sor.u32 $0x1B80, s26;
	v7 =	vsel vm8, v52, v8;
	v54 =	vsel vm9, $0x9, v1  }
0x1c9: {  	v53 =	vld [tilespmem:s29+$0x2000];
	v7 =	vadd.s32 v54, v7  }
0x1ca: {  	[tilespmem:s31+$0x6000] =	vst v7;
	s31 =	sor.u32 $0x1B80, s15  }
0x1cb: {  	v7 =	vld [tilespmem:s31+$0x2000];
	_ =	sdelay $0x3  }
0x1cc: {  	v55 =	vsub.s32 v4, v53  }
0x1cd: {  	vm10 =	vgt.s32 v55, $0x1  }
0x1ce: {  	v56 =	vnsel vm10, $0x1, v55;
	v58 =	vsub.s32 v5, v7;
	v6 =	vld.idx.msk [tilespmem:v53+s3+$0x0], $0xffff  }
0x1cf: {  	v57 =	vcvt.s32.f32 v56;
	vm11 =	vgt.s32 v58, $0x1  }
0x1d0: {  	vm12 =	vlt.s32 v55, $0x5;
	v59 =	vnsel vm11, $0x1, v58;
	v7 =	vld.idx.msk [tilespmem:v7+s3+$0x0], $0xffff  }
0x1d1: {  	v9 =	vadd.s32 $0xFFFFFFFF, v56;
	v10 =	vshrl.u32 v57, $0x17;
	v61 =	vcvt.s32.f32 v59  }
0x1d2: {  	vm14 =	vlt.s32 v58, $0x5;
	v15 =	vadd.s32 $0xFFFFFFFF, v59;
	v60 =	vmin.u32 v10, $0x85  }
0x1d3: {  	v8 =	vadd.s32 $0xFFFFFF83, v60;
	v13 =	vshrl.u32 v61, $0x17;
	vm13 =	veq.s32 v6, v2  }
0x1d4: {  	v62 =	vsel vm12, v9, v8;
	v14 =	vmin.u32 v13, $0x85;
	v63 =	vsel vm13, $0x9, v1  }
0x1d5: {  	v8 =	vadd.s32 $0xFFFFFF83, v14;
	v6 =	vadd.s32 v63, v62;
	vm15 =	veq.s32 v7, v3  }
0x1d6: {  	[tilespmem:s29+$0x6000] =	vst v6;
	v6 =	vsel vm14, v15, v8;
	v17 =	vsel vm15, $0x9, v1  }
0x1d7: {  	v16 =	vld [tilespmem:s22+$0x4000];
	v6 =	vadd.s32 v17, v6  }
0x1d8: {  	[tilespmem:s31+$0x6000] =	vst v6  }
0x1d9: {  	v6 =	vld [tilespmem:s21+$0x4000];
	_ =	sdelay $0x3  }
0x1da: {  	v18 =	vsub.s32 v4, v16  }
0x1db: {  	vm4 =	vgt.s32 v18, $0x1  }
0x1dc: {  	v19 =	vnsel vm4, $0x1, v18;
	v21 =	vsub.s32 v5, v6;
	v7 =	vld.idx.msk [tilespmem:v16+s3+$0x0], $0xffff  }
0x1dd: {  	v20 =	vcvt.s32.f32 v19;
	vm5 =	vgt.s32 v21, $0x1  }
0x1de: {  	vm6 =	vlt.s32 v18, $0x5;
	v22 =	vnsel vm5, $0x1, v21;
	v6 =	vld.idx.msk [tilespmem:v6+s3+$0x0], $0xffff  }
0x1df: {  	v9 =	vadd.s32 $0xFFFFFFFF, v19;
	v10 =	vshrl.u32 v20, $0x17;
	v24 =	vcvt.s32.f32 v22  }
0x1e0: {  	vm8 =	vlt.s32 v21, $0x5;
	v29 =	vadd.s32 $0xFFFFFFFF, v22;
	v23 =	vmin.u32 v10, $0x85  }
0x1e1: {  	v8 =	vadd.s32 $0xFFFFFF83, v23;
	v27 =	vshrl.u32 v24, $0x17;
	vm7 =	veq.s32 v7, v2  }
0x1e2: {  	v25 =	vsel vm6, v9, v8;
	v28 =	vmin.u32 v27, $0x85;
	v26 =	vsel vm7, $0x9, v1  }
0x1e3: {  	v8 =	vadd.s32 $0xFFFFFF83, v28;
	v7 =	vadd.s32 v26, v25;
	vm9 =	veq.s32 v6, v3  }
0x1e4: {  	s29 =	sor.u32 $0x2080, s23;
	[tilespmem:s22+$0x8000] =	vst v7;
	v7 =	vsel vm8, v29, v8;
	v31 =	vsel vm9, $0x9, v1  }
0x1e5: {  	v30 =	vld [tilespmem:s29+$0x2000];
	v7 =	vadd.s32 v31, v7  }
0x1e6: {  	s31 =	sor.u32 $0x2080, s24;
	[tilespmem:s21+$0x8000] =	vst v7  }
0x1e7: {  	v7 =	vld [tilespmem:s31+$0x2000];
	_ =	sdelay $0x3  }
0x1e8: {  	v32 =	vsub.s32 v4, v30  }
0x1e9: {  	vm10 =	vgt.s32 v32, $0x1  }
0x1ea: {  	v33 =	vnsel vm10, $0x1, v32;
	v35 =	vsub.s32 v5, v7;
	v6 =	vld.idx.msk [tilespmem:v30+s3+$0x0], $0xffff  }
0x1eb: {  	v34 =	vcvt.s32.f32 v33;
	vm11 =	vgt.s32 v35, $0x1  }
0x1ec: {  	vm12 =	vlt.s32 v32, $0x5;
	v36 =	vnsel vm11, $0x1, v35;
	v7 =	vld.idx.msk [tilespmem:v7+s3+$0x0], $0xffff  }
0x1ed: {  	v9 =	vadd.s32 $0xFFFFFFFF, v33;
	v10 =	vshrl.u32 v34, $0x17;
	v38 =	vcvt.s32.f32 v36  }
0x1ee: {  	vm14 =	vlt.s32 v35, $0x5;
	v43 =	vadd.s32 $0xFFFFFFFF, v36;
	v37 =	vmin.u32 v10, $0x85  }
0x1ef: {  	v8 =	vadd.s32 $0xFFFFFF83, v37;
	v41 =	vshrl.u32 v38, $0x17;
	vm13 =	veq.s32 v6, v2  }
0x1f0: {  	v39 =	vsel vm12, v9, v8;
	v42 =	vmin.u32 v41, $0x85;
	v40 =	vsel vm13, $0x9, v1  }
0x1f1: {  	v8 =	vadd.s32 $0xFFFFFF83, v42;
	v6 =	vadd.s32 v40, v39;
	vm15 =	veq.s32 v7, v3  }
0x1f2: {  	[tilespmem:s29+$0x6000] =	vst v6;
	v6 =	vsel vm14, v43, v8;
	v45 =	vsel vm15, $0x9, v1  }
0x1f3: {  	v44 =	vld [tilespmem:s22+$0x4100];
	v6 =	vadd.s32 v45, v6  }
0x1f4: {  	[tilespmem:s31+$0x6000] =	vst v6  }
0x1f5: {  	v6 =	vld [tilespmem:s21+$0x4100];
	_ =	sdelay $0x3  }
0x1f6: {  	v46 =	vsub.s32 v4, v44  }
0x1f7: {  	vm4 =	vgt.s32 v46, $0x1  }
0x1f8: {  	v47 =	vnsel vm4, $0x1, v46;
	v49 =	vsub.s32 v5, v6;
	v7 =	vld.idx.msk [tilespmem:v44+s3+$0x0], $0xffff  }
0x1f9: {  	v48 =	vcvt.s32.f32 v47;
	vm5 =	vgt.s32 v49, $0x1  }
0x1fa: {  	vm6 =	vlt.s32 v46, $0x5;
	v50 =	vnsel vm5, $0x1, v49;
	v6 =	vld.idx.msk [tilespmem:v6+s3+$0x0], $0xffff  }
0x1fb: {  	v9 =	vadd.s32 $0xFFFFFFFF, v47;
	v10 =	vshrl.u32 v48, $0x17;
	v52 =	vcvt.s32.f32 v50  }
0x1fc: {  	vm8 =	vlt.s32 v49, $0x5;
	v57 =	vadd.s32 $0xFFFFFFFF, v50;
	v51 =	vmin.u32 v10, $0x85  }
0x1fd: {  	v8 =	vadd.s32 $0xFFFFFF83, v51;
	v55 =	vshrl.u32 v52, $0x17;
	vm7 =	veq.s32 v7, v2  }
0x1fe: {  	v53 =	vsel vm6, v9, v8;
	v56 =	vmin.u32 v55, $0x85;
	v54 =	vsel vm7, $0x9, v1  }
0x1ff: {  	v8 =	vadd.s32 $0xFFFFFF83, v56;
	v7 =	vadd.s32 v54, v53;
	vm9 =	veq.s32 v6, v3  }
0x200: {  	s29 =	sor.u32 $0x2180, s23;
	[tilespmem:s22+$0x8100] =	vst v7;
	v7 =	vsel vm8, v57, v8;
	v59 =	vsel vm9, $0x9, v1  }
0x201: {  	v58 =	vld [tilespmem:s29+$0x2000];
	v7 =	vadd.s32 v59, v7  }
0x202: {  	s31 =	sor.u32 $0x2180, s24;
	[tilespmem:s21+$0x8100] =	vst v7  }
0x203: {  	v7 =	vld [tilespmem:s31+$0x2000];
	_ =	sdelay $0x3  }
0x204: {  	v60 =	vsub.s32 v4, v58  }
0x205: {  	vm10 =	vgt.s32 v60, $0x1  }
0x206: {  	v61 =	vnsel vm10, $0x1, v60;
	v63 =	vsub.s32 v5, v7;
	v6 =	vld.idx.msk [tilespmem:v58+s3+$0x0], $0xffff  }
0x207: {  	v62 =	vcvt.s32.f32 v61;
	vm11 =	vgt.s32 v63, $0x1  }
0x208: {  	vm12 =	vlt.s32 v60, $0x5;
	v16 =	vnsel vm11, $0x1, v63;
	v7 =	vld.idx.msk [tilespmem:v7+s3+$0x0], $0xffff  }
0x209: {  	v9 =	vadd.s32 $0xFFFFFFFF, v61;
	v10 =	vshrl.u32 v62, $0x17;
	v18 =	vcvt.s32.f32 v16  }
0x20a: {  	vm14 =	vlt.s32 v63, $0x5;
	v23 =	vadd.s32 $0xFFFFFFFF, v16;
	v17 =	vmin.u32 v10, $0x85  }
0x20b: {  	v8 =	vadd.s32 $0xFFFFFF83, v17;
	v21 =	vshrl.u32 v18, $0x17;
	vm13 =	veq.s32 v6, v2  }
0x20c: {  	v19 =	vsel vm12, v9, v8;
	v22 =	vmin.u32 v21, $0x85;
	v20 =	vsel vm13, $0x9, v1  }
0x20d: {  	v8 =	vadd.s32 $0xFFFFFF83, v22;
	v6 =	vadd.s32 v20, v19;
	vm15 =	veq.s32 v7, v3  }
0x20e: {  	[tilespmem:s29+$0x6000] =	vst v6;
	v6 =	vsel vm14, v23, v8;
	v25 =	vsel vm15, $0x9, v1  }
0x20f: {  	v24 =	vld [tilespmem:s22+$0x4200];
	v6 =	vadd.s32 v25, v6  }
0x210: {  	[tilespmem:s31+$0x6000] =	vst v6  }
0x211: {  	v6 =	vld [tilespmem:s21+$0x4200];
	_ =	sdelay $0x3  }
0x212: {  	v26 =	vsub.s32 v4, v24  }
0x213: {  	vm4 =	vgt.s32 v26, $0x1  }
0x214: {  	v27 =	vnsel vm4, $0x1, v26;
	v29 =	vsub.s32 v5, v6;
	v7 =	vld.idx.msk [tilespmem:v24+s3+$0x0], $0xffff  }
0x215: {  	v28 =	vcvt.s32.f32 v27;
	vm5 =	vgt.s32 v29, $0x1  }
0x216: {  	vm6 =	vlt.s32 v26, $0x5;
	v30 =	vnsel vm5, $0x1, v29;
	v6 =	vld.idx.msk [tilespmem:v6+s3+$0x0], $0xffff  }
0x217: {  	v9 =	vadd.s32 $0xFFFFFFFF, v27;
	v10 =	vshrl.u32 v28, $0x17;
	v32 =	vcvt.s32.f32 v30  }
0x218: {  	vm8 =	vlt.s32 v29, $0x5;
	v37 =	vadd.s32 $0xFFFFFFFF, v30;
	v31 =	vmin.u32 v10, $0x85  }
0x219: {  	v8 =	vadd.s32 $0xFFFFFF83, v31;
	v35 =	vshrl.u32 v32, $0x17;
	vm7 =	veq.s32 v7, v2  }
0x21a: {  	v33 =	vsel vm6, v9, v8;
	v36 =	vmin.u32 v35, $0x85;
	v34 =	vsel vm7, $0x9, v1  }
0x21b: {  	v8 =	vadd.s32 $0xFFFFFF83, v36;
	v7 =	vadd.s32 v34, v33;
	vm9 =	veq.s32 v6, v3  }
0x21c: {  	s29 =	sor.u32 $0x2280, s23;
	[tilespmem:s22+$0x8200] =	vst v7;
	v7 =	vsel vm8, v37, v8;
	v39 =	vsel vm9, $0x9, v1  }
0x21d: {  	v38 =	vld [tilespmem:s29+$0x2000];
	v7 =	vadd.s32 v39, v7  }
0x21e: {  	s31 =	sor.u32 $0x2280, s24;
	[tilespmem:s21+$0x8200] =	vst v7  }
0x21f: {  	v7 =	vld [tilespmem:s31+$0x2000];
	_ =	sdelay $0x3  }
0x220: {  	v40 =	vsub.s32 v4, v38  }
0x221: {  	vm10 =	vgt.s32 v40, $0x1  }
0x222: {  	v41 =	vnsel vm10, $0x1, v40;
	v43 =	vsub.s32 v5, v7;
	v6 =	vld.idx.msk [tilespmem:v38+s3+$0x0], $0xffff  }
0x223: {  	v42 =	vcvt.s32.f32 v41;
	vm11 =	vgt.s32 v43, $0x1  }
0x224: {  	vm12 =	vlt.s32 v40, $0x5;
	v44 =	vnsel vm11, $0x1, v43;
	v7 =	vld.idx.msk [tilespmem:v7+s3+$0x0], $0xffff  }
0x225: {  	v9 =	vadd.s32 $0xFFFFFFFF, v41;
	v10 =	vshrl.u32 v42, $0x17;
	v46 =	vcvt.s32.f32 v44  }
0x226: {  	vm14 =	vlt.s32 v43, $0x5;
	v51 =	vadd.s32 $0xFFFFFFFF, v44;
	v45 =	vmin.u32 v10, $0x85  }
0x227: {  	v8 =	vadd.s32 $0xFFFFFF83, v45;
	v49 =	vshrl.u32 v46, $0x17;
	vm13 =	veq.s32 v6, v2  }
0x228: {  	v47 =	vsel vm12, v9, v8;
	v50 =	vmin.u32 v49, $0x85;
	v48 =	vsel vm13, $0x9, v1  }
0x229: {  	v8 =	vadd.s32 $0xFFFFFF83, v50;
	v6 =	vadd.s32 v48, v47;
	vm15 =	veq.s32 v7, v3  }
0x22a: {  	[tilespmem:s29+$0x6000] =	vst v6;
	s29 =	sor.u32 $0x2300, s25;
	v6 =	vsel vm14, v51, v8;
	v53 =	vsel vm15, $0x9, v1  }
0x22b: {  	v52 =	vld [tilespmem:s29+$0x2000];
	v6 =	vadd.s32 v53, v6  }
0x22c: {  	[tilespmem:s31+$0x6000] =	vst v6;
	s31 =	sor.u32 $0x2300, s28  }
0x22d: {  	v6 =	vld [tilespmem:s31+$0x2000];
	_ =	sdelay $0x3  }
0x22e: {  	v54 =	vsub.s32 v4, v52  }
0x22f: {  	vm4 =	vgt.s32 v54, $0x1  }
0x230: {  	v55 =	vnsel vm4, $0x1, v54;
	v57 =	vsub.s32 v5, v6;
	v7 =	vld.idx.msk [tilespmem:v52+s3+$0x0], $0xffff  }
0x231: {  	v56 =	vcvt.s32.f32 v55;
	vm5 =	vgt.s32 v57, $0x1  }
0x232: {  	vm6 =	vlt.s32 v54, $0x5;
	v58 =	vnsel vm5, $0x1, v57;
	v6 =	vld.idx.msk [tilespmem:v6+s3+$0x0], $0xffff  }
0x233: {  	v9 =	vadd.s32 $0xFFFFFFFF, v55;
	v10 =	vshrl.u32 v56, $0x17;
	v60 =	vcvt.s32.f32 v58  }
0x234: {  	vm8 =	vlt.s32 v57, $0x5;
	v14 =	vadd.s32 $0xFFFFFFFF, v58;
	v59 =	vmin.u32 v10, $0x85  }
0x235: {  	v8 =	vadd.s32 $0xFFFFFF83, v59;
	v63 =	vshrl.u32 v60, $0x17;
	vm7 =	veq.s32 v7, v2  }
0x236: {  	v61 =	vsel vm6, v9, v8;
	v13 =	vmin.u32 v63, $0x85;
	v62 =	vsel vm7, $0x9, v1  }
0x237: {  	v8 =	vadd.s32 $0xFFFFFF83, v13;
	v7 =	vadd.s32 v62, v61;
	vm9 =	veq.s32 v6, v3  }
0x238: {  	[tilespmem:s29+$0x6000] =	vst v7;
	s29 =	sor.u32 $0x2380, s26;
	v7 =	vsel vm8, v14, v8;
	v16 =	vsel vm9, $0x9, v1  }
0x239: {  	v15 =	vld [tilespmem:s29+$0x2000];
	v7 =	vadd.s32 v16, v7  }
0x23a: {  	[tilespmem:s31+$0x6000] =	vst v7;
	s31 =	sor.u32 $0x2380, s15  }
0x23b: {  	v7 =	vld [tilespmem:s31+$0x2000];
	_ =	sdelay $0x3  }
0x23c: {  	v17 =	vsub.s32 v4, v15  }
0x23d: {  	vm10 =	vgt.s32 v17, $0x1  }
0x23e: {  	v18 =	vnsel vm10, $0x1, v17;
	v20 =	vsub.s32 v5, v7;
	v6 =	vld.idx.msk [tilespmem:v15+s3+$0x0], $0xffff  }
0x23f: {  	v19 =	vcvt.s32.f32 v18;
	vm11 =	vgt.s32 v20, $0x1  }
0x240: {  	vm12 =	vlt.s32 v17, $0x5;
	v21 =	vnsel vm11, $0x1, v20;
	v7 =	vld.idx.msk [tilespmem:v7+s3+$0x0], $0xffff  }
0x241: {  	v9 =	vadd.s32 $0xFFFFFFFF, v18;
	v10 =	vshrl.u32 v19, $0x17;
	v23 =	vcvt.s32.f32 v21  }
0x242: {  	vm14 =	vlt.s32 v20, $0x5;
	v28 =	vadd.s32 $0xFFFFFFFF, v21;
	v22 =	vmin.u32 v10, $0x85  }
0x243: {  	v8 =	vadd.s32 $0xFFFFFF83, v22;
	v26 =	vshrl.u32 v23, $0x17;
	vm13 =	veq.s32 v6, v2  }
0x244: {  	v24 =	vsel vm12, v9, v8;
	v27 =	vmin.u32 v26, $0x85;
	v25 =	vsel vm13, $0x9, v1  }
0x245: {  	v8 =	vadd.s32 $0xFFFFFF83, v27;
	v6 =	vadd.s32 v25, v24;
	vm15 =	veq.s32 v7, v3  }
0x246: {  	[tilespmem:s29+$0x6000] =	vst v6;
	v6 =	vsel vm14, v28, v8;
	v30 =	vsel vm15, $0x9, v1  }
0x247: {  	v29 =	vld [tilespmem:s22+$0x4800];
	v6 =	vadd.s32 v30, v6  }
0x248: {  	[tilespmem:s31+$0x6000] =	vst v6  }
0x249: {  	v6 =	vld [tilespmem:s21+$0x4800];
	_ =	sdelay $0x3  }
0x24a: {  	v31 =	vsub.s32 v4, v29  }
0x24b: {  	vm4 =	vgt.s32 v31, $0x1  }
0x24c: {  	v32 =	vnsel vm4, $0x1, v31;
	v34 =	vsub.s32 v5, v6;
	v7 =	vld.idx.msk [tilespmem:v29+s3+$0x0], $0xffff  }
0x24d: {  	v33 =	vcvt.s32.f32 v32;
	vm5 =	vgt.s32 v34, $0x1  }
0x24e: {  	vm6 =	vlt.s32 v31, $0x5;
	v35 =	vnsel vm5, $0x1, v34;
	v6 =	vld.idx.msk [tilespmem:v6+s3+$0x0], $0xffff  }
0x24f: {  	v9 =	vadd.s32 $0xFFFFFFFF, v32;
	v10 =	vshrl.u32 v33, $0x17;
	v37 =	vcvt.s32.f32 v35  }
0x250: {  	vm8 =	vlt.s32 v34, $0x5;
	v42 =	vadd.s32 $0xFFFFFFFF, v35;
	v36 =	vmin.u32 v10, $0x85  }
0x251: {  	v8 =	vadd.s32 $0xFFFFFF83, v36;
	v40 =	vshrl.u32 v37, $0x17;
	vm7 =	veq.s32 v7, v2  }
0x252: {  	v38 =	vsel vm6, v9, v8;
	v41 =	vmin.u32 v40, $0x85;
	v39 =	vsel vm7, $0x9, v1  }
0x253: {  	v8 =	vadd.s32 $0xFFFFFF83, v41;
	v7 =	vadd.s32 v39, v38;
	vm9 =	veq.s32 v6, v3  }
0x254: {  	s29 =	sor.u32 $0x2880, s23;
	[tilespmem:s22+$0x8800] =	vst v7;
	v7 =	vsel vm8, v42, v8;
	v44 =	vsel vm9, $0x9, v1  }
0x255: {  	v43 =	vld [tilespmem:s29+$0x2000];
	v7 =	vadd.s32 v44, v7  }
0x256: {  	s31 =	sor.u32 $0x2880, s24;
	[tilespmem:s21+$0x8800] =	vst v7  }
0x257: {  	v7 =	vld [tilespmem:s31+$0x2000];
	_ =	sdelay $0x3  }
0x258: {  	v45 =	vsub.s32 v4, v43  }
0x259: {  	vm10 =	vgt.s32 v45, $0x1  }
0x25a: {  	v46 =	vnsel vm10, $0x1, v45;
	v48 =	vsub.s32 v5, v7;
	v6 =	vld.idx.msk [tilespmem:v43+s3+$0x0], $0xffff  }
0x25b: {  	v47 =	vcvt.s32.f32 v46;
	vm11 =	vgt.s32 v48, $0x1  }
0x25c: {  	vm12 =	vlt.s32 v45, $0x5;
	v49 =	vnsel vm11, $0x1, v48;
	v7 =	vld.idx.msk [tilespmem:v7+s3+$0x0], $0xffff  }
0x25d: {  	v9 =	vadd.s32 $0xFFFFFFFF, v46;
	v10 =	vshrl.u32 v47, $0x17;
	v51 =	vcvt.s32.f32 v49  }
0x25e: {  	vm14 =	vlt.s32 v48, $0x5;
	v56 =	vadd.s32 $0xFFFFFFFF, v49;
	v50 =	vmin.u32 v10, $0x85  }
0x25f: {  	v8 =	vadd.s32 $0xFFFFFF83, v50;
	v54 =	vshrl.u32 v51, $0x17;
	vm13 =	veq.s32 v6, v2  }
0x260: {  	v52 =	vsel vm12, v9, v8;
	v55 =	vmin.u32 v54, $0x85;
	v53 =	vsel vm13, $0x9, v1  }
0x261: {  	v8 =	vadd.s32 $0xFFFFFF83, v55;
	v6 =	vadd.s32 v53, v52;
	vm15 =	veq.s32 v7, v3  }
0x262: {  	[tilespmem:s29+$0x6000] =	vst v6;
	v6 =	vsel vm14, v56, v8;
	v58 =	vsel vm15, $0x9, v1  }
0x263: {  	v57 =	vld [tilespmem:s22+$0x4900];
	v6 =	vadd.s32 v58, v6  }
0x264: {  	[tilespmem:s31+$0x6000] =	vst v6  }
0x265: {  	v6 =	vld [tilespmem:s21+$0x4900];
	_ =	sdelay $0x3  }
0x266: {  	v59 =	vsub.s32 v4, v57  }
0x267: {  	vm4 =	vgt.s32 v59, $0x1  }
0x268: {  	v60 =	vnsel vm4, $0x1, v59;
	v62 =	vsub.s32 v5, v6;
	v7 =	vld.idx.msk [tilespmem:v57+s3+$0x0], $0xffff  }
0x269: {  	v61 =	vcvt.s32.f32 v60;
	vm5 =	vgt.s32 v62, $0x1  }
0x26a: {  	vm6 =	vlt.s32 v59, $0x5;
	v63 =	vnsel vm5, $0x1, v62;
	v6 =	vld.idx.msk [tilespmem:v6+s3+$0x0], $0xffff  }
0x26b: {  	v9 =	vadd.s32 $0xFFFFFFFF, v60;
	v10 =	vshrl.u32 v61, $0x17;
	v17 =	vcvt.s32.f32 v63  }
0x26c: {  	vm8 =	vlt.s32 v62, $0x5;
	v22 =	vadd.s32 $0xFFFFFFFF, v63;
	v16 =	vmin.u32 v10, $0x85  }
0x26d: {  	v8 =	vadd.s32 $0xFFFFFF83, v16;
	v20 =	vshrl.u32 v17, $0x17;
	vm7 =	veq.s32 v7, v2  }
0x26e: {  	v18 =	vsel vm6, v9, v8;
	v21 =	vmin.u32 v20, $0x85;
	v19 =	vsel vm7, $0x9, v1  }
0x26f: {  	v8 =	vadd.s32 $0xFFFFFF83, v21;
	v7 =	vadd.s32 v19, v18;
	vm9 =	veq.s32 v6, v3  }
0x270: {  	s29 =	sor.u32 $0x2980, s23;
	[tilespmem:s22+$0x8900] =	vst v7;
	v7 =	vsel vm8, v22, v8;
	v24 =	vsel vm9, $0x9, v1  }
0x271: {  	v23 =	vld [tilespmem:s29+$0x2000];
	v7 =	vadd.s32 v24, v7  }
0x272: {  	s31 =	sor.u32 $0x2980, s24;
	[tilespmem:s21+$0x8900] =	vst v7  }
0x273: {  	v7 =	vld [tilespmem:s31+$0x2000];
	_ =	sdelay $0x3  }
0x274: {  	v25 =	vsub.s32 v4, v23  }
0x275: {  	vm10 =	vgt.s32 v25, $0x1  }
0x276: {  	v26 =	vnsel vm10, $0x1, v25;
	v28 =	vsub.s32 v5, v7;
	v6 =	vld.idx.msk [tilespmem:v23+s3+$0x0], $0xffff  }
0x277: {  	v27 =	vcvt.s32.f32 v26;
	vm11 =	vgt.s32 v28, $0x1  }
0x278: {  	vm12 =	vlt.s32 v25, $0x5;
	v29 =	vnsel vm11, $0x1, v28;
	v7 =	vld.idx.msk [tilespmem:v7+s3+$0x0], $0xffff  }
0x279: {  	v9 =	vadd.s32 $0xFFFFFFFF, v26;
	v10 =	vshrl.u32 v27, $0x17;
	v31 =	vcvt.s32.f32 v29  }
0x27a: {  	vm14 =	vlt.s32 v28, $0x5;
	v36 =	vadd.s32 $0xFFFFFFFF, v29;
	v30 =	vmin.u32 v10, $0x85  }
0x27b: {  	v8 =	vadd.s32 $0xFFFFFF83, v30;
	v34 =	vshrl.u32 v31, $0x17;
	vm13 =	veq.s32 v6, v2  }
0x27c: {  	v32 =	vsel vm12, v9, v8;
	v35 =	vmin.u32 v34, $0x85;
	v33 =	vsel vm13, $0x9, v1  }
0x27d: {  	v8 =	vadd.s32 $0xFFFFFF83, v35;
	v6 =	vadd.s32 v33, v32;
	vm15 =	veq.s32 v7, v3  }
0x27e: {  	[tilespmem:s29+$0x6000] =	vst v6;
	v6 =	vsel vm14, v36, v8;
	v38 =	vsel vm15, $0x9, v1  }
0x27f: {  	v37 =	vld [tilespmem:s22+$0x4A00];
	v6 =	vadd.s32 v38, v6  }
0x280: {  	[tilespmem:s31+$0x6000] =	vst v6  }
0x281: {  	v6 =	vld [tilespmem:s21+$0x4A00];
	_ =	sdelay $0x3  }
0x282: {  	v39 =	vsub.s32 v4, v37  }
0x283: {  	vm4 =	vgt.s32 v39, $0x1  }
0x284: {  	v40 =	vnsel vm4, $0x1, v39;
	v42 =	vsub.s32 v5, v6;
	v7 =	vld.idx.msk [tilespmem:v37+s3+$0x0], $0xffff  }
0x285: {  	v41 =	vcvt.s32.f32 v40;
	vm5 =	vgt.s32 v42, $0x1  }
0x286: {  	vm6 =	vlt.s32 v39, $0x5;
	v43 =	vnsel vm5, $0x1, v42;
	v6 =	vld.idx.msk [tilespmem:v6+s3+$0x0], $0xffff  }
0x287: {  	v9 =	vadd.s32 $0xFFFFFFFF, v40;
	v10 =	vshrl.u32 v41, $0x17;
	v45 =	vcvt.s32.f32 v43  }
0x288: {  	vm8 =	vlt.s32 v42, $0x5;
	v50 =	vadd.s32 $0xFFFFFFFF, v43;
	v44 =	vmin.u32 v10, $0x85  }
0x289: {  	v8 =	vadd.s32 $0xFFFFFF83, v44;
	v48 =	vshrl.u32 v45, $0x17;
	vm7 =	veq.s32 v7, v2  }
0x28a: {  	v46 =	vsel vm6, v9, v8;
	v49 =	vmin.u32 v48, $0x85;
	v47 =	vsel vm7, $0x9, v1  }
0x28b: {  	v8 =	vadd.s32 $0xFFFFFF83, v49;
	v7 =	vadd.s32 v47, v46;
	vm9 =	veq.s32 v6, v3  }
0x28c: {  	s29 =	sor.u32 $0x2A80, s23;
	[tilespmem:s22+$0x8A00] =	vst v7;
	v7 =	vsel vm8, v50, v8;
	v52 =	vsel vm9, $0x9, v1  }
0x28d: {  	v51 =	vld [tilespmem:s29+$0x2000];
	v7 =	vadd.s32 v52, v7  }
0x28e: {  	s31 =	sor.u32 $0x2A80, s24;
	[tilespmem:s21+$0x8A00] =	vst v7  }
0x28f: {  	v7 =	vld [tilespmem:s31+$0x2000];
	_ =	sdelay $0x3  }
0x290: {  	v53 =	vsub.s32 v4, v51  }
0x291: {  	vm10 =	vgt.s32 v53, $0x1  }
0x292: {  	v54 =	vnsel vm10, $0x1, v53;
	v56 =	vsub.s32 v5, v7;
	v6 =	vld.idx.msk [tilespmem:v51+s3+$0x0], $0xffff  }
0x293: {  	v55 =	vcvt.s32.f32 v54;
	vm11 =	vgt.s32 v56, $0x1  }
0x294: {  	vm12 =	vlt.s32 v53, $0x5;
	v57 =	vnsel vm11, $0x1, v56;
	v7 =	vld.idx.msk [tilespmem:v7+s3+$0x0], $0xffff  }
0x295: {  	v9 =	vadd.s32 $0xFFFFFFFF, v54;
	v10 =	vshrl.u32 v55, $0x17;
	v59 =	vcvt.s32.f32 v57  }
0x296: {  	vm14 =	vlt.s32 v56, $0x5;
	v13 =	vadd.s32 $0xFFFFFFFF, v57;
	v58 =	vmin.u32 v10, $0x85  }
0x297: {  	v8 =	vadd.s32 $0xFFFFFF83, v58;
	v62 =	vshrl.u32 v59, $0x17;
	vm13 =	veq.s32 v6, v2  }
0x298: {  	v60 =	vsel vm12, v9, v8;
	v63 =	vmin.u32 v62, $0x85;
	v61 =	vsel vm13, $0x9, v1  }
0x299: {  	v8 =	vadd.s32 $0xFFFFFF83, v63;
	v6 =	vadd.s32 v61, v60;
	vm15 =	veq.s32 v7, v3  }
0x29a: {  	[tilespmem:s29+$0x6000] =	vst v6;
	s29 =	sor.u32 $0x2B00, s25;
	v6 =	vsel vm14, v13, v8;
	v15 =	vsel vm15, $0x9, v1  }
0x29b: {  	v14 =	vld [tilespmem:s29+$0x2000];
	v6 =	vadd.s32 v15, v6  }
0x29c: {  	[tilespmem:s31+$0x6000] =	vst v6;
	s31 =	sor.u32 $0x2B00, s28  }
0x29d: {  	v6 =	vld [tilespmem:s31+$0x2000];
	_ =	sdelay $0x3  }
0x29e: {  	v16 =	vsub.s32 v4, v14  }
0x29f: {  	vm4 =	vgt.s32 v16, $0x1  }
0x2a0: {  	v17 =	vnsel vm4, $0x1, v16;
	v19 =	vsub.s32 v5, v6;
	v7 =	vld.idx.msk [tilespmem:v14+s3+$0x0], $0xffff  }
0x2a1: {  	v18 =	vcvt.s32.f32 v17;
	vm5 =	vgt.s32 v19, $0x1  }
0x2a2: {  	vm6 =	vlt.s32 v16, $0x5;
	v20 =	vnsel vm5, $0x1, v19;
	v6 =	vld.idx.msk [tilespmem:v6+s3+$0x0], $0xffff  }
0x2a3: {  	v9 =	vadd.s32 $0xFFFFFFFF, v17;
	v10 =	vshrl.u32 v18, $0x17;
	v22 =	vcvt.s32.f32 v20  }
0x2a4: {  	vm8 =	vlt.s32 v19, $0x5;
	v27 =	vadd.s32 $0xFFFFFFFF, v20;
	v21 =	vmin.u32 v10, $0x85  }
0x2a5: {  	v8 =	vadd.s32 $0xFFFFFF83, v21;
	v25 =	vshrl.u32 v22, $0x17;
	vm7 =	veq.s32 v7, v2  }
0x2a6: {  	v23 =	vsel vm6, v9, v8;
	v26 =	vmin.u32 v25, $0x85;
	v24 =	vsel vm7, $0x9, v1  }
0x2a7: {  	v8 =	vadd.s32 $0xFFFFFF83, v26;
	v7 =	vadd.s32 v24, v23;
	vm9 =	veq.s32 v6, v3  }
0x2a8: {  	[tilespmem:s29+$0x6000] =	vst v7;
	s29 =	sor.u32 $0x2B80, s26;
	v7 =	vsel vm8, v27, v8;
	v29 =	vsel vm9, $0x9, v1  }
0x2a9: {  	v28 =	vld [tilespmem:s29+$0x2000];
	v7 =	vadd.s32 v29, v7  }
0x2aa: {  	[tilespmem:s31+$0x6000] =	vst v7;
	s31 =	sor.u32 $0x2B80, s15  }
0x2ab: {  	v7 =	vld [tilespmem:s31+$0x2000];
	_ =	sdelay $0x3  }
0x2ac: {  	v30 =	vsub.s32 v4, v28  }
0x2ad: {  	vm10 =	vgt.s32 v30, $0x1  }
0x2ae: {  	v31 =	vnsel vm10, $0x1, v30;
	v33 =	vsub.s32 v5, v7;
	v6 =	vld.idx.msk [tilespmem:v28+s3+$0x0], $0xffff  }
0x2af: {  	v32 =	vcvt.s32.f32 v31;
	vm11 =	vgt.s32 v33, $0x1  }
0x2b0: {  	vm12 =	vlt.s32 v30, $0x5;
	v34 =	vnsel vm11, $0x1, v33;
	v7 =	vld.idx.msk [tilespmem:v7+s3+$0x0], $0xffff  }
0x2b1: {  	v9 =	vadd.s32 $0xFFFFFFFF, v31;
	v10 =	vshrl.u32 v32, $0x17;
	v36 =	vcvt.s32.f32 v34  }
0x2b2: {  	vm14 =	vlt.s32 v33, $0x5;
	v41 =	vadd.s32 $0xFFFFFFFF, v34;
	v35 =	vmin.u32 v10, $0x85  }
0x2b3: {  	v8 =	vadd.s32 $0xFFFFFF83, v35;
	v39 =	vshrl.u32 v36, $0x17;
	vm13 =	veq.s32 v6, v2  }
0x2b4: {  	v37 =	vsel vm12, v9, v8;
	v40 =	vmin.u32 v39, $0x85;
	v38 =	vsel vm13, $0x9, v1  }
0x2b5: {  	v8 =	vadd.s32 $0xFFFFFF83, v40;
	v6 =	vadd.s32 v38, v37;
	vm15 =	veq.s32 v7, v3  }
0x2b6: {  	[tilespmem:s29+$0x6000] =	vst v6;
	v6 =	vsel vm14, v41, v8;
	v43 =	vsel vm15, $0x9, v1  }
0x2b7: {  	v42 =	vld [tilespmem:s22+$0x5000];
	v6 =	vadd.s32 v43, v6  }
0x2b8: {  	[tilespmem:s31+$0x6000] =	vst v6  }
0x2b9: {  	v6 =	vld [tilespmem:s21+$0x5000];
	_ =	sdelay $0x3  }
0x2ba: {  	v44 =	vsub.s32 v4, v42  }
0x2bb: {  	vm4 =	vgt.s32 v44, $0x1  }
0x2bc: {  	v45 =	vnsel vm4, $0x1, v44;
	v47 =	vsub.s32 v5, v6;
	v7 =	vld.idx.msk [tilespmem:v42+s3+$0x0], $0xffff  }
0x2bd: {  	v46 =	vcvt.s32.f32 v45;
	vm5 =	vgt.s32 v47, $0x1  }
0x2be: {  	vm6 =	vlt.s32 v44, $0x5;
	v48 =	vnsel vm5, $0x1, v47;
	v6 =	vld.idx.msk [tilespmem:v6+s3+$0x0], $0xffff  }
0x2bf: {  	v9 =	vadd.s32 $0xFFFFFFFF, v45;
	v10 =	vshrl.u32 v46, $0x17;
	v50 =	vcvt.s32.f32 v48  }
0x2c0: {  	vm8 =	vlt.s32 v47, $0x5;
	v55 =	vadd.s32 $0xFFFFFFFF, v48;
	v49 =	vmin.u32 v10, $0x85  }
0x2c1: {  	v8 =	vadd.s32 $0xFFFFFF83, v49;
	v53 =	vshrl.u32 v50, $0x17;
	vm7 =	veq.s32 v7, v2  }
0x2c2: {  	v51 =	vsel vm6, v9, v8;
	v54 =	vmin.u32 v53, $0x85;
	v52 =	vsel vm7, $0x9, v1  }
0x2c3: {  	v8 =	vadd.s32 $0xFFFFFF83, v54;
	v7 =	vadd.s32 v52, v51;
	vm9 =	veq.s32 v6, v3  }
0x2c4: {  	s29 =	sor.u32 $0x3080, s23;
	[tilespmem:s22+$0x9000] =	vst v7;
	v7 =	vsel vm8, v55, v8;
	v57 =	vsel vm9, $0x9, v1  }
0x2c5: {  	v56 =	vld [tilespmem:s29+$0x2000];
	v7 =	vadd.s32 v57, v7  }
0x2c6: {  	s31 =	sor.u32 $0x3080, s24;
	[tilespmem:s21+$0x9000] =	vst v7  }
0x2c7: {  	v7 =	vld [tilespmem:s31+$0x2000];
	_ =	sdelay $0x3  }
0x2c8: {  	v58 =	vsub.s32 v4, v56  }
0x2c9: {  	vm10 =	vgt.s32 v58, $0x1  }
0x2ca: {  	v59 =	vnsel vm10, $0x1, v58;
	v61 =	vsub.s32 v5, v7;
	v6 =	vld.idx.msk [tilespmem:v56+s3+$0x0], $0xffff  }
0x2cb: {  	v60 =	vcvt.s32.f32 v59;
	vm11 =	vgt.s32 v61, $0x1  }
0x2cc: {  	vm12 =	vlt.s32 v58, $0x5;
	v62 =	vnsel vm11, $0x1, v61;
	v7 =	vld.idx.msk [tilespmem:v7+s3+$0x0], $0xffff  }
0x2cd: {  	v9 =	vadd.s32 $0xFFFFFFFF, v59;
	v10 =	vshrl.u32 v60, $0x17;
	v13 =	vcvt.s32.f32 v62  }
0x2ce: {  	vm14 =	vlt.s32 v61, $0x5;
	v18 =	vadd.s32 $0xFFFFFFFF, v62;
	v63 =	vmin.u32 v10, $0x85  }
0x2cf: {  	v8 =	vadd.s32 $0xFFFFFF83, v63;
	v16 =	vshrl.u32 v13, $0x17;
	vm13 =	veq.s32 v6, v2  }
0x2d0: {  	v14 =	vsel vm12, v9, v8;
	v17 =	vmin.u32 v16, $0x85;
	v15 =	vsel vm13, $0x9, v1  }
0x2d1: {  	v8 =	vadd.s32 $0xFFFFFF83, v17;
	v6 =	vadd.s32 v15, v14;
	vm15 =	veq.s32 v7, v3  }
0x2d2: {  	[tilespmem:s29+$0x6000] =	vst v6;
	v6 =	vsel vm14, v18, v8;
	v20 =	vsel vm15, $0x9, v1  }
0x2d3: {  	v19 =	vld [tilespmem:s22+$0x5100];
	v6 =	vadd.s32 v20, v6  }
0x2d4: {  	[tilespmem:s31+$0x6000] =	vst v6  }
0x2d5: {  	v6 =	vld [tilespmem:s21+$0x5100];
	_ =	sdelay $0x3  }
0x2d6: {  	v21 =	vsub.s32 v4, v19  }
0x2d7: {  	vm4 =	vgt.s32 v21, $0x1  }
0x2d8: {  	v22 =	vnsel vm4, $0x1, v21;
	v24 =	vsub.s32 v5, v6;
	v7 =	vld.idx.msk [tilespmem:v19+s3+$0x0], $0xffff  }
0x2d9: {  	v23 =	vcvt.s32.f32 v22;
	vm5 =	vgt.s32 v24, $0x1  }
0x2da: {  	vm6 =	vlt.s32 v21, $0x5;
	v25 =	vnsel vm5, $0x1, v24;
	v6 =	vld.idx.msk [tilespmem:v6+s3+$0x0], $0xffff  }
0x2db: {  	v9 =	vadd.s32 $0xFFFFFFFF, v22;
	v10 =	vshrl.u32 v23, $0x17;
	v27 =	vcvt.s32.f32 v25  }
0x2dc: {  	vm8 =	vlt.s32 v24, $0x5;
	v32 =	vadd.s32 $0xFFFFFFFF, v25;
	v26 =	vmin.u32 v10, $0x85  }
0x2dd: {  	v8 =	vadd.s32 $0xFFFFFF83, v26;
	v30 =	vshrl.u32 v27, $0x17;
	vm7 =	veq.s32 v7, v2  }
0x2de: {  	v28 =	vsel vm6, v9, v8;
	v31 =	vmin.u32 v30, $0x85;
	v29 =	vsel vm7, $0x9, v1  }
0x2df: {  	v8 =	vadd.s32 $0xFFFFFF83, v31;
	v7 =	vadd.s32 v29, v28;
	vm9 =	veq.s32 v6, v3  }
0x2e0: {  	s29 =	sor.u32 $0x3180, s23;
	[tilespmem:s22+$0x9100] =	vst v7;
	v7 =	vsel vm8, v32, v8;
	v34 =	vsel vm9, $0x9, v1  }
0x2e1: {  	v33 =	vld [tilespmem:s29+$0x2000];
	v7 =	vadd.s32 v34, v7  }
0x2e2: {  	s31 =	sor.u32 $0x3180, s24;
	[tilespmem:s21+$0x9100] =	vst v7  }
0x2e3: {  	v7 =	vld [tilespmem:s31+$0x2000];
	_ =	sdelay $0x3  }
0x2e4: {  	v35 =	vsub.s32 v4, v33  }
0x2e5: {  	vm10 =	vgt.s32 v35, $0x1  }
0x2e6: {  	v36 =	vnsel vm10, $0x1, v35;
	v38 =	vsub.s32 v5, v7;
	v6 =	vld.idx.msk [tilespmem:v33+s3+$0x0], $0xffff  }
0x2e7: {  	v37 =	vcvt.s32.f32 v36;
	vm11 =	vgt.s32 v38, $0x1  }
0x2e8: {  	vm12 =	vlt.s32 v35, $0x5;
	v39 =	vnsel vm11, $0x1, v38;
	v7 =	vld.idx.msk [tilespmem:v7+s3+$0x0], $0xffff  }
0x2e9: {  	v9 =	vadd.s32 $0xFFFFFFFF, v36;
	v10 =	vshrl.u32 v37, $0x17;
	v41 =	vcvt.s32.f32 v39  }
0x2ea: {  	vm14 =	vlt.s32 v38, $0x5;
	v46 =	vadd.s32 $0xFFFFFFFF, v39;
	v40 =	vmin.u32 v10, $0x85  }
0x2eb: {  	v8 =	vadd.s32 $0xFFFFFF83, v40;
	v44 =	vshrl.u32 v41, $0x17;
	vm13 =	veq.s32 v6, v2  }
0x2ec: {  	v42 =	vsel vm12, v9, v8;
	v45 =	vmin.u32 v44, $0x85;
	v43 =	vsel vm13, $0x9, v1  }
0x2ed: {  	v8 =	vadd.s32 $0xFFFFFF83, v45;
	v6 =	vadd.s32 v43, v42;
	vm15 =	veq.s32 v7, v3  }
0x2ee: {  	[tilespmem:s29+$0x6000] =	vst v6;
	v6 =	vsel vm14, v46, v8;
	v48 =	vsel vm15, $0x9, v1  }
0x2ef: {  	v47 =	vld [tilespmem:s22+$0x5200];
	v6 =	vadd.s32 v48, v6  }
0x2f0: {  	[tilespmem:s31+$0x6000] =	vst v6  }
0x2f1: {  	v6 =	vld [tilespmem:s21+$0x5200];
	_ =	sdelay $0x3  }
0x2f2: {  	v49 =	vsub.s32 v4, v47  }
0x2f3: {  	vm4 =	vgt.s32 v49, $0x1  }
0x2f4: {  	v50 =	vnsel vm4, $0x1, v49;
	v52 =	vsub.s32 v5, v6;
	v7 =	vld.idx.msk [tilespmem:v47+s3+$0x0], $0xffff  }
0x2f5: {  	v51 =	vcvt.s32.f32 v50;
	vm5 =	vgt.s32 v52, $0x1  }
0x2f6: {  	vm6 =	vlt.s32 v49, $0x5;
	v53 =	vnsel vm5, $0x1, v52;
	v6 =	vld.idx.msk [tilespmem:v6+s3+$0x0], $0xffff  }
0x2f7: {  	v9 =	vadd.s32 $0xFFFFFFFF, v50;
	v10 =	vshrl.u32 v51, $0x17;
	v55 =	vcvt.s32.f32 v53  }
0x2f8: {  	vm8 =	vlt.s32 v52, $0x5;
	v60 =	vadd.s32 $0xFFFFFFFF, v53;
	v54 =	vmin.u32 v10, $0x85  }
0x2f9: {  	v8 =	vadd.s32 $0xFFFFFF83, v54;
	v58 =	vshrl.u32 v55, $0x17;
	vm7 =	veq.s32 v7, v2  }
0x2fa: {  	v56 =	vsel vm6, v9, v8;
	v59 =	vmin.u32 v58, $0x85;
	v57 =	vsel vm7, $0x9, v1  }
0x2fb: {  	v8 =	vadd.s32 $0xFFFFFF83, v59;
	v7 =	vadd.s32 v57, v56;
	vm9 =	veq.s32 v6, v3  }
0x2fc: {  	s29 =	sor.u32 $0x3280, s23;
	[tilespmem:s22+$0x9200] =	vst v7;
	v7 =	vsel vm8, v60, v8;
	v62 =	vsel vm9, $0x9, v1  }
0x2fd: {  	v61 =	vld [tilespmem:s29+$0x2000];
	v7 =	vadd.s32 v62, v7  }
0x2fe: {  	s31 =	sor.u32 $0x3280, s24;
	[tilespmem:s21+$0x9200] =	vst v7  }
0x2ff: {  	v7 =	vld [tilespmem:s31+$0x2000];
	_ =	sdelay $0x3  }
0x300: {  	v63 =	vsub.s32 v4, v61  }
0x301: {  	vm10 =	vgt.s32 v63, $0x1  }
0x302: {  	v16 =	vnsel vm10, $0x1, v63;
	v18 =	vsub.s32 v5, v7;
	v6 =	vld.idx.msk [tilespmem:v61+s3+$0x0], $0xffff  }
0x303: {  	v17 =	vcvt.s32.f32 v16;
	vm11 =	vgt.s32 v18, $0x1  }
0x304: {  	vm12 =	vlt.s32 v63, $0x5;
	v19 =	vnsel vm11, $0x1, v18;
	v7 =	vld.idx.msk [tilespmem:v7+s3+$0x0], $0xffff  }
0x305: {  	v9 =	vadd.s32 $0xFFFFFFFF, v16;
	v10 =	vshrl.u32 v17, $0x17;
	v21 =	vcvt.s32.f32 v19  }
0x306: {  	vm14 =	vlt.s32 v18, $0x5;
	v26 =	vadd.s32 $0xFFFFFFFF, v19;
	v20 =	vmin.u32 v10, $0x85  }
0x307: {  	v8 =	vadd.s32 $0xFFFFFF83, v20;
	v24 =	vshrl.u32 v21, $0x17;
	vm13 =	veq.s32 v6, v2  }
0x308: {  	v22 =	vsel vm12, v9, v8;
	v25 =	vmin.u32 v24, $0x85;
	v23 =	vsel vm13, $0x9, v1  }
0x309: {  	v8 =	vadd.s32 $0xFFFFFF83, v25;
	v6 =	vadd.s32 v23, v22;
	vm15 =	veq.s32 v7, v3  }
0x30a: {  	[tilespmem:s29+$0x6000] =	vst v6;
	s29 =	sor.u32 $0x3300, s25;
	v6 =	vsel vm14, v26, v8;
	v28 =	vsel vm15, $0x9, v1  }
0x30b: {  	v27 =	vld [tilespmem:s29+$0x2000];
	v6 =	vadd.s32 v28, v6  }
0x30c: {  	[tilespmem:s31+$0x6000] =	vst v6;
	s31 =	sor.u32 $0x3300, s28  }
0x30d: {  	v6 =	vld [tilespmem:s31+$0x2000];
	_ =	sdelay $0x3  }
0x30e: {  	v29 =	vsub.s32 v4, v27  }
0x30f: {  	vm4 =	vgt.s32 v29, $0x1  }
0x310: {  	v30 =	vnsel vm4, $0x1, v29;
	v32 =	vsub.s32 v5, v6;
	v7 =	vld.idx.msk [tilespmem:v27+s3+$0x0], $0xffff  }
0x311: {  	v31 =	vcvt.s32.f32 v30;
	vm5 =	vgt.s32 v32, $0x1  }
0x312: {  	vm6 =	vlt.s32 v29, $0x5;
	v33 =	vnsel vm5, $0x1, v32;
	v6 =	vld.idx.msk [tilespmem:v6+s3+$0x0], $0xffff  }
0x313: {  	v9 =	vadd.s32 $0xFFFFFFFF, v30;
	v10 =	vshrl.u32 v31, $0x17;
	v35 =	vcvt.s32.f32 v33  }
0x314: {  	vm8 =	vlt.s32 v32, $0x5;
	v40 =	vadd.s32 $0xFFFFFFFF, v33;
	v34 =	vmin.u32 v10, $0x85  }
0x315: {  	v8 =	vadd.s32 $0xFFFFFF83, v34;
	v38 =	vshrl.u32 v35, $0x17;
	vm7 =	veq.s32 v7, v2  }
0x316: {  	v36 =	vsel vm6, v9, v8;
	v39 =	vmin.u32 v38, $0x85;
	v37 =	vsel vm7, $0x9, v1  }
0x317: {  	v8 =	vadd.s32 $0xFFFFFF83, v39;
	v7 =	vadd.s32 v37, v36;
	vm9 =	veq.s32 v6, v3  }
0x318: {  	[tilespmem:s29+$0x6000] =	vst v7;
	s29 =	sor.u32 $0x3380, s26;
	v7 =	vsel vm8, v40, v8;
	v42 =	vsel vm9, $0x9, v1  }
0x319: {  	v41 =	vld [tilespmem:s29+$0x2000];
	v7 =	vadd.s32 v42, v7  }
0x31a: {  	[tilespmem:s31+$0x6000] =	vst v7;
	s31 =	sor.u32 $0x3380, s15  }
0x31b: {  	v7 =	vld [tilespmem:s31+$0x2000];
	_ =	sdelay $0x3  }
0x31c: {  	v43 =	vsub.s32 v4, v41  }
0x31d: {  	vm10 =	vgt.s32 v43, $0x1  }
0x31e: {  	v44 =	vnsel vm10, $0x1, v43;
	v46 =	vsub.s32 v5, v7;
	v6 =	vld.idx.msk [tilespmem:v41+s3+$0x0], $0xffff  }
0x31f: {  	v45 =	vcvt.s32.f32 v44;
	vm11 =	vgt.s32 v46, $0x1  }
0x320: {  	vm12 =	vlt.s32 v43, $0x5;
	v47 =	vnsel vm11, $0x1, v46;
	v7 =	vld.idx.msk [tilespmem:v7+s3+$0x0], $0xffff  }
0x321: {  	v9 =	vadd.s32 $0xFFFFFFFF, v44;
	v10 =	vshrl.u32 v45, $0x17;
	v49 =	vcvt.s32.f32 v47  }
0x322: {  	vm14 =	vlt.s32 v46, $0x5;
	v54 =	vadd.s32 $0xFFFFFFFF, v47;
	v48 =	vmin.u32 v10, $0x85  }
0x323: {  	v8 =	vadd.s32 $0xFFFFFF83, v48;
	v52 =	vshrl.u32 v49, $0x17;
	vm13 =	veq.s32 v6, v2  }
0x324: {  	v50 =	vsel vm12, v9, v8;
	v53 =	vmin.u32 v52, $0x85;
	v51 =	vsel vm13, $0x9, v1  }
0x325: {  	v8 =	vadd.s32 $0xFFFFFF83, v53;
	v6 =	vadd.s32 v51, v50;
	vm15 =	veq.s32 v7, v3  }
0x326: {  	[tilespmem:s29+$0x6000] =	vst v6;
	v6 =	vsel vm14, v54, v8;
	v56 =	vsel vm15, $0x9, v1  }
0x327: {  	v55 =	vld [tilespmem:s22+$0x5800];
	v6 =	vadd.s32 v56, v6  }
0x328: {  	[tilespmem:s31+$0x6000] =	vst v6  }
0x329: {  	v6 =	vld [tilespmem:s21+$0x5800];
	_ =	sdelay $0x3  }
0x32a: {  	v57 =	vsub.s32 v4, v55  }
0x32b: {  	vm4 =	vgt.s32 v57, $0x1  }
0x32c: {  	v58 =	vnsel vm4, $0x1, v57;
	v60 =	vsub.s32 v5, v6;
	v7 =	vld.idx.msk [tilespmem:v55+s3+$0x0], $0xffff  }
0x32d: {  	v59 =	vcvt.s32.f32 v58;
	vm5 =	vgt.s32 v60, $0x1  }
0x32e: {  	vm6 =	vlt.s32 v57, $0x5;
	v61 =	vnsel vm5, $0x1, v60;
	v6 =	vld.idx.msk [tilespmem:v6+s3+$0x0], $0xffff  }
0x32f: {  	v9 =	vadd.s32 $0xFFFFFFFF, v58;
	v10 =	vshrl.u32 v59, $0x17;
	v63 =	vcvt.s32.f32 v61  }
0x330: {  	vm8 =	vlt.s32 v60, $0x5;
	v17 =	vadd.s32 $0xFFFFFFFF, v61;
	v62 =	vmin.u32 v10, $0x85  }
0x331: {  	v8 =	vadd.s32 $0xFFFFFF83, v62;
	v15 =	vshrl.u32 v63, $0x17;
	vm7 =	veq.s32 v7, v2  }
0x332: {  	v13 =	vsel vm6, v9, v8;
	v16 =	vmin.u32 v15, $0x85;
	v14 =	vsel vm7, $0x9, v1  }
0x333: {  	v8 =	vadd.s32 $0xFFFFFF83, v16;
	v7 =	vadd.s32 v14, v13;
	vm9 =	veq.s32 v6, v3  }
0x334: {  	s29 =	sor.u32 $0x3880, s23;
	[tilespmem:s22+$0x9800] =	vst v7;
	v7 =	vsel vm8, v17, v8;
	v19 =	vsel vm9, $0x9, v1  }
0x335: {  	v18 =	vld [tilespmem:s29+$0x2000];
	v7 =	vadd.s32 v19, v7  }
0x336: {  	s31 =	sor.u32 $0x3880, s24;
	[tilespmem:s21+$0x9800] =	vst v7  }
0x337: {  	v7 =	vld [tilespmem:s31+$0x2000];
	_ =	sdelay $0x3  }
0x338: {  	v20 =	vsub.s32 v4, v18  }
0x339: {  	vm10 =	vgt.s32 v20, $0x1  }
0x33a: {  	v21 =	vnsel vm10, $0x1, v20;
	v23 =	vsub.s32 v5, v7;
	v6 =	vld.idx.msk [tilespmem:v18+s3+$0x0], $0xffff  }
0x33b: {  	v22 =	vcvt.s32.f32 v21;
	vm11 =	vgt.s32 v23, $0x1  }
0x33c: {  	vm12 =	vlt.s32 v20, $0x5;
	v24 =	vnsel vm11, $0x1, v23;
	v7 =	vld.idx.msk [tilespmem:v7+s3+$0x0], $0xffff  }
0x33d: {  	v9 =	vadd.s32 $0xFFFFFFFF, v21;
	v10 =	vshrl.u32 v22, $0x17;
	v26 =	vcvt.s32.f32 v24  }
0x33e: {  	vm14 =	vlt.s32 v23, $0x5;
	v31 =	vadd.s32 $0xFFFFFFFF, v24;
	v25 =	vmin.u32 v10, $0x85  }
0x33f: {  	v8 =	vadd.s32 $0xFFFFFF83, v25;
	v29 =	vshrl.u32 v26, $0x17;
	vm13 =	veq.s32 v6, v2  }
0x340: {  	v27 =	vsel vm12, v9, v8;
	v30 =	vmin.u32 v29, $0x85;
	v28 =	vsel vm13, $0x9, v1  }
0x341: {  	v8 =	vadd.s32 $0xFFFFFF83, v30;
	v6 =	vadd.s32 v28, v27;
	vm15 =	veq.s32 v7, v3  }
0x342: {  	[tilespmem:s29+$0x6000] =	vst v6;
	v6 =	vsel vm14, v31, v8;
	v33 =	vsel vm15, $0x9, v1  }
0x343: {  	v32 =	vld [tilespmem:s22+$0x5900];
	v6 =	vadd.s32 v33, v6  }
0x344: {  	[tilespmem:s31+$0x6000] =	vst v6  }
0x345: {  	v6 =	vld [tilespmem:s21+$0x5900];
	_ =	sdelay $0x3  }
0x346: {  	v34 =	vsub.s32 v4, v32  }
0x347: {  	vm4 =	vgt.s32 v34, $0x1  }
0x348: {  	v35 =	vnsel vm4, $0x1, v34;
	v37 =	vsub.s32 v5, v6;
	v7 =	vld.idx.msk [tilespmem:v32+s3+$0x0], $0xffff  }
0x349: {  	v36 =	vcvt.s32.f32 v35;
	vm5 =	vgt.s32 v37, $0x1  }
0x34a: {  	vm6 =	vlt.s32 v34, $0x5;
	v38 =	vnsel vm5, $0x1, v37;
	v6 =	vld.idx.msk [tilespmem:v6+s3+$0x0], $0xffff  }
0x34b: {  	v9 =	vadd.s32 $0xFFFFFFFF, v35;
	v10 =	vshrl.u32 v36, $0x17;
	v40 =	vcvt.s32.f32 v38  }
0x34c: {  	vm8 =	vlt.s32 v37, $0x5;
	v45 =	vadd.s32 $0xFFFFFFFF, v38;
	v39 =	vmin.u32 v10, $0x85  }
0x34d: {  	v8 =	vadd.s32 $0xFFFFFF83, v39;
	v43 =	vshrl.u32 v40, $0x17;
	vm7 =	veq.s32 v7, v2  }
0x34e: {  	v41 =	vsel vm6, v9, v8;
	v44 =	vmin.u32 v43, $0x85;
	v42 =	vsel vm7, $0x9, v1  }
0x34f: {  	v8 =	vadd.s32 $0xFFFFFF83, v44;
	v7 =	vadd.s32 v42, v41;
	vm9 =	veq.s32 v6, v3  }
0x350: {  	s29 =	sor.u32 $0x3980, s23;
	[tilespmem:s22+$0x9900] =	vst v7;
	v7 =	vsel vm8, v45, v8;
	v47 =	vsel vm9, $0x9, v1  }
0x351: {  	v46 =	vld [tilespmem:s29+$0x2000];
	v7 =	vadd.s32 v47, v7  }
0x352: {  	s31 =	sor.u32 $0x3980, s24;
	[tilespmem:s21+$0x9900] =	vst v7  }
0x353: {  	v7 =	vld [tilespmem:s31+$0x2000];
	_ =	sdelay $0x3  }
0x354: {  	v48 =	vsub.s32 v4, v46  }
0x355: {  	vm10 =	vgt.s32 v48, $0x1  }
0x356: {  	v49 =	vnsel vm10, $0x1, v48;
	v51 =	vsub.s32 v5, v7;
	v6 =	vld.idx.msk [tilespmem:v46+s3+$0x0], $0xffff  }
0x357: {  	v50 =	vcvt.s32.f32 v49;
	vm11 =	vgt.s32 v51, $0x1  }
0x358: {  	vm12 =	vlt.s32 v48, $0x5;
	v52 =	vnsel vm11, $0x1, v51;
	v7 =	vld.idx.msk [tilespmem:v7+s3+$0x0], $0xffff  }
0x359: {  	v9 =	vadd.s32 $0xFFFFFFFF, v49;
	v10 =	vshrl.u32 v50, $0x17;
	v54 =	vcvt.s32.f32 v52  }
0x35a: {  	vm14 =	vlt.s32 v51, $0x5;
	v59 =	vadd.s32 $0xFFFFFFFF, v52;
	v53 =	vmin.u32 v10, $0x85  }
0x35b: {  	v8 =	vadd.s32 $0xFFFFFF83, v53;
	v57 =	vshrl.u32 v54, $0x17;
	vm13 =	veq.s32 v6, v2  }
0x35c: {  	v55 =	vsel vm12, v9, v8;
	v58 =	vmin.u32 v57, $0x85;
	v56 =	vsel vm13, $0x9, v1  }
0x35d: {  	v8 =	vadd.s32 $0xFFFFFF83, v58;
	v6 =	vadd.s32 v56, v55;
	vm15 =	veq.s32 v7, v3  }
0x35e: {  	[tilespmem:s29+$0x6000] =	vst v6;
	v6 =	vsel vm14, v59, v8;
	v61 =	vsel vm15, $0x9, v1  }
0x35f: {  	v60 =	vld [tilespmem:s22+$0x5A00];
	v6 =	vadd.s32 v61, v6  }
0x360: {  	[tilespmem:s31+$0x6000] =	vst v6  }
0x361: {  	v6 =	vld [tilespmem:s21+$0x5A00];
	_ =	sdelay $0x3  }
0x362: {  	v62 =	vsub.s32 v4, v60  }
0x363: {  	vm4 =	vgt.s32 v62, $0x1  }
0x364: {  	v63 =	vnsel vm4, $0x1, v62;
	v16 =	vsub.s32 v5, v6;
	v7 =	vld.idx.msk [tilespmem:v60+s3+$0x0], $0xffff  }
0x365: {  	v15 =	vcvt.s32.f32 v63;
	vm5 =	vgt.s32 v16, $0x1  }
0x366: {  	vm6 =	vlt.s32 v62, $0x5;
	v17 =	vnsel vm5, $0x1, v16;
	v6 =	vld.idx.msk [tilespmem:v6+s3+$0x0], $0xffff  }
0x367: {  	v9 =	vadd.s32 $0xFFFFFFFF, v63;
	v10 =	vshrl.u32 v15, $0x17;
	v19 =	vcvt.s32.f32 v17  }
0x368: {  	vm8 =	vlt.s32 v16, $0x5;
	v24 =	vadd.s32 $0xFFFFFFFF, v17;
	v18 =	vmin.u32 v10, $0x85  }
0x369: {  	v8 =	vadd.s32 $0xFFFFFF83, v18;
	v22 =	vshrl.u32 v19, $0x17;
	vm7 =	veq.s32 v7, v2  }
0x36a: {  	v20 =	vsel vm6, v9, v8;
	v23 =	vmin.u32 v22, $0x85;
	v21 =	vsel vm7, $0x9, v1  }
0x36b: {  	v8 =	vadd.s32 $0xFFFFFF83, v23;
	v7 =	vadd.s32 v21, v20;
	vm9 =	veq.s32 v6, v3  }
0x36c: {  	[tilespmem:s22+$0x9A00] =	vst v7;
	v7 =	vsel vm8, v24, v8;
	v26 =	vsel vm9, $0x9, v1  }
0x36d: {  	s23 =	sor.u32 $0x3A80, s23;
	v7 =	vadd.s32 v26, v7  }
0x36e: {  	s24 =	sor.u32 $0x3A80, s24;
	v25 =	vld [tilespmem:s23+$0x2000];
	[tilespmem:s21+$0x9A00] =	vst v7  }
0x36f: {  	v7 =	vld [tilespmem:s24+$0x2000];
	_ =	sdelay $0x3  }
0x370: {  	v27 =	vsub.s32 v4, v25  }
0x371: {  	vm10 =	vgt.s32 v27, $0x1  }
0x372: {  	v28 =	vnsel vm10, $0x1, v27;
	v30 =	vsub.s32 v5, v7  }
0x373: {  	v6 =	vld.idx.msk [tilespmem:v25+s3+$0x0], $0xffff;
	v29 =	vcvt.s32.f32 v28;
	vm11 =	vgt.s32 v30, $0x1  }
0x374: {  	v31 =	vnsel vm11, $0x1, v30;
	v7 =	vld.idx.msk [tilespmem:v7+s3+$0x0], $0xffff  }
0x375: {  	vm12 =	vlt.s32 v27, $0x5;
	v10 =	vshrl.u32 v29, $0x17;
	v33 =	vcvt.s32.f32 v31  }
0x376: {  	v9 =	vadd.s32 $0xFFFFFFFF, v28;
	vm14 =	vlt.s32 v30, $0x5;
	v32 =	vmin.u32 v10, $0x85  }
0x377: {  	v38 =	vadd.s32 $0xFFFFFFFF, v31;
	v8 =	vadd.s32 $0xFFFFFF83, v32;
	v36 =	vshrl.u32 v33, $0x17  }
0x378: {  	vm13 =	veq.s32 v6, v2;
	v34 =	vsel vm12, v9, v8;
	v37 =	vmin.u32 v36, $0x85  }
0x379: {  	v35 =	vsel vm13, $0x9, v1;
	v8 =	vadd.s32 $0xFFFFFF83, v37;
	vm15 =	veq.s32 v7, v3  }
0x37a: {  	v6 =	vadd.s32 v35, v34;
	v39 =	vsel vm14, v38, v8;
	v7 =	vsel vm15, $0x9, v1  }
0x37b: {  	s25 =	sor.u32 $0x3B00, s25;
	[tilespmem:s23+$0x6000] =	vst v6;
	v6 =	vadd.s32 v7, v39  }
0x37c: {  	s29 =	sor.u32 $0x3B00, s28;
	v40 =	vld [tilespmem:s25+$0x2000];
	[tilespmem:s24+$0x6000] =	vst v6  }
0x37d: {  	v6 =	vld [tilespmem:s29+$0x2000];
	_ =	sdelay $0x3  }
0x37e: {  	v41 =	vsub.s32 v4, v40  }
0x37f: {  	vm4 =	vgt.s32 v41, $0x1  }
0x380: {  	v42 =	vnsel vm4, $0x1, v41;
	v44 =	vsub.s32 v5, v6  }
0x381: {  	v8 =	vld.idx.msk [tilespmem:v40+s3+$0x0], $0xffff;
	v43 =	vcvt.s32.f32 v42;
	vm5 =	vgt.s32 v44, $0x1  }
0x382: {  	v45 =	vnsel vm5, $0x1, v44;
	v6 =	vld.idx.msk [tilespmem:v6+s3+$0x0], $0xffff  }
0x383: {  	vm6 =	vlt.s32 v41, $0x5;
	v10 =	vshrl.u32 v43, $0x17;
	v13 =	vcvt.s32.f32 v45  }
0x384: {  	v46 =	vadd.s32 $0xFFFFFFFF, v42;
	vm8 =	vlt.s32 v44, $0x5;
	v10 =	vmin.u32 v10, $0x85  }
0x385: {  	v50 =	vadd.s32 $0xFFFFFFFF, v45;
	v47 =	vadd.s32 $0xFFFFFF83, v10;
	v48 =	vshrl.u32 v13, $0x17  }
0x386: {  	v7 =	vsel vm6, v46, v47;
	vm7 =	veq.s32 v8, v2;
	v8 =	vmin.u32 v48, $0x85  }
0x387: {  	v49 =	vsel vm7, $0x9, v1;
	v8 =	vadd.s32 $0xFFFFFF83, v8;
	vm9 =	veq.s32 v6, v3  }
0x388: {  	v51 =	vadd.s32 v49, v7;
	v52 =	vsel vm8, v50, v8;
	v53 =	vsel vm9, $0x9, v1  }
0x389: {  	s30 =	sor.u32 $0x3B80, s26;
	[tilespmem:s25+$0x6000] =	vst v51;
	v54 =	vadd.s32 v53, v52  }
0x38a: {  	s31 =	sor.u32 $0x3B80, s15;
	v55 =	vld [tilespmem:s30+$0x2000];
	[tilespmem:s29+$0x6000] =	vst v54  }
0x38b: {  	v6 =	vld [tilespmem:s31+$0x2000];
	_ =	sdelay $0x3  }
0x38c: {  	v4 =	vsub.s32 v4, v55  }
0x38d: {  	vm10 =	vgt.s32 v4, $0x1  }
0x38e: {  	v56 =	vnsel vm10, $0x1, v4;
	v5 =	vsub.s32 v5, v6  }
0x38f: {  	v7 =	vld.idx.msk [tilespmem:v55+s3+$0x0], $0xffff;
	v57 =	vcvt.s32.f32 v56;
	vm11 =	vgt.s32 v5, $0x1  }
0x390: {  	v58 =	vnsel vm11, $0x1, v5;
	v6 =	vld.idx.msk [tilespmem:v6+s3+$0x0], $0xffff  }
0x391: {  	vm12 =	vlt.s32 v4, $0x5;
	v9 =	vshrl.u32 v57, $0x17;
	v59 =	vcvt.s32.f32 v58  }
0x392: {  	s14 =	sadd.s32 $0x2, s14;
	v60 =	vadd.s32 $0xFFFFFFFF, v56;
	vm15 =	vlt.s32 v5, $0x5;
	v9 =	vmin.u32 v9, $0x85  }
0x393: {  	p0 =	slt.u32 s14, $0xE;
	v63 =	vadd.s32 $0xFFFFFFFF, v58;
	v61 =	vadd.s32 $0xFFFFFF83, v9;
	v62 =	vshrl.u32 v59, $0x17  }
.Ltmp0:
0x394: {  	vm13 =	veq.s32 v7, v2;
	v2 =	vsel vm12, v60, v61;
	v4 =	vmin.u32 v62, $0x85;
	(pc) =	sbr.rel @p0 .LBB2_2-.Ltmp0, $4  }
0x395: {  	v4 =	vadd.s32 $0xFFFFFF83, v4;
	vm14 =	veq.s32 v6, v3;
	v3 =	vsel vm13, $0x9, v1  }
0x396: {  	v4 =	vsel vm15, v63, v4;
	v2 =	vadd.s32 v3, v2;
	v3 =	vsel vm14, $0x9, v1  }
0x397: {  	s17 =	sadd.s32 $0x1, s17;
	s16 =	sadd.s32 $0x20, s16;
	s19 =	sadd.s32 $0x2, s19;
	[tilespmem:s30+$0x6000] =	vst v2;
	v2 =	vadd.s32 v3, v4  }
0x398: {  	s18 =	sadd.s32 $0x100, s18;
	s20 =	sadd.s32 $0x100, s20;
	s15 =	sadd.s32 $0x120, s15;
	[tilespmem:s31+$0x6000] =	vst v2  }
0x399: {  	s13 =	sadd.s32 $0x1, s13  }
0x39a: {  	p0 =	sne.s32 s13, s7  }
.Ltmp1:
0x39b: {  	_ = 	snop;
	(pc) =	sbr.rel @p0 .LBB2_1-.Ltmp1, $4  }
0x39c: {  	[hbm4b:s6+s9] =	stream.strided.scatter [tilespmem:s12], [sflag:$0x1], $0x4000, s10, s9, $0x38;
	[tilespmem:$0xA000] =	vst v63  }
0x39d: {  	_ =	swait.ge [sflag:s8], $0x4000  }
0x39e: {  	[sflag:s8] =	ssyncset.done $0x0  }
0x39f: {  	[sflag:s8] =	ssyncadd.s32 $0xFFFFC000  }
0x3a0: {  	_ =	sfence.sel $0x180000  }
0x3a1: {  	[bflag:$0x0] =	sbarrier.arrive $0xFFFF  }
0x3a2: {  	p0 =	sne.s32 s2, $0x0;
	_ =	strace $0x90000047  }
0x3a3: {  	s0 =	sadd.s32 @!p0 $0x100000, s0;
	[bflag:$0x2] =	sbarrier.arrive $0xFFFF  }
0x3a4: {  	[sflag:s0] =	ssyncadd.tile.s32 @!p0 $0x1;
	_ =	shalt  }
.Lfunc_end2:
_tile_overlayer_lowered:
.L_overlay_start_2:
0x3a5: {  	(tag) =	ssettag $0x2  }
0x3a6: {  	s0 =	rddreg [dreg:$0x0];
	s2 =	stileid.u32  }
0x3a7: {  	s1 =	rddreg [dreg:$0x1];
	p0 =	sne.s32 s2, $0x0  }
0x3a8: {  	s3 =	rddreg [dreg:$0x2];
	[bflag:$0x3] =	sbarrier.arrive $0xFFFF;
	s2 =	simm.s32 @!p0 $0x1C01  }
0x3a9: {  	[timem:s3], [sflag:s2] =	dma.local @!p0 [hbm:s0], s1  }
0x3aa: {  	s0 =	simm.s32 @!p0 $0x1  }
0x3ab: {  	_ =	swait.ge @!p0 [sflag:s0], s1  }
0x3ac: {  	s1 =	ssub.s32 @!p0 $0x0, s1;
	[sflag:s0] =	ssyncset.done @!p0 $0x0  }
0x3ad: {  	[sflag:s0] =	ssyncadd.s32 @!p0 s1  }
0x3ae: {  	[bflag:$0x3] =	sbarrier.arrive $0xFFFF  }
0x3af: {  	_ =	shalt  }

</sc_bundles>
